<compile_context>
chip_gen: v7x
topology: tpu7x:2x2x1
jax: 0.10.2.dev20260603
libtpu: 0.0.44.dev20260713+nightly
codegen_flags: <defaults>
</compile_context>

<pallas_src>
import dataclasses
import functools

import jax
import jax.numpy as jnp
from jax import lax
from jax.experimental import pallas as pl
from jax.experimental.pallas import tpu as pltpu
from jax.experimental.pallas import tpu_sc as plsc

N = 10000
E = 320000
IN = 128
OUT = 128
R = 8
RN = R * N

NC = 2
NS = 16
NW = NC * NS
EPW = E // NW
B = 80
NB = EPW // B
L = 16
SEG = RN // NS

ROWS_A = 632
ROWS_B = N - 15 * ROWS_A


def _mesh():
    return plsc.VectorSubcoreMesh(core_axis_name="c", subcore_axis_name="s")


def _sc_params(**kw):
    cp = pltpu.CompilerParams()
    for name, val in ({"needs_layout_passes": False} | kw).items():
        if name in pltpu.CompilerParams.__dataclass_fields__:
            cp = dataclasses.replace(cp, **{name: val})
    return cp


MASK14 = (1 << 14) - 1


def _unpack(p16):
    s16 = p16 & MASK14
    d16 = lax.shift_right_logical(p16, 14) & MASK14
    e16 = lax.shift_right_logical(p16, 28)
    return s16, d16, e16


def _sc_counts(packed, zeros_seg, ones_b):
    @functools.partial(
        pl.kernel,
        mesh=_mesh(),
        out_type=jax.ShapeDtypeStruct((NC * RN,), jnp.float32),
        scratch_types=[
            pltpu.VMEM((EPW,), jnp.int32),
            pltpu.VMEM((B,), jnp.int32),
            pltpu.VMEM((B,), jnp.float32),
            pltpu.VMEM((SEG,), jnp.float32),
            pltpu.VMEM_SHARED((RN,), jnp.float32),
        ],
    )
    def k(pk_hbm, z_hbm, one_hbm, out_hbm, pkall, cidx, ones_v, stage, csh):
        c = lax.axis_index("c")
        s = lax.axis_index("s")
        w = c * NS + s
        base = w * EPW
        pltpu.sync_copy(z_hbm, stage)
        pltpu.sync_copy(stage, csh.at[pl.ds(s * SEG, SEG)])
        pltpu.sync_copy(pk_hbm.at[pl.ds(base, EPW)], pkall)
        pltpu.sync_copy(one_hbm, ones_v)
        plsc.subcore_barrier()

        @pl.loop(0, NB)
        def _(j):
            o = j * B
            for t in range(B // L):
                _, d16, e16 = _unpack(pkall[pl.ds(o + t * L, L)])
                cidx[pl.ds(t * L, L)] = e16 * N + d16
            pltpu.sync_copy(ones_v, csh.at[cidx], add=True)

        plsc.subcore_barrier()
        plsc.subcore_barrier()
        pltpu.sync_copy(csh.at[pl.ds(s * SEG, SEG)], stage)
        pltpu.sync_copy(stage, out_hbm.at[pl.ds(c * RN + s * SEG, SEG)])

    return k(packed, zeros_seg, ones_b)


def _sc_agg(xw, packed, cnt, zeros_rows):
    nset = 3

    @functools.partial(
        pl.kernel,
        mesh=_mesh(),
        out_type=jax.ShapeDtypeStruct((NC * N, OUT), jnp.float32),
        scratch_types=[
            pltpu.VMEM((EPW,), jnp.int32),
            [pltpu.VMEM((B,), jnp.int32) for _ in range(nset)],
            [pltpu.VMEM((B,), jnp.int32) for _ in range(nset)],
            [pltpu.VMEM((B,), jnp.int32) for _ in range(nset)],
            [pltpu.VMEM((B,), jnp.int32) for _ in range(nset)],
            [pltpu.VMEM((B,), jnp.float32) for _ in range(nset)],
            [pltpu.VMEM((B,), jnp.float32) for _ in range(nset)],
            [pltpu.VMEM((B,), jnp.float32) for _ in range(nset)],
            [pltpu.VMEM((B, OUT), jnp.float32) for _ in range(nset)],
            pltpu.VMEM_SHARED((N, OUT), jnp.float32),
            [pltpu.SemaphoreType.DMA for _ in range(nset)],
            [pltpu.SemaphoreType.DMA for _ in range(nset)],
            [pltpu.SemaphoreType.DMA for _ in range(nset)],
            [pltpu.SemaphoreType.DMA for _ in range(nset)],
        ],
        compiler_params=_sc_params(),
    )
    def k(xw_hbm, pk_hbm, cnt_hbm, zr_hbm, out_hbm,
          pkall, gidx, cidxa, cidxb, didx, c0v, c1v, invv,
          rows, agg_sh, semr, sema, semb, semsc):
        c = lax.axis_index("c")
        s = lax.axis_index("s")
        w = c * NS + s
        base = w * EPW

        def do_idx(j, p):
            o = j * B
            for t in range(B // L):
                s16, d16, e16 = _unpack(pkall[pl.ds(o + t * L, L)])
                en = e16 * N
                ck = en + d16
                gidx[p][pl.ds(t * L, L)] = en + s16
                cidxa[p][pl.ds(t * L, L)] = ck
                cidxb[p][pl.ds(t * L, L)] = ck + RN
                didx[p][pl.ds(t * L, L)] = d16

        def fire(p):
            pltpu.make_async_copy(xw_hbm.at[gidx[p]], rows[p], semr[p]).start()
            pltpu.make_async_copy(cnt_hbm.at[cidxa[p]], c0v[p], sema[p]).start()
            pltpu.make_async_copy(cnt_hbm.at[cidxb[p]], c1v[p], semb[p]).start()

        def wait_inv(p):
            pltpu.make_async_copy(cnt_hbm.at[cidxa[p]], c0v[p], sema[p]).wait()
            pltpu.make_async_copy(cnt_hbm.at[cidxb[p]], c1v[p], semb[p]).wait()
            for t in range(B // L):
                sl = pl.ds(t * L, L)
                invv[p][sl] = 1.0 / (c0v[p][sl] + c1v[p][sl])
            pltpu.make_async_copy(xw_hbm.at[gidx[p]], rows[p], semr[p]).wait()

        def scale_scat(p):
            @pl.loop(0, B)
            def _(e):
                iv = plsc.load_gather(invv[p], [lax.broadcast(e, (L,))])
                for kk in range(OUT // L):
                    sl = (e, pl.ds(kk * L, L))
                    rows[p][sl] = rows[p][sl] * iv

            pltpu.async_copy(rows[p], agg_sh.at[didx[p]], semsc[p], add=True)

        def wait_scale(p):
            wait_inv(p)
            scale_scat(p)

        def wait_scat(p):
            pltpu.make_async_copy(rows[p], agg_sh.at[didx[p]], semsc[p]).wait()

        pltpu.sync_copy(zr_hbm, rows[0])

        @pl.when(s < NS - 1)
        def _():
            rb = s * ROWS_A

            @pl.loop(0, ROWS_A // B)
            def _(j):
                pltpu.sync_copy(rows[0], agg_sh.at[pl.ds(rb + j * B, B)])

            rem = ROWS_A % B
            pltpu.sync_copy(rows[0].at[pl.ds(0, rem)],
                            agg_sh.at[pl.ds(rb + ROWS_A - rem, rem)])

        @pl.when(s == NS - 1)
        def _():
            rb = (NS - 1) * ROWS_A

            @pl.loop(0, ROWS_B // B)
            def _(j):
                pltpu.sync_copy(rows[0], agg_sh.at[pl.ds(rb + j * B, B)])

            rem = ROWS_B % B
            pltpu.sync_copy(rows[0].at[pl.ds(0, rem)],
                            agg_sh.at[pl.ds(rb + ROWS_B - rem, rem)])

        pltpu.sync_copy(pk_hbm.at[pl.ds(base, EPW)], pkall)
        plsc.subcore_barrier()

        do_idx(0, 0)
        fire(0)
        do_idx(1, 1)
        fire(1)

        wait_scale(0)
        do_idx(2, 2)
        fire(2)
        wait_scale(1)
        wait_scat(0)
        do_idx(3, 0)
        fire(0)
        wait_scale(2)
        wait_scat(1)
        do_idx(4, 1)
        fire(1)

        @pl.loop(0, (NB - 5) // 3)
        def _(t):
            j = 3 * t + 3
            for o, (p, pn) in enumerate(((0, 2), (1, 0), (2, 1))):
                wait_scale(p)
                wait_scat(pn)
                do_idx(j + o + 2, pn)
                fire(pn)

        wait_scale(0)
        wait_scale(1)
        wait_scat(2)
        wait_scat(0)
        wait_scat(1)
        plsc.subcore_barrier()
        plsc.subcore_barrier()

        @pl.when(s < NS - 1)
        def _():
            rb = s * ROWS_A

            @pl.loop(0, ROWS_A // B)
            def _(j):
                pltpu.sync_copy(agg_sh.at[pl.ds(rb + j * B, B)], rows[0])
                pltpu.sync_copy(rows[0],
                                out_hbm.at[pl.ds(c * N + rb + j * B, B)])

            rem = ROWS_A % B
            pltpu.sync_copy(agg_sh.at[pl.ds(rb + ROWS_A - rem, rem)],
                            rows[0].at[pl.ds(0, rem)])
            pltpu.sync_copy(rows[0].at[pl.ds(0, rem)],
                            out_hbm.at[pl.ds(c * N + rb + ROWS_A - rem, rem)])

        @pl.when(s == NS - 1)
        def _():
            rb = (NS - 1) * ROWS_A

            @pl.loop(0, ROWS_B // B)
            def _(j):
                pltpu.sync_copy(agg_sh.at[pl.ds(rb + j * B, B)], rows[0])
                pltpu.sync_copy(rows[0],
                                out_hbm.at[pl.ds(c * N + rb + j * B, B)])

            rem = ROWS_B % B
            pltpu.sync_copy(agg_sh.at[pl.ds(rb + ROWS_B - rem, rem)],
                            rows[0].at[pl.ds(0, rem)])
            pltpu.sync_copy(rows[0].at[pl.ds(0, rem)],
                            out_hbm.at[pl.ds(c * N + rb + ROWS_B - rem, rem)])

    return k(xw, packed, cnt, zeros_rows)


def _tc_xw(x, W_rel):
    BN = 2000

    def body(x_ref, w_ref, o_ref):
        o_ref[0] = jnp.dot(x_ref[...], w_ref[0],
                           preferred_element_type=jnp.float32)

    return pl.pallas_call(
        body,
        grid=(R, N // BN),
        in_specs=[
            pl.BlockSpec((BN, IN), lambda r, i: (i, 0)),
            pl.BlockSpec((1, IN, OUT), lambda r, i: (r, 0, 0)),
        ],
        out_specs=pl.BlockSpec((1, BN, OUT), lambda r, i: (r, i, 0)),
        out_shape=jax.ShapeDtypeStruct((R, N, OUT), jnp.float32),
    )(x, W_rel)


def _tc_final(x, agg0, agg1, W_root, b_root2, Wgu, Wgx, bg2):
    BN = 2000

    def body(x_ref, a0_ref, a1_ref, wr_ref, br_ref, wu_ref, wx_ref, bg_ref,
             o_ref):
        xb = x_ref[...]
        u = (jnp.dot(xb, wr_ref[...], preferred_element_type=jnp.float32)
             + br_ref[...] + a0_ref[...] + a1_ref[...])
        z = (jnp.dot(u, wu_ref[...], preferred_element_type=jnp.float32)
             + jnp.dot(xb, wx_ref[...], preferred_element_type=jnp.float32)
             + bg_ref[...])
        o_ref[...] = jnp.tanh(u) * z + xb * (1.0 - z)

    return pl.pallas_call(
        body,
        grid=(N // BN,),
        in_specs=[
            pl.BlockSpec((BN, IN), lambda i: (i, 0)),
            pl.BlockSpec((BN, OUT), lambda i: (i, 0)),
            pl.BlockSpec((BN, OUT), lambda i: (i, 0)),
            pl.BlockSpec((IN, OUT), lambda i: (0, 0)),
            pl.BlockSpec((1, OUT), lambda i: (0, 0)),
            pl.BlockSpec((OUT, OUT), lambda i: (0, 0)),
            pl.BlockSpec((IN, OUT), lambda i: (0, 0)),
            pl.BlockSpec((1, OUT), lambda i: (0, 0)),
        ],
        out_specs=pl.BlockSpec((BN, OUT), lambda i: (i, 0)),
        out_shape=jax.ShapeDtypeStruct((N, OUT), jnp.float32),
    )(x, agg0, agg1, W_root, b_root2, Wgu, Wgx, bg2)


def kernel(x, edge_index, edge_type, W_rel, W_root, b_root, Wg, bg):
    src = edge_index[0]
    dst = edge_index[1]
    packed = src | (dst << 14) | (edge_type << 28)

    xw = _tc_xw(x, W_rel).reshape(RN, OUT)
    cnt = _sc_counts(packed, jnp.zeros((SEG,), jnp.float32),
                     jnp.ones((B,), jnp.float32))
    ap = _sc_agg(xw, packed, cnt,
                 jnp.zeros((B, OUT), jnp.float32)).reshape(NC, N, OUT)
    return _tc_final(x, ap[0], ap[1], W_root, b_root.reshape(1, OUT),
                     Wg[:IN], Wg[IN:], bg.reshape(1, OUT))

# --- scband reference (transcript-rebuilt; emitter-appended) ---
"""Pipeline reference for scband-gate-rgcn-21449066676409 (READ-ONLY COPY).

The authoritative reference and input builder live on the scoring server;
editing this copy changes nothing except your own understanding.
"""

import jax, jax.numpy as jnp
import numpy as np

N = 10000
E = 320000
IN = 128
OUT = 128
R = 8


def setup_inputs(seed: int = 0) -> dict:
    key = jax.random.key(seed)
    ks = jax.random.split(key, 8)
    x = jax.random.normal(ks[0], (N, IN), dtype=jnp.float32)
    edge_index = jax.random.randint(ks[1], (2, E), 0, N, dtype=jnp.int32)
    edge_type = jax.random.randint(ks[2], (E,), 0, R, dtype=jnp.int32)
    # RGCNConv parameters (per-relation weights, root weight, bias)
    W_rel = jax.random.normal(ks[3], (R, IN, OUT), dtype=jnp.float32) * (1.0 / np.sqrt(IN))
    W_root = jax.random.normal(ks[4], (IN, OUT), dtype=jnp.float32) * (1.0 / np.sqrt(IN))
    b_root = jnp.zeros((OUT,), dtype=jnp.float32)
    # Gate linear W: in_features = in_dim + out_dim, out_features = out_dim
    Wg = jax.random.normal(ks[5], (IN + OUT, OUT), dtype=jnp.float32) * (1.0 / np.sqrt(IN + OUT))
    bg = jax.random.normal(ks[6], (OUT,), dtype=jnp.float32) * (1.0 / np.sqrt(IN + OUT))
    return {"x": x, "edge_index": edge_index, "edge_type": edge_type,
            "W_rel": W_rel, "W_root": W_root, "b_root": b_root,
            "Wg": Wg, "bg": bg}


def reference(x, edge_index, edge_type, W_rel, W_root, b_root, Wg, bg):
    src = edge_index[0]
    dst = edge_index[1]
    n = x.shape[0]
    num_rel = W_rel.shape[0]
    # RGCNConv: u_i = W_root x_i + b + sum_r sum_{j in N_r(i)} (1/|N_r(i)|) W_r x_j
    # Precompute x @ W_r for all relations, then gather per edge (memory-bound gather)
    xW = jnp.einsum('nd,rdo->nro', x, W_rel)  # [N, R, OUT]
    msg = xW[src, edge_type]  # [E, OUT]
    # mean normalization per (dst, relation)
    key = dst * num_rel + edge_type
    counts = jax.ops.segment_sum(jnp.ones((src.shape[0],), jnp.float32), key,
                                 num_segments=n * num_rel)
    norm = 1.0 / counts[key]  # every existing edge key has count >= 1
    agg = jax.ops.segment_sum(msg * norm[:, None], dst, num_segments=n)  # [N, OUT]
    u = x @ W_root + b_root + agg
    # dropout p=0 -> identity
    z = jnp.concatenate([u, x], axis=1) @ Wg + bg
    h = jnp.tanh(u) * z + x * (1.0 - z)
    return h

if __name__ == "__main__":
    import jax
    _d = setup_inputs()
    print(jax.jit(kernel)(*tuple(_d.values())))

</pallas_src>

<mosaic_0001>
#map = affine_map<(d0, d1) -> (0)>
module attributes {stable_mosaic.version = 14 : i64} {
  func.func @k(%arg0: i32, %arg1: i32, %arg2: memref<320000xi32, #tpu.memory_space<hbm>>, %arg3: memref<5000xf32, #tpu.memory_space<hbm>>, %arg4: memref<80xf32, #tpu.memory_space<hbm>>, %arg5: memref<160000xf32, #tpu.memory_space<hbm>>, %arg6: memref<10000xi32, #tpu.memory_space<vmem>>, %arg7: memref<80xi32, #tpu.memory_space<vmem>>, %arg8: memref<80xf32, #tpu.memory_space<vmem>>, %arg9: memref<5000xf32, #tpu.memory_space<vmem>>, %arg10: memref<80000xf32, #tpu.memory_space<vmem_shared>>) attributes {dimension_semantics = [#tpu.dimension_semantics<core_parallel>, #tpu.dimension_semantics<subcore_parallel>], iteration_bounds = array<i64: 2, 16>, scalar_prefetch = 0 : i64, scratch_operands = 5 : i64, tpu.core_type = #tpu.core_type<sc_vector_subcore>, window_params = [{transform_indices = #map}, {transform_indices = #map}, {transform_indices = #map}, {transform_indices = #map}]} {
    %mul3A = arith.constant 16 : i32
    %mul3A_0 = arith.muli %arg0, %mul3A : i32
    %add3A = arith.addi %mul3A_0, %arg1 : i32
    %mul3A_1 = arith.constant 10000 : i32
    %mul3A_2 = arith.muli %add3A, %mul3A_1 : i32
    "tpu.region"() ({
      %run_scoped3A = tpu.sem_alloc : memref<!tpu.dma_semaphore, #tpu.memory_space<semaphore_mem>>
      tpu.enqueue_dma source(%arg3 : memref<5000xf32, #tpu.memory_space<hbm>>) target(%arg9 : memref<5000xf32, #tpu.memory_space<vmem>>) target_semaphore(%run_scoped3A : memref<!tpu.dma_semaphore, #tpu.memory_space<semaphore_mem>>)
      tpu.wait_dma2 semaphore(%run_scoped3A : memref<!tpu.dma_semaphore, #tpu.memory_space<semaphore_mem>>) src(%arg3 : memref<5000xf32, #tpu.memory_space<hbm>>) dst(%arg9 : memref<5000xf32, #tpu.memory_space<vmem>>)
      tpu.yield
    }) : () -> ()
    %mul3A_3 = arith.constant 5000 : i32
    %mul3A_4 = arith.muli %arg1, %mul3A_3 : i32
    "tpu.region"() ({
      %run_scoped3A = tpu.sem_alloc : memref<!tpu.dma_semaphore, #tpu.memory_space<semaphore_mem>>
      %dma_start3A = tpu.memref_slice %arg10[%mul3A_4] : memref<80000xf32, #tpu.memory_space<vmem_shared>> -> memref<5000xf32, #tpu.memory_space<vmem_shared>>
      %dma_start3A_18 = tpu.memref_slice %arg10[%mul3A_4] : memref<80000xf32, #tpu.memory_space<vmem_shared>> -> memref<5000xf32, #tpu.memory_space<vmem_shared>>
      tpu.enqueue_dma source(%arg9 : memref<5000xf32, #tpu.memory_space<vmem>>) target(%dma_start3A_18 : memref<5000xf32, #tpu.memory_space<vmem_shared>>) target_semaphore(%run_scoped3A : memref<!tpu.dma_semaphore, #tpu.memory_space<semaphore_mem>>)
      %dma_wait3A = tpu.memref_slice %arg10[%mul3A_4] : memref<80000xf32, #tpu.memory_space<vmem_shared>> -> memref<5000xf32, #tpu.memory_space<vmem_shared>>
      %dma_wait3A_19 = tpu.memref_slice %arg10[%mul3A_4] : memref<80000xf32, #tpu.memory_space<vmem_shared>> -> memref<5000xf32, #tpu.memory_space<vmem_shared>>
      tpu.wait_dma2 semaphore(%run_scoped3A : memref<!tpu.dma_semaphore, #tpu.memory_space<semaphore_mem>>) src(%arg9 : memref<5000xf32, #tpu.memory_space<vmem>>) dst(%dma_wait3A_19 : memref<5000xf32, #tpu.memory_space<vmem_shared>>)
      tpu.yield
    }) : () -> ()
    "tpu.region"() ({
      %run_scoped3A = tpu.sem_alloc : memref<!tpu.dma_semaphore, #tpu.memory_space<semaphore_mem>>
      %dma_start3A = tpu.memref_slice %arg2[%mul3A_2] : memref<320000xi32, #tpu.memory_space<hbm>> -> memref<10000xi32, #tpu.memory_space<hbm>>
      %dma_start3A_18 = tpu.memref_slice %arg2[%mul3A_2] : memref<320000xi32, #tpu.memory_space<hbm>> -> memref<10000xi32, #tpu.memory_space<hbm>>
      tpu.enqueue_dma source(%dma_start3A_18 : memref<10000xi32, #tpu.memory_space<hbm>>) target(%arg6 : memref<10000xi32, #tpu.memory_space<vmem>>) target_semaphore(%run_scoped3A : memref<!tpu.dma_semaphore, #tpu.memory_space<semaphore_mem>>)
      %dma_wait3A = tpu.memref_slice %arg2[%mul3A_2] : memref<320000xi32, #tpu.memory_space<hbm>> -> memref<10000xi32, #tpu.memory_space<hbm>>
      %dma_wait3A_19 = tpu.memref_slice %arg2[%mul3A_2] : memref<320000xi32, #tpu.memory_space<hbm>> -> memref<10000xi32, #tpu.memory_space<hbm>>
      tpu.wait_dma2 semaphore(%run_scoped3A : memref<!tpu.dma_semaphore, #tpu.memory_space<semaphore_mem>>) src(%dma_wait3A_19 : memref<10000xi32, #tpu.memory_space<hbm>>) dst(%arg6 : memref<10000xi32, #tpu.memory_space<vmem>>)
      tpu.yield
    }) : () -> ()
    "tpu.region"() ({
      %run_scoped3A = tpu.sem_alloc : memref<!tpu.dma_semaphore, #tpu.memory_space<semaphore_mem>>
      tpu.enqueue_dma source(%arg4 : memref<80xf32, #tpu.memory_space<hbm>>) target(%arg8 : memref<80xf32, #tpu.memory_space<vmem>>) target_semaphore(%run_scoped3A : memref<!tpu.dma_semaphore, #tpu.memory_space<semaphore_mem>>)
      tpu.wait_dma2 semaphore(%run_scoped3A : memref<!tpu.dma_semaphore, #tpu.memory_space<semaphore_mem>>) src(%arg4 : memref<80xf32, #tpu.memory_space<hbm>>) dst(%arg8 : memref<80xf32, #tpu.memory_space<vmem>>)
      tpu.yield
    }) : () -> ()
    %barrier3A = arith.constant 0 : index
    tpu.barrier barrier_id(%barrier3A)
    %scan3A = arith.constant 0 : i32
    %scan3A_5 = arith.constant 125 : i32
    %scan3A_6 = arith.addi %scan3A, %scan3A_5 : i32
    %scan3A_7 = arith.constant 1 : i32
    scf.for %scan3A_18 = %scan3A to %scan3A_6 step %scan3A_7  : i32 {
      %mul3A_19 = arith.constant 1 : i32
      %mul3A_20 = arith.muli %scan3A_18, %mul3A_19 : i32
      %add3A_21 = arith.constant 0 : i32
      %add3A_22 = arith.addi %add3A_21, %mul3A_20 : i32
      %mul3A_23 = arith.constant 80 : i32
      %mul3A_24 = arith.muli %add3A_22, %mul3A_23 : i32
      %add3A_25 = arith.constant 0 : i32
      %add3A_26 = arith.addi %mul3A_24, %add3A_25 : i32
      %get3A = arith.index_cast %add3A_26 : i32 to index
      %get3A_27 = tpu.vector_load %arg6[%get3A] {strides = array<i32>} : memref<10000xi32, #tpu.memory_space<vmem>>, vector<16xi32>,
      %get3A_28 = vector.shape_cast %get3A_27 : vector<16xi32> to vector<16xi32>
      %and3A = arith.constant 16383 : i32
      %and3A_29 = vector.broadcast %and3A : i32 to vector<16xi32>
      %and3A_30 = arith.andi %get3A_28, %and3A_29 : vector<16xi32>
      %shift_right_logical3A = arith.constant 14 : i32
      %shift_right_logical3A_31 = vector.broadcast %shift_right_logical3A : i32 to vector<16xi32>
      %shift_right_logical3A_32 = arith.shrui %get3A_28, %shift_right_logical3A_31 : vector<16xi32>
      %and3A_33 = arith.constant 16383 : i32
      %and3A_34 = vector.broadcast %and3A_33 : i32 to vector<16xi32>
      %and3A_35 = arith.andi %shift_right_logical3A_32, %and3A_34 : vector<16xi32>
      %shift_right_logical3A_36 = arith.constant 28 : i32
      %shift_right_logical3A_37 = vector.broadcast %shift_right_logical3A_36 : i32 to vector<16xi32>
      %shift_right_logical3A_38 = arith.shrui %get3A_28, %shift_right_logical3A_37 : vector<16xi32>
      %mul3A_39 = arith.constant 10000 : i32
      %mul3A_40 = vector.broadcast %mul3A_39 : i32 to vector<16xi32>
      %mul3A_41 = arith.muli %shift_right_logical3A_38, %mul3A_40 : vector<16xi32>
      %add3A_42 = arith.addi %mul3A_41, %and3A_35 : vector<16xi32>
      %swap3A = arith.constant 0 : index
      %swap3A_43 = tpu.vector_load %arg7[%swap3A] {strides = array<i32>} : memref<80xi32, #tpu.memory_space<vmem>>, vector<16xi32>,
      %swap3A_44 = vector.shape_cast %swap3A_43 : vector<16xi32> to vector<16xi32>
      %swap3A_45 = vector.shape_cast %add3A_42 : vector<16xi32> to vector<16xi32>
      tpu.vector_store %arg7[%swap3A], %swap3A_45 {strides = array<i32>} : memref<80xi32, #tpu.memory_space<vmem>>, vector<16xi32>,
      %add3A_46 = arith.constant 16 : i32
      %add3A_47 = arith.addi %mul3A_24, %add3A_46 : i32
      %get3A_48 = arith.index_cast %add3A_47 : i32 to index
      %get3A_49 = tpu.vector_load %arg6[%get3A_48] {strides = array<i32>} : memref<10000xi32, #tpu.memory_space<vmem>>, vector<16xi32>,
      %get3A_50 = vector.shape_cast %get3A_49 : vector<16xi32> to vector<16xi32>
      %and3A_51 = arith.constant 16383 : i32
      %and3A_52 = vector.broadcast %and3A_51 : i32 to vector<16xi32>
      %and3A_53 = arith.andi %get3A_50, %and3A_52 : vector<16xi32>
      %shift_right_logical3A_54 = arith.constant 14 : i32
      %shift_right_logical3A_55 = vector.broadcast %shift_right_logical3A_54 : i32 to vector<16xi32>
      %shift_right_logical3A_56 = arith.shrui %get3A_50, %shift_right_logical3A_55 : vector<16xi32>
      %and3A_57 = arith.constant 16383 : i32
      %and3A_58 = vector.broadcast %and3A_57 : i32 to vector<16xi32>
      %and3A_59 = arith.andi %shift_right_logical3A_56, %and3A_58 : vector<16xi32>
      %shift_right_logical3A_60 = arith.constant 28 : i32
      %shift_right_logical3A_61 = vector.broadcast %shift_right_logical3A_60 : i32 to vector<16xi32>
      %shift_right_logical3A_62 = arith.shrui %get3A_50, %shift_right_logical3A_61 : vector<16xi32>
      %mul3A_63 = arith.constant 10000 : i32
      %mul3A_64 = vector.broadcast %mul3A_63 : i32 to vector<16xi32>
      %mul3A_65 = arith.muli %shift_right_logical3A_62, %mul3A_64 : vector<16xi32>
      %add3A_66 = arith.addi %mul3A_65, %and3A_59 : vector<16xi32>
      %swap3A_67 = arith.constant 16 : index
      %swap3A_68 = tpu.vector_load %arg7[%swap3A_67] {strides = array<i32>} : memref<80xi32, #tpu.memory_space<vmem>>, vector<16xi32>,
      %swap3A_69 = vector.shape_cast %swap3A_68 : vector<16xi32> to vector<16xi32>
      %swap3A_70 = vector.shape_cast %add3A_66 : vector<16xi32> to vector<16xi32>
      tpu.vector_store %arg7[%swap3A_67], %swap3A_70 {strides = array<i32>} : memref<80xi32, #tpu.memory_space<vmem>>, vector<16xi32>,
      %add3A_71 = arith.constant 32 : i32
      %add3A_72 = arith.addi %mul3A_24, %add3A_71 : i32
      %get3A_73 = arith.index_cast %add3A_72 : i32 to index
      %get3A_74 = tpu.vector_load %arg6[%get3A_73] {strides = array<i32>} : memref<10000xi32, #tpu.memory_space<vmem>>, vector<16xi32>,
      %get3A_75 = vector.shape_cast %get3A_74 : vector<16xi32> to vector<16xi32>
      %and3A_76 = arith.constant 16383 : i32
      %and3A_77 = vector.broadcast %and3A_76 : i32 to vector<16xi32>
      %and3A_78 = arith.andi %get3A_75, %and3A_77 : vector<16xi32>
      %shift_right_logical3A_79 = arith.constant 14 : i32
      %shift_right_logical3A_80 = vector.broadcast %shift_right_logical3A_79 : i32 to vector<16xi32>
      %shift_right_logical3A_81 = arith.shrui %get3A_75, %shift_right_logical3A_80 : vector<16xi32>
      %and3A_82 = arith.constant 16383 : i32
      %and3A_83 = vector.broadcast %and3A_82 : i32 to vector<16xi32>
      %and3A_84 = arith.andi %shift_right_logical3A_81, %and3A_83 : vector<16xi32>
      %shift_right_logical3A_85 = arith.constant 28 : i32
      %shift_right_logical3A_86 = vector.broadcast %shift_right_logical3A_85 : i32 to vector<16xi32>
      %shift_right_logical3A_87 = arith.shrui %get3A_75, %shift_right_logical3A_86 : vector<16xi32>
      %mul3A_88 = arith.constant 10000 : i32
      %mul3A_89 = vector.broadcast %mul3A_88 : i32 to vector<16xi32>
      %mul3A_90 = arith.muli %shift_right_logical3A_87, %mul3A_89 : vector<16xi32>
      %add3A_91 = arith.addi %mul3A_90, %and3A_84 : vector<16xi32>
      %swap3A_92 = arith.constant 32 : index
      %swap3A_93 = tpu.vector_load %arg7[%swap3A_92] {strides = array<i32>} : memref<80xi32, #tpu.memory_space<vmem>>, vector<16xi32>,
      %swap3A_94 = vector.shape_cast %swap3A_93 : vector<16xi32> to vector<16xi32>
      %swap3A_95 = vector.shape_cast %add3A_91 : vector<16xi32> to vector<16xi32>
      tpu.vector_store %arg7[%swap3A_92], %swap3A_95 {strides = array<i32>} : memref<80xi32, #tpu.memory_space<vmem>>, vector<16xi32>,
      %add3A_96 = arith.constant 48 : i32
      %add3A_97 = arith.addi %mul3A_24, %add3A_96 : i32
      %get3A_98 = arith.index_cast %add3A_97 : i32 to index
      %get3A_99 = tpu.vector_load %arg6[%get3A_98] {strides = array<i32>} : memref<10000xi32, #tpu.memory_space<vmem>>, vector<16xi32>,
      %get3A_100 = vector.shape_cast %get3A_99 : vector<16xi32> to vector<16xi32>
      %and3A_101 = arith.constant 16383 : i32
      %and3A_102 = vector.broadcast %and3A_101 : i32 to vector<16xi32>
      %and3A_103 = arith.andi %get3A_100, %and3A_102 : vector<16xi32>
      %shift_right_logical3A_104 = arith.constant 14 : i32
      %shift_right_logical3A_105 = vector.broadcast %shift_right_logical3A_104 : i32 to vector<16xi32>
      %shift_right_logical3A_106 = arith.shrui %get3A_100, %shift_right_logical3A_105 : vector<16xi32>
      %and3A_107 = arith.constant 16383 : i32
      %and3A_108 = vector.broadcast %and3A_107 : i32 to vector<16xi32>
      %and3A_109 = arith.andi %shift_right_logical3A_106, %and3A_108 : vector<16xi32>
      %shift_right_logical3A_110 = arith.constant 28 : i32
      %shift_right_logical3A_111 = vector.broadcast %shift_right_logical3A_110 : i32 to vector<16xi32>
      %shift_right_logical3A_112 = arith.shrui %get3A_100, %shift_right_logical3A_111 : vector<16xi32>
      %mul3A_113 = arith.constant 10000 : i32
      %mul3A_114 = vector.broadcast %mul3A_113 : i32 to vector<16xi32>
      %mul3A_115 = arith.muli %shift_right_logical3A_112, %mul3A_114 : vector<16xi32>
      %add3A_116 = arith.addi %mul3A_115, %and3A_109 : vector<16xi32>
      %swap3A_117 = arith.constant 48 : index
      %swap3A_118 = tpu.vector_load %arg7[%swap3A_117] {strides = array<i32>} : memref<80xi32, #tpu.memory_space<vmem>>, vector<16xi32>,
      %swap3A_119 = vector.shape_cast %swap3A_118 : vector<16xi32> to vector<16xi32>
      %swap3A_120 = vector.shape_cast %add3A_116 : vector<16xi32> to vector<16xi32>
      tpu.vector_store %arg7[%swap3A_117], %swap3A_120 {strides = array<i32>} : memref<80xi32, #tpu.memory_space<vmem>>, vector<16xi32>,
      %add3A_121 = arith.constant 64 : i32
      %add3A_122 = arith.addi %mul3A_24, %add3A_121 : i32
      %get3A_123 = arith.index_cast %add3A_122 : i32 to index
      %get3A_124 = tpu.vector_load %arg6[%get3A_123] {strides = array<i32>} : memref<10000xi32, #tpu.memory_space<vmem>>, vector<16xi32>,
      %get3A_125 = vector.shape_cast %get3A_124 : vector<16xi32> to vector<16xi32>
      %and3A_126 = arith.constant 16383 : i32
      %and3A_127 = vector.broadcast %and3A_126 : i32 to vector<16xi32>
      %and3A_128 = arith.andi %get3A_125, %and3A_127 : vector<16xi32>
      %shift_right_logical3A_129 = arith.constant 14 : i32
      %shift_right_logical3A_130 = vector.broadcast %shift_right_logical3A_129 : i32 to vector<16xi32>
      %shift_right_logical3A_131 = arith.shrui %get3A_125, %shift_right_logical3A_130 : vector<16xi32>
      %and3A_132 = arith.constant 16383 : i32
      %and3A_133 = vector.broadcast %and3A_132 : i32 to vector<16xi32>
      %and3A_134 = arith.andi %shift_right_logical3A_131, %and3A_133 : vector<16xi32>
      %shift_right_logical3A_135 = arith.constant 28 : i32
      %shift_right_logical3A_136 = vector.broadcast %shift_right_logical3A_135 : i32 to vector<16xi32>
      %shift_right_logical3A_137 = arith.shrui %get3A_125, %shift_right_logical3A_136 : vector<16xi32>
      %mul3A_138 = arith.constant 10000 : i32
      %mul3A_139 = vector.broadcast %mul3A_138 : i32 to vector<16xi32>
      %mul3A_140 = arith.muli %shift_right_logical3A_137, %mul3A_139 : vector<16xi32>
      %add3A_141 = arith.addi %mul3A_140, %and3A_134 : vector<16xi32>
      %swap3A_142 = arith.constant 64 : index
      %swap3A_143 = tpu.vector_load %arg7[%swap3A_142] {strides = array<i32>} : memref<80xi32, #tpu.memory_space<vmem>>, vector<16xi32>,
      %swap3A_144 = vector.shape_cast %swap3A_143 : vector<16xi32> to vector<16xi32>
      %swap3A_145 = vector.shape_cast %add3A_141 : vector<16xi32> to vector<16xi32>
      tpu.vector_store %arg7[%swap3A_142], %swap3A_145 {strides = array<i32>} : memref<80xi32, #tpu.memory_space<vmem>>, vector<16xi32>,
      "tpu.region"() ({
        %run_scoped3A = tpu.sem_alloc : memref<!tpu.dma_semaphore, #tpu.memory_space<semaphore_mem>>
        %dma_start3A = arith.constant 0 : i32
        %dma_start3A_146 = tpu.memref_slice %arg10[%dma_start3A] : memref<80000xf32, #tpu.memory_space<vmem_shared>> -> memref<80000xf32, #tpu.memory_space<vmem_shared>>
        tpu.enqueue_indirect_dma source(%arg8 : memref<80xf32, #tpu.memory_space<vmem>>) target(%dma_start3A_146 : memref<80000xf32, #tpu.memory_space<vmem_shared>>) offsets(%arg7 : memref<80xi32, #tpu.memory_space<vmem>>) semaphore(%run_scoped3A : memref<!tpu.dma_semaphore, #tpu.memory_space<semaphore_mem>>) {add = true}
        %dma_wait3A = arith.constant 0 : i32
        %dma_wait3A_147 = tpu.memref_slice %arg10[%dma_wait3A] : memref<80000xf32, #tpu.memory_space<vmem_shared>> -> memref<80000xf32, #tpu.memory_space<vmem_shared>>
        tpu.wait_indirect_dma semaphore(%run_scoped3A : memref<!tpu.dma_semaphore, #tpu.memory_space<semaphore_mem>>) src(%arg8 : memref<80xf32, #tpu.memory_space<vmem>>) dst(%dma_wait3A_147 : memref<80000xf32, #tpu.memory_space<vmem_shared>>)
        tpu.yield
      }) : () -> ()
    }
    %scan3A_8 = arith.constant 125 : i32
    %barrier3A_9 = arith.constant 0 : index
    tpu.barrier barrier_id(%barrier3A_9)
    %barrier3A_10 = arith.constant 0 : index
    tpu.barrier barrier_id(%barrier3A_10)
    %mul3A_11 = arith.constant 5000 : i32
    %mul3A_12 = arith.muli %arg1, %mul3A_11 : i32
    "tpu.region"() ({
      %run_scoped3A = tpu.sem_alloc : memref<!tpu.dma_semaphore, #tpu.memory_space<semaphore_mem>>
      %dma_start3A = tpu.memref_slice %arg10[%mul3A_12] : memref<80000xf32, #tpu.memory_space<vmem_shared>> -> memref<5000xf32, #tpu.memory_space<vmem_shared>>
      %dma_start3A_18 = tpu.memref_slice %arg10[%mul3A_12] : memref<80000xf32, #tpu.memory_space<vmem_shared>> -> memref<5000xf32, #tpu.memory_space<vmem_shared>>
      tpu.enqueue_dma source(%dma_start3A_18 : memref<5000xf32, #tpu.memory_space<vmem_shared>>) target(%arg9 : memref<5000xf32, #tpu.memory_space<vmem>>) target_semaphore(%run_scoped3A : memref<!tpu.dma_semaphore, #tpu.memory_space<semaphore_mem>>)
      %dma_wait3A = tpu.memref_slice %arg10[%mul3A_12] : memref<80000xf32, #tpu.memory_space<vmem_shared>> -> memref<5000xf32, #tpu.memory_space<vmem_shared>>
      %dma_wait3A_19 = tpu.memref_slice %arg10[%mul3A_12] : memref<80000xf32, #tpu.memory_space<vmem_shared>> -> memref<5000xf32, #tpu.memory_space<vmem_shared>>
      tpu.wait_dma2 semaphore(%run_scoped3A : memref<!tpu.dma_semaphore, #tpu.memory_space<semaphore_mem>>) src(%dma_wait3A_19 : memref<5000xf32, #tpu.memory_space<vmem_shared>>) dst(%arg9 : memref<5000xf32, #tpu.memory_space<vmem>>)
      tpu.yield
    }) : () -> ()
    %mul3A_13 = arith.constant 80000 : i32
    %mul3A_14 = arith.muli %arg0, %mul3A_13 : i32
    %mul3A_15 = arith.constant 5000 : i32
    %mul3A_16 = arith.muli %arg1, %mul3A_15 : i32
    %add3A_17 = arith.addi %mul3A_14, %mul3A_16 : i32
    "tpu.region"() ({
      %run_scoped3A = tpu.sem_alloc : memref<!tpu.dma_semaphore, #tpu.memory_space<semaphore_mem>>
      %dma_start3A = tpu.memref_slice %arg5[%add3A_17] : memref<160000xf32, #tpu.memory_space<hbm>> -> memref<5000xf32, #tpu.memory_space<hbm>>
      %dma_start3A_18 = tpu.memref_slice %arg5[%add3A_17] : memref<160000xf32, #tpu.memory_space<hbm>> -> memref<5000xf32, #tpu.memory_space<hbm>>
      tpu.enqueue_dma source(%arg9 : memref<5000xf32, #tpu.memory_space<vmem>>) target(%dma_start3A_18 : memref<5000xf32, #tpu.memory_space<hbm>>) target_semaphore(%run_scoped3A : memref<!tpu.dma_semaphore, #tpu.memory_space<semaphore_mem>>)
      %dma_wait3A = tpu.memref_slice %arg5[%add3A_17] : memref<160000xf32, #tpu.memory_space<hbm>> -> memref<5000xf32, #tpu.memory_space<hbm>>
      %dma_wait3A_19 = tpu.memref_slice %arg5[%add3A_17] : memref<160000xf32, #tpu.memory_space<hbm>> -> memref<5000xf32, #tpu.memory_space<hbm>>
      tpu.wait_dma2 semaphore(%run_scoped3A : memref<!tpu.dma_semaphore, #tpu.memory_space<semaphore_mem>>) src(%arg9 : memref<5000xf32, #tpu.memory_space<vmem>>) dst(%dma_wait3A_19 : memref<5000xf32, #tpu.memory_space<hbm>>)
      tpu.yield
    }) : () -> ()
    return
  }
}

#map = affine_map<(d0, d1) -> (0, 0)>
#map1 = affine_map<(d0, d1) -> (0)>
module attributes {stable_mosaic.version = 14 : i64} {
  func.func @k(%arg0: i32, %arg1: i32, %arg2: memref<80000x128xf32, #tpu.memory_space<hbm>>, %arg3: memref<320000xi32, #tpu.memory_space<hbm>>, %arg4: memref<160000xf32, #tpu.memory_space<hbm>>, %arg5: memref<80x128xf32, #tpu.memory_space<hbm>>, %arg6: memref<20000x128xf32, #tpu.memory_space<hbm>>, %arg7: memref<10000xi32, #tpu.memory_space<vmem>>, %arg8: memref<80xi32, #tpu.memory_space<vmem>>, %arg9: memref<80xi32, #tpu.memory_space<vmem>>, %arg10: memref<80xi32, #tpu.memory_space<vmem>>, %arg11: memref<80xi32, #tpu.memory_space<vmem>>, %arg12: memref<80xi32, #tpu.memory_space<vmem>>, %arg13: memref<80xi32, #tpu.memory_space<vmem>>, %arg14: memref<80xi32, #tpu.memory_space<vmem>>, %arg15: memref<80xi32, #tpu.memory_space<vmem>>, %arg16: memref<80xi32, #tpu.memory_space<vmem>>, %arg17: memref<80xi32, #tpu.memory_space<vmem>>, %arg18: memref<80xi32, #tpu.memory_space<vmem>>, %arg19: memref<80xi32, #tpu.memory_space<vmem>>, %arg20: memref<80xf32, #tpu.memory_space<vmem>>, %arg21: memref<80xf32, #tpu.memory_space<vmem>>, %arg22: memref<80xf32, #tpu.memory_space<vmem>>, %arg23: memref<80xf32, #tpu.memory_space<vmem>>, %arg24: memref<80xf32, #tpu.memory_space<vmem>>, %arg25: memref<80xf32, #tpu.memory_space<vmem>>, %arg26: memref<80xf32, #tpu.memory_space<vmem>>, %arg27: memref<80xf32, #tpu.memory_space<vmem>>, %arg28: memref<80xf32, #tpu.memory_space<vmem>>, %arg29: memref<80x128xf32, #tpu.memory_space<vmem>>, %arg30: memref<80x128xf32, #tpu.memory_space<vmem>>, %arg31: memref<80x128xf32, #tpu.memory_space<vmem>>, %arg32: memref<10000x128xf32, #tpu.memory_space<vmem_shared>>, %arg33: memref<!tpu.dma_semaphore, #tpu.memory_space<semaphore_mem>>, %arg34: memref<!tpu.dma_semaphore, #tpu.memory_space<semaphore_mem>>, %arg35: memref<!tpu.dma_semaphore, #tpu.memory_space<semaphore_mem>>, %arg36: memref<!tpu.dma_semaphore, #tpu.memory_space<semaphore_mem>>, %arg37: memref<!tpu.dma_semaphore, #tpu.memory_space<semaphore_mem>>, %arg38: memref<!tpu.dma_semaphore, #tpu.memory_space<semaphore_mem>>, %arg39: memref<!tpu.dma_semaphore, #tpu.memory_space<semaphore_mem>>, %arg40: memref<!tpu.dma_semaphore, #tpu.memory_space<semaphore_mem>>, %arg41: memref<!tpu.dma_semaphore, #tpu.memory_space<semaphore_mem>>, %arg42: memref<!tpu.dma_semaphore, #tpu.memory_space<semaphore_mem>>, %arg43: memref<!tpu.dma_semaphore, #tpu.memory_space<semaphore_mem>>, %arg44: memref<!tpu.dma_semaphore, #tpu.memory_space<semaphore_mem>>) attributes {dimension_semantics = [#tpu.dimension_semantics<core_parallel>, #tpu.dimension_semantics<subcore_parallel>], iteration_bounds = array<i64: 2, 16>, scalar_prefetch = 0 : i64, scratch_operands = 38 : i64, tpu.core_type = #tpu.core_type<sc_vector_subcore>, window_params = [{transform_indices = #map}, {transform_indices = #map1}, {transform_indices = #map1}, {transform_indices = #map}, {transform_indices = #map}]} {
    %mul3A = arith.constant 16 : i32
    %mul3A_0 = arith.muli %arg0, %mul3A : i32
    %add3A = arith.addi %mul3A_0, %arg1 : i32
    %mul3A_1 = arith.constant 10000 : i32
    %mul3A_2 = arith.muli %add3A, %mul3A_1 : i32
    "tpu.region"() ({
      %run_scoped3A = tpu.sem_alloc : memref<!tpu.dma_semaphore, #tpu.memory_space<semaphore_mem>>
      tpu.enqueue_dma source(%arg5 : memref<80x128xf32, #tpu.memory_space<hbm>>) target(%arg29 : memref<80x128xf32, #tpu.memory_space<vmem>>) target_semaphore(%run_scoped3A : memref<!tpu.dma_semaphore, #tpu.memory_space<semaphore_mem>>)
      tpu.wait_dma2 semaphore(%run_scoped3A : memref<!tpu.dma_semaphore, #tpu.memory_space<semaphore_mem>>) src(%arg5 : memref<80x128xf32, #tpu.memory_space<hbm>>) dst(%arg29 : memref<80x128xf32, #tpu.memory_space<vmem>>)
      tpu.yield
    }) : () -> ()
    %lt3A = arith.constant 15 : i32
    %lt3A_3 = arith.cmpi slt, %arg1, %lt3A : i32
    %convert_element_type3A = arith.extui %lt3A_3 : i1 to i32
    %cond3A = arith.constant 0 : i32
    %cond3A_4 = arith.cmpi ne, %convert_element_type3A, %cond3A : i32
    scf.if %cond3A_4 {
      %mul3A_1343 = arith.constant 632 : i32
      %mul3A_1344 = arith.muli %arg1, %mul3A_1343 : i32
      %scan3A_1345 = arith.constant 0 : i32
      %scan3A_1346 = arith.constant 7 : i32
      %scan3A_1347 = arith.addi %scan3A_1345, %scan3A_1346 : i32
      %scan3A_1348 = arith.constant 1 : i32
      scf.for %scan3A_1353 = %scan3A_1345 to %scan3A_1347 step %scan3A_1348  : i32 {
        %mul3A_1354 = arith.constant 1 : i32
        %mul3A_1355 = arith.muli %scan3A_1353, %mul3A_1354 : i32
        %add3A_1356 = arith.constant 0 : i32
        %add3A_1357 = arith.addi %add3A_1356, %mul3A_1355 : i32
        %mul3A_1358 = arith.constant 80 : i32
        %mul3A_1359 = arith.muli %add3A_1357, %mul3A_1358 : i32
        %add3A_1360 = arith.addi %mul3A_1344, %mul3A_1359 : i32
        "tpu.region"() ({
          %run_scoped3A = tpu.sem_alloc : memref<!tpu.dma_semaphore, #tpu.memory_space<semaphore_mem>>
          %dma_start3A_1361 = arith.constant 0 : i32
          %dma_start3A_1362 = tpu.memref_slice %arg32[%add3A_1360, %dma_start3A_1361] : memref<10000x128xf32, #tpu.memory_space<vmem_shared>> -> memref<80x128xf32, #tpu.memory_space<vmem_shared>>
          %dma_start3A_1363 = arith.constant 0 : i32
          %dma_start3A_1364 = tpu.memref_slice %arg32[%add3A_1360, %dma_start3A_1363] : memref<10000x128xf32, #tpu.memory_space<vmem_shared>> -> memref<80x128xf32, #tpu.memory_space<vmem_shared>>
          tpu.enqueue_dma source(%arg29 : memref<80x128xf32, #tpu.memory_space<vmem>>) target(%dma_start3A_1364 : memref<80x128xf32, #tpu.memory_space<vmem_shared>>) target_semaphore(%run_scoped3A : memref<!tpu.dma_semaphore, #tpu.memory_space<semaphore_mem>>)
          %dma_wait3A_1365 = arith.constant 0 : i32
          %dma_wait3A_1366 = tpu.memref_slice %arg32[%add3A_1360, %dma_wait3A_1365] : memref<10000x128xf32, #tpu.memory_space<vmem_shared>> -> memref<80x128xf32, #tpu.memory_space<vmem_shared>>
          %dma_wait3A_1367 = arith.constant 0 : i32
          %dma_wait3A_1368 = tpu.memref_slice %arg32[%add3A_1360, %dma_wait3A_1367] : memref<10000x128xf32, #tpu.memory_space<vmem_shared>> -> memref<80x128xf32, #tpu.memory_space<vmem_shared>>
          tpu.wait_dma2 semaphore(%run_scoped3A : memref<!tpu.dma_semaphore, #tpu.memory_space<semaphore_mem>>) src(%arg29 : memref<80x128xf32, #tpu.memory_space<vmem>>) dst(%dma_wait3A_1368 : memref<80x128xf32, #tpu.memory_space<vmem_shared>>)
          tpu.yield
        }) : () -> ()
      }
      %scan3A_1349 = arith.constant 7 : i32
      %add3A_1350 = arith.constant 632 : i32
      %add3A_1351 = arith.addi %mul3A_1344, %add3A_1350 : i32
      %sub3A = arith.constant 72 : i32
      %sub3A_1352 = arith.subi %add3A_1351, %sub3A : i32
      "tpu.region"() ({
        %run_scoped3A = tpu.sem_alloc : memref<!tpu.dma_semaphore, #tpu.memory_space<semaphore_mem>>
        %dma_start3A_1353 = arith.constant 0 : i32
        %dma_start3A_1354 = arith.constant 0 : i32
        %dma_start3A_1355 = tpu.memref_slice %arg29[%dma_start3A_1353, %dma_start3A_1354] : memref<80x128xf32, #tpu.memory_space<vmem>> -> memref<72x128xf32, #tpu.memory_space<vmem>>
        %dma_start3A_1356 = arith.constant 0 : i32
        %dma_start3A_1357 = tpu.memref_slice %arg32[%sub3A_1352, %dma_start3A_1356] : memref<10000x128xf32, #tpu.memory_space<vmem_shared>> -> memref<72x128xf32, #tpu.memory_space<vmem_shared>>
        %dma_start3A_1358 = arith.constant 0 : i32
        %dma_start3A_1359 = tpu.memref_slice %arg32[%sub3A_1352, %dma_start3A_1358] : memref<10000x128xf32, #tpu.memory_space<vmem_shared>> -> memref<72x128xf32, #tpu.memory_space<vmem_shared>>
        %dma_start3A_1360 = arith.constant 0 : i32
        %dma_start3A_1361 = arith.constant 0 : i32
        %dma_start3A_1362 = tpu.memref_slice %arg29[%dma_start3A_1360, %dma_start3A_1361] : memref<80x128xf32, #tpu.memory_space<vmem>> -> memref<72x128xf32, #tpu.memory_space<vmem>>
        tpu.enqueue_dma source(%dma_start3A_1362 : memref<72x128xf32, #tpu.memory_space<vmem>>) target(%dma_start3A_1359 : memref<72x128xf32, #tpu.memory_space<vmem_shared>>) target_semaphore(%run_scoped3A : memref<!tpu.dma_semaphore, #tpu.memory_space<semaphore_mem>>)
        %dma_wait3A_1363 = arith.constant 0 : i32
        %dma_wait3A_1364 = arith.constant 0 : i32
        %dma_wait3A_1365 = tpu.memref_slice %arg29[%dma_wait3A_1363, %dma_wait3A_1364] : memref<80x128xf32, #tpu.memory_space<vmem>> -> memref<72x128xf32, #tpu.memory_space<vmem>>
        %dma_wait3A_1366 = arith.constant 0 : i32
        %dma_wait3A_1367 = tpu.memref_slice %arg32[%sub3A_1352, %dma_wait3A_1366] : memref<10000x128xf32, #tpu.memory_space<vmem_shared>> -> memref<72x128xf32, #tpu.memory_space<vmem_shared>>
        %dma_wait3A_1368 = arith.constant 0 : i32
        %dma_wait3A_1369 = tpu.memref_slice %arg32[%sub3A_1352, %dma_wait3A_1368] : memref<10000x128xf32, #tpu.memory_space<vmem_shared>> -> memref<72x128xf32, #tpu.memory_space<vmem_shared>>
        %dma_wait3A_1370 = arith.constant 0 : i32
        %dma_wait3A_1371 = arith.constant 0 : i32
        %dma_wait3A_1372 = tpu.memref_slice %arg29[%dma_wait3A_1370, %dma_wait3A_1371] : memref<80x128xf32, #tpu.memory_space<vmem>> -> memref<72x128xf32, #tpu.memory_space<vmem>>
        tpu.wait_dma2 semaphore(%run_scoped3A : memref<!tpu.dma_semaphore, #tpu.memory_space<semaphore_mem>>) src(%dma_wait3A_1372 : memref<72x128xf32, #tpu.memory_space<vmem>>) dst(%dma_wait3A_1369 : memref<72x128xf32, #tpu.memory_space<vmem_shared>>)
        tpu.yield
      }) : () -> ()
    } else {
    }
    %eq3A = arith.constant 15 : i32
    %eq3A_5 = arith.cmpi eq, %arg1, %eq3A : i32
    %convert_element_type3A_6 = arith.extui %eq3A_5 : i1 to i32
    %cond3A_7 = arith.constant 0 : i32
    %cond3A_8 = arith.cmpi ne, %convert_element_type3A_6, %cond3A_7 : i32
    scf.if %cond3A_8 {
      %scan3A_1343 = arith.constant 0 : i32
      %scan3A_1344 = arith.constant 6 : i32
      %scan3A_1345 = arith.addi %scan3A_1343, %scan3A_1344 : i32
      %scan3A_1346 = arith.constant 1 : i32
      scf.for %scan3A_1348 = %scan3A_1343 to %scan3A_1345 step %scan3A_1346  : i32 {
        %mul3A_1349 = arith.constant 1 : i32
        %mul3A_1350 = arith.muli %scan3A_1348, %mul3A_1349 : i32
        %add3A_1351 = arith.constant 0 : i32
        %add3A_1352 = arith.addi %add3A_1351, %mul3A_1350 : i32
        %mul3A_1353 = arith.constant 80 : i32
        %mul3A_1354 = arith.muli %add3A_1352, %mul3A_1353 : i32
        %add3A_1355 = arith.constant 9480 : i32
        %add3A_1356 = arith.addi %add3A_1355, %mul3A_1354 : i32
        "tpu.region"() ({
          %run_scoped3A = tpu.sem_alloc : memref<!tpu.dma_semaphore, #tpu.memory_space<semaphore_mem>>
          %dma_start3A_1357 = arith.constant 0 : i32
          %dma_start3A_1358 = tpu.memref_slice %arg32[%add3A_1356, %dma_start3A_1357] : memref<10000x128xf32, #tpu.memory_space<vmem_shared>> -> memref<80x128xf32, #tpu.memory_space<vmem_shared>>
          %dma_start3A_1359 = arith.constant 0 : i32
          %dma_start3A_1360 = tpu.memref_slice %arg32[%add3A_1356, %dma_start3A_1359] : memref<10000x128xf32, #tpu.memory_space<vmem_shared>> -> memref<80x128xf32, #tpu.memory_space<vmem_shared>>
          tpu.enqueue_dma source(%arg29 : memref<80x128xf32, #tpu.memory_space<vmem>>) target(%dma_start3A_1360 : memref<80x128xf32, #tpu.memory_space<vmem_shared>>) target_semaphore(%run_scoped3A : memref<!tpu.dma_semaphore, #tpu.memory_space<semaphore_mem>>)
          %dma_wait3A_1361 = arith.constant 0 : i32
          %dma_wait3A_1362 = tpu.memref_slice %arg32[%add3A_1356, %dma_wait3A_1361] : memref<10000x128xf32, #tpu.memory_space<vmem_shared>> -> memref<80x128xf32, #tpu.memory_space<vmem_shared>>
          %dma_wait3A_1363 = arith.constant 0 : i32
          %dma_wait3A_1364 = tpu.memref_slice %arg32[%add3A_1356, %dma_wait3A_1363] : memref<10000x128xf32, #tpu.memory_space<vmem_shared>> -> memref<80x128xf32, #tpu.memory_space<vmem_shared>>
          tpu.wait_dma2 semaphore(%run_scoped3A : memref<!tpu.dma_semaphore, #tpu.memory_space<semaphore_mem>>) src(%arg29 : memref<80x128xf32, #tpu.memory_space<vmem>>) dst(%dma_wait3A_1364 : memref<80x128xf32, #tpu.memory_space<vmem_shared>>)
          tpu.yield
        }) : () -> ()
      }
      %scan3A_1347 = arith.constant 6 : i32
      "tpu.region"() ({
        %run_scoped3A = tpu.sem_alloc : memref<!tpu.dma_semaphore, #tpu.memory_space<semaphore_mem>>
        %dma_start3A_1348 = arith.constant 0 : i32
        %dma_start3A_1349 = arith.constant 0 : i32
        %dma_start3A_1350 = tpu.memref_slice %arg29[%dma_start3A_1348, %dma_start3A_1349] : memref<80x128xf32, #tpu.memory_space<vmem>> -> memref<40x128xf32, #tpu.memory_space<vmem>>
        %dma_start3A_1351 = arith.constant 9960 : i32
        %dma_start3A_1352 = arith.constant 0 : i32
        %dma_start3A_1353 = tpu.memref_slice %arg32[%dma_start3A_1351, %dma_start3A_1352] : memref<10000x128xf32, #tpu.memory_space<vmem_shared>> -> memref<40x128xf32, #tpu.memory_space<vmem_shared>>
        %dma_start3A_1354 = arith.constant 9960 : i32
        %dma_start3A_1355 = arith.constant 0 : i32
        %dma_start3A_1356 = tpu.memref_slice %arg32[%dma_start3A_1354, %dma_start3A_1355] : memref<10000x128xf32, #tpu.memory_space<vmem_shared>> -> memref<40x128xf32, #tpu.memory_space<vmem_shared>>
        %dma_start3A_1357 = arith.constant 0 : i32
        %dma_start3A_1358 = arith.constant 0 : i32
        %dma_start3A_1359 = tpu.memref_slice %arg29[%dma_start3A_1357, %dma_start3A_1358] : memref<80x128xf32, #tpu.memory_space<vmem>> -> memref<40x128xf32, #tpu.memory_space<vmem>>
        tpu.enqueue_dma source(%dma_start3A_1359 : memref<40x128xf32, #tpu.memory_space<vmem>>) target(%dma_start3A_1356 : memref<40x128xf32, #tpu.memory_space<vmem_shared>>) target_semaphore(%run_scoped3A : memref<!tpu.dma_semaphore, #tpu.memory_space<semaphore_mem>>)
        %dma_wait3A_1360 = arith.constant 0 : i32
        %dma_wait3A_1361 = arith.constant 0 : i32
        %dma_wait3A_1362 = tpu.memref_slice %arg29[%dma_wait3A_1360, %dma_wait3A_1361] : memref<80x128xf32, #tpu.memory_space<vmem>> -> memref<40x128xf32, #tpu.memory_space<vmem>>
        %dma_wait3A_1363 = arith.constant 9960 : i32
        %dma_wait3A_1364 = arith.constant 0 : i32
        %dma_wait3A_1365 = tpu.memref_slice %arg32[%dma_wait3A_1363, %dma_wait3A_1364] : memref<10000x128xf32, #tpu.memory_space<vmem_shared>> -> memref<40x128xf32, #tpu.memory_space<vmem_shared>>
        %dma_wait3A_1366 = arith.constant 9960 : i32
        %dma_wait3A_1367 = arith.constant 0 : i32
        %dma_wait3A_1368 = tpu.memref_slice %arg32[%dma_wait3A_1366, %dma_wait3A_1367] : memref<10000x128xf32, #tpu.memory_space<vmem_shared>> -> memref<40x128xf32, #tpu.memory_space<vmem_shared>>
        %dma_wait3A_1369 = arith.constant 0 : i32
        %dma_wait3A_1370 = arith.constant 0 : i32
        %dma_wait3A_1371 = tpu.memref_slice %arg29[%dma_wait3A_1369, %dma_wait3A_1370] : memref<80x128xf32, #tpu.memory_space<vmem>> -> memref<40x128xf32, #tpu.memory_space<vmem>>
        tpu.wait_dma2 semaphore(%run_scoped3A : memref<!tpu.dma_semaphore, #tpu.memory_space<semaphore_mem>>) src(%dma_wait3A_1371 : memref<40x128xf32, #tpu.memory_space<vmem>>) dst(%dma_wait3A_1368 : memref<40x128xf32, #tpu.memory_space<vmem_shared>>)
        tpu.yield
      }) : () -> ()
    } else {
    }
    "tpu.region"() ({
      %run_scoped3A = tpu.sem_alloc : memref<!tpu.dma_semaphore, #tpu.memory_space<semaphore_mem>>
      %dma_start3A_1343 = tpu.memref_slice %arg3[%mul3A_2] : memref<320000xi32, #tpu.memory_space<hbm>> -> memref<10000xi32, #tpu.memory_space<hbm>>
      %dma_start3A_1344 = tpu.memref_slice %arg3[%mul3A_2] : memref<320000xi32, #tpu.memory_space<hbm>> -> memref<10000xi32, #tpu.memory_space<hbm>>
      tpu.enqueue_dma source(%dma_start3A_1344 : memref<10000xi32, #tpu.memory_space<hbm>>) target(%arg7 : memref<10000xi32, #tpu.memory_space<vmem>>) target_semaphore(%run_scoped3A : memref<!tpu.dma_semaphore, #tpu.memory_space<semaphore_mem>>)
      %dma_wait3A_1345 = tpu.memref_slice %arg3[%mul3A_2] : memref<320000xi32, #tpu.memory_space<hbm>> -> memref<10000xi32, #tpu.memory_space<hbm>>
      %dma_wait3A_1346 = tpu.memref_slice %arg3[%mul3A_2] : memref<320000xi32, #tpu.memory_space<hbm>> -> memref<10000xi32, #tpu.memory_space<hbm>>
      tpu.wait_dma2 semaphore(%run_scoped3A : memref<!tpu.dma_semaphore, #tpu.memory_space<semaphore_mem>>) src(%dma_wait3A_1346 : memref<10000xi32, #tpu.memory_space<hbm>>) dst(%arg7 : memref<10000xi32, #tpu.memory_space<vmem>>)
      tpu.yield
    }) : () -> ()
    %barrier3A = arith.constant 0 : index
    tpu.barrier barrier_id(%barrier3A)
    %get3A = arith.constant 0 : index
    %get3A_9 = tpu.vector_load %arg7[%get3A] {strides = array<i32>} : memref<10000xi32, #tpu.memory_space<vmem>>, vector<16xi32>,
    %and3A = arith.constant 16383 : i32
    %and3A_10 = vector.broadcast %and3A : i32 to vector<16xi32>
    %and3A_11 = arith.andi %get3A_9, %and3A_10 : vector<16xi32>
    %shift_right_logical3A = arith.constant 14 : i32
    %shift_right_logical3A_12 = vector.broadcast %shift_right_logical3A : i32 to vector<16xi32>
    %shift_right_logical3A_13 = arith.shrui %get3A_9, %shift_right_logical3A_12 : vector<16xi32>
    %and3A_14 = arith.constant 16383 : i32
    %and3A_15 = vector.broadcast %and3A_14 : i32 to vector<16xi32>
    %and3A_16 = arith.andi %shift_right_logical3A_13, %and3A_15 : vector<16xi32>
    %shift_right_logical3A_17 = arith.constant 28 : i32
    %shift_right_logical3A_18 = vector.broadcast %shift_right_logical3A_17 : i32 to vector<16xi32>
    %shift_right_logical3A_19 = arith.shrui %get3A_9, %shift_right_logical3A_18 : vector<16xi32>
    %mul3A_20 = arith.constant 10000 : i32
    %mul3A_21 = vector.broadcast %mul3A_20 : i32 to vector<16xi32>
    %mul3A_22 = arith.muli %shift_right_logical3A_19, %mul3A_21 : vector<16xi32>
    %add3A_23 = arith.addi %mul3A_22, %and3A_16 : vector<16xi32>
    %add3A_24 = arith.addi %mul3A_22, %and3A_11 : vector<16xi32>
    %swap3A = arith.constant 0 : index
    %swap3A_25 = tpu.vector_load %arg8[%swap3A] {strides = array<i32>} : memref<80xi32, #tpu.memory_space<vmem>>, vector<16xi32>,
    %swap3A_26 = vector.shape_cast %swap3A_25 : vector<16xi32> to vector<16xi32>
    %swap3A_27 = vector.shape_cast %add3A_24 : vector<16xi32> to vector<16xi32>
    tpu.vector_store %arg8[%swap3A], %swap3A_27 {strides = array<i32>} : memref<80xi32, #tpu.memory_space<vmem>>, vector<16xi32>,
    %swap3A_28 = arith.constant 0 : index
    %swap3A_29 = tpu.vector_load %arg11[%swap3A_28] {strides = array<i32>} : memref<80xi32, #tpu.memory_space<vmem>>, vector<16xi32>,
    %swap3A_30 = vector.shape_cast %swap3A_29 : vector<16xi32> to vector<16xi32>
    %swap3A_31 = vector.shape_cast %add3A_23 : vector<16xi32> to vector<16xi32>
    tpu.vector_store %arg11[%swap3A_28], %swap3A_31 {strides = array<i32>} : memref<80xi32, #tpu.memory_space<vmem>>, vector<16xi32>,
    %add3A_32 = arith.constant 80000 : i32
    %add3A_33 = vector.broadcast %add3A_32 : i32 to vector<16xi32>
    %add3A_34 = arith.addi %add3A_23, %add3A_33 : vector<16xi32>
    %swap3A_35 = arith.constant 0 : index
    %swap3A_36 = tpu.vector_load %arg14[%swap3A_35] {strides = array<i32>} : memref<80xi32, #tpu.memory_space<vmem>>, vector<16xi32>,
    %swap3A_37 = vector.shape_cast %swap3A_36 : vector<16xi32> to vector<16xi32>
    %swap3A_38 = vector.shape_cast %add3A_34 : vector<16xi32> to vector<16xi32>
    tpu.vector_store %arg14[%swap3A_35], %swap3A_38 {strides = array<i32>} : memref<80xi32, #tpu.memory_space<vmem>>, vector<16xi32>,
    %swap3A_39 = arith.constant 0 : index
    %swap3A_40 = tpu.vector_load %arg17[%swap3A_39] {strides = array<i32>} : memref<80xi32, #tpu.memory_space<vmem>>, vector<16xi32>,
    %swap3A_41 = vector.shape_cast %swap3A_40 : vector<16xi32> to vector<16xi32>
    %swap3A_42 = vector.shape_cast %and3A_16 : vector<16xi32> to vector<16xi32>
    tpu.vector_store %arg17[%swap3A_39], %swap3A_42 {strides = array<i32>} : memref<80xi32, #tpu.memory_space<vmem>>, vector<16xi32>,
    %get3A_43 = arith.constant 16 : index
    %get3A_44 = tpu.vector_load %arg7[%get3A_43] {strides = array<i32>} : memref<10000xi32, #tpu.memory_space<vmem>>, vector<16xi32>,
    %and3A_45 = arith.constant 16383 : i32
    %and3A_46 = vector.broadcast %and3A_45 : i32 to vector<16xi32>
    %and3A_47 = arith.andi %get3A_44, %and3A_46 : vector<16xi32>
    %shift_right_logical3A_48 = arith.constant 14 : i32
    %shift_right_logical3A_49 = vector.broadcast %shift_right_logical3A_48 : i32 to vector<16xi32>
    %shift_right_logical3A_50 = arith.shrui %get3A_44, %shift_right_logical3A_49 : vector<16xi32>
    %and3A_51 = arith.constant 16383 : i32
    %and3A_52 = vector.broadcast %and3A_51 : i32 to vector<16xi32>
    %and3A_53 = arith.andi %shift_right_logical3A_50, %and3A_52 : vector<16xi32>
    %shift_right_logical3A_54 = arith.constant 28 : i32
    %shift_right_logical3A_55 = vector.broadcast %shift_right_logical3A_54 : i32 to vector<16xi32>
    %shift_right_logical3A_56 = arith.shrui %get3A_44, %shift_right_logical3A_55 : vector<16xi32>
    %mul3A_57 = arith.constant 10000 : i32
    %mul3A_58 = vector.broadcast %mul3A_57 : i32 to vector<16xi32>
    %mul3A_59 = arith.muli %shift_right_logical3A_56, %mul3A_58 : vector<16xi32>
    %add3A_60 = arith.addi %mul3A_59, %and3A_53 : vector<16xi32>
    %add3A_61 = arith.addi %mul3A_59, %and3A_47 : vector<16xi32>
    %swap3A_62 = arith.constant 16 : index
    %swap3A_63 = tpu.vector_load %arg8[%swap3A_62] {strides = array<i32>} : memref<80xi32, #tpu.memory_space<vmem>>, vector<16xi32>,
    %swap3A_64 = vector.shape_cast %swap3A_63 : vector<16xi32> to vector<16xi32>
    %swap3A_65 = vector.shape_cast %add3A_61 : vector<16xi32> to vector<16xi32>
    tpu.vector_store %arg8[%swap3A_62], %swap3A_65 {strides = array<i32>} : memref<80xi32, #tpu.memory_space<vmem>>, vector<16xi32>,
    %swap3A_66 = arith.constant 16 : index
    %swap3A_67 = tpu.vector_load %arg11[%swap3A_66] {strides = array<i32>} : memref<80xi32, #tpu.memory_space<vmem>>, vector<16xi32>,
    %swap3A_68 = vector.shape_cast %swap3A_67 : vector<16xi32> to vector<16xi32>
    %swap3A_69 = vector.shape_cast %add3A_60 : vector<16xi32> to vector<16xi32>
    tpu.vector_store %arg11[%swap3A_66], %swap3A_69 {strides = array<i32>} : memref<80xi32, #tpu.memory_space<vmem>>, vector<16xi32>,
    %add3A_70 = arith.constant 80000 : i32
    %add3A_71 = vector.broadcast %add3A_70 : i32 to vector<16xi32>
    %add3A_72 = arith.addi %add3A_60, %add3A_71 : vector<16xi32>
    %swap3A_73 = arith.constant 16 : index
    %swap3A_74 = tpu.vector_load %arg14[%swap3A_73] {strides = array<i32>} : memref<80xi32, #tpu.memory_space<vmem>>, vector<16xi32>,
    %swap3A_75 = vector.shape_cast %swap3A_74 : vector<16xi32> to vector<16xi32>
    %swap3A_76 = vector.shape_cast %add3A_72 : vector<16xi32> to vector<16xi32>
    tpu.vector_store %arg14[%swap3A_73], %swap3A_76 {strides = array<i32>} : memref<80xi32, #tpu.memory_space<vmem>>, vector<16xi32>,
    %swap3A_77 = arith.constant 16 : index
    %swap3A_78 = tpu.vector_load %arg17[%swap3A_77] {strides = array<i32>} : memref<80xi32, #tpu.memory_space<vmem>>, vector<16xi32>,
    %swap3A_79 = vector.shape_cast %swap3A_78 : vector<16xi32> to vector<16xi32>
    %swap3A_80 = vector.shape_cast %and3A_53 : vector<16xi32> to vector<16xi32>
    tpu.vector_store %arg17[%swap3A_77], %swap3A_80 {strides = array<i32>} : memref<80xi32, #tpu.memory_space<vmem>>, vector<16xi32>,
    %get3A_81 = arith.constant 32 : index
    %get3A_82 = tpu.vector_load %arg7[%get3A_81] {strides = array<i32>} : memref<10000xi32, #tpu.memory_space<vmem>>, vector<16xi32>,
    %and3A_83 = arith.constant 16383 : i32
    %and3A_84 = vector.broadcast %and3A_83 : i32 to vector<16xi32>
    %and3A_85 = arith.andi %get3A_82, %and3A_84 : vector<16xi32>
    %shift_right_logical3A_86 = arith.constant 14 : i32
    %shift_right_logical3A_87 = vector.broadcast %shift_right_logical3A_86 : i32 to vector<16xi32>
    %shift_right_logical3A_88 = arith.shrui %get3A_82, %shift_right_logical3A_87 : vector<16xi32>
    %and3A_89 = arith.constant 16383 : i32
    %and3A_90 = vector.broadcast %and3A_89 : i32 to vector<16xi32>
    %and3A_91 = arith.andi %shift_right_logical3A_88, %and3A_90 : vector<16xi32>
    %shift_right_logical3A_92 = arith.constant 28 : i32
    %shift_right_logical3A_93 = vector.broadcast %shift_right_logical3A_92 : i32 to vector<16xi32>
    %shift_right_logical3A_94 = arith.shrui %get3A_82, %shift_right_logical3A_93 : vector<16xi32>
    %mul3A_95 = arith.constant 10000 : i32
    %mul3A_96 = vector.broadcast %mul3A_95 : i32 to vector<16xi32>
    %mul3A_97 = arith.muli %shift_right_logical3A_94, %mul3A_96 : vector<16xi32>
    %add3A_98 = arith.addi %mul3A_97, %and3A_91 : vector<16xi32>
    %add3A_99 = arith.addi %mul3A_97, %and3A_85 : vector<16xi32>
    %swap3A_100 = arith.constant 32 : index
    %swap3A_101 = tpu.vector_load %arg8[%swap3A_100] {strides = array<i32>} : memref<80xi32, #tpu.memory_space<vmem>>, vector<16xi32>,
    %swap3A_102 = vector.shape_cast %swap3A_101 : vector<16xi32> to vector<16xi32>
    %swap3A_103 = vector.shape_cast %add3A_99 : vector<16xi32> to vector<16xi32>
    tpu.vector_store %arg8[%swap3A_100], %swap3A_103 {strides = array<i32>} : memref<80xi32, #tpu.memory_space<vmem>>, vector<16xi32>,
    %swap3A_104 = arith.constant 32 : index
    %swap3A_105 = tpu.vector_load %arg11[%swap3A_104] {strides = array<i32>} : memref<80xi32, #tpu.memory_space<vmem>>, vector<16xi32>,
    %swap3A_106 = vector.shape_cast %swap3A_105 : vector<16xi32> to vector<16xi32>
    %swap3A_107 = vector.shape_cast %add3A_98 : vector<16xi32> to vector<16xi32>
    tpu.vector_store %arg11[%swap3A_104], %swap3A_107 {strides = array<i32>} : memref<80xi32, #tpu.memory_space<vmem>>, vector<16xi32>,
    %add3A_108 = arith.constant 80000 : i32
    %add3A_109 = vector.broadcast %add3A_108 : i32 to vector<16xi32>
    %add3A_110 = arith.addi %add3A_98, %add3A_109 : vector<16xi32>
    %swap3A_111 = arith.constant 32 : index
    %swap3A_112 = tpu.vector_load %arg14[%swap3A_111] {strides = array<i32>} : memref<80xi32, #tpu.memory_space<vmem>>, vector<16xi32>,
    %swap3A_113 = vector.shape_cast %swap3A_112 : vector<16xi32> to vector<16xi32>
    %swap3A_114 = vector.shape_cast %add3A_110 : vector<16xi32> to vector<16xi32>
    tpu.vector_store %arg14[%swap3A_111], %swap3A_114 {strides = array<i32>} : memref<80xi32, #tpu.memory_space<vmem>>, vector<16xi32>,
    %swap3A_115 = arith.constant 32 : index
    %swap3A_116 = tpu.vector_load %arg17[%swap3A_115] {strides = array<i32>} : memref<80xi32, #tpu.memory_space<vmem>>, vector<16xi32>,
    %swap3A_117 = vector.shape_cast %swap3A_116 : vector<16xi32> to vector<16xi32>
    %swap3A_118 = vector.shape_cast %and3A_91 : vector<16xi32> to vector<16xi32>
    tpu.vector_store %arg17[%swap3A_115], %swap3A_118 {strides = array<i32>} : memref<80xi32, #tpu.memory_space<vmem>>, vector<16xi32>,
    %get3A_119 = arith.constant 48 : index
    %get3A_120 = tpu.vector_load %arg7[%get3A_119] {strides = array<i32>} : memref<10000xi32, #tpu.memory_space<vmem>>, vector<16xi32>,
    %and3A_121 = arith.constant 16383 : i32
    %and3A_122 = vector.broadcast %and3A_121 : i32 to vector<16xi32>
    %and3A_123 = arith.andi %get3A_120, %and3A_122 : vector<16xi32>
    %shift_right_logical3A_124 = arith.constant 14 : i32
    %shift_right_logical3A_125 = vector.broadcast %shift_right_logical3A_124 : i32 to vector<16xi32>
    %shift_right_logical3A_126 = arith.shrui %get3A_120, %shift_right_logical3A_125 : vector<16xi32>
    %and3A_127 = arith.constant 16383 : i32
    %and3A_128 = vector.broadcast %and3A_127 : i32 to vector<16xi32>
    %and3A_129 = arith.andi %shift_right_logical3A_126, %and3A_128 : vector<16xi32>
    %shift_right_logical3A_130 = arith.constant 28 : i32
    %shift_right_logical3A_131 = vector.broadcast %shift_right_logical3A_130 : i32 to vector<16xi32>
    %shift_right_logical3A_132 = arith.shrui %get3A_120, %shift_right_logical3A_131 : vector<16xi32>
    %mul3A_133 = arith.constant 10000 : i32
    %mul3A_134 = vector.broadcast %mul3A_133 : i32 to vector<16xi32>
    %mul3A_135 = arith.muli %shift_right_logical3A_132, %mul3A_134 : vector<16xi32>
    %add3A_136 = arith.addi %mul3A_135, %and3A_129 : vector<16xi32>
    %add3A_137 = arith.addi %mul3A_135, %and3A_123 : vector<16xi32>
    %swap3A_138 = arith.constant 48 : index
    %swap3A_139 = tpu.vector_load %arg8[%swap3A_138] {strides = array<i32>} : memref<80xi32, #tpu.memory_space<vmem>>, vector<16xi32>,
    %swap3A_140 = vector.shape_cast %swap3A_139 : vector<16xi32> to vector<16xi32>
    %swap3A_141 = vector.shape_cast %add3A_137 : vector<16xi32> to vector<16xi32>
    tpu.vector_store %arg8[%swap3A_138], %swap3A_141 {strides = array<i32>} : memref<80xi32, #tpu.memory_space<vmem>>, vector<16xi32>,
    %swap3A_142 = arith.constant 48 : index
    %swap3A_143 = tpu.vector_load %arg11[%swap3A_142] {strides = array<i32>} : memref<80xi32, #tpu.memory_space<vmem>>, vector<16xi32>,
    %swap3A_144 = vector.shape_cast %swap3A_143 : vector<16xi32> to vector<16xi32>
    %swap3A_145 = vector.shape_cast %add3A_136 : vector<16xi32> to vector<16xi32>
    tpu.vector_store %arg11[%swap3A_142], %swap3A_145 {strides = array<i32>} : memref<80xi32, #tpu.memory_space<vmem>>, vector<16xi32>,
    %add3A_146 = arith.constant 80000 : i32
    %add3A_147 = vector.broadcast %add3A_146 : i32 to vector<16xi32>
    %add3A_148 = arith.addi %add3A_136, %add3A_147 : vector<16xi32>
    %swap3A_149 = arith.constant 48 : index
    %swap3A_150 = tpu.vector_load %arg14[%swap3A_149] {strides = array<i32>} : memref<80xi32, #tpu.memory_space<vmem>>, vector<16xi32>,
    %swap3A_151 = vector.shape_cast %swap3A_150 : vector<16xi32> to vector<16xi32>
    %swap3A_152 = vector.shape_cast %add3A_148 : vector<16xi32> to vector<16xi32>
    tpu.vector_store %arg14[%swap3A_149], %swap3A_152 {strides = array<i32>} : memref<80xi32, #tpu.memory_space<vmem>>, vector<16xi32>,
    %swap3A_153 = arith.constant 48 : index
    %swap3A_154 = tpu.vector_load %arg17[%swap3A_153] {strides = array<i32>} : memref<80xi32, #tpu.memory_space<vmem>>, vector<16xi32>,
    %swap3A_155 = vector.shape_cast %swap3A_154 : vector<16xi32> to vector<16xi32>
    %swap3A_156 = vector.shape_cast %and3A_129 : vector<16xi32> to vector<16xi32>
    tpu.vector_store %arg17[%swap3A_153], %swap3A_156 {strides = array<i32>} : memref<80xi32, #tpu.memory_space<vmem>>, vector<16xi32>,
    %get3A_157 = arith.constant 64 : index
    %get3A_158 = tpu.vector_load %arg7[%get3A_157] {strides = array<i32>} : memref<10000xi32, #tpu.memory_space<vmem>>, vector<16xi32>,
    %and3A_159 = arith.constant 16383 : i32
    %and3A_160 = vector.broadcast %and3A_159 : i32 to vector<16xi32>
    %and3A_161 = arith.andi %get3A_158, %and3A_160 : vector<16xi32>
    %shift_right_logical3A_162 = arith.constant 14 : i32
    %shift_right_logical3A_163 = vector.broadcast %shift_right_logical3A_162 : i32 to vector<16xi32>
    %shift_right_logical3A_164 = arith.shrui %get3A_158, %shift_right_logical3A_163 : vector<16xi32>
    %and3A_165 = arith.constant 16383 : i32
    %and3A_166 = vector.broadcast %and3A_165 : i32 to vector<16xi32>
    %and3A_167 = arith.andi %shift_right_logical3A_164, %and3A_166 : vector<16xi32>
    %shift_right_logical3A_168 = arith.constant 28 : i32
    %shift_right_logical3A_169 = vector.broadcast %shift_right_logical3A_168 : i32 to vector<16xi32>
    %shift_right_logical3A_170 = arith.shrui %get3A_158, %shift_right_logical3A_169 : vector<16xi32>
    %mul3A_171 = arith.constant 10000 : i32
    %mul3A_172 = vector.broadcast %mul3A_171 : i32 to vector<16xi32>
    %mul3A_173 = arith.muli %shift_right_logical3A_170, %mul3A_172 : vector<16xi32>
    %add3A_174 = arith.addi %mul3A_173, %and3A_167 : vector<16xi32>
    %add3A_175 = arith.addi %mul3A_173, %and3A_161 : vector<16xi32>
    %swap3A_176 = arith.constant 64 : index
    %swap3A_177 = tpu.vector_load %arg8[%swap3A_176] {strides = array<i32>} : memref<80xi32, #tpu.memory_space<vmem>>, vector<16xi32>,
    %swap3A_178 = vector.shape_cast %swap3A_177 : vector<16xi32> to vector<16xi32>
    %swap3A_179 = vector.shape_cast %add3A_175 : vector<16xi32> to vector<16xi32>
    tpu.vector_store %arg8[%swap3A_176], %swap3A_179 {strides = array<i32>} : memref<80xi32, #tpu.memory_space<vmem>>, vector<16xi32>,
    %swap3A_180 = arith.constant 64 : index
    %swap3A_181 = tpu.vector_load %arg11[%swap3A_180] {strides = array<i32>} : memref<80xi32, #tpu.memory_space<vmem>>, vector<16xi32>,
    %swap3A_182 = vector.shape_cast %swap3A_181 : vector<16xi32> to vector<16xi32>
    %swap3A_183 = vector.shape_cast %add3A_174 : vector<16xi32> to vector<16xi32>
    tpu.vector_store %arg11[%swap3A_180], %swap3A_183 {strides = array<i32>} : memref<80xi32, #tpu.memory_space<vmem>>, vector<16xi32>,
    %add3A_184 = arith.constant 80000 : i32
    %add3A_185 = vector.broadcast %add3A_184 : i32 to vector<16xi32>
    %add3A_186 = arith.addi %add3A_174, %add3A_185 : vector<16xi32>
    %swap3A_187 = arith.constant 64 : index
    %swap3A_188 = tpu.vector_load %arg14[%swap3A_187] {strides = array<i32>} : memref<80xi32, #tpu.memory_space<vmem>>, vector<16xi32>,
    %swap3A_189 = vector.shape_cast %swap3A_188 : vector<16xi32> to vector<16xi32>
    %swap3A_190 = vector.shape_cast %add3A_186 : vector<16xi32> to vector<16xi32>
    tpu.vector_store %arg14[%swap3A_187], %swap3A_190 {strides = array<i32>} : memref<80xi32, #tpu.memory_space<vmem>>, vector<16xi32>,
    %swap3A_191 = arith.constant 64 : index
    %swap3A_192 = tpu.vector_load %arg17[%swap3A_191] {strides = array<i32>} : memref<80xi32, #tpu.memory_space<vmem>>, vector<16xi32>,
    %swap3A_193 = vector.shape_cast %swap3A_192 : vector<16xi32> to vector<16xi32>
    %swap3A_194 = vector.shape_cast %and3A_167 : vector<16xi32> to vector<16xi32>
    tpu.vector_store %arg17[%swap3A_191], %swap3A_194 {strides = array<i32>} : memref<80xi32, #tpu.memory_space<vmem>>, vector<16xi32>,
    %dma_start3A = arith.constant 0 : i32
    %dma_start3A_195 = arith.constant 0 : i32
    %dma_start3A_196 = tpu.memref_slice %arg2[%dma_start3A, %dma_start3A_195] : memref<80000x128xf32, #tpu.memory_space<hbm>> -> memref<80000x128xf32, #tpu.memory_space<hbm>>
    tpu.enqueue_indirect_dma source(%dma_start3A_196 : memref<80000x128xf32, #tpu.memory_space<hbm>>) target(%arg29 : memref<80x128xf32, #tpu.memory_space<vmem>>) offsets(%arg8 : memref<80xi32, #tpu.memory_space<vmem>>) semaphore(%arg33 : memref<!tpu.dma_semaphore, #tpu.memory_space<semaphore_mem>>)
    %dma_start3A_197 = arith.constant 0 : i32
    %dma_start3A_198 = tpu.memref_slice %arg4[%dma_start3A_197] : memref<160000xf32, #tpu.memory_space<hbm>> -> memref<160000xf32, #tpu.memory_space<hbm>>
    tpu.enqueue_indirect_dma source(%dma_start3A_198 : memref<160000xf32, #tpu.memory_space<hbm>>) target(%arg20 : memref<80xf32, #tpu.memory_space<vmem>>) offsets(%arg11 : memref<80xi32, #tpu.memory_space<vmem>>) semaphore(%arg36 : memref<!tpu.dma_semaphore, #tpu.memory_space<semaphore_mem>>)
    %dma_start3A_199 = arith.constant 0 : i32
    %dma_start3A_200 = tpu.memref_slice %arg4[%dma_start3A_199] : memref<160000xf32, #tpu.memory_space<hbm>> -> memref<160000xf32, #tpu.memory_space<hbm>>
    tpu.enqueue_indirect_dma source(%dma_start3A_200 : memref<160000xf32, #tpu.memory_space<hbm>>) target(%arg23 : memref<80xf32, #tpu.memory_space<vmem>>) offsets(%arg14 : memref<80xi32, #tpu.memory_space<vmem>>) semaphore(%arg39 : memref<!tpu.dma_semaphore, #tpu.memory_space<semaphore_mem>>)
    %get3A_201 = arith.constant 80 : index
    %get3A_202 = tpu.vector_load %arg7[%get3A_201] {strides = array<i32>} : memref<10000xi32, #tpu.memory_space<vmem>>, vector<16xi32>,
    %and3A_203 = arith.constant 16383 : i32
    %and3A_204 = vector.broadcast %and3A_203 : i32 to vector<16xi32>
    %and3A_205 = arith.andi %get3A_202, %and3A_204 : vector<16xi32>
    %shift_right_logical3A_206 = arith.constant 14 : i32
    %shift_right_logical3A_207 = vector.broadcast %shift_right_logical3A_206 : i32 to vector<16xi32>
    %shift_right_logical3A_208 = arith.shrui %get3A_202, %shift_right_logical3A_207 : vector<16xi32>
    %and3A_209 = arith.constant 16383 : i32
    %and3A_210 = vector.broadcast %and3A_209 : i32 to vector<16xi32>
    %and3A_211 = arith.andi %shift_right_logical3A_208, %and3A_210 : vector<16xi32>
    %shift_right_logical3A_212 = arith.constant 28 : i32
    %shift_right_logical3A_213 = vector.broadcast %shift_right_logical3A_212 : i32 to vector<16xi32>
    %shift_right_logical3A_214 = arith.shrui %get3A_202, %shift_right_logical3A_213 : vector<16xi32>
    %mul3A_215 = arith.constant 10000 : i32
    %mul3A_216 = vector.broadcast %mul3A_215 : i32 to vector<16xi32>
    %mul3A_217 = arith.muli %shift_right_logical3A_214, %mul3A_216 : vector<16xi32>
    %add3A_218 = arith.addi %mul3A_217, %and3A_211 : vector<16xi32>
    %add3A_219 = arith.addi %mul3A_217, %and3A_205 : vector<16xi32>
    %swap3A_220 = arith.constant 0 : index
    %swap3A_221 = tpu.vector_load %arg9[%swap3A_220] {strides = array<i32>} : memref<80xi32, #tpu.memory_space<vmem>>, vector<16xi32>,
    %swap3A_222 = vector.shape_cast %swap3A_221 : vector<16xi32> to vector<16xi32>
    %swap3A_223 = vector.shape_cast %add3A_219 : vector<16xi32> to vector<16xi32>
    tpu.vector_store %arg9[%swap3A_220], %swap3A_223 {strides = array<i32>} : memref<80xi32, #tpu.memory_space<vmem>>, vector<16xi32>,
    %swap3A_224 = arith.constant 0 : index
    %swap3A_225 = tpu.vector_load %arg12[%swap3A_224] {strides = array<i32>} : memref<80xi32, #tpu.memory_space<vmem>>, vector<16xi32>,
    %swap3A_226 = vector.shape_cast %swap3A_225 : vector<16xi32> to vector<16xi32>
    %swap3A_227 = vector.shape_cast %add3A_218 : vector<16xi32> to vector<16xi32>
    tpu.vector_store %arg12[%swap3A_224], %swap3A_227 {strides = array<i32>} : memref<80xi32, #tpu.memory_space<vmem>>, vector<16xi32>,
    %add3A_228 = arith.constant 80000 : i32
    %add3A_229 = vector.broadcast %add3A_228 : i32 to vector<16xi32>
    %add3A_230 = arith.addi %add3A_218, %add3A_229 : vector<16xi32>
    %swap3A_231 = arith.constant 0 : index
    %swap3A_232 = tpu.vector_load %arg15[%swap3A_231] {strides = array<i32>} : memref<80xi32, #tpu.memory_space<vmem>>, vector<16xi32>,
    %swap3A_233 = vector.shape_cast %swap3A_232 : vector<16xi32> to vector<16xi32>
    %swap3A_234 = vector.shape_cast %add3A_230 : vector<16xi32> to vector<16xi32>
    tpu.vector_store %arg15[%swap3A_231], %swap3A_234 {strides = array<i32>} : memref<80xi32, #tpu.memory_space<vmem>>, vector<16xi32>,
    %swap3A_235 = arith.constant 0 : index
    %swap3A_236 = tpu.vector_load %arg18[%swap3A_235] {strides = array<i32>} : memref<80xi32, #tpu.memory_space<vmem>>, vector<16xi32>,
    %swap3A_237 = vector.shape_cast %swap3A_236 : vector<16xi32> to vector<16xi32>
    %swap3A_238 = vector.shape_cast %and3A_211 : vector<16xi32> to vector<16xi32>
    tpu.vector_store %arg18[%swap3A_235], %swap3A_238 {strides = array<i32>} : memref<80xi32, #tpu.memory_space<vmem>>, vector<16xi32>,
    %get3A_239 = arith.constant 96 : index
    %get3A_240 = tpu.vector_load %arg7[%get3A_239] {strides = array<i32>} : memref<10000xi32, #tpu.memory_space<vmem>>, vector<16xi32>,
    %and3A_241 = arith.constant 16383 : i32
    %and3A_242 = vector.broadcast %and3A_241 : i32 to vector<16xi32>
    %and3A_243 = arith.andi %get3A_240, %and3A_242 : vector<16xi32>
    %shift_right_logical3A_244 = arith.constant 14 : i32
    %shift_right_logical3A_245 = vector.broadcast %shift_right_logical3A_244 : i32 to vector<16xi32>
    %shift_right_logical3A_246 = arith.shrui %get3A_240, %shift_right_logical3A_245 : vector<16xi32>
    %and3A_247 = arith.constant 16383 : i32
    %and3A_248 = vector.broadcast %and3A_247 : i32 to vector<16xi32>
    %and3A_249 = arith.andi %shift_right_logical3A_246, %and3A_248 : vector<16xi32>
    %shift_right_logical3A_250 = arith.constant 28 : i32
    %shift_right_logical3A_251 = vector.broadcast %shift_right_logical3A_250 : i32 to vector<16xi32>
    %shift_right_logical3A_252 = arith.shrui %get3A_240, %shift_right_logical3A_251 : vector<16xi32>
    %mul3A_253 = arith.constant 10000 : i32
    %mul3A_254 = vector.broadcast %mul3A_253 : i32 to vector<16xi32>
    %mul3A_255 = arith.muli %shift_right_logical3A_252, %mul3A_254 : vector<16xi32>
    %add3A_256 = arith.addi %mul3A_255, %and3A_249 : vector<16xi32>
    %add3A_257 = arith.addi %mul3A_255, %and3A_243 : vector<16xi32>
    %swap3A_258 = arith.constant 16 : index
    %swap3A_259 = tpu.vector_load %arg9[%swap3A_258] {strides = array<i32>} : memref<80xi32, #tpu.memory_space<vmem>>, vector<16xi32>,
    %swap3A_260 = vector.shape_cast %swap3A_259 : vector<16xi32> to vector<16xi32>
    %swap3A_261 = vector.shape_cast %add3A_257 : vector<16xi32> to vector<16xi32>
    tpu.vector_store %arg9[%swap3A_258], %swap3A_261 {strides = array<i32>} : memref<80xi32, #tpu.memory_space<vmem>>, vector<16xi32>,
    %swap3A_262 = arith.constant 16 : index
    %swap3A_263 = tpu.vector_load %arg12[%swap3A_262] {strides = array<i32>} : memref<80xi32, #tpu.memory_space<vmem>>, vector<16xi32>,
    %swap3A_264 = vector.shape_cast %swap3A_263 : vector<16xi32> to vector<16xi32>
    %swap3A_265 = vector.shape_cast %add3A_256 : vector<16xi32> to vector<16xi32>
    tpu.vector_store %arg12[%swap3A_262], %swap3A_265 {strides = array<i32>} : memref<80xi32, #tpu.memory_space<vmem>>, vector<16xi32>,
    %add3A_266 = arith.constant 80000 : i32
    %add3A_267 = vector.broadcast %add3A_266 : i32 to vector<16xi32>
    %add3A_268 = arith.addi %add3A_256, %add3A_267 : vector<16xi32>
    %swap3A_269 = arith.constant 16 : index
    %swap3A_270 = tpu.vector_load %arg15[%swap3A_269] {strides = array<i32>} : memref<80xi32, #tpu.memory_space<vmem>>, vector<16xi32>,
    %swap3A_271 = vector.shape_cast %swap3A_270 : vector<16xi32> to vector<16xi32>
    %swap3A_272 = vector.shape_cast %add3A_268 : vector<16xi32> to vector<16xi32>
    tpu.vector_store %arg15[%swap3A_269], %swap3A_272 {strides = array<i32>} : memref<80xi32, #tpu.memory_space<vmem>>, vector<16xi32>,
    %swap3A_273 = arith.constant 16 : index
    %swap3A_274 = tpu.vector_load %arg18[%swap3A_273] {strides = array<i32>} : memref<80xi32, #tpu.memory_space<vmem>>, vector<16xi32>,
    %swap3A_275 = vector.shape_cast %swap3A_274 : vector<16xi32> to vector<16xi32>
    %swap3A_276 = vector.shape_cast %and3A_249 : vector<16xi32> to vector<16xi32>
    tpu.vector_store %arg18[%swap3A_273], %swap3A_276 {strides = array<i32>} : memref<80xi32, #tpu.memory_space<vmem>>, vector<16xi32>,
    %get3A_277 = arith.constant 112 : index
    %get3A_278 = tpu.vector_load %arg7[%get3A_277] {strides = array<i32>} : memref<10000xi32, #tpu.memory_space<vmem>>, vector<16xi32>,
    %and3A_279 = arith.constant 16383 : i32
    %and3A_280 = vector.broadcast %and3A_279 : i32 to vector<16xi32>
    %and3A_281 = arith.andi %get3A_278, %and3A_280 : vector<16xi32>
    %shift_right_logical3A_282 = arith.constant 14 : i32
    %shift_right_logical3A_283 = vector.broadcast %shift_right_logical3A_282 : i32 to vector<16xi32>
    %shift_right_logical3A_284 = arith.shrui %get3A_278, %shift_right_logical3A_283 : vector<16xi32>
    %and3A_285 = arith.constant 16383 : i32
    %and3A_286 = vector.broadcast %and3A_285 : i32 to vector<16xi32>
    %and3A_287 = arith.andi %shift_right_logical3A_284, %and3A_286 : vector<16xi32>
    %shift_right_logical3A_288 = arith.constant 28 : i32
    %shift_right_logical3A_289 = vector.broadcast %shift_right_logical3A_288 : i32 to vector<16xi32>
    %shift_right_logical3A_290 = arith.shrui %get3A_278, %shift_right_logical3A_289 : vector<16xi32>
    %mul3A_291 = arith.constant 10000 : i32
    %mul3A_292 = vector.broadcast %mul3A_291 : i32 to vector<16xi32>
    %mul3A_293 = arith.muli %shift_right_logical3A_290, %mul3A_292 : vector<16xi32>
    %add3A_294 = arith.addi %mul3A_293, %and3A_287 : vector<16xi32>
    %add3A_295 = arith.addi %mul3A_293, %and3A_281 : vector<16xi32>
    %swap3A_296 = arith.constant 32 : index
    %swap3A_297 = tpu.vector_load %arg9[%swap3A_296] {strides = array<i32>} : memref<80xi32, #tpu.memory_space<vmem>>, vector<16xi32>,
    %swap3A_298 = vector.shape_cast %swap3A_297 : vector<16xi32> to vector<16xi32>
    %swap3A_299 = vector.shape_cast %add3A_295 : vector<16xi32> to vector<16xi32>
    tpu.vector_store %arg9[%swap3A_296], %swap3A_299 {strides = array<i32>} : memref<80xi32, #tpu.memory_space<vmem>>, vector<16xi32>,
    %swap3A_300 = arith.constant 32 : index
    %swap3A_301 = tpu.vector_load %arg12[%swap3A_300] {strides = array<i32>} : memref<80xi32, #tpu.memory_space<vmem>>, vector<16xi32>,
    %swap3A_302 = vector.shape_cast %swap3A_301 : vector<16xi32> to vector<16xi32>
    %swap3A_303 = vector.shape_cast %add3A_294 : vector<16xi32> to vector<16xi32>
    tpu.vector_store %arg12[%swap3A_300], %swap3A_303 {strides = array<i32>} : memref<80xi32, #tpu.memory_space<vmem>>, vector<16xi32>,
    %add3A_304 = arith.constant 80000 : i32
    %add3A_305 = vector.broadcast %add3A_304 : i32 to vector<16xi32>
    %add3A_306 = arith.addi %add3A_294, %add3A_305 : vector<16xi32>
    %swap3A_307 = arith.constant 32 : index
    %swap3A_308 = tpu.vector_load %arg15[%swap3A_307] {strides = array<i32>} : memref<80xi32, #tpu.memory_space<vmem>>, vector<16xi32>,
    %swap3A_309 = vector.shape_cast %swap3A_308 : vector<16xi32> to vector<16xi32>
    %swap3A_310 = vector.shape_cast %add3A_306 : vector<16xi32> to vector<16xi32>
    tpu.vector_store %arg15[%swap3A_307], %swap3A_310 {strides = array<i32>} : memref<80xi32, #tpu.memory_space<vmem>>, vector<16xi32>,
    %swap3A_311 = arith.constant 32 : index
    %swap3A_312 = tpu.vector_load %arg18[%swap3A_311] {strides = array<i32>} : memref<80xi32, #tpu.memory_space<vmem>>, vector<16xi32>,
    %swap3A_313 = vector.shape_cast %swap3A_312 : vector<16xi32> to vector<16xi32>
    %swap3A_314 = vector.shape_cast %and3A_287 : vector<16xi32> to vector<16xi32>
    tpu.vector_store %arg18[%swap3A_311], %swap3A_314 {strides = array<i32>} : memref<80xi32, #tpu.memory_space<vmem>>, vector<16xi32>,
    %get3A_315 = arith.constant 128 : index
    %get3A_316 = tpu.vector_load %arg7[%get3A_315] {strides = array<i32>} : memref<10000xi32, #tpu.memory_space<vmem>>, vector<16xi32>,
    %and3A_317 = arith.constant 16383 : i32
    %and3A_318 = vector.broadcast %and3A_317 : i32 to vector<16xi32>
    %and3A_319 = arith.andi %get3A_316, %and3A_318 : vector<16xi32>
    %shift_right_logical3A_320 = arith.constant 14 : i32
    %shift_right_logical3A_321 = vector.broadcast %shift_right_logical3A_320 : i32 to vector<16xi32>
    %shift_right_logical3A_322 = arith.shrui %get3A_316, %shift_right_logical3A_321 : vector<16xi32>
    %and3A_323 = arith.constant 16383 : i32
    %and3A_324 = vector.broadcast %and3A_323 : i32 to vector<16xi32>
    %and3A_325 = arith.andi %shift_right_logical3A_322, %and3A_324 : vector<16xi32>
    %shift_right_logical3A_326 = arith.constant 28 : i32
    %shift_right_logical3A_327 = vector.broadcast %shift_right_logical3A_326 : i32 to vector<16xi32>
    %shift_right_logical3A_328 = arith.shrui %get3A_316, %shift_right_logical3A_327 : vector<16xi32>
    %mul3A_329 = arith.constant 10000 : i32
    %mul3A_330 = vector.broadcast %mul3A_329 : i32 to vector<16xi32>
    %mul3A_331 = arith.muli %shift_right_logical3A_328, %mul3A_330 : vector<16xi32>
    %add3A_332 = arith.addi %mul3A_331, %and3A_325 : vector<16xi32>
    %add3A_333 = arith.addi %mul3A_331, %and3A_319 : vector<16xi32>
    %swap3A_334 = arith.constant 48 : index
    %swap3A_335 = tpu.vector_load %arg9[%swap3A_334] {strides = array<i32>} : memref<80xi32, #tpu.memory_space<vmem>>, vector<16xi32>,
    %swap3A_336 = vector.shape_cast %swap3A_335 : vector<16xi32> to vector<16xi32>
    %swap3A_337 = vector.shape_cast %add3A_333 : vector<16xi32> to vector<16xi32>
    tpu.vector_store %arg9[%swap3A_334], %swap3A_337 {strides = array<i32>} : memref<80xi32, #tpu.memory_space<vmem>>, vector<16xi32>,
    %swap3A_338 = arith.constant 48 : index
    %swap3A_339 = tpu.vector_load %arg12[%swap3A_338] {strides = array<i32>} : memref<80xi32, #tpu.memory_space<vmem>>, vector<16xi32>,
    %swap3A_340 = vector.shape_cast %swap3A_339 : vector<16xi32> to vector<16xi32>
    %swap3A_341 = vector.shape_cast %add3A_332 : vector<16xi32> to vector<16xi32>
    tpu.vector_store %arg12[%swap3A_338], %swap3A_341 {strides = array<i32>} : memref<80xi32, #tpu.memory_space<vmem>>, vector<16xi32>,
    %add3A_342 = arith.constant 80000 : i32
    %add3A_343 = vector.broadcast %add3A_342 : i32 to vector<16xi32>
    %add3A_344 = arith.addi %add3A_332, %add3A_343 : vector<16xi32>
    %swap3A_345 = arith.constant 48 : index
    %swap3A_346 = tpu.vector_load %arg15[%swap3A_345] {strides = array<i32>} : memref<80xi32, #tpu.memory_space<vmem>>, vector<16xi32>,
    %swap3A_347 = vector.shape_cast %swap3A_346 : vector<16xi32> to vector<16xi32>
    %swap3A_348 = vector.shape_cast %add3A_344 : vector<16xi32> to vector<16xi32>
    tpu.vector_store %arg15[%swap3A_345], %swap3A_348 {strides = array<i32>} : memref<80xi32, #tpu.memory_space<vmem>>, vector<16xi32>,
    %swap3A_349 = arith.constant 48 : index
    %swap3A_350 = tpu.vector_load %arg18[%swap3A_349] {strides = array<i32>} : memref<80xi32, #tpu.memory_space<vmem>>, vector<16xi32>,
    %swap3A_351 = vector.shape_cast %swap3A_350 : vector<16xi32> to vector<16xi32>
    %swap3A_352 = vector.shape_cast %and3A_325 : vector<16xi32> to vector<16xi32>
    tpu.vector_store %arg18[%swap3A_349], %swap3A_352 {strides = array<i32>} : memref<80xi32, #tpu.memory_space<vmem>>, vector<16xi32>,
    %get3A_353 = arith.constant 144 : index
    %get3A_354 = tpu.vector_load %arg7[%get3A_353] {strides = array<i32>} : memref<10000xi32, #tpu.memory_space<vmem>>, vector<16xi32>,
    %and3A_355 = arith.constant 16383 : i32
    %and3A_356 = vector.broadcast %and3A_355 : i32 to vector<16xi32>
    %and3A_357 = arith.andi %get3A_354, %and3A_356 : vector<16xi32>
    %shift_right_logical3A_358 = arith.constant 14 : i32
    %shift_right_logical3A_359 = vector.broadcast %shift_right_logical3A_358 : i32 to vector<16xi32>
    %shift_right_logical3A_360 = arith.shrui %get3A_354, %shift_right_logical3A_359 : vector<16xi32>
    %and3A_361 = arith.constant 16383 : i32
    %and3A_362 = vector.broadcast %and3A_361 : i32 to vector<16xi32>
    %and3A_363 = arith.andi %shift_right_logical3A_360, %and3A_362 : vector<16xi32>
    %shift_right_logical3A_364 = arith.constant 28 : i32
    %shift_right_logical3A_365 = vector.broadcast %shift_right_logical3A_364 : i32 to vector<16xi32>
    %shift_right_logical3A_366 = arith.shrui %get3A_354, %shift_right_logical3A_365 : vector<16xi32>
    %mul3A_367 = arith.constant 10000 : i32
    %mul3A_368 = vector.broadcast %mul3A_367 : i32 to vector<16xi32>
    %mul3A_369 = arith.muli %shift_right_logical3A_366, %mul3A_368 : vector<16xi32>
    %add3A_370 = arith.addi %mul3A_369, %and3A_363 : vector<16xi32>
    %add3A_371 = arith.addi %mul3A_369, %and3A_357 : vector<16xi32>
    %swap3A_372 = arith.constant 64 : index
    %swap3A_373 = tpu.vector_load %arg9[%swap3A_372] {strides = array<i32>} : memref<80xi32, #tpu.memory_space<vmem>>, vector<16xi32>,
    %swap3A_374 = vector.shape_cast %swap3A_373 : vector<16xi32> to vector<16xi32>
    %swap3A_375 = vector.shape_cast %add3A_371 : vector<16xi32> to vector<16xi32>
    tpu.vector_store %arg9[%swap3A_372], %swap3A_375 {strides = array<i32>} : memref<80xi32, #tpu.memory_space<vmem>>, vector<16xi32>,
    %swap3A_376 = arith.constant 64 : index
    %swap3A_377 = tpu.vector_load %arg12[%swap3A_376] {strides = array<i32>} : memref<80xi32, #tpu.memory_space<vmem>>, vector<16xi32>,
    %swap3A_378 = vector.shape_cast %swap3A_377 : vector<16xi32> to vector<16xi32>
    %swap3A_379 = vector.shape_cast %add3A_370 : vector<16xi32> to vector<16xi32>
    tpu.vector_store %arg12[%swap3A_376], %swap3A_379 {strides = array<i32>} : memref<80xi32, #tpu.memory_space<vmem>>, vector<16xi32>,
    %add3A_380 = arith.constant 80000 : i32
    %add3A_381 = vector.broadcast %add3A_380 : i32 to vector<16xi32>
    %add3A_382 = arith.addi %add3A_370, %add3A_381 : vector<16xi32>
    %swap3A_383 = arith.constant 64 : index
    %swap3A_384 = tpu.vector_load %arg15[%swap3A_383] {strides = array<i32>} : memref<80xi32, #tpu.memory_space<vmem>>, vector<16xi32>,
    %swap3A_385 = vector.shape_cast %swap3A_384 : vector<16xi32> to vector<16xi32>
    %swap3A_386 = vector.shape_cast %add3A_382 : vector<16xi32> to vector<16xi32>
    tpu.vector_store %arg15[%swap3A_383], %swap3A_386 {strides = array<i32>} : memref<80xi32, #tpu.memory_space<vmem>>, vector<16xi32>,
    %swap3A_387 = arith.constant 64 : index
    %swap3A_388 = tpu.vector_load %arg18[%swap3A_387] {strides = array<i32>} : memref<80xi32, #tpu.memory_space<vmem>>, vector<16xi32>,
    %swap3A_389 = vector.shape_cast %swap3A_388 : vector<16xi32> to vector<16xi32>
    %swap3A_390 = vector.shape_cast %and3A_363 : vector<16xi32> to vector<16xi32>
    tpu.vector_store %arg18[%swap3A_387], %swap3A_390 {strides = array<i32>} : memref<80xi32, #tpu.memory_space<vmem>>, vector<16xi32>,
    %dma_start3A_391 = arith.constant 0 : i32
    %dma_start3A_392 = arith.constant 0 : i32
    %dma_start3A_393 = tpu.memref_slice %arg2[%dma_start3A_391, %dma_start3A_392] : memref<80000x128xf32, #tpu.memory_space<hbm>> -> memref<80000x128xf32, #tpu.memory_space<hbm>>
    tpu.enqueue_indirect_dma source(%dma_start3A_393 : memref<80000x128xf32, #tpu.memory_space<hbm>>) target(%arg30 : memref<80x128xf32, #tpu.memory_space<vmem>>) offsets(%arg9 : memref<80xi32, #tpu.memory_space<vmem>>) semaphore(%arg34 : memref<!tpu.dma_semaphore, #tpu.memory_space<semaphore_mem>>)
    %dma_start3A_394 = arith.constant 0 : i32
    %dma_start3A_395 = tpu.memref_slice %arg4[%dma_start3A_394] : memref<160000xf32, #tpu.memory_space<hbm>> -> memref<160000xf32, #tpu.memory_space<hbm>>
    tpu.enqueue_indirect_dma source(%dma_start3A_395 : memref<160000xf32, #tpu.memory_space<hbm>>) target(%arg21 : memref<80xf32, #tpu.memory_space<vmem>>) offsets(%arg12 : memref<80xi32, #tpu.memory_space<vmem>>) semaphore(%arg37 : memref<!tpu.dma_semaphore, #tpu.memory_space<semaphore_mem>>)
    %dma_start3A_396 = arith.constant 0 : i32
    %dma_start3A_397 = tpu.memref_slice %arg4[%dma_start3A_396] : memref<160000xf32, #tpu.memory_space<hbm>> -> memref<160000xf32, #tpu.memory_space<hbm>>
    tpu.enqueue_indirect_dma source(%dma_start3A_397 : memref<160000xf32, #tpu.memory_space<hbm>>) target(%arg24 : memref<80xf32, #tpu.memory_space<vmem>>) offsets(%arg15 : memref<80xi32, #tpu.memory_space<vmem>>) semaphore(%arg40 : memref<!tpu.dma_semaphore, #tpu.memory_space<semaphore_mem>>)
    %dma_wait3A = arith.constant 0 : i32
    %dma_wait3A_398 = tpu.memref_slice %arg4[%dma_wait3A] : memref<160000xf32, #tpu.memory_space<hbm>> -> memref<160000xf32, #tpu.memory_space<hbm>>
    tpu.wait_indirect_dma semaphore(%arg36 : memref<!tpu.dma_semaphore, #tpu.memory_space<semaphore_mem>>) src(%dma_wait3A_398 : memref<160000xf32, #tpu.memory_space<hbm>>) dst(%arg20 : memref<80xf32, #tpu.memory_space<vmem>>)
    %dma_wait3A_399 = arith.constant 0 : i32
    %dma_wait3A_400 = tpu.memref_slice %arg4[%dma_wait3A_399] : memref<160000xf32, #tpu.memory_space<hbm>> -> memref<160000xf32, #tpu.memory_space<hbm>>
    tpu.wait_indirect_dma semaphore(%arg39 : memref<!tpu.dma_semaphore, #tpu.memory_space<semaphore_mem>>) src(%dma_wait3A_400 : memref<160000xf32, #tpu.memory_space<hbm>>) dst(%arg23 : memref<80xf32, #tpu.memory_space<vmem>>)
    %get3A_401 = arith.constant 0 : index
    %get3A_402 = tpu.vector_load %arg20[%get3A_401] {strides = array<i32>} : memref<80xf32, #tpu.memory_space<vmem>>, vector<16xf32>,
    %get3A_403 = arith.constant 0 : index
    %get3A_404 = tpu.vector_load %arg23[%get3A_403] {strides = array<i32>} : memref<80xf32, #tpu.memory_space<vmem>>, vector<16xf32>,
    %add3A_405 = arith.addf %get3A_402, %get3A_404 : vector<16xf32>
    %div3A = arith.constant 1.000000e+00 : f32
    %div3A_406 = vector.broadcast %div3A : f32 to vector<16xf32>
    %div3A_407 = arith.divf %div3A_406, %add3A_405 : vector<16xf32>
    %swap3A_408 = arith.constant 0 : index
    %swap3A_409 = tpu.vector_load %arg26[%swap3A_408] {strides = array<i32>} : memref<80xf32, #tpu.memory_space<vmem>>, vector<16xf32>,
    tpu.vector_store %arg26[%swap3A_408], %div3A_407 {strides = array<i32>} : memref<80xf32, #tpu.memory_space<vmem>>, vector<16xf32>,
    %get3A_410 = arith.constant 16 : index
    %get3A_411 = tpu.vector_load %arg20[%get3A_410] {strides = array<i32>} : memref<80xf32, #tpu.memory_space<vmem>>, vector<16xf32>,
    %get3A_412 = arith.constant 16 : index
    %get3A_413 = tpu.vector_load %arg23[%get3A_412] {strides = array<i32>} : memref<80xf32, #tpu.memory_space<vmem>>, vector<16xf32>,
    %add3A_414 = arith.addf %get3A_411, %get3A_413 : vector<16xf32>
    %div3A_415 = arith.constant 1.000000e+00 : f32
    %div3A_416 = vector.broadcast %div3A_415 : f32 to vector<16xf32>
    %div3A_417 = arith.divf %div3A_416, %add3A_414 : vector<16xf32>
    %swap3A_418 = arith.constant 16 : index
    %swap3A_419 = tpu.vector_load %arg26[%swap3A_418] {strides = array<i32>} : memref<80xf32, #tpu.memory_space<vmem>>, vector<16xf32>,
    tpu.vector_store %arg26[%swap3A_418], %div3A_417 {strides = array<i32>} : memref<80xf32, #tpu.memory_space<vmem>>, vector<16xf32>,
    %get3A_420 = arith.constant 32 : index
    %get3A_421 = tpu.vector_load %arg20[%get3A_420] {strides = array<i32>} : memref<80xf32, #tpu.memory_space<vmem>>, vector<16xf32>,
    %get3A_422 = arith.constant 32 : index
    %get3A_423 = tpu.vector_load %arg23[%get3A_422] {strides = array<i32>} : memref<80xf32, #tpu.memory_space<vmem>>, vector<16xf32>,
    %add3A_424 = arith.addf %get3A_421, %get3A_423 : vector<16xf32>
    %div3A_425 = arith.constant 1.000000e+00 : f32
    %div3A_426 = vector.broadcast %div3A_425 : f32 to vector<16xf32>
    %div3A_427 = arith.divf %div3A_426, %add3A_424 : vector<16xf32>
    %swap3A_428 = arith.constant 32 : index
    %swap3A_429 = tpu.vector_load %arg26[%swap3A_428] {strides = array<i32>} : memref<80xf32, #tpu.memory_space<vmem>>, vector<16xf32>,
    tpu.vector_store %arg26[%swap3A_428], %div3A_427 {strides = array<i32>} : memref<80xf32, #tpu.memory_space<vmem>>, vector<16xf32>,
    %get3A_430 = arith.constant 48 : index
    %get3A_431 = tpu.vector_load %arg20[%get3A_430] {strides = array<i32>} : memref<80xf32, #tpu.memory_space<vmem>>, vector<16xf32>,
    %get3A_432 = arith.constant 48 : index
    %get3A_433 = tpu.vector_load %arg23[%get3A_432] {strides = array<i32>} : memref<80xf32, #tpu.memory_space<vmem>>, vector<16xf32>,
    %add3A_434 = arith.addf %get3A_431, %get3A_433 : vector<16xf32>
    %div3A_435 = arith.constant 1.000000e+00 : f32
    %div3A_436 = vector.broadcast %div3A_435 : f32 to vector<16xf32>
    %div3A_437 = arith.divf %div3A_436, %add3A_434 : vector<16xf32>
    %swap3A_438 = arith.constant 48 : index
    %swap3A_439 = tpu.vector_load %arg26[%swap3A_438] {strides = array<i32>} : memref<80xf32, #tpu.memory_space<vmem>>, vector<16xf32>,
    tpu.vector_store %arg26[%swap3A_438], %div3A_437 {strides = array<i32>} : memref<80xf32, #tpu.memory_space<vmem>>, vector<16xf32>,
    %get3A_440 = arith.constant 64 : index
    %get3A_441 = tpu.vector_load %arg20[%get3A_440] {strides = array<i32>} : memref<80xf32, #tpu.memory_space<vmem>>, vector<16xf32>,
    %get3A_442 = arith.constant 64 : index
    %get3A_443 = tpu.vector_load %arg23[%get3A_442] {strides = array<i32>} : memref<80xf32, #tpu.memory_space<vmem>>, vector<16xf32>,
    %add3A_444 = arith.addf %get3A_441, %get3A_443 : vector<16xf32>
    %div3A_445 = arith.constant 1.000000e+00 : f32
    %div3A_446 = vector.broadcast %div3A_445 : f32 to vector<16xf32>
    %div3A_447 = arith.divf %div3A_446, %add3A_444 : vector<16xf32>
    %swap3A_448 = arith.constant 64 : index
    %swap3A_449 = tpu.vector_load %arg26[%swap3A_448] {strides = array<i32>} : memref<80xf32, #tpu.memory_space<vmem>>, vector<16xf32>,
    tpu.vector_store %arg26[%swap3A_448], %div3A_447 {strides = array<i32>} : memref<80xf32, #tpu.memory_space<vmem>>, vector<16xf32>,
    %dma_wait3A_450 = arith.constant 0 : i32
    %dma_wait3A_451 = arith.constant 0 : i32
    %dma_wait3A_452 = tpu.memref_slice %arg2[%dma_wait3A_450, %dma_wait3A_451] : memref<80000x128xf32, #tpu.memory_space<hbm>> -> memref<80000x128xf32, #tpu.memory_space<hbm>>
    tpu.wait_indirect_dma semaphore(%arg33 : memref<!tpu.dma_semaphore, #tpu.memory_space<semaphore_mem>>) src(%dma_wait3A_452 : memref<80000x128xf32, #tpu.memory_space<hbm>>) dst(%arg29 : memref<80x128xf32, #tpu.memory_space<vmem>>)
    %scan3A = arith.constant 0 : i32
    %scan3A_453 = arith.constant 80 : i32
    %scan3A_454 = arith.addi %scan3A, %scan3A_453 : i32
    %scan3A_455 = arith.constant 1 : i32
    scf.for %scan3A_1343 = %scan3A to %scan3A_454 step %scan3A_455  : i32 {
      %mul3A_1344 = arith.constant 1 : i32
      %mul3A_1345 = arith.muli %scan3A_1343, %mul3A_1344 : i32
      %add3A_1346 = arith.constant 0 : i32
      %add3A_1347 = arith.addi %add3A_1346, %mul3A_1345 : i32
      %broadcast_in_dim3A = vector.broadcast %add3A_1347 : i32 to vector<16xi32>
      %gather3A = tpu.vector_load_idx %arg26[%broadcast_in_dim3A] : memref<80xf32, #tpu.memory_space<vmem>>[vector<16xi32>], vector<16xf32>,
      %get3A_1348 = arith.index_cast %add3A_1347 : i32 to index
      %get3A_1349 = arith.constant 0 : index
      %get3A_1350 = tpu.vector_load %arg29[%get3A_1348, %get3A_1349] {strides = array<i32>} : memref<80x128xf32, #tpu.memory_space<vmem>>, vector<16xf32>,
      %mul3A_1351 = arith.mulf %get3A_1350, %gather3A : vector<16xf32>
      %swap3A_1352 = arith.index_cast %add3A_1347 : i32 to index
      %swap3A_1353 = arith.constant 0 : index
      %swap3A_1354 = tpu.vector_load %arg29[%swap3A_1352, %swap3A_1353] {strides = array<i32>} : memref<80x128xf32, #tpu.memory_space<vmem>>, vector<16xf32>,
      tpu.vector_store %arg29[%swap3A_1352, %swap3A_1353], %mul3A_1351 {strides = array<i32>} : memref<80x128xf32, #tpu.memory_space<vmem>>, vector<16xf32>,
      %get3A_1355 = arith.index_cast %add3A_1347 : i32 to index
      %get3A_1356 = arith.constant 16 : index
      %get3A_1357 = tpu.vector_load %arg29[%get3A_1355, %get3A_1356] {strides = array<i32>} : memref<80x128xf32, #tpu.memory_space<vmem>>, vector<16xf32>,
      %mul3A_1358 = arith.mulf %get3A_1357, %gather3A : vector<16xf32>
      %swap3A_1359 = arith.index_cast %add3A_1347 : i32 to index
      %swap3A_1360 = arith.constant 16 : index
      %swap3A_1361 = tpu.vector_load %arg29[%swap3A_1359, %swap3A_1360] {strides = array<i32>} : memref<80x128xf32, #tpu.memory_space<vmem>>, vector<16xf32>,
      tpu.vector_store %arg29[%swap3A_1359, %swap3A_1360], %mul3A_1358 {strides = array<i32>} : memref<80x128xf32, #tpu.memory_space<vmem>>, vector<16xf32>,
      %get3A_1362 = arith.index_cast %add3A_1347 : i32 to index
      %get3A_1363 = arith.constant 32 : index
      %get3A_1364 = tpu.vector_load %arg29[%get3A_1362, %get3A_1363] {strides = array<i32>} : memref<80x128xf32, #tpu.memory_space<vmem>>, vector<16xf32>,
      %mul3A_1365 = arith.mulf %get3A_1364, %gather3A : vector<16xf32>
      %swap3A_1366 = arith.index_cast %add3A_1347 : i32 to index
      %swap3A_1367 = arith.constant 32 : index
      %swap3A_1368 = tpu.vector_load %arg29[%swap3A_1366, %swap3A_1367] {strides = array<i32>} : memref<80x128xf32, #tpu.memory_space<vmem>>, vector<16xf32>,
      tpu.vector_store %arg29[%swap3A_1366, %swap3A_1367], %mul3A_1365 {strides = array<i32>} : memref<80x128xf32, #tpu.memory_space<vmem>>, vector<16xf32>,
      %get3A_1369 = arith.index_cast %add3A_1347 : i32 to index
      %get3A_1370 = arith.constant 48 : index
      %get3A_1371 = tpu.vector_load %arg29[%get3A_1369, %get3A_1370] {strides = array<i32>} : memref<80x128xf32, #tpu.memory_space<vmem>>, vector<16xf32>,
      %mul3A_1372 = arith.mulf %get3A_1371, %gather3A : vector<16xf32>
      %swap3A_1373 = arith.index_cast %add3A_1347 : i32 to index
      %swap3A_1374 = arith.constant 48 : index
      %swap3A_1375 = tpu.vector_load %arg29[%swap3A_1373, %swap3A_1374] {strides = array<i32>} : memref<80x128xf32, #tpu.memory_space<vmem>>, vector<16xf32>,
      tpu.vector_store %arg29[%swap3A_1373, %swap3A_1374], %mul3A_1372 {strides = array<i32>} : memref<80x128xf32, #tpu.memory_space<vmem>>, vector<16xf32>,
      %get3A_1376 = arith.index_cast %add3A_1347 : i32 to index
      %get3A_1377 = arith.constant 64 : index
      %get3A_1378 = tpu.vector_load %arg29[%get3A_1376, %get3A_1377] {strides = array<i32>} : memref<80x128xf32, #tpu.memory_space<vmem>>, vector<16xf32>,
      %mul3A_1379 = arith.mulf %get3A_1378, %gather3A : vector<16xf32>
      %swap3A_1380 = arith.index_cast %add3A_1347 : i32 to index
      %swap3A_1381 = arith.constant 64 : index
      %swap3A_1382 = tpu.vector_load %arg29[%swap3A_1380, %swap3A_1381] {strides = array<i32>} : memref<80x128xf32, #tpu.memory_space<vmem>>, vector<16xf32>,
      tpu.vector_store %arg29[%swap3A_1380, %swap3A_1381], %mul3A_1379 {strides = array<i32>} : memref<80x128xf32, #tpu.memory_space<vmem>>, vector<16xf32>,
      %get3A_1383 = arith.index_cast %add3A_1347 : i32 to index
      %get3A_1384 = arith.constant 80 : index
      %get3A_1385 = tpu.vector_load %arg29[%get3A_1383, %get3A_1384] {strides = array<i32>} : memref<80x128xf32, #tpu.memory_space<vmem>>, vector<16xf32>,
      %mul3A_1386 = arith.mulf %get3A_1385, %gather3A : vector<16xf32>
      %swap3A_1387 = arith.index_cast %add3A_1347 : i32 to index
      %swap3A_1388 = arith.constant 80 : index
      %swap3A_1389 = tpu.vector_load %arg29[%swap3A_1387, %swap3A_1388] {strides = array<i32>} : memref<80x128xf32, #tpu.memory_space<vmem>>, vector<16xf32>,
      tpu.vector_store %arg29[%swap3A_1387, %swap3A_1388], %mul3A_1386 {strides = array<i32>} : memref<80x128xf32, #tpu.memory_space<vmem>>, vector<16xf32>,
      %get3A_1390 = arith.index_cast %add3A_1347 : i32 to index
      %get3A_1391 = arith.constant 96 : index
      %get3A_1392 = tpu.vector_load %arg29[%get3A_1390, %get3A_1391] {strides = array<i32>} : memref<80x128xf32, #tpu.memory_space<vmem>>, vector<16xf32>,
      %mul3A_1393 = arith.mulf %get3A_1392, %gather3A : vector<16xf32>
      %swap3A_1394 = arith.index_cast %add3A_1347 : i32 to index
      %swap3A_1395 = arith.constant 96 : index
      %swap3A_1396 = tpu.vector_load %arg29[%swap3A_1394, %swap3A_1395] {strides = array<i32>} : memref<80x128xf32, #tpu.memory_space<vmem>>, vector<16xf32>,
      tpu.vector_store %arg29[%swap3A_1394, %swap3A_1395], %mul3A_1393 {strides = array<i32>} : memref<80x128xf32, #tpu.memory_space<vmem>>, vector<16xf32>,
      %get3A_1397 = arith.index_cast %add3A_1347 : i32 to index
      %get3A_1398 = arith.constant 112 : index
      %get3A_1399 = tpu.vector_load %arg29[%get3A_1397, %get3A_1398] {strides = array<i32>} : memref<80x128xf32, #tpu.memory_space<vmem>>, vector<16xf32>,
      %mul3A_1400 = arith.mulf %get3A_1399, %gather3A : vector<16xf32>
      %swap3A_1401 = arith.index_cast %add3A_1347 : i32 to index
      %swap3A_1402 = arith.constant 112 : index
      %swap3A_1403 = tpu.vector_load %arg29[%swap3A_1401, %swap3A_1402] {strides = array<i32>} : memref<80x128xf32, #tpu.memory_space<vmem>>, vector<16xf32>,
      tpu.vector_store %arg29[%swap3A_1401, %swap3A_1402], %mul3A_1400 {strides = array<i32>} : memref<80x128xf32, #tpu.memory_space<vmem>>, vector<16xf32>,
    }
    %scan3A_456 = arith.constant 80 : i32
    %dma_start3A_457 = arith.constant 0 : i32
    %dma_start3A_458 = arith.constant 0 : i32
    %dma_start3A_459 = tpu.memref_slice %arg32[%dma_start3A_457, %dma_start3A_458] : memref<10000x128xf32, #tpu.memory_space<vmem_shared>> -> memref<10000x128xf32, #tpu.memory_space<vmem_shared>>
    tpu.enqueue_indirect_dma source(%arg29 : memref<80x128xf32, #tpu.memory_space<vmem>>) target(%dma_start3A_459 : memref<10000x128xf32, #tpu.memory_space<vmem_shared>>) offsets(%arg17 : memref<80xi32, #tpu.memory_space<vmem>>) semaphore(%arg42 : memref<!tpu.dma_semaphore, #tpu.memory_space<semaphore_mem>>) {add = true}
    %get3A_460 = arith.constant 160 : index
    %get3A_461 = tpu.vector_load %arg7[%get3A_460] {strides = array<i32>} : memref<10000xi32, #tpu.memory_space<vmem>>, vector<16xi32>,
    %and3A_462 = arith.constant 16383 : i32
    %and3A_463 = vector.broadcast %and3A_462 : i32 to vector<16xi32>
    %and3A_464 = arith.andi %get3A_461, %and3A_463 : vector<16xi32>
    %shift_right_logical3A_465 = arith.constant 14 : i32
    %shift_right_logical3A_466 = vector.broadcast %shift_right_logical3A_465 : i32 to vector<16xi32>
    %shift_right_logical3A_467 = arith.shrui %get3A_461, %shift_right_logical3A_466 : vector<16xi32>
    %and3A_468 = arith.constant 16383 : i32
    %and3A_469 = vector.broadcast %and3A_468 : i32 to vector<16xi32>
    %and3A_470 = arith.andi %shift_right_logical3A_467, %and3A_469 : vector<16xi32>
    %shift_right_logical3A_471 = arith.constant 28 : i32
    %shift_right_logical3A_472 = vector.broadcast %shift_right_logical3A_471 : i32 to vector<16xi32>
    %shift_right_logical3A_473 = arith.shrui %get3A_461, %shift_right_logical3A_472 : vector<16xi32>
    %mul3A_474 = arith.constant 10000 : i32
    %mul3A_475 = vector.broadcast %mul3A_474 : i32 to vector<16xi32>
    %mul3A_476 = arith.muli %shift_right_logical3A_473, %mul3A_475 : vector<16xi32>
    %add3A_477 = arith.addi %mul3A_476, %and3A_470 : vector<16xi32>
    %add3A_478 = arith.addi %mul3A_476, %and3A_464 : vector<16xi32>
    %swap3A_479 = arith.constant 0 : index
    %swap3A_480 = tpu.vector_load %arg10[%swap3A_479] {strides = array<i32>} : memref<80xi32, #tpu.memory_space<vmem>>, vector<16xi32>,
    %swap3A_481 = vector.shape_cast %swap3A_480 : vector<16xi32> to vector<16xi32>
    %swap3A_482 = vector.shape_cast %add3A_478 : vector<16xi32> to vector<16xi32>
    tpu.vector_store %arg10[%swap3A_479], %swap3A_482 {strides = array<i32>} : memref<80xi32, #tpu.memory_space<vmem>>, vector<16xi32>,
    %swap3A_483 = arith.constant 0 : index
    %swap3A_484 = tpu.vector_load %arg13[%swap3A_483] {strides = array<i32>} : memref<80xi32, #tpu.memory_space<vmem>>, vector<16xi32>,
    %swap3A_485 = vector.shape_cast %swap3A_484 : vector<16xi32> to vector<16xi32>
    %swap3A_486 = vector.shape_cast %add3A_477 : vector<16xi32> to vector<16xi32>
    tpu.vector_store %arg13[%swap3A_483], %swap3A_486 {strides = array<i32>} : memref<80xi32, #tpu.memory_space<vmem>>, vector<16xi32>,
    %add3A_487 = arith.constant 80000 : i32
    %add3A_488 = vector.broadcast %add3A_487 : i32 to vector<16xi32>
    %add3A_489 = arith.addi %add3A_477, %add3A_488 : vector<16xi32>
    %swap3A_490 = arith.constant 0 : index
    %swap3A_491 = tpu.vector_load %arg16[%swap3A_490] {strides = array<i32>} : memref<80xi32, #tpu.memory_space<vmem>>, vector<16xi32>,
    %swap3A_492 = vector.shape_cast %swap3A_491 : vector<16xi32> to vector<16xi32>
    %swap3A_493 = vector.shape_cast %add3A_489 : vector<16xi32> to vector<16xi32>
    tpu.vector_store %arg16[%swap3A_490], %swap3A_493 {strides = array<i32>} : memref<80xi32, #tpu.memory_space<vmem>>, vector<16xi32>,
    %swap3A_494 = arith.constant 0 : index
    %swap3A_495 = tpu.vector_load %arg19[%swap3A_494] {strides = array<i32>} : memref<80xi32, #tpu.memory_space<vmem>>, vector<16xi32>,
    %swap3A_496 = vector.shape_cast %swap3A_495 : vector<16xi32> to vector<16xi32>
    %swap3A_497 = vector.shape_cast %and3A_470 : vector<16xi32> to vector<16xi32>
    tpu.vector_store %arg19[%swap3A_494], %swap3A_497 {strides = array<i32>} : memref<80xi32, #tpu.memory_space<vmem>>, vector<16xi32>,
    %get3A_498 = arith.constant 176 : index
    %get3A_499 = tpu.vector_load %arg7[%get3A_498] {strides = array<i32>} : memref<10000xi32, #tpu.memory_space<vmem>>, vector<16xi32>,
    %and3A_500 = arith.constant 16383 : i32
    %and3A_501 = vector.broadcast %and3A_500 : i32 to vector<16xi32>
    %and3A_502 = arith.andi %get3A_499, %and3A_501 : vector<16xi32>
    %shift_right_logical3A_503 = arith.constant 14 : i32
    %shift_right_logical3A_504 = vector.broadcast %shift_right_logical3A_503 : i32 to vector<16xi32>
    %shift_right_logical3A_505 = arith.shrui %get3A_499, %shift_right_logical3A_504 : vector<16xi32>
    %and3A_506 = arith.constant 16383 : i32
    %and3A_507 = vector.broadcast %and3A_506 : i32 to vector<16xi32>
    %and3A_508 = arith.andi %shift_right_logical3A_505, %and3A_507 : vector<16xi32>
    %shift_right_logical3A_509 = arith.constant 28 : i32
    %shift_right_logical3A_510 = vector.broadcast %shift_right_logical3A_509 : i32 to vector<16xi32>
    %shift_right_logical3A_511 = arith.shrui %get3A_499, %shift_right_logical3A_510 : vector<16xi32>
    %mul3A_512 = arith.constant 10000 : i32
    %mul3A_513 = vector.broadcast %mul3A_512 : i32 to vector<16xi32>
    %mul3A_514 = arith.muli %shift_right_logical3A_511, %mul3A_513 : vector<16xi32>
    %add3A_515 = arith.addi %mul3A_514, %and3A_508 : vector<16xi32>
    %add3A_516 = arith.addi %mul3A_514, %and3A_502 : vector<16xi32>
    %swap3A_517 = arith.constant 16 : index
    %swap3A_518 = tpu.vector_load %arg10[%swap3A_517] {strides = array<i32>} : memref<80xi32, #tpu.memory_space<vmem>>, vector<16xi32>,
    %swap3A_519 = vector.shape_cast %swap3A_518 : vector<16xi32> to vector<16xi32>
    %swap3A_520 = vector.shape_cast %add3A_516 : vector<16xi32> to vector<16xi32>
    tpu.vector_store %arg10[%swap3A_517], %swap3A_520 {strides = array<i32>} : memref<80xi32, #tpu.memory_space<vmem>>, vector<16xi32>,
    %swap3A_521 = arith.constant 16 : index
    %swap3A_522 = tpu.vector_load %arg13[%swap3A_521] {strides = array<i32>} : memref<80xi32, #tpu.memory_space<vmem>>, vector<16xi32>,
    %swap3A_523 = vector.shape_cast %swap3A_522 : vector<16xi32> to vector<16xi32>
    %swap3A_524 = vector.shape_cast %add3A_515 : vector<16xi32> to vector<16xi32>
    tpu.vector_store %arg13[%swap3A_521], %swap3A_524 {strides = array<i32>} : memref<80xi32, #tpu.memory_space<vmem>>, vector<16xi32>,
    %add3A_525 = arith.constant 80000 : i32
    %add3A_526 = vector.broadcast %add3A_525 : i32 to vector<16xi32>
    %add3A_527 = arith.addi %add3A_515, %add3A_526 : vector<16xi32>
    %swap3A_528 = arith.constant 16 : index
    %swap3A_529 = tpu.vector_load %arg16[%swap3A_528] {strides = array<i32>} : memref<80xi32, #tpu.memory_space<vmem>>, vector<16xi32>,
    %swap3A_530 = vector.shape_cast %swap3A_529 : vector<16xi32> to vector<16xi32>
    %swap3A_531 = vector.shape_cast %add3A_527 : vector<16xi32> to vector<16xi32>
    tpu.vector_store %arg16[%swap3A_528], %swap3A_531 {strides = array<i32>} : memref<80xi32, #tpu.memory_space<vmem>>, vector<16xi32>,
    %swap3A_532 = arith.constant 16 : index
    %swap3A_533 = tpu.vector_load %arg19[%swap3A_532] {strides = array<i32>} : memref<80xi32, #tpu.memory_space<vmem>>, vector<16xi32>,
    %swap3A_534 = vector.shape_cast %swap3A_533 : vector<16xi32> to vector<16xi32>
    %swap3A_535 = vector.shape_cast %and3A_508 : vector<16xi32> to vector<16xi32>
    tpu.vector_store %arg19[%swap3A_532], %swap3A_535 {strides = array<i32>} : memref<80xi32, #tpu.memory_space<vmem>>, vector<16xi32>,
    %get3A_536 = arith.constant 192 : index
    %get3A_537 = tpu.vector_load %arg7[%get3A_536] {strides = array<i32>} : memref<10000xi32, #tpu.memory_space<vmem>>, vector<16xi32>,
    %and3A_538 = arith.constant 16383 : i32
    %and3A_539 = vector.broadcast %and3A_538 : i32 to vector<16xi32>
    %and3A_540 = arith.andi %get3A_537, %and3A_539 : vector<16xi32>
    %shift_right_logical3A_541 = arith.constant 14 : i32
    %shift_right_logical3A_542 = vector.broadcast %shift_right_logical3A_541 : i32 to vector<16xi32>
    %shift_right_logical3A_543 = arith.shrui %get3A_537, %shift_right_logical3A_542 : vector<16xi32>
    %and3A_544 = arith.constant 16383 : i32
    %and3A_545 = vector.broadcast %and3A_544 : i32 to vector<16xi32>
    %and3A_546 = arith.andi %shift_right_logical3A_543, %and3A_545 : vector<16xi32>
    %shift_right_logical3A_547 = arith.constant 28 : i32
    %shift_right_logical3A_548 = vector.broadcast %shift_right_logical3A_547 : i32 to vector<16xi32>
    %shift_right_logical3A_549 = arith.shrui %get3A_537, %shift_right_logical3A_548 : vector<16xi32>
    %mul3A_550 = arith.constant 10000 : i32
    %mul3A_551 = vector.broadcast %mul3A_550 : i32 to vector<16xi32>
    %mul3A_552 = arith.muli %shift_right_logical3A_549, %mul3A_551 : vector<16xi32>
    %add3A_553 = arith.addi %mul3A_552, %and3A_546 : vector<16xi32>
    %add3A_554 = arith.addi %mul3A_552, %and3A_540 : vector<16xi32>
    %swap3A_555 = arith.constant 32 : index
    %swap3A_556 = tpu.vector_load %arg10[%swap3A_555] {strides = array<i32>} : memref<80xi32, #tpu.memory_space<vmem>>, vector<16xi32>,
    %swap3A_557 = vector.shape_cast %swap3A_556 : vector<16xi32> to vector<16xi32>
    %swap3A_558 = vector.shape_cast %add3A_554 : vector<16xi32> to vector<16xi32>
    tpu.vector_store %arg10[%swap3A_555], %swap3A_558 {strides = array<i32>} : memref<80xi32, #tpu.memory_space<vmem>>, vector<16xi32>,
    %swap3A_559 = arith.constant 32 : index
    %swap3A_560 = tpu.vector_load %arg13[%swap3A_559] {strides = array<i32>} : memref<80xi32, #tpu.memory_space<vmem>>, vector<16xi32>,
    %swap3A_561 = vector.shape_cast %swap3A_560 : vector<16xi32> to vector<16xi32>
    %swap3A_562 = vector.shape_cast %add3A_553 : vector<16xi32> to vector<16xi32>
    tpu.vector_store %arg13[%swap3A_559], %swap3A_562 {strides = array<i32>} : memref<80xi32, #tpu.memory_space<vmem>>, vector<16xi32>,
    %add3A_563 = arith.constant 80000 : i32
    %add3A_564 = vector.broadcast %add3A_563 : i32 to vector<16xi32>
    %add3A_565 = arith.addi %add3A_553, %add3A_564 : vector<16xi32>
    %swap3A_566 = arith.constant 32 : index
    %swap3A_567 = tpu.vector_load %arg16[%swap3A_566] {strides = array<i32>} : memref<80xi32, #tpu.memory_space<vmem>>, vector<16xi32>,
    %swap3A_568 = vector.shape_cast %swap3A_567 : vector<16xi32> to vector<16xi32>
    %swap3A_569 = vector.shape_cast %add3A_565 : vector<16xi32> to vector<16xi32>
    tpu.vector_store %arg16[%swap3A_566], %swap3A_569 {strides = array<i32>} : memref<80xi32, #tpu.memory_space<vmem>>, vector<16xi32>,
    %swap3A_570 = arith.constant 32 : index
    %swap3A_571 = tpu.vector_load %arg19[%swap3A_570] {strides = array<i32>} : memref<80xi32, #tpu.memory_space<vmem>>, vector<16xi32>,
    %swap3A_572 = vector.shape_cast %swap3A_571 : vector<16xi32> to vector<16xi32>
    %swap3A_573 = vector.shape_cast %and3A_546 : vector<16xi32> to vector<16xi32>
    tpu.vector_store %arg19[%swap3A_570], %swap3A_573 {strides = array<i32>} : memref<80xi32, #tpu.memory_space<vmem>>, vector<16xi32>,
    %get3A_574 = arith.constant 208 : index
    %get3A_575 = tpu.vector_load %arg7[%get3A_574] {strides = array<i32>} : memref<10000xi32, #tpu.memory_space<vmem>>, vector<16xi32>,
    %and3A_576 = arith.constant 16383 : i32
    %and3A_577 = vector.broadcast %and3A_576 : i32 to vector<16xi32>
    %and3A_578 = arith.andi %get3A_575, %and3A_577 : vector<16xi32>
    %shift_right_logical3A_579 = arith.constant 14 : i32
    %shift_right_logical3A_580 = vector.broadcast %shift_right_logical3A_579 : i32 to vector<16xi32>
    %shift_right_logical3A_581 = arith.shrui %get3A_575, %shift_right_logical3A_580 : vector<16xi32>
    %and3A_582 = arith.constant 16383 : i32
    %and3A_583 = vector.broadcast %and3A_582 : i32 to vector<16xi32>
    %and3A_584 = arith.andi %shift_right_logical3A_581, %and3A_583 : vector<16xi32>
    %shift_right_logical3A_585 = arith.constant 28 : i32
    %shift_right_logical3A_586 = vector.broadcast %shift_right_logical3A_585 : i32 to vector<16xi32>
    %shift_right_logical3A_587 = arith.shrui %get3A_575, %shift_right_logical3A_586 : vector<16xi32>
    %mul3A_588 = arith.constant 10000 : i32
    %mul3A_589 = vector.broadcast %mul3A_588 : i32 to vector<16xi32>
    %mul3A_590 = arith.muli %shift_right_logical3A_587, %mul3A_589 : vector<16xi32>
    %add3A_591 = arith.addi %mul3A_590, %and3A_584 : vector<16xi32>
    %add3A_592 = arith.addi %mul3A_590, %and3A_578 : vector<16xi32>
    %swap3A_593 = arith.constant 48 : index
    %swap3A_594 = tpu.vector_load %arg10[%swap3A_593] {strides = array<i32>} : memref<80xi32, #tpu.memory_space<vmem>>, vector<16xi32>,
    %swap3A_595 = vector.shape_cast %swap3A_594 : vector<16xi32> to vector<16xi32>
    %swap3A_596 = vector.shape_cast %add3A_592 : vector<16xi32> to vector<16xi32>
    tpu.vector_store %arg10[%swap3A_593], %swap3A_596 {strides = array<i32>} : memref<80xi32, #tpu.memory_space<vmem>>, vector<16xi32>,
    %swap3A_597 = arith.constant 48 : index
    %swap3A_598 = tpu.vector_load %arg13[%swap3A_597] {strides = array<i32>} : memref<80xi32, #tpu.memory_space<vmem>>, vector<16xi32>,
    %swap3A_599 = vector.shape_cast %swap3A_598 : vector<16xi32> to vector<16xi32>
    %swap3A_600 = vector.shape_cast %add3A_591 : vector<16xi32> to vector<16xi32>
    tpu.vector_store %arg13[%swap3A_597], %swap3A_600 {strides = array<i32>} : memref<80xi32, #tpu.memory_space<vmem>>, vector<16xi32>,
    %add3A_601 = arith.constant 80000 : i32
    %add3A_602 = vector.broadcast %add3A_601 : i32 to vector<16xi32>
    %add3A_603 = arith.addi %add3A_591, %add3A_602 : vector<16xi32>
    %swap3A_604 = arith.constant 48 : index
    %swap3A_605 = tpu.vector_load %arg16[%swap3A_604] {strides = array<i32>} : memref<80xi32, #tpu.memory_space<vmem>>, vector<16xi32>,
    %swap3A_606 = vector.shape_cast %swap3A_605 : vector<16xi32> to vector<16xi32>
    %swap3A_607 = vector.shape_cast %add3A_603 : vector<16xi32> to vector<16xi32>
    tpu.vector_store %arg16[%swap3A_604], %swap3A_607 {strides = array<i32>} : memref<80xi32, #tpu.memory_space<vmem>>, vector<16xi32>,
    %swap3A_608 = arith.constant 48 : index
    %swap3A_609 = tpu.vector_load %arg19[%swap3A_608] {strides = array<i32>} : memref<80xi32, #tpu.memory_space<vmem>>, vector<16xi32>,
    %swap3A_610 = vector.shape_cast %swap3A_609 : vector<16xi32> to vector<16xi32>
    %swap3A_611 = vector.shape_cast %and3A_584 : vector<16xi32> to vector<16xi32>
    tpu.vector_store %arg19[%swap3A_608], %swap3A_611 {strides = array<i32>} : memref<80xi32, #tpu.memory_space<vmem>>, vector<16xi32>,
    %get3A_612 = arith.constant 224 : index
    %get3A_613 = tpu.vector_load %arg7[%get3A_612] {strides = array<i32>} : memref<10000xi32, #tpu.memory_space<vmem>>, vector<16xi32>,
    %and3A_614 = arith.constant 16383 : i32
    %and3A_615 = vector.broadcast %and3A_614 : i32 to vector<16xi32>
    %and3A_616 = arith.andi %get3A_613, %and3A_615 : vector<16xi32>
    %shift_right_logical3A_617 = arith.constant 14 : i32
    %shift_right_logical3A_618 = vector.broadcast %shift_right_logical3A_617 : i32 to vector<16xi32>
    %shift_right_logical3A_619 = arith.shrui %get3A_613, %shift_right_logical3A_618 : vector<16xi32>
    %and3A_620 = arith.constant 16383 : i32
    %and3A_621 = vector.broadcast %and3A_620 : i32 to vector<16xi32>
    %and3A_622 = arith.andi %shift_right_logical3A_619, %and3A_621 : vector<16xi32>
    %shift_right_logical3A_623 = arith.constant 28 : i32
    %shift_right_logical3A_624 = vector.broadcast %shift_right_logical3A_623 : i32 to vector<16xi32>
    %shift_right_logical3A_625 = arith.shrui %get3A_613, %shift_right_logical3A_624 : vector<16xi32>
    %mul3A_626 = arith.constant 10000 : i32
    %mul3A_627 = vector.broadcast %mul3A_626 : i32 to vector<16xi32>
    %mul3A_628 = arith.muli %shift_right_logical3A_625, %mul3A_627 : vector<16xi32>
    %add3A_629 = arith.addi %mul3A_628, %and3A_622 : vector<16xi32>
    %add3A_630 = arith.addi %mul3A_628, %and3A_616 : vector<16xi32>
    %swap3A_631 = arith.constant 64 : index
    %swap3A_632 = tpu.vector_load %arg10[%swap3A_631] {strides = array<i32>} : memref<80xi32, #tpu.memory_space<vmem>>, vector<16xi32>,
    %swap3A_633 = vector.shape_cast %swap3A_632 : vector<16xi32> to vector<16xi32>
    %swap3A_634 = vector.shape_cast %add3A_630 : vector<16xi32> to vector<16xi32>
    tpu.vector_store %arg10[%swap3A_631], %swap3A_634 {strides = array<i32>} : memref<80xi32, #tpu.memory_space<vmem>>, vector<16xi32>,
    %swap3A_635 = arith.constant 64 : index
    %swap3A_636 = tpu.vector_load %arg13[%swap3A_635] {strides = array<i32>} : memref<80xi32, #tpu.memory_space<vmem>>, vector<16xi32>,
    %swap3A_637 = vector.shape_cast %swap3A_636 : vector<16xi32> to vector<16xi32>
    %swap3A_638 = vector.shape_cast %add3A_629 : vector<16xi32> to vector<16xi32>
    tpu.vector_store %arg13[%swap3A_635], %swap3A_638 {strides = array<i32>} : memref<80xi32, #tpu.memory_space<vmem>>, vector<16xi32>,
    %add3A_639 = arith.constant 80000 : i32
    %add3A_640 = vector.broadcast %add3A_639 : i32 to vector<16xi32>
    %add3A_641 = arith.addi %add3A_629, %add3A_640 : vector<16xi32>
    %swap3A_642 = arith.constant 64 : index
    %swap3A_643 = tpu.vector_load %arg16[%swap3A_642] {strides = array<i32>} : memref<80xi32, #tpu.memory_space<vmem>>, vector<16xi32>,
    %swap3A_644 = vector.shape_cast %swap3A_643 : vector<16xi32> to vector<16xi32>
    %swap3A_645 = vector.shape_cast %add3A_641 : vector<16xi32> to vector<16xi32>
    tpu.vector_store %arg16[%swap3A_642], %swap3A_645 {strides = array<i32>} : memref<80xi32, #tpu.memory_space<vmem>>, vector<16xi32>,
    %swap3A_646 = arith.constant 64 : index
    %swap3A_647 = tpu.vector_load %arg19[%swap3A_646] {strides = array<i32>} : memref<80xi32, #tpu.memory_space<vmem>>, vector<16xi32>,
    %swap3A_648 = vector.shape_cast %swap3A_647 : vector<16xi32> to vector<16xi32>
    %swap3A_649 = vector.shape_cast %and3A_622 : vector<16xi32> to vector<16xi32>
    tpu.vector_store %arg19[%swap3A_646], %swap3A_649 {strides = array<i32>} : memref<80xi32, #tpu.memory_space<vmem>>, vector<16xi32>,
    %dma_start3A_650 = arith.constant 0 : i32
    %dma_start3A_651 = arith.constant 0 : i32
    %dma_start3A_652 = tpu.memref_slice %arg2[%dma_start3A_650, %dma_start3A_651] : memref<80000x128xf32, #tpu.memory_space<hbm>> -> memref<80000x128xf32, #tpu.memory_space<hbm>>
    tpu.enqueue_indirect_dma source(%dma_start3A_652 : memref<80000x128xf32, #tpu.memory_space<hbm>>) target(%arg31 : memref<80x128xf32, #tpu.memory_space<vmem>>) offsets(%arg10 : memref<80xi32, #tpu.memory_space<vmem>>) semaphore(%arg35 : memref<!tpu.dma_semaphore, #tpu.memory_space<semaphore_mem>>)
    %dma_start3A_653 = arith.constant 0 : i32
    %dma_start3A_654 = tpu.memref_slice %arg4[%dma_start3A_653] : memref<160000xf32, #tpu.memory_space<hbm>> -> memref<160000xf32, #tpu.memory_space<hbm>>
    tpu.enqueue_indirect_dma source(%dma_start3A_654 : memref<160000xf32, #tpu.memory_space<hbm>>) target(%arg22 : memref<80xf32, #tpu.memory_space<vmem>>) offsets(%arg13 : memref<80xi32, #tpu.memory_space<vmem>>) semaphore(%arg38 : memref<!tpu.dma_semaphore, #tpu.memory_space<semaphore_mem>>)
    %dma_start3A_655 = arith.constant 0 : i32
    %dma_start3A_656 = tpu.memref_slice %arg4[%dma_start3A_655] : memref<160000xf32, #tpu.memory_space<hbm>> -> memref<160000xf32, #tpu.memory_space<hbm>>
    tpu.enqueue_indirect_dma source(%dma_start3A_656 : memref<160000xf32, #tpu.memory_space<hbm>>) target(%arg25 : memref<80xf32, #tpu.memory_space<vmem>>) offsets(%arg16 : memref<80xi32, #tpu.memory_space<vmem>>) semaphore(%arg41 : memref<!tpu.dma_semaphore, #tpu.memory_space<semaphore_mem>>)
    %dma_wait3A_657 = arith.constant 0 : i32
    %dma_wait3A_658 = tpu.memref_slice %arg4[%dma_wait3A_657] : memref<160000xf32, #tpu.memory_space<hbm>> -> memref<160000xf32, #tpu.memory_space<hbm>>
    tpu.wait_indirect_dma semaphore(%arg37 : memref<!tpu.dma_semaphore, #tpu.memory_space<semaphore_mem>>) src(%dma_wait3A_658 : memref<160000xf32, #tpu.memory_space<hbm>>) dst(%arg21 : memref<80xf32, #tpu.memory_space<vmem>>)
    %dma_wait3A_659 = arith.constant 0 : i32
    %dma_wait3A_660 = tpu.memref_slice %arg4[%dma_wait3A_659] : memref<160000xf32, #tpu.memory_space<hbm>> -> memref<160000xf32, #tpu.memory_space<hbm>>
    tpu.wait_indirect_dma semaphore(%arg40 : memref<!tpu.dma_semaphore, #tpu.memory_space<semaphore_mem>>) src(%dma_wait3A_660 : memref<160000xf32, #tpu.memory_space<hbm>>) dst(%arg24 : memref<80xf32, #tpu.memory_space<vmem>>)
    %get3A_661 = arith.constant 0 : index
    %get3A_662 = tpu.vector_load %arg21[%get3A_661] {strides = array<i32>} : memref<80xf32, #tpu.memory_space<vmem>>, vector<16xf32>,
    %get3A_663 = arith.constant 0 : index
    %get3A_664 = tpu.vector_load %arg24[%get3A_663] {strides = array<i32>} : memref<80xf32, #tpu.memory_space<vmem>>, vector<16xf32>,
    %add3A_665 = arith.addf %get3A_662, %get3A_664 : vector<16xf32>
    %div3A_666 = arith.constant 1.000000e+00 : f32
    %div3A_667 = vector.broadcast %div3A_666 : f32 to vector<16xf32>
    %div3A_668 = arith.divf %div3A_667, %add3A_665 : vector<16xf32>
    %swap3A_669 = arith.constant 0 : index
    %swap3A_670 = tpu.vector_load %arg27[%swap3A_669] {strides = array<i32>} : memref<80xf32, #tpu.memory_space<vmem>>, vector<16xf32>,
    tpu.vector_store %arg27[%swap3A_669], %div3A_668 {strides = array<i32>} : memref<80xf32, #tpu.memory_space<vmem>>, vector<16xf32>,
    %get3A_671 = arith.constant 16 : index
    %get3A_672 = tpu.vector_load %arg21[%get3A_671] {strides = array<i32>} : memref<80xf32, #tpu.memory_space<vmem>>, vector<16xf32>,
    %get3A_673 = arith.constant 16 : index
    %get3A_674 = tpu.vector_load %arg24[%get3A_673] {strides = array<i32>} : memref<80xf32, #tpu.memory_space<vmem>>, vector<16xf32>,
    %add3A_675 = arith.addf %get3A_672, %get3A_674 : vector<16xf32>
    %div3A_676 = arith.constant 1.000000e+00 : f32
    %div3A_677 = vector.broadcast %div3A_676 : f32 to vector<16xf32>
    %div3A_678 = arith.divf %div3A_677, %add3A_675 : vector<16xf32>
    %swap3A_679 = arith.constant 16 : index
    %swap3A_680 = tpu.vector_load %arg27[%swap3A_679] {strides = array<i32>} : memref<80xf32, #tpu.memory_space<vmem>>, vector<16xf32>,
    tpu.vector_store %arg27[%swap3A_679], %div3A_678 {strides = array<i32>} : memref<80xf32, #tpu.memory_space<vmem>>, vector<16xf32>,
    %get3A_681 = arith.constant 32 : index
    %get3A_682 = tpu.vector_load %arg21[%get3A_681] {strides = array<i32>} : memref<80xf32, #tpu.memory_space<vmem>>, vector<16xf32>,
    %get3A_683 = arith.constant 32 : index
    %get3A_684 = tpu.vector_load %arg24[%get3A_683] {strides = array<i32>} : memref<80xf32, #tpu.memory_space<vmem>>, vector<16xf32>,
    %add3A_685 = arith.addf %get3A_682, %get3A_684 : vector<16xf32>
    %div3A_686 = arith.constant 1.000000e+00 : f32
    %div3A_687 = vector.broadcast %div3A_686 : f32 to vector<16xf32>
    %div3A_688 = arith.divf %div3A_687, %add3A_685 : vector<16xf32>
    %swap3A_689 = arith.constant 32 : index
    %swap3A_690 = tpu.vector_load %arg27[%swap3A_689] {strides = array<i32>} : memref<80xf32, #tpu.memory_space<vmem>>, vector<16xf32>,
    tpu.vector_store %arg27[%swap3A_689], %div3A_688 {strides = array<i32>} : memref<80xf32, #tpu.memory_space<vmem>>, vector<16xf32>,
    %get3A_691 = arith.constant 48 : index
    %get3A_692 = tpu.vector_load %arg21[%get3A_691] {strides = array<i32>} : memref<80xf32, #tpu.memory_space<vmem>>, vector<16xf32>,
    %get3A_693 = arith.constant 48 : index
    %get3A_694 = tpu.vector_load %arg24[%get3A_693] {strides = array<i32>} : memref<80xf32, #tpu.memory_space<vmem>>, vector<16xf32>,
    %add3A_695 = arith.addf %get3A_692, %get3A_694 : vector<16xf32>
    %div3A_696 = arith.constant 1.000000e+00 : f32
    %div3A_697 = vector.broadcast %div3A_696 : f32 to vector<16xf32>
    %div3A_698 = arith.divf %div3A_697, %add3A_695 : vector<16xf32>
    %swap3A_699 = arith.constant 48 : index
    %swap3A_700 = tpu.vector_load %arg27[%swap3A_699] {strides = array<i32>} : memref<80xf32, #tpu.memory_space<vmem>>, vector<16xf32>,
    tpu.vector_store %arg27[%swap3A_699], %div3A_698 {strides = array<i32>} : memref<80xf32, #tpu.memory_space<vmem>>, vector<16xf32>,
    %get3A_701 = arith.constant 64 : index
    %get3A_702 = tpu.vector_load %arg21[%get3A_701] {strides = array<i32>} : memref<80xf32, #tpu.memory_space<vmem>>, vector<16xf32>,
    %get3A_703 = arith.constant 64 : index
    %get3A_704 = tpu.vector_load %arg24[%get3A_703] {strides = array<i32>} : memref<80xf32, #tpu.memory_space<vmem>>, vector<16xf32>,
    %add3A_705 = arith.addf %get3A_702, %get3A_704 : vector<16xf32>
    %div3A_706 = arith.constant 1.000000e+00 : f32
    %div3A_707 = vector.broadcast %div3A_706 : f32 to vector<16xf32>
    %div3A_708 = arith.divf %div3A_707, %add3A_705 : vector<16xf32>
    %swap3A_709 = arith.constant 64 : index
    %swap3A_710 = tpu.vector_load %arg27[%swap3A_709] {strides = array<i32>} : memref<80xf32, #tpu.memory_space<vmem>>, vector<16xf32>,
    tpu.vector_store %arg27[%swap3A_709], %div3A_708 {strides = array<i32>} : memref<80xf32, #tpu.memory_space<vmem>>, vector<16xf32>,
    %dma_wait3A_711 = arith.constant 0 : i32
    %dma_wait3A_712 = arith.constant 0 : i32
    %dma_wait3A_713 = tpu.memref_slice %arg2[%dma_wait3A_711, %dma_wait3A_712] : memref<80000x128xf32, #tpu.memory_space<hbm>> -> memref<80000x128xf32, #tpu.memory_space<hbm>>
    tpu.wait_indirect_dma semaphore(%arg34 : memref<!tpu.dma_semaphore, #tpu.memory_space<semaphore_mem>>) src(%dma_wait3A_713 : memref<80000x128xf32, #tpu.memory_space<hbm>>) dst(%arg30 : memref<80x128xf32, #tpu.memory_space<vmem>>)
    %scan3A_714 = arith.constant 0 : i32
    %scan3A_715 = arith.constant 80 : i32
    %scan3A_716 = arith.addi %scan3A_714, %scan3A_715 : i32
    %scan3A_717 = arith.constant 1 : i32
    scf.for %scan3A_1343 = %scan3A_714 to %scan3A_716 step %scan3A_717  : i32 {
      %mul3A_1344 = arith.constant 1 : i32
      %mul3A_1345 = arith.muli %scan3A_1343, %mul3A_1344 : i32
      %add3A_1346 = arith.constant 0 : i32
      %add3A_1347 = arith.addi %add3A_1346, %mul3A_1345 : i32
      %broadcast_in_dim3A = vector.broadcast %add3A_1347 : i32 to vector<16xi32>
      %gather3A = tpu.vector_load_idx %arg27[%broadcast_in_dim3A] : memref<80xf32, #tpu.memory_space<vmem>>[vector<16xi32>], vector<16xf32>,
      %get3A_1348 = arith.index_cast %add3A_1347 : i32 to index
      %get3A_1349 = arith.constant 0 : index
      %get3A_1350 = tpu.vector_load %arg30[%get3A_1348, %get3A_1349] {strides = array<i32>} : memref<80x128xf32, #tpu.memory_space<vmem>>, vector<16xf32>,
      %mul3A_1351 = arith.mulf %get3A_1350, %gather3A : vector<16xf32>
      %swap3A_1352 = arith.index_cast %add3A_1347 : i32 to index
      %swap3A_1353 = arith.constant 0 : index
      %swap3A_1354 = tpu.vector_load %arg30[%swap3A_1352, %swap3A_1353] {strides = array<i32>} : memref<80x128xf32, #tpu.memory_space<vmem>>, vector<16xf32>,
      tpu.vector_store %arg30[%swap3A_1352, %swap3A_1353], %mul3A_1351 {strides = array<i32>} : memref<80x128xf32, #tpu.memory_space<vmem>>, vector<16xf32>,
      %get3A_1355 = arith.index_cast %add3A_1347 : i32 to index
      %get3A_1356 = arith.constant 16 : index
      %get3A_1357 = tpu.vector_load %arg30[%get3A_1355, %get3A_1356] {strides = array<i32>} : memref<80x128xf32, #tpu.memory_space<vmem>>, vector<16xf32>,
      %mul3A_1358 = arith.mulf %get3A_1357, %gather3A : vector<16xf32>
      %swap3A_1359 = arith.index_cast %add3A_1347 : i32 to index
      %swap3A_1360 = arith.constant 16 : index
      %swap3A_1361 = tpu.vector_load %arg30[%swap3A_1359, %swap3A_1360] {strides = array<i32>} : memref<80x128xf32, #tpu.memory_space<vmem>>, vector<16xf32>,
      tpu.vector_store %arg30[%swap3A_1359, %swap3A_1360], %mul3A_1358 {strides = array<i32>} : memref<80x128xf32, #tpu.memory_space<vmem>>, vector<16xf32>,
      %get3A_1362 = arith.index_cast %add3A_1347 : i32 to index
      %get3A_1363 = arith.constant 32 : index
      %get3A_1364 = tpu.vector_load %arg30[%get3A_1362, %get3A_1363] {strides = array<i32>} : memref<80x128xf32, #tpu.memory_space<vmem>>, vector<16xf32>,
      %mul3A_1365 = arith.mulf %get3A_1364, %gather3A : vector<16xf32>
      %swap3A_1366 = arith.index_cast %add3A_1347 : i32 to index
      %swap3A_1367 = arith.constant 32 : index
      %swap3A_1368 = tpu.vector_load %arg30[%swap3A_1366, %swap3A_1367] {strides = array<i32>} : memref<80x128xf32, #tpu.memory_space<vmem>>, vector<16xf32>,
      tpu.vector_store %arg30[%swap3A_1366, %swap3A_1367], %mul3A_1365 {strides = array<i32>} : memref<80x128xf32, #tpu.memory_space<vmem>>, vector<16xf32>,
      %get3A_1369 = arith.index_cast %add3A_1347 : i32 to index
      %get3A_1370 = arith.constant 48 : index
      %get3A_1371 = tpu.vector_load %arg30[%get3A_1369, %get3A_1370] {strides = array<i32>} : memref<80x128xf32, #tpu.memory_space<vmem>>, vector<16xf32>,
      %mul3A_1372 = arith.mulf %get3A_1371, %gather3A : vector<16xf32>
      %swap3A_1373 = arith.index_cast %add3A_1347 : i32 to index
      %swap3A_1374 = arith.constant 48 : index
      %swap3A_1375 = tpu.vector_load %arg30[%swap3A_1373, %swap3A_1374] {strides = array<i32>} : memref<80x128xf32, #tpu.memory_space<vmem>>, vector<16xf32>,
      tpu.vector_store %arg30[%swap3A_1373, %swap3A_1374], %mul3A_1372 {strides = array<i32>} : memref<80x128xf32, #tpu.memory_space<vmem>>, vector<16xf32>,
      %get3A_1376 = arith.index_cast %add3A_1347 : i32 to index
      %get3A_1377 = arith.constant 64 : index
      %get3A_1378 = tpu.vector_load %arg30[%get3A_1376, %get3A_1377] {strides = array<i32>} : memref<80x128xf32, #tpu.memory_space<vmem>>, vector<16xf32>,
      %mul3A_1379 = arith.mulf %get3A_1378, %gather3A : vector<16xf32>
      %swap3A_1380 = arith.index_cast %add3A_1347 : i32 to index
      %swap3A_1381 = arith.constant 64 : index
      %swap3A_1382 = tpu.vector_load %arg30[%swap3A_1380, %swap3A_1381] {strides = array<i32>} : memref<80x128xf32, #tpu.memory_space<vmem>>, vector<16xf32>,
      tpu.vector_store %arg30[%swap3A_1380, %swap3A_1381], %mul3A_1379 {strides = array<i32>} : memref<80x128xf32, #tpu.memory_space<vmem>>, vector<16xf32>,
      %get3A_1383 = arith.index_cast %add3A_1347 : i32 to index
      %get3A_1384 = arith.constant 80 : index
      %get3A_1385 = tpu.vector_load %arg30[%get3A_1383, %get3A_1384] {strides = array<i32>} : memref<80x128xf32, #tpu.memory_space<vmem>>, vector<16xf32>,
      %mul3A_1386 = arith.mulf %get3A_1385, %gather3A : vector<16xf32>
      %swap3A_1387 = arith.index_cast %add3A_1347 : i32 to index
      %swap3A_1388 = arith.constant 80 : index
      %swap3A_1389 = tpu.vector_load %arg30[%swap3A_1387, %swap3A_1388] {strides = array<i32>} : memref<80x128xf32, #tpu.memory_space<vmem>>, vector<16xf32>,
      tpu.vector_store %arg30[%swap3A_1387, %swap3A_1388], %mul3A_1386 {strides = array<i32>} : memref<80x128xf32, #tpu.memory_space<vmem>>, vector<16xf32>,
      %get3A_1390 = arith.index_cast %add3A_1347 : i32 to index
      %get3A_1391 = arith.constant 96 : index
      %get3A_1392 = tpu.vector_load %arg30[%get3A_1390, %get3A_1391] {strides = array<i32>} : memref<80x128xf32, #tpu.memory_space<vmem>>, vector<16xf32>,
      %mul3A_1393 = arith.mulf %get3A_1392, %gather3A : vector<16xf32>
      %swap3A_1394 = arith.index_cast %add3A_1347 : i32 to index
      %swap3A_1395 = arith.constant 96 : index
      %swap3A_1396 = tpu.vector_load %arg30[%swap3A_1394, %swap3A_1395] {strides = array<i32>} : memref<80x128xf32, #tpu.memory_space<vmem>>, vector<16xf32>,
      tpu.vector_store %arg30[%swap3A_1394, %swap3A_1395], %mul3A_1393 {strides = array<i32>} : memref<80x128xf32, #tpu.memory_space<vmem>>, vector<16xf32>,
      %get3A_1397 = arith.index_cast %add3A_1347 : i32 to index
      %get3A_1398 = arith.constant 112 : index
      %get3A_1399 = tpu.vector_load %arg30[%get3A_1397, %get3A_1398] {strides = array<i32>} : memref<80x128xf32, #tpu.memory_space<vmem>>, vector<16xf32>,
      %mul3A_1400 = arith.mulf %get3A_1399, %gather3A : vector<16xf32>
      %swap3A_1401 = arith.index_cast %add3A_1347 : i32 to index
      %swap3A_1402 = arith.constant 112 : index
      %swap3A_1403 = tpu.vector_load %arg30[%swap3A_1401, %swap3A_1402] {strides = array<i32>} : memref<80x128xf32, #tpu.memory_space<vmem>>, vector<16xf32>,
      tpu.vector_store %arg30[%swap3A_1401, %swap3A_1402], %mul3A_1400 {strides = array<i32>} : memref<80x128xf32, #tpu.memory_space<vmem>>, vector<16xf32>,
    }
    %scan3A_718 = arith.constant 80 : i32
    %dma_start3A_719 = arith.constant 0 : i32
    %dma_start3A_720 = arith.constant 0 : i32
    %dma_start3A_721 = tpu.memref_slice %arg32[%dma_start3A_719, %dma_start3A_720] : memref<10000x128xf32, #tpu.memory_space<vmem_shared>> -> memref<10000x128xf32, #tpu.memory_space<vmem_shared>>
    tpu.enqueue_indirect_dma source(%arg30 : memref<80x128xf32, #tpu.memory_space<vmem>>) target(%dma_start3A_721 : memref<10000x128xf32, #tpu.memory_space<vmem_shared>>) offsets(%arg18 : memref<80xi32, #tpu.memory_space<vmem>>) semaphore(%arg43 : memref<!tpu.dma_semaphore, #tpu.memory_space<semaphore_mem>>) {add = true}
    %dma_wait3A_722 = arith.constant 0 : i32
    %dma_wait3A_723 = arith.constant 0 : i32
    %dma_wait3A_724 = tpu.memref_slice %arg32[%dma_wait3A_722, %dma_wait3A_723] : memref<10000x128xf32, #tpu.memory_space<vmem_shared>> -> memref<10000x128xf32, #tpu.memory_space<vmem_shared>>
    tpu.wait_indirect_dma semaphore(%arg42 : memref<!tpu.dma_semaphore, #tpu.memory_space<semaphore_mem>>) src(%arg29 : memref<80x128xf32, #tpu.memory_space<vmem>>) dst(%dma_wait3A_724 : memref<10000x128xf32, #tpu.memory_space<vmem_shared>>)
    %get3A_725 = arith.constant 240 : index
    %get3A_726 = tpu.vector_load %arg7[%get3A_725] {strides = array<i32>} : memref<10000xi32, #tpu.memory_space<vmem>>, vector<16xi32>,
    %and3A_727 = arith.constant 16383 : i32
    %and3A_728 = vector.broadcast %and3A_727 : i32 to vector<16xi32>
    %and3A_729 = arith.andi %get3A_726, %and3A_728 : vector<16xi32>
    %shift_right_logical3A_730 = arith.constant 14 : i32
    %shift_right_logical3A_731 = vector.broadcast %shift_right_logical3A_730 : i32 to vector<16xi32>
    %shift_right_logical3A_732 = arith.shrui %get3A_726, %shift_right_logical3A_731 : vector<16xi32>
    %and3A_733 = arith.constant 16383 : i32
    %and3A_734 = vector.broadcast %and3A_733 : i32 to vector<16xi32>
    %and3A_735 = arith.andi %shift_right_logical3A_732, %and3A_734 : vector<16xi32>
    %shift_right_logical3A_736 = arith.constant 28 : i32
    %shift_right_logical3A_737 = vector.broadcast %shift_right_logical3A_736 : i32 to vector<16xi32>
    %shift_right_logical3A_738 = arith.shrui %get3A_726, %shift_right_logical3A_737 : vector<16xi32>
    %mul3A_739 = arith.constant 10000 : i32
    %mul3A_740 = vector.broadcast %mul3A_739 : i32 to vector<16xi32>
    %mul3A_741 = arith.muli %shift_right_logical3A_738, %mul3A_740 : vector<16xi32>
    %add3A_742 = arith.addi %mul3A_741, %and3A_735 : vector<16xi32>
    %add3A_743 = arith.addi %mul3A_741, %and3A_729 : vector<16xi32>
    %swap3A_744 = arith.constant 0 : index
    %swap3A_745 = tpu.vector_load %arg8[%swap3A_744] {strides = array<i32>} : memref<80xi32, #tpu.memory_space<vmem>>, vector<16xi32>,
    %swap3A_746 = vector.shape_cast %swap3A_745 : vector<16xi32> to vector<16xi32>
    %swap3A_747 = vector.shape_cast %add3A_743 : vector<16xi32> to vector<16xi32>
    tpu.vector_store %arg8[%swap3A_744], %swap3A_747 {strides = array<i32>} : memref<80xi32, #tpu.memory_space<vmem>>, vector<16xi32>,
    %swap3A_748 = arith.constant 0 : index
    %swap3A_749 = tpu.vector_load %arg11[%swap3A_748] {strides = array<i32>} : memref<80xi32, #tpu.memory_space<vmem>>, vector<16xi32>,
    %swap3A_750 = vector.shape_cast %swap3A_749 : vector<16xi32> to vector<16xi32>
    %swap3A_751 = vector.shape_cast %add3A_742 : vector<16xi32> to vector<16xi32>
    tpu.vector_store %arg11[%swap3A_748], %swap3A_751 {strides = array<i32>} : memref<80xi32, #tpu.memory_space<vmem>>, vector<16xi32>,
    %add3A_752 = arith.constant 80000 : i32
    %add3A_753 = vector.broadcast %add3A_752 : i32 to vector<16xi32>
    %add3A_754 = arith.addi %add3A_742, %add3A_753 : vector<16xi32>
    %swap3A_755 = arith.constant 0 : index
    %swap3A_756 = tpu.vector_load %arg14[%swap3A_755] {strides = array<i32>} : memref<80xi32, #tpu.memory_space<vmem>>, vector<16xi32>,
    %swap3A_757 = vector.shape_cast %swap3A_756 : vector<16xi32> to vector<16xi32>
    %swap3A_758 = vector.shape_cast %add3A_754 : vector<16xi32> to vector<16xi32>
    tpu.vector_store %arg14[%swap3A_755], %swap3A_758 {strides = array<i32>} : memref<80xi32, #tpu.memory_space<vmem>>, vector<16xi32>,
    %swap3A_759 = arith.constant 0 : index
    %swap3A_760 = tpu.vector_load %arg17[%swap3A_759] {strides = array<i32>} : memref<80xi32, #tpu.memory_space<vmem>>, vector<16xi32>,
    %swap3A_761 = vector.shape_cast %swap3A_760 : vector<16xi32> to vector<16xi32>
    %swap3A_762 = vector.shape_cast %and3A_735 : vector<16xi32> to vector<16xi32>
    tpu.vector_store %arg17[%swap3A_759], %swap3A_762 {strides = array<i32>} : memref<80xi32, #tpu.memory_space<vmem>>, vector<16xi32>,
    %get3A_763 = arith.constant 256 : index
    %get3A_764 = tpu.vector_load %arg7[%get3A_763] {strides = array<i32>} : memref<10000xi32, #tpu.memory_space<vmem>>, vector<16xi32>,
    %and3A_765 = arith.constant 16383 : i32
    %and3A_766 = vector.broadcast %and3A_765 : i32 to vector<16xi32>
    %and3A_767 = arith.andi %get3A_764, %and3A_766 : vector<16xi32>
    %shift_right_logical3A_768 = arith.constant 14 : i32
    %shift_right_logical3A_769 = vector.broadcast %shift_right_logical3A_768 : i32 to vector<16xi32>
    %shift_right_logical3A_770 = arith.shrui %get3A_764, %shift_right_logical3A_769 : vector<16xi32>
    %and3A_771 = arith.constant 16383 : i32
    %and3A_772 = vector.broadcast %and3A_771 : i32 to vector<16xi32>
    %and3A_773 = arith.andi %shift_right_logical3A_770, %and3A_772 : vector<16xi32>
    %shift_right_logical3A_774 = arith.constant 28 : i32
    %shift_right_logical3A_775 = vector.broadcast %shift_right_logical3A_774 : i32 to vector<16xi32>
    %shift_right_logical3A_776 = arith.shrui %get3A_764, %shift_right_logical3A_775 : vector<16xi32>
    %mul3A_777 = arith.constant 10000 : i32
    %mul3A_778 = vector.broadcast %mul3A_777 : i32 to vector<16xi32>
    %mul3A_779 = arith.muli %shift_right_logical3A_776, %mul3A_778 : vector<16xi32>
    %add3A_780 = arith.addi %mul3A_779, %and3A_773 : vector<16xi32>
    %add3A_781 = arith.addi %mul3A_779, %and3A_767 : vector<16xi32>
    %swap3A_782 = arith.constant 16 : index
    %swap3A_783 = tpu.vector_load %arg8[%swap3A_782] {strides = array<i32>} : memref<80xi32, #tpu.memory_space<vmem>>, vector<16xi32>,
    %swap3A_784 = vector.shape_cast %swap3A_783 : vector<16xi32> to vector<16xi32>
    %swap3A_785 = vector.shape_cast %add3A_781 : vector<16xi32> to vector<16xi32>
    tpu.vector_store %arg8[%swap3A_782], %swap3A_785 {strides = array<i32>} : memref<80xi32, #tpu.memory_space<vmem>>, vector<16xi32>,
    %swap3A_786 = arith.constant 16 : index
    %swap3A_787 = tpu.vector_load %arg11[%swap3A_786] {strides = array<i32>} : memref<80xi32, #tpu.memory_space<vmem>>, vector<16xi32>,
    %swap3A_788 = vector.shape_cast %swap3A_787 : vector<16xi32> to vector<16xi32>
    %swap3A_789 = vector.shape_cast %add3A_780 : vector<16xi32> to vector<16xi32>
    tpu.vector_store %arg11[%swap3A_786], %swap3A_789 {strides = array<i32>} : memref<80xi32, #tpu.memory_space<vmem>>, vector<16xi32>,
    %add3A_790 = arith.constant 80000 : i32
    %add3A_791 = vector.broadcast %add3A_790 : i32 to vector<16xi32>
    %add3A_792 = arith.addi %add3A_780, %add3A_791 : vector<16xi32>
    %swap3A_793 = arith.constant 16 : index
    %swap3A_794 = tpu.vector_load %arg14[%swap3A_793] {strides = array<i32>} : memref<80xi32, #tpu.memory_space<vmem>>, vector<16xi32>,
    %swap3A_795 = vector.shape_cast %swap3A_794 : vector<16xi32> to vector<16xi32>
    %swap3A_796 = vector.shape_cast %add3A_792 : vector<16xi32> to vector<16xi32>
    tpu.vector_store %arg14[%swap3A_793], %swap3A_796 {strides = array<i32>} : memref<80xi32, #tpu.memory_space<vmem>>, vector<16xi32>,
    %swap3A_797 = arith.constant 16 : index
    %swap3A_798 = tpu.vector_load %arg17[%swap3A_797] {strides = array<i32>} : memref<80xi32, #tpu.memory_space<vmem>>, vector<16xi32>,
    %swap3A_799 = vector.shape_cast %swap3A_798 : vector<16xi32> to vector<16xi32>
    %swap3A_800 = vector.shape_cast %and3A_773 : vector<16xi32> to vector<16xi32>
    tpu.vector_store %arg17[%swap3A_797], %swap3A_800 {strides = array<i32>} : memref<80xi32, #tpu.memory_space<vmem>>, vector<16xi32>,
    %get3A_801 = arith.constant 272 : index
    %get3A_802 = tpu.vector_load %arg7[%get3A_801] {strides = array<i32>} : memref<10000xi32, #tpu.memory_space<vmem>>, vector<16xi32>,
    %and3A_803 = arith.constant 16383 : i32
    %and3A_804 = vector.broadcast %and3A_803 : i32 to vector<16xi32>
    %and3A_805 = arith.andi %get3A_802, %and3A_804 : vector<16xi32>
    %shift_right_logical3A_806 = arith.constant 14 : i32
    %shift_right_logical3A_807 = vector.broadcast %shift_right_logical3A_806 : i32 to vector<16xi32>
    %shift_right_logical3A_808 = arith.shrui %get3A_802, %shift_right_logical3A_807 : vector<16xi32>
    %and3A_809 = arith.constant 16383 : i32
    %and3A_810 = vector.broadcast %and3A_809 : i32 to vector<16xi32>
    %and3A_811 = arith.andi %shift_right_logical3A_808, %and3A_810 : vector<16xi32>
    %shift_right_logical3A_812 = arith.constant 28 : i32
    %shift_right_logical3A_813 = vector.broadcast %shift_right_logical3A_812 : i32 to vector<16xi32>
    %shift_right_logical3A_814 = arith.shrui %get3A_802, %shift_right_logical3A_813 : vector<16xi32>
    %mul3A_815 = arith.constant 10000 : i32
    %mul3A_816 = vector.broadcast %mul3A_815 : i32 to vector<16xi32>
    %mul3A_817 = arith.muli %shift_right_logical3A_814, %mul3A_816 : vector<16xi32>
    %add3A_818 = arith.addi %mul3A_817, %and3A_811 : vector<16xi32>
    %add3A_819 = arith.addi %mul3A_817, %and3A_805 : vector<16xi32>
    %swap3A_820 = arith.constant 32 : index
    %swap3A_821 = tpu.vector_load %arg8[%swap3A_820] {strides = array<i32>} : memref<80xi32, #tpu.memory_space<vmem>>, vector<16xi32>,
    %swap3A_822 = vector.shape_cast %swap3A_821 : vector<16xi32> to vector<16xi32>
    %swap3A_823 = vector.shape_cast %add3A_819 : vector<16xi32> to vector<16xi32>
    tpu.vector_store %arg8[%swap3A_820], %swap3A_823 {strides = array<i32>} : memref<80xi32, #tpu.memory_space<vmem>>, vector<16xi32>,
    %swap3A_824 = arith.constant 32 : index
    %swap3A_825 = tpu.vector_load %arg11[%swap3A_824] {strides = array<i32>} : memref<80xi32, #tpu.memory_space<vmem>>, vector<16xi32>,
    %swap3A_826 = vector.shape_cast %swap3A_825 : vector<16xi32> to vector<16xi32>
    %swap3A_827 = vector.shape_cast %add3A_818 : vector<16xi32> to vector<16xi32>
    tpu.vector_store %arg11[%swap3A_824], %swap3A_827 {strides = array<i32>} : memref<80xi32, #tpu.memory_space<vmem>>, vector<16xi32>,
    %add3A_828 = arith.constant 80000 : i32
    %add3A_829 = vector.broadcast %add3A_828 : i32 to vector<16xi32>
    %add3A_830 = arith.addi %add3A_818, %add3A_829 : vector<16xi32>
    %swap3A_831 = arith.constant 32 : index
    %swap3A_832 = tpu.vector_load %arg14[%swap3A_831] {strides = array<i32>} : memref<80xi32, #tpu.memory_space<vmem>>, vector<16xi32>,
    %swap3A_833 = vector.shape_cast %swap3A_832 : vector<16xi32> to vector<16xi32>
    %swap3A_834 = vector.shape_cast %add3A_830 : vector<16xi32> to vector<16xi32>
    tpu.vector_store %arg14[%swap3A_831], %swap3A_834 {strides = array<i32>} : memref<80xi32, #tpu.memory_space<vmem>>, vector<16xi32>,
    %swap3A_835 = arith.constant 32 : index
    %swap3A_836 = tpu.vector_load %arg17[%swap3A_835] {strides = array<i32>} : memref<80xi32, #tpu.memory_space<vmem>>, vector<16xi32>,
    %swap3A_837 = vector.shape_cast %swap3A_836 : vector<16xi32> to vector<16xi32>
    %swap3A_838 = vector.shape_cast %and3A_811 : vector<16xi32> to vector<16xi32>
    tpu.vector_store %arg17[%swap3A_835], %swap3A_838 {strides = array<i32>} : memref<80xi32, #tpu.memory_space<vmem>>, vector<16xi32>,
    %get3A_839 = arith.constant 288 : index
    %get3A_840 = tpu.vector_load %arg7[%get3A_839] {strides = array<i32>} : memref<10000xi32, #tpu.memory_space<vmem>>, vector<16xi32>,
    %and3A_841 = arith.constant 16383 : i32
    %and3A_842 = vector.broadcast %and3A_841 : i32 to vector<16xi32>
    %and3A_843 = arith.andi %get3A_840, %and3A_842 : vector<16xi32>
    %shift_right_logical3A_844 = arith.constant 14 : i32
    %shift_right_logical3A_845 = vector.broadcast %shift_right_logical3A_844 : i32 to vector<16xi32>
    %shift_right_logical3A_846 = arith.shrui %get3A_840, %shift_right_logical3A_845 : vector<16xi32>
    %and3A_847 = arith.constant 16383 : i32
    %and3A_848 = vector.broadcast %and3A_847 : i32 to vector<16xi32>
    %and3A_849 = arith.andi %shift_right_logical3A_846, %and3A_848 : vector<16xi32>
    %shift_right_logical3A_850 = arith.constant 28 : i32
    %shift_right_logical3A_851 = vector.broadcast %shift_right_logical3A_850 : i32 to vector<16xi32>
    %shift_right_logical3A_852 = arith.shrui %get3A_840, %shift_right_logical3A_851 : vector<16xi32>
    %mul3A_853 = arith.constant 10000 : i32
    %mul3A_854 = vector.broadcast %mul3A_853 : i32 to vector<16xi32>
    %mul3A_855 = arith.muli %shift_right_logical3A_852, %mul3A_854 : vector<16xi32>
    %add3A_856 = arith.addi %mul3A_855, %and3A_849 : vector<16xi32>
    %add3A_857 = arith.addi %mul3A_855, %and3A_843 : vector<16xi32>
    %swap3A_858 = arith.constant 48 : index
    %swap3A_859 = tpu.vector_load %arg8[%swap3A_858] {strides = array<i32>} : memref<80xi32, #tpu.memory_space<vmem>>, vector<16xi32>,
    %swap3A_860 = vector.shape_cast %swap3A_859 : vector<16xi32> to vector<16xi32>
    %swap3A_861 = vector.shape_cast %add3A_857 : vector<16xi32> to vector<16xi32>
    tpu.vector_store %arg8[%swap3A_858], %swap3A_861 {strides = array<i32>} : memref<80xi32, #tpu.memory_space<vmem>>, vector<16xi32>,
    %swap3A_862 = arith.constant 48 : index
    %swap3A_863 = tpu.vector_load %arg11[%swap3A_862] {strides = array<i32>} : memref<80xi32, #tpu.memory_space<vmem>>, vector<16xi32>,
    %swap3A_864 = vector.shape_cast %swap3A_863 : vector<16xi32> to vector<16xi32>
    %swap3A_865 = vector.shape_cast %add3A_856 : vector<16xi32> to vector<16xi32>
    tpu.vector_store %arg11[%swap3A_862], %swap3A_865 {strides = array<i32>} : memref<80xi32, #tpu.memory_space<vmem>>, vector<16xi32>,
    %add3A_866 = arith.constant 80000 : i32
    %add3A_867 = vector.broadcast %add3A_866 : i32 to vector<16xi32>
    %add3A_868 = arith.addi %add3A_856, %add3A_867 : vector<16xi32>
    %swap3A_869 = arith.constant 48 : index
    %swap3A_870 = tpu.vector_load %arg14[%swap3A_869] {strides = array<i32>} : memref<80xi32, #tpu.memory_space<vmem>>, vector<16xi32>,
    %swap3A_871 = vector.shape_cast %swap3A_870 : vector<16xi32> to vector<16xi32>
    %swap3A_872 = vector.shape_cast %add3A_868 : vector<16xi32> to vector<16xi32>
    tpu.vector_store %arg14[%swap3A_869], %swap3A_872 {strides = array<i32>} : memref<80xi32, #tpu.memory_space<vmem>>, vector<16xi32>,
    %swap3A_873 = arith.constant 48 : index
    %swap3A_874 = tpu.vector_load %arg17[%swap3A_873] {strides = array<i32>} : memref<80xi32, #tpu.memory_space<vmem>>, vector<16xi32>,
    %swap3A_875 = vector.shape_cast %swap3A_874 : vector<16xi32> to vector<16xi32>
    %swap3A_876 = vector.shape_cast %and3A_849 : vector<16xi32> to vector<16xi32>
    tpu.vector_store %arg17[%swap3A_873], %swap3A_876 {strides = array<i32>} : memref<80xi32, #tpu.memory_space<vmem>>, vector<16xi32>,
    %get3A_877 = arith.constant 304 : index
    %get3A_878 = tpu.vector_load %arg7[%get3A_877] {strides = array<i32>} : memref<10000xi32, #tpu.memory_space<vmem>>, vector<16xi32>,
    %and3A_879 = arith.constant 16383 : i32
    %and3A_880 = vector.broadcast %and3A_879 : i32 to vector<16xi32>
    %and3A_881 = arith.andi %get3A_878, %and3A_880 : vector<16xi32>
    %shift_right_logical3A_882 = arith.constant 14 : i32
    %shift_right_logical3A_883 = vector.broadcast %shift_right_logical3A_882 : i32 to vector<16xi32>
    %shift_right_logical3A_884 = arith.shrui %get3A_878, %shift_right_logical3A_883 : vector<16xi32>
    %and3A_885 = arith.constant 16383 : i32
    %and3A_886 = vector.broadcast %and3A_885 : i32 to vector<16xi32>
    %and3A_887 = arith.andi %shift_right_logical3A_884, %and3A_886 : vector<16xi32>
    %shift_right_logical3A_888 = arith.constant 28 : i32
    %shift_right_logical3A_889 = vector.broadcast %shift_right_logical3A_888 : i32 to vector<16xi32>
    %shift_right_logical3A_890 = arith.shrui %get3A_878, %shift_right_logical3A_889 : vector<16xi32>
    %mul3A_891 = arith.constant 10000 : i32
    %mul3A_892 = vector.broadcast %mul3A_891 : i32 to vector<16xi32>
    %mul3A_893 = arith.muli %shift_right_logical3A_890, %mul3A_892 : vector<16xi32>
    %add3A_894 = arith.addi %mul3A_893, %and3A_887 : vector<16xi32>
    %add3A_895 = arith.addi %mul3A_893, %and3A_881 : vector<16xi32>
    %swap3A_896 = arith.constant 64 : index
    %swap3A_897 = tpu.vector_load %arg8[%swap3A_896] {strides = array<i32>} : memref<80xi32, #tpu.memory_space<vmem>>, vector<16xi32>,
    %swap3A_898 = vector.shape_cast %swap3A_897 : vector<16xi32> to vector<16xi32>
    %swap3A_899 = vector.shape_cast %add3A_895 : vector<16xi32> to vector<16xi32>
    tpu.vector_store %arg8[%swap3A_896], %swap3A_899 {strides = array<i32>} : memref<80xi32, #tpu.memory_space<vmem>>, vector<16xi32>,
    %swap3A_900 = arith.constant 64 : index
    %swap3A_901 = tpu.vector_load %arg11[%swap3A_900] {strides = array<i32>} : memref<80xi32, #tpu.memory_space<vmem>>, vector<16xi32>,
    %swap3A_902 = vector.shape_cast %swap3A_901 : vector<16xi32> to vector<16xi32>
    %swap3A_903 = vector.shape_cast %add3A_894 : vector<16xi32> to vector<16xi32>
    tpu.vector_store %arg11[%swap3A_900], %swap3A_903 {strides = array<i32>} : memref<80xi32, #tpu.memory_space<vmem>>, vector<16xi32>,
    %add3A_904 = arith.constant 80000 : i32
    %add3A_905 = vector.broadcast %add3A_904 : i32 to vector<16xi32>
    %add3A_906 = arith.addi %add3A_894, %add3A_905 : vector<16xi32>
    %swap3A_907 = arith.constant 64 : index
    %swap3A_908 = tpu.vector_load %arg14[%swap3A_907] {strides = array<i32>} : memref<80xi32, #tpu.memory_space<vmem>>, vector<16xi32>,
    %swap3A_909 = vector.shape_cast %swap3A_908 : vector<16xi32> to vector<16xi32>
    %swap3A_910 = vector.shape_cast %add3A_906 : vector<16xi32> to vector<16xi32>
    tpu.vector_store %arg14[%swap3A_907], %swap3A_910 {strides = array<i32>} : memref<80xi32, #tpu.memory_space<vmem>>, vector<16xi32>,
    %swap3A_911 = arith.constant 64 : index
    %swap3A_912 = tpu.vector_load %arg17[%swap3A_911] {strides = array<i32>} : memref<80xi32, #tpu.memory_space<vmem>>, vector<16xi32>,
    %swap3A_913 = vector.shape_cast %swap3A_912 : vector<16xi32> to vector<16xi32>
    %swap3A_914 = vector.shape_cast %and3A_887 : vector<16xi32> to vector<16xi32>
    tpu.vector_store %arg17[%swap3A_911], %swap3A_914 {strides = array<i32>} : memref<80xi32, #tpu.memory_space<vmem>>, vector<16xi32>,
    %dma_start3A_915 = arith.constant 0 : i32
    %dma_start3A_916 = arith.constant 0 : i32
    %dma_start3A_917 = tpu.memref_slice %arg2[%dma_start3A_915, %dma_start3A_916] : memref<80000x128xf32, #tpu.memory_space<hbm>> -> memref<80000x128xf32, #tpu.memory_space<hbm>>
    tpu.enqueue_indirect_dma source(%dma_start3A_917 : memref<80000x128xf32, #tpu.memory_space<hbm>>) target(%arg29 : memref<80x128xf32, #tpu.memory_space<vmem>>) offsets(%arg8 : memref<80xi32, #tpu.memory_space<vmem>>) semaphore(%arg33 : memref<!tpu.dma_semaphore, #tpu.memory_space<semaphore_mem>>)
    %dma_start3A_918 = arith.constant 0 : i32
    %dma_start3A_919 = tpu.memref_slice %arg4[%dma_start3A_918] : memref<160000xf32, #tpu.memory_space<hbm>> -> memref<160000xf32, #tpu.memory_space<hbm>>
    tpu.enqueue_indirect_dma source(%dma_start3A_919 : memref<160000xf32, #tpu.memory_space<hbm>>) target(%arg20 : memref<80xf32, #tpu.memory_space<vmem>>) offsets(%arg11 : memref<80xi32, #tpu.memory_space<vmem>>) semaphore(%arg36 : memref<!tpu.dma_semaphore, #tpu.memory_space<semaphore_mem>>)
    %dma_start3A_920 = arith.constant 0 : i32
    %dma_start3A_921 = tpu.memref_slice %arg4[%dma_start3A_920] : memref<160000xf32, #tpu.memory_space<hbm>> -> memref<160000xf32, #tpu.memory_space<hbm>>
    tpu.enqueue_indirect_dma source(%dma_start3A_921 : memref<160000xf32, #tpu.memory_space<hbm>>) target(%arg23 : memref<80xf32, #tpu.memory_space<vmem>>) offsets(%arg14 : memref<80xi32, #tpu.memory_space<vmem>>) semaphore(%arg39 : memref<!tpu.dma_semaphore, #tpu.memory_space<semaphore_mem>>)
    %dma_wait3A_922 = arith.constant 0 : i32
    %dma_wait3A_923 = tpu.memref_slice %arg4[%dma_wait3A_922] : memref<160000xf32, #tpu.memory_space<hbm>> -> memref<160000xf32, #tpu.memory_space<hbm>>
    tpu.wait_indirect_dma semaphore(%arg38 : memref<!tpu.dma_semaphore, #tpu.memory_space<semaphore_mem>>) src(%dma_wait3A_923 : memref<160000xf32, #tpu.memory_space<hbm>>) dst(%arg22 : memref<80xf32, #tpu.memory_space<vmem>>)
    %dma_wait3A_924 = arith.constant 0 : i32
    %dma_wait3A_925 = tpu.memref_slice %arg4[%dma_wait3A_924] : memref<160000xf32, #tpu.memory_space<hbm>> -> memref<160000xf32, #tpu.memory_space<hbm>>
    tpu.wait_indirect_dma semaphore(%arg41 : memref<!tpu.dma_semaphore, #tpu.memory_space<semaphore_mem>>) src(%dma_wait3A_925 : memref<160000xf32, #tpu.memory_space<hbm>>) dst(%arg25 : memref<80xf32, #tpu.memory_space<vmem>>)
    %get3A_926 = arith.constant 0 : index
    %get3A_927 = tpu.vector_load %arg22[%get3A_926] {strides = array<i32>} : memref<80xf32, #tpu.memory_space<vmem>>, vector<16xf32>,
    %get3A_928 = arith.constant 0 : index
    %get3A_929 = tpu.vector_load %arg25[%get3A_928] {strides = array<i32>} : memref<80xf32, #tpu.memory_space<vmem>>, vector<16xf32>,
    %add3A_930 = arith.addf %get3A_927, %get3A_929 : vector<16xf32>
    %div3A_931 = arith.constant 1.000000e+00 : f32
    %div3A_932 = vector.broadcast %div3A_931 : f32 to vector<16xf32>
    %div3A_933 = arith.divf %div3A_932, %add3A_930 : vector<16xf32>
    %swap3A_934 = arith.constant 0 : index
    %swap3A_935 = tpu.vector_load %arg28[%swap3A_934] {strides = array<i32>} : memref<80xf32, #tpu.memory_space<vmem>>, vector<16xf32>,
    tpu.vector_store %arg28[%swap3A_934], %div3A_933 {strides = array<i32>} : memref<80xf32, #tpu.memory_space<vmem>>, vector<16xf32>,
    %get3A_936 = arith.constant 16 : index
    %get3A_937 = tpu.vector_load %arg22[%get3A_936] {strides = array<i32>} : memref<80xf32, #tpu.memory_space<vmem>>, vector<16xf32>,
    %get3A_938 = arith.constant 16 : index
    %get3A_939 = tpu.vector_load %arg25[%get3A_938] {strides = array<i32>} : memref<80xf32, #tpu.memory_space<vmem>>, vector<16xf32>,
    %add3A_940 = arith.addf %get3A_937, %get3A_939 : vector<16xf32>
    %div3A_941 = arith.constant 1.000000e+00 : f32
    %div3A_942 = vector.broadcast %div3A_941 : f32 to vector<16xf32>
    %div3A_943 = arith.divf %div3A_942, %add3A_940 : vector<16xf32>
    %swap3A_944 = arith.constant 16 : index
    %swap3A_945 = tpu.vector_load %arg28[%swap3A_944] {strides = array<i32>} : memref<80xf32, #tpu.memory_space<vmem>>, vector<16xf32>,
    tpu.vector_store %arg28[%swap3A_944], %div3A_943 {strides = array<i32>} : memref<80xf32, #tpu.memory_space<vmem>>, vector<16xf32>,
    %get3A_946 = arith.constant 32 : index
    %get3A_947 = tpu.vector_load %arg22[%get3A_946] {strides = array<i32>} : memref<80xf32, #tpu.memory_space<vmem>>, vector<16xf32>,
    %get3A_948 = arith.constant 32 : index
    %get3A_949 = tpu.vector_load %arg25[%get3A_948] {strides = array<i32>} : memref<80xf32, #tpu.memory_space<vmem>>, vector<16xf32>,
    %add3A_950 = arith.addf %get3A_947, %get3A_949 : vector<16xf32>
    %div3A_951 = arith.constant 1.000000e+00 : f32
    %div3A_952 = vector.broadcast %div3A_951 : f32 to vector<16xf32>
    %div3A_953 = arith.divf %div3A_952, %add3A_950 : vector<16xf32>
    %swap3A_954 = arith.constant 32 : index
    %swap3A_955 = tpu.vector_load %arg28[%swap3A_954] {strides = array<i32>} : memref<80xf32, #tpu.memory_space<vmem>>, vector<16xf32>,
    tpu.vector_store %arg28[%swap3A_954], %div3A_953 {strides = array<i32>} : memref<80xf32, #tpu.memory_space<vmem>>, vector<16xf32>,
    %get3A_956 = arith.constant 48 : index
    %get3A_957 = tpu.vector_load %arg22[%get3A_956] {strides = array<i32>} : memref<80xf32, #tpu.memory_space<vmem>>, vector<16xf32>,
    %get3A_958 = arith.constant 48 : index
    %get3A_959 = tpu.vector_load %arg25[%get3A_958] {strides = array<i32>} : memref<80xf32, #tpu.memory_space<vmem>>, vector<16xf32>,
    %add3A_960 = arith.addf %get3A_957, %get3A_959 : vector<16xf32>
    %div3A_961 = arith.constant 1.000000e+00 : f32
    %div3A_962 = vector.broadcast %div3A_961 : f32 to vector<16xf32>
    %div3A_963 = arith.divf %div3A_962, %add3A_960 : vector<16xf32>
    %swap3A_964 = arith.constant 48 : index
    %swap3A_965 = tpu.vector_load %arg28[%swap3A_964] {strides = array<i32>} : memref<80xf32, #tpu.memory_space<vmem>>, vector<16xf32>,
    tpu.vector_store %arg28[%swap3A_964], %div3A_963 {strides = array<i32>} : memref<80xf32, #tpu.memory_space<vmem>>, vector<16xf32>,
    %get3A_966 = arith.constant 64 : index
    %get3A_967 = tpu.vector_load %arg22[%get3A_966] {strides = array<i32>} : memref<80xf32, #tpu.memory_space<vmem>>, vector<16xf32>,
    %get3A_968 = arith.constant 64 : index
    %get3A_969 = tpu.vector_load %arg25[%get3A_968] {strides = array<i32>} : memref<80xf32, #tpu.memory_space<vmem>>, vector<16xf32>,
    %add3A_970 = arith.addf %get3A_967, %get3A_969 : vector<16xf32>
    %div3A_971 = arith.constant 1.000000e+00 : f32
    %div3A_972 = vector.broadcast %div3A_971 : f32 to vector<16xf32>
    %div3A_973 = arith.divf %div3A_972, %add3A_970 : vector<16xf32>
    %swap3A_974 = arith.constant 64 : index
    %swap3A_975 = tpu.vector_load %arg28[%swap3A_974] {strides = array<i32>} : memref<80xf32, #tpu.memory_space<vmem>>, vector<16xf32>,
    tpu.vector_store %arg28[%swap3A_974], %div3A_973 {strides = array<i32>} : memref<80xf32, #tpu.memory_space<vmem>>, vector<16xf32>,
    %dma_wait3A_976 = arith.constant 0 : i32
    %dma_wait3A_977 = arith.constant 0 : i32
    %dma_wait3A_978 = tpu.memref_slice %arg2[%dma_wait3A_976, %dma_wait3A_977] : memref<80000x128xf32, #tpu.memory_space<hbm>> -> memref<80000x128xf32, #tpu.memory_space<hbm>>
    tpu.wait_indirect_dma semaphore(%arg35 : memref<!tpu.dma_semaphore, #tpu.memory_space<semaphore_mem>>) src(%dma_wait3A_978 : memref<80000x128xf32, #tpu.memory_space<hbm>>) dst(%arg31 : memref<80x128xf32, #tpu.memory_space<vmem>>)
    %scan3A_979 = arith.constant 0 : i32
    %scan3A_980 = arith.constant 80 : i32
    %scan3A_981 = arith.addi %scan3A_979, %scan3A_980 : i32
    %scan3A_982 = arith.constant 1 : i32
    scf.for %scan3A_1343 = %scan3A_979 to %scan3A_981 step %scan3A_982  : i32 {
      %mul3A_1344 = arith.constant 1 : i32
      %mul3A_1345 = arith.muli %scan3A_1343, %mul3A_1344 : i32
      %add3A_1346 = arith.constant 0 : i32
      %add3A_1347 = arith.addi %add3A_1346, %mul3A_1345 : i32
      %broadcast_in_dim3A = vector.broadcast %add3A_1347 : i32 to vector<16xi32>
      %gather3A = tpu.vector_load_idx %arg28[%broadcast_in_dim3A] : memref<80xf32, #tpu.memory_space<vmem>>[vector<16xi32>], vector<16xf32>,
      %get3A_1348 = arith.index_cast %add3A_1347 : i32 to index
      %get3A_1349 = arith.constant 0 : index
      %get3A_1350 = tpu.vector_load %arg31[%get3A_1348, %get3A_1349] {strides = array<i32>} : memref<80x128xf32, #tpu.memory_space<vmem>>, vector<16xf32>,
      %mul3A_1351 = arith.mulf %get3A_1350, %gather3A : vector<16xf32>
      %swap3A_1352 = arith.index_cast %add3A_1347 : i32 to index
      %swap3A_1353 = arith.constant 0 : index
      %swap3A_1354 = tpu.vector_load %arg31[%swap3A_1352, %swap3A_1353] {strides = array<i32>} : memref<80x128xf32, #tpu.memory_space<vmem>>, vector<16xf32>,
      tpu.vector_store %arg31[%swap3A_1352, %swap3A_1353], %mul3A_1351 {strides = array<i32>} : memref<80x128xf32, #tpu.memory_space<vmem>>, vector<16xf32>,
      %get3A_1355 = arith.index_cast %add3A_1347 : i32 to index
      %get3A_1356 = arith.constant 16 : index
      %get3A_1357 = tpu.vector_load %arg31[%get3A_1355, %get3A_1356] {strides = array<i32>} : memref<80x128xf32, #tpu.memory_space<vmem>>, vector<16xf32>,
      %mul3A_1358 = arith.mulf %get3A_1357, %gather3A : vector<16xf32>
      %swap3A_1359 = arith.index_cast %add3A_1347 : i32 to index
      %swap3A_1360 = arith.constant 16 : index
      %swap3A_1361 = tpu.vector_load %arg31[%swap3A_1359, %swap3A_1360] {strides = array<i32>} : memref<80x128xf32, #tpu.memory_space<vmem>>, vector<16xf32>,
      tpu.vector_store %arg31[%swap3A_1359, %swap3A_1360], %mul3A_1358 {strides = array<i32>} : memref<80x128xf32, #tpu.memory_space<vmem>>, vector<16xf32>,
      %get3A_1362 = arith.index_cast %add3A_1347 : i32 to index
      %get3A_1363 = arith.constant 32 : index
      %get3A_1364 = tpu.vector_load %arg31[%get3A_1362, %get3A_1363] {strides = array<i32>} : memref<80x128xf32, #tpu.memory_space<vmem>>, vector<16xf32>,
      %mul3A_1365 = arith.mulf %get3A_1364, %gather3A : vector<16xf32>
      %swap3A_1366 = arith.index_cast %add3A_1347 : i32 to index
      %swap3A_1367 = arith.constant 32 : index
      %swap3A_1368 = tpu.vector_load %arg31[%swap3A_1366, %swap3A_1367] {strides = array<i32>} : memref<80x128xf32, #tpu.memory_space<vmem>>, vector<16xf32>,
      tpu.vector_store %arg31[%swap3A_1366, %swap3A_1367], %mul3A_1365 {strides = array<i32>} : memref<80x128xf32, #tpu.memory_space<vmem>>, vector<16xf32>,
      %get3A_1369 = arith.index_cast %add3A_1347 : i32 to index
      %get3A_1370 = arith.constant 48 : index
      %get3A_1371 = tpu.vector_load %arg31[%get3A_1369, %get3A_1370] {strides = array<i32>} : memref<80x128xf32, #tpu.memory_space<vmem>>, vector<16xf32>,
      %mul3A_1372 = arith.mulf %get3A_1371, %gather3A : vector<16xf32>
      %swap3A_1373 = arith.index_cast %add3A_1347 : i32 to index
      %swap3A_1374 = arith.constant 48 : index
      %swap3A_1375 = tpu.vector_load %arg31[%swap3A_1373, %swap3A_1374] {strides = array<i32>} : memref<80x128xf32, #tpu.memory_space<vmem>>, vector<16xf32>,
      tpu.vector_store %arg31[%swap3A_1373, %swap3A_1374], %mul3A_1372 {strides = array<i32>} : memref<80x128xf32, #tpu.memory_space<vmem>>, vector<16xf32>,
      %get3A_1376 = arith.index_cast %add3A_1347 : i32 to index
      %get3A_1377 = arith.constant 64 : index
      %get3A_1378 = tpu.vector_load %arg31[%get3A_1376, %get3A_1377] {strides = array<i32>} : memref<80x128xf32, #tpu.memory_space<vmem>>, vector<16xf32>,
      %mul3A_1379 = arith.mulf %get3A_1378, %gather3A : vector<16xf32>
      %swap3A_1380 = arith.index_cast %add3A_1347 : i32 to index
      %swap3A_1381 = arith.constant 64 : index
      %swap3A_1382 = tpu.vector_load %arg31[%swap3A_1380, %swap3A_1381] {strides = array<i32>} : memref<80x128xf32, #tpu.memory_space<vmem>>, vector<16xf32>,
      tpu.vector_store %arg31[%swap3A_1380, %swap3A_1381], %mul3A_1379 {strides = array<i32>} : memref<80x128xf32, #tpu.memory_space<vmem>>, vector<16xf32>,
      %get3A_1383 = arith.index_cast %add3A_1347 : i32 to index
      %get3A_1384 = arith.constant 80 : index
      %get3A_1385 = tpu.vector_load %arg31[%get3A_1383, %get3A_1384] {strides = array<i32>} : memref<80x128xf32, #tpu.memory_space<vmem>>, vector<16xf32>,
      %mul3A_1386 = arith.mulf %get3A_1385, %gather3A : vector<16xf32>
      %swap3A_1387 = arith.index_cast %add3A_1347 : i32 to index
      %swap3A_1388 = arith.constant 80 : index
      %swap3A_1389 = tpu.vector_load %arg31[%swap3A_1387, %swap3A_1388] {strides = array<i32>} : memref<80x128xf32, #tpu.memory_space<vmem>>, vector<16xf32>,
      tpu.vector_store %arg31[%swap3A_1387, %swap3A_1388], %mul3A_1386 {strides = array<i32>} : memref<80x128xf32, #tpu.memory_space<vmem>>, vector<16xf32>,
      %get3A_1390 = arith.index_cast %add3A_1347 : i32 to index
      %get3A_1391 = arith.constant 96 : index
      %get3A_1392 = tpu.vector_load %arg31[%get3A_1390, %get3A_1391] {strides = array<i32>} : memref<80x128xf32, #tpu.memory_space<vmem>>, vector<16xf32>,
      %mul3A_1393 = arith.mulf %get3A_1392, %gather3A : vector<16xf32>
      %swap3A_1394 = arith.index_cast %add3A_1347 : i32 to index
      %swap3A_1395 = arith.constant 96 : index
      %swap3A_1396 = tpu.vector_load %arg31[%swap3A_1394, %swap3A_1395] {strides = array<i32>} : memref<80x128xf32, #tpu.memory_space<vmem>>, vector<16xf32>,
      tpu.vector_store %arg31[%swap3A_1394, %swap3A_1395], %mul3A_1393 {strides = array<i32>} : memref<80x128xf32, #tpu.memory_space<vmem>>, vector<16xf32>,
      %get3A_1397 = arith.index_cast %add3A_1347 : i32 to index
      %get3A_1398 = arith.constant 112 : index
      %get3A_1399 = tpu.vector_load %arg31[%get3A_1397, %get3A_1398] {strides = array<i32>} : memref<80x128xf32, #tpu.memory_space<vmem>>, vector<16xf32>,
      %mul3A_1400 = arith.mulf %get3A_1399, %gather3A : vector<16xf32>
      %swap3A_1401 = arith.index_cast %add3A_1347 : i32 to index
      %swap3A_1402 = arith.constant 112 : index
      %swap3A_1403 = tpu.vector_load %arg31[%swap3A_1401, %swap3A_1402] {strides = array<i32>} : memref<80x128xf32, #tpu.memory_space<vmem>>, vector<16xf32>,
      tpu.vector_store %arg31[%swap3A_1401, %swap3A_1402], %mul3A_1400 {strides = array<i32>} : memref<80x128xf32, #tpu.memory_space<vmem>>, vector<16xf32>,
    }
    %scan3A_983 = arith.constant 80 : i32
    %dma_start3A_984 = arith.constant 0 : i32
    %dma_start3A_985 = arith.constant 0 : i32
    %dma_start3A_986 = tpu.memref_slice %arg32[%dma_start3A_984, %dma_start3A_985] : memref<10000x128xf32, #tpu.memory_space<vmem_shared>> -> memref<10000x128xf32, #tpu.memory_space<vmem_shared>>
    tpu.enqueue_indirect_dma source(%arg31 : memref<80x128xf32, #tpu.memory_space<vmem>>) target(%dma_start3A_986 : memref<10000x128xf32, #tpu.memory_space<vmem_shared>>) offsets(%arg19 : memref<80xi32, #tpu.memory_space<vmem>>) semaphore(%arg44 : memref<!tpu.dma_semaphore, #tpu.memory_space<semaphore_mem>>) {add = true}
    %dma_wait3A_987 = arith.constant 0 : i32
    %dma_wait3A_988 = arith.constant 0 : i32
    %dma_wait3A_989 = tpu.memref_slice %arg32[%dma_wait3A_987, %dma_wait3A_988] : memref<10000x128xf32, #tpu.memory_space<vmem_shared>> -> memref<10000x128xf32, #tpu.memory_space<vmem_shared>>
    tpu.wait_indirect_dma semaphore(%arg43 : memref<!tpu.dma_semaphore, #tpu.memory_space<semaphore_mem>>) src(%arg30 : memref<80x128xf32, #tpu.memory_space<vmem>>) dst(%dma_wait3A_989 : memref<10000x128xf32, #tpu.memory_space<vmem_shared>>)
    %get3A_990 = arith.constant 320 : index
    %get3A_991 = tpu.vector_load %arg7[%get3A_990] {strides = array<i32>} : memref<10000xi32, #tpu.memory_space<vmem>>, vector<16xi32>,
    %and3A_992 = arith.constant 16383 : i32
    %and3A_993 = vector.broadcast %and3A_992 : i32 to vector<16xi32>
    %and3A_994 = arith.andi %get3A_991, %and3A_993 : vector<16xi32>
    %shift_right_logical3A_995 = arith.constant 14 : i32
    %shift_right_logical3A_996 = vector.broadcast %shift_right_logical3A_995 : i32 to vector<16xi32>
    %shift_right_logical3A_997 = arith.shrui %get3A_991, %shift_right_logical3A_996 : vector<16xi32>
    %and3A_998 = arith.constant 16383 : i32
    %and3A_999 = vector.broadcast %and3A_998 : i32 to vector<16xi32>
    %and3A_1000 = arith.andi %shift_right_logical3A_997, %and3A_999 : vector<16xi32>
    %shift_right_logical3A_1001 = arith.constant 28 : i32
    %shift_right_logical3A_1002 = vector.broadcast %shift_right_logical3A_1001 : i32 to vector<16xi32>
    %shift_right_logical3A_1003 = arith.shrui %get3A_991, %shift_right_logical3A_1002 : vector<16xi32>
    %mul3A_1004 = arith.constant 10000 : i32
    %mul3A_1005 = vector.broadcast %mul3A_1004 : i32 to vector<16xi32>
    %mul3A_1006 = arith.muli %shift_right_logical3A_1003, %mul3A_1005 : vector<16xi32>
    %add3A_1007 = arith.addi %mul3A_1006, %and3A_1000 : vector<16xi32>
    %add3A_1008 = arith.addi %mul3A_1006, %and3A_994 : vector<16xi32>
    %swap3A_1009 = arith.constant 0 : index
    %swap3A_1010 = tpu.vector_load %arg9[%swap3A_1009] {strides = array<i32>} : memref<80xi32, #tpu.memory_space<vmem>>, vector<16xi32>,
    %swap3A_1011 = vector.shape_cast %swap3A_1010 : vector<16xi32> to vector<16xi32>
    %swap3A_1012 = vector.shape_cast %add3A_1008 : vector<16xi32> to vector<16xi32>
    tpu.vector_store %arg9[%swap3A_1009], %swap3A_1012 {strides = array<i32>} : memref<80xi32, #tpu.memory_space<vmem>>, vector<16xi32>,
    %swap3A_1013 = arith.constant 0 : index
    %swap3A_1014 = tpu.vector_load %arg12[%swap3A_1013] {strides = array<i32>} : memref<80xi32, #tpu.memory_space<vmem>>, vector<16xi32>,
    %swap3A_1015 = vector.shape_cast %swap3A_1014 : vector<16xi32> to vector<16xi32>
    %swap3A_1016 = vector.shape_cast %add3A_1007 : vector<16xi32> to vector<16xi32>
    tpu.vector_store %arg12[%swap3A_1013], %swap3A_1016 {strides = array<i32>} : memref<80xi32, #tpu.memory_space<vmem>>, vector<16xi32>,
    %add3A_1017 = arith.constant 80000 : i32
    %add3A_1018 = vector.broadcast %add3A_1017 : i32 to vector<16xi32>
    %add3A_1019 = arith.addi %add3A_1007, %add3A_1018 : vector<16xi32>
    %swap3A_1020 = arith.constant 0 : index
    %swap3A_1021 = tpu.vector_load %arg15[%swap3A_1020] {strides = array<i32>} : memref<80xi32, #tpu.memory_space<vmem>>, vector<16xi32>,
    %swap3A_1022 = vector.shape_cast %swap3A_1021 : vector<16xi32> to vector<16xi32>
    %swap3A_1023 = vector.shape_cast %add3A_1019 : vector<16xi32> to vector<16xi32>
    tpu.vector_store %arg15[%swap3A_1020], %swap3A_1023 {strides = array<i32>} : memref<80xi32, #tpu.memory_space<vmem>>, vector<16xi32>,
    %swap3A_1024 = arith.constant 0 : index
    %swap3A_1025 = tpu.vector_load %arg18[%swap3A_1024] {strides = array<i32>} : memref<80xi32, #tpu.memory_space<vmem>>, vector<16xi32>,
    %swap3A_1026 = vector.shape_cast %swap3A_1025 : vector<16xi32> to vector<16xi32>
    %swap3A_1027 = vector.shape_cast %and3A_1000 : vector<16xi32> to vector<16xi32>
    tpu.vector_store %arg18[%swap3A_1024], %swap3A_1027 {strides = array<i32>} : memref<80xi32, #tpu.memory_space<vmem>>, vector<16xi32>,
    %get3A_1028 = arith.constant 336 : index
    %get3A_1029 = tpu.vector_load %arg7[%get3A_1028] {strides = array<i32>} : memref<10000xi32, #tpu.memory_space<vmem>>, vector<16xi32>,
    %and3A_1030 = arith.constant 16383 : i32
    %and3A_1031 = vector.broadcast %and3A_1030 : i32 to vector<16xi32>
    %and3A_1032 = arith.andi %get3A_1029, %and3A_1031 : vector<16xi32>
    %shift_right_logical3A_1033 = arith.constant 14 : i32
    %shift_right_logical3A_1034 = vector.broadcast %shift_right_logical3A_1033 : i32 to vector<16xi32>
    %shift_right_logical3A_1035 = arith.shrui %get3A_1029, %shift_right_logical3A_1034 : vector<16xi32>
    %and3A_1036 = arith.constant 16383 : i32
    %and3A_1037 = vector.broadcast %and3A_1036 : i32 to vector<16xi32>
    %and3A_1038 = arith.andi %shift_right_logical3A_1035, %and3A_1037 : vector<16xi32>
    %shift_right_logical3A_1039 = arith.constant 28 : i32
    %shift_right_logical3A_1040 = vector.broadcast %shift_right_logical3A_1039 : i32 to vector<16xi32>
    %shift_right_logical3A_1041 = arith.shrui %get3A_1029, %shift_right_logical3A_1040 : vector<16xi32>
    %mul3A_1042 = arith.constant 10000 : i32
    %mul3A_1043 = vector.broadcast %mul3A_1042 : i32 to vector<16xi32>
    %mul3A_1044 = arith.muli %shift_right_logical3A_1041, %mul3A_1043 : vector<16xi32>
    %add3A_1045 = arith.addi %mul3A_1044, %and3A_1038 : vector<16xi32>
    %add3A_1046 = arith.addi %mul3A_1044, %and3A_1032 : vector<16xi32>
    %swap3A_1047 = arith.constant 16 : index
    %swap3A_1048 = tpu.vector_load %arg9[%swap3A_1047] {strides = array<i32>} : memref<80xi32, #tpu.memory_space<vmem>>, vector<16xi32>,
    %swap3A_1049 = vector.shape_cast %swap3A_1048 : vector<16xi32> to vector<16xi32>
    %swap3A_1050 = vector.shape_cast %add3A_1046 : vector<16xi32> to vector<16xi32>
    tpu.vector_store %arg9[%swap3A_1047], %swap3A_1050 {strides = array<i32>} : memref<80xi32, #tpu.memory_space<vmem>>, vector<16xi32>,
    %swap3A_1051 = arith.constant 16 : index
    %swap3A_1052 = tpu.vector_load %arg12[%swap3A_1051] {strides = array<i32>} : memref<80xi32, #tpu.memory_space<vmem>>, vector<16xi32>,
    %swap3A_1053 = vector.shape_cast %swap3A_1052 : vector<16xi32> to vector<16xi32>
    %swap3A_1054 = vector.shape_cast %add3A_1045 : vector<16xi32> to vector<16xi32>
    tpu.vector_store %arg12[%swap3A_1051], %swap3A_1054 {strides = array<i32>} : memref<80xi32, #tpu.memory_space<vmem>>, vector<16xi32>,
    %add3A_1055 = arith.constant 80000 : i32
    %add3A_1056 = vector.broadcast %add3A_1055 : i32 to vector<16xi32>
    %add3A_1057 = arith.addi %add3A_1045, %add3A_1056 : vector<16xi32>
    %swap3A_1058 = arith.constant 16 : index
    %swap3A_1059 = tpu.vector_load %arg15[%swap3A_1058] {strides = array<i32>} : memref<80xi32, #tpu.memory_space<vmem>>, vector<16xi32>,
    %swap3A_1060 = vector.shape_cast %swap3A_1059 : vector<16xi32> to vector<16xi32>
    %swap3A_1061 = vector.shape_cast %add3A_1057 : vector<16xi32> to vector<16xi32>
    tpu.vector_store %arg15[%swap3A_1058], %swap3A_1061 {strides = array<i32>} : memref<80xi32, #tpu.memory_space<vmem>>, vector<16xi32>,
    %swap3A_1062 = arith.constant 16 : index
    %swap3A_1063 = tpu.vector_load %arg18[%swap3A_1062] {strides = array<i32>} : memref<80xi32, #tpu.memory_space<vmem>>, vector<16xi32>,
    %swap3A_1064 = vector.shape_cast %swap3A_1063 : vector<16xi32> to vector<16xi32>
    %swap3A_1065 = vector.shape_cast %and3A_1038 : vector<16xi32> to vector<16xi32>
    tpu.vector_store %arg18[%swap3A_1062], %swap3A_1065 {strides = array<i32>} : memref<80xi32, #tpu.memory_space<vmem>>, vector<16xi32>,
    %get3A_1066 = arith.constant 352 : index
    %get3A_1067 = tpu.vector_load %arg7[%get3A_1066] {strides = array<i32>} : memref<10000xi32, #tpu.memory_space<vmem>>, vector<16xi32>,
    %and3A_1068 = arith.constant 16383 : i32
    %and3A_1069 = vector.broadcast %and3A_1068 : i32 to vector<16xi32>
    %and3A_1070 = arith.andi %get3A_1067, %and3A_1069 : vector<16xi32>
    %shift_right_logical3A_1071 = arith.constant 14 : i32
    %shift_right_logical3A_1072 = vector.broadcast %shift_right_logical3A_1071 : i32 to vector<16xi32>
    %shift_right_logical3A_1073 = arith.shrui %get3A_1067, %shift_right_logical3A_1072 : vector<16xi32>
    %and3A_1074 = arith.constant 16383 : i32
    %and3A_1075 = vector.broadcast %and3A_1074 : i32 to vector<16xi32>
    %and3A_1076 = arith.andi %shift_right_logical3A_1073, %and3A_1075 : vector<16xi32>
    %shift_right_logical3A_1077 = arith.constant 28 : i32
    %shift_right_logical3A_1078 = vector.broadcast %shift_right_logical3A_1077 : i32 to vector<16xi32>
    %shift_right_logical3A_1079 = arith.shrui %get3A_1067, %shift_right_logical3A_1078 : vector<16xi32>
    %mul3A_1080 = arith.constant 10000 : i32
    %mul3A_1081 = vector.broadcast %mul3A_1080 : i32 to vector<16xi32>
    %mul3A_1082 = arith.muli %shift_right_logical3A_1079, %mul3A_1081 : vector<16xi32>
    %add3A_1083 = arith.addi %mul3A_1082, %and3A_1076 : vector<16xi32>
    %add3A_1084 = arith.addi %mul3A_1082, %and3A_1070 : vector<16xi32>
    %swap3A_1085 = arith.constant 32 : index
    %swap3A_1086 = tpu.vector_load %arg9[%swap3A_1085] {strides = array<i32>} : memref<80xi32, #tpu.memory_space<vmem>>, vector<16xi32>,
    %swap3A_1087 = vector.shape_cast %swap3A_1086 : vector<16xi32> to vector<16xi32>
    %swap3A_1088 = vector.shape_cast %add3A_1084 : vector<16xi32> to vector<16xi32>
    tpu.vector_store %arg9[%swap3A_1085], %swap3A_1088 {strides = array<i32>} : memref<80xi32, #tpu.memory_space<vmem>>, vector<16xi32>,
    %swap3A_1089 = arith.constant 32 : index
    %swap3A_1090 = tpu.vector_load %arg12[%swap3A_1089] {strides = array<i32>} : memref<80xi32, #tpu.memory_space<vmem>>, vector<16xi32>,
    %swap3A_1091 = vector.shape_cast %swap3A_1090 : vector<16xi32> to vector<16xi32>
    %swap3A_1092 = vector.shape_cast %add3A_1083 : vector<16xi32> to vector<16xi32>
    tpu.vector_store %arg12[%swap3A_1089], %swap3A_1092 {strides = array<i32>} : memref<80xi32, #tpu.memory_space<vmem>>, vector<16xi32>,
    %add3A_1093 = arith.constant 80000 : i32
    %add3A_1094 = vector.broadcast %add3A_1093 : i32 to vector<16xi32>
    %add3A_1095 = arith.addi %add3A_1083, %add3A_1094 : vector<16xi32>
    %swap3A_1096 = arith.constant 32 : index
    %swap3A_1097 = tpu.vector_load %arg15[%swap3A_1096] {strides = array<i32>} : memref<80xi32, #tpu.memory_space<vmem>>, vector<16xi32>,
    %swap3A_1098 = vector.shape_cast %swap3A_1097 : vector<16xi32> to vector<16xi32>
    %swap3A_1099 = vector.shape_cast %add3A_1095 : vector<16xi32> to vector<16xi32>
    tpu.vector_store %arg15[%swap3A_1096], %swap3A_1099 {strides = array<i32>} : memref<80xi32, #tpu.memory_space<vmem>>, vector<16xi32>,
    %swap3A_1100 = arith.constant 32 : index
    %swap3A_1101 = tpu.vector_load %arg18[%swap3A_1100] {strides = array<i32>} : memref<80xi32, #tpu.memory_space<vmem>>, vector<16xi32>,
    %swap3A_1102 = vector.shape_cast %swap3A_1101 : vector<16xi32> to vector<16xi32>
    %swap3A_1103 = vector.shape_cast %and3A_1076 : vector<16xi32> to vector<16xi32>
    tpu.vector_store %arg18[%swap3A_1100], %swap3A_1103 {strides = array<i32>} : memref<80xi32, #tpu.memory_space<vmem>>, vector<16xi32>,
    %get3A_1104 = arith.constant 368 : index
    %get3A_1105 = tpu.vector_load %arg7[%get3A_1104] {strides = array<i32>} : memref<10000xi32, #tpu.memory_space<vmem>>, vector<16xi32>,
    %and3A_1106 = arith.constant 16383 : i32
    %and3A_1107 = vector.broadcast %and3A_1106 : i32 to vector<16xi32>
    %and3A_1108 = arith.andi %get3A_1105, %and3A_1107 : vector<16xi32>
    %shift_right_logical3A_1109 = arith.constant 14 : i32
    %shift_right_logical3A_1110 = vector.broadcast %shift_right_logical3A_1109 : i32 to vector<16xi32>
    %shift_right_logical3A_1111 = arith.shrui %get3A_1105, %shift_right_logical3A_1110 : vector<16xi32>
    %and3A_1112 = arith.constant 16383 : i32
    %and3A_1113 = vector.broadcast %and3A_1112 : i32 to vector<16xi32>
    %and3A_1114 = arith.andi %shift_right_logical3A_1111, %and3A_1113 : vector<16xi32>
    %shift_right_logical3A_1115 = arith.constant 28 : i32
    %shift_right_logical3A_1116 = vector.broadcast %shift_right_logical3A_1115 : i32 to vector<16xi32>
    %shift_right_logical3A_1117 = arith.shrui %get3A_1105, %shift_right_logical3A_1116 : vector<16xi32>
    %mul3A_1118 = arith.constant 10000 : i32
    %mul3A_1119 = vector.broadcast %mul3A_1118 : i32 to vector<16xi32>
    %mul3A_1120 = arith.muli %shift_right_logical3A_1117, %mul3A_1119 : vector<16xi32>
    %add3A_1121 = arith.addi %mul3A_1120, %and3A_1114 : vector<16xi32>
    %add3A_1122 = arith.addi %mul3A_1120, %and3A_1108 : vector<16xi32>
    %swap3A_1123 = arith.constant 48 : index
    %swap3A_1124 = tpu.vector_load %arg9[%swap3A_1123] {strides = array<i32>} : memref<80xi32, #tpu.memory_space<vmem>>, vector<16xi32>,
    %swap3A_1125 = vector.shape_cast %swap3A_1124 : vector<16xi32> to vector<16xi32>
    %swap3A_1126 = vector.shape_cast %add3A_1122 : vector<16xi32> to vector<16xi32>
    tpu.vector_store %arg9[%swap3A_1123], %swap3A_1126 {strides = array<i32>} : memref<80xi32, #tpu.memory_space<vmem>>, vector<16xi32>,
    %swap3A_1127 = arith.constant 48 : index
    %swap3A_1128 = tpu.vector_load %arg12[%swap3A_1127] {strides = array<i32>} : memref<80xi32, #tpu.memory_space<vmem>>, vector<16xi32>,
    %swap3A_1129 = vector.shape_cast %swap3A_1128 : vector<16xi32> to vector<16xi32>
    %swap3A_1130 = vector.shape_cast %add3A_1121 : vector<16xi32> to vector<16xi32>
    tpu.vector_store %arg12[%swap3A_1127], %swap3A_1130 {strides = array<i32>} : memref<80xi32, #tpu.memory_space<vmem>>, vector<16xi32>,
    %add3A_1131 = arith.constant 80000 : i32
    %add3A_1132 = vector.broadcast %add3A_1131 : i32 to vector<16xi32>
    %add3A_1133 = arith.addi %add3A_1121, %add3A_1132 : vector<16xi32>
    %swap3A_1134 = arith.constant 48 : index
    %swap3A_1135 = tpu.vector_load %arg15[%swap3A_1134] {strides = array<i32>} : memref<80xi32, #tpu.memory_space<vmem>>, vector<16xi32>,
    %swap3A_1136 = vector.shape_cast %swap3A_1135 : vector<16xi32> to vector<16xi32>
    %swap3A_1137 = vector.shape_cast %add3A_1133 : vector<16xi32> to vector<16xi32>
    tpu.vector_store %arg15[%swap3A_1134], %swap3A_1137 {strides = array<i32>} : memref<80xi32, #tpu.memory_space<vmem>>, vector<16xi32>,
    %swap3A_1138 = arith.constant 48 : index
    %swap3A_1139 = tpu.vector_load %arg18[%swap3A_1138] {strides = array<i32>} : memref<80xi32, #tpu.memory_space<vmem>>, vector<16xi32>,
    %swap3A_1140 = vector.shape_cast %swap3A_1139 : vector<16xi32> to vector<16xi32>
    %swap3A_1141 = vector.shape_cast %and3A_1114 : vector<16xi32> to vector<16xi32>
    tpu.vector_store %arg18[%swap3A_1138], %swap3A_1141 {strides = array<i32>} : memref<80xi32, #tpu.memory_space<vmem>>, vector<16xi32>,
    %get3A_1142 = arith.constant 384 : index
    %get3A_1143 = tpu.vector_load %arg7[%get3A_1142] {strides = array<i32>} : memref<10000xi32, #tpu.memory_space<vmem>>, vector<16xi32>,
    %and3A_1144 = arith.constant 16383 : i32
    %and3A_1145 = vector.broadcast %and3A_1144 : i32 to vector<16xi32>
    %and3A_1146 = arith.andi %get3A_1143, %and3A_1145 : vector<16xi32>
    %shift_right_logical3A_1147 = arith.constant 14 : i32
    %shift_right_logical3A_1148 = vector.broadcast %shift_right_logical3A_1147 : i32 to vector<16xi32>
    %shift_right_logical3A_1149 = arith.shrui %get3A_1143, %shift_right_logical3A_1148 : vector<16xi32>
    %and3A_1150 = arith.constant 16383 : i32
    %and3A_1151 = vector.broadcast %and3A_1150 : i32 to vector<16xi32>
    %and3A_1152 = arith.andi %shift_right_logical3A_1149, %and3A_1151 : vector<16xi32>
    %shift_right_logical3A_1153 = arith.constant 28 : i32
    %shift_right_logical3A_1154 = vector.broadcast %shift_right_logical3A_1153 : i32 to vector<16xi32>
    %shift_right_logical3A_1155 = arith.shrui %get3A_1143, %shift_right_logical3A_1154 : vector<16xi32>
    %mul3A_1156 = arith.constant 10000 : i32
    %mul3A_1157 = vector.broadcast %mul3A_1156 : i32 to vector<16xi32>
    %mul3A_1158 = arith.muli %shift_right_logical3A_1155, %mul3A_1157 : vector<16xi32>
    %add3A_1159 = arith.addi %mul3A_1158, %and3A_1152 : vector<16xi32>
    %add3A_1160 = arith.addi %mul3A_1158, %and3A_1146 : vector<16xi32>
    %swap3A_1161 = arith.constant 64 : index
    %swap3A_1162 = tpu.vector_load %arg9[%swap3A_1161] {strides = array<i32>} : memref<80xi32, #tpu.memory_space<vmem>>, vector<16xi32>,
    %swap3A_1163 = vector.shape_cast %swap3A_1162 : vector<16xi32> to vector<16xi32>
    %swap3A_1164 = vector.shape_cast %add3A_1160 : vector<16xi32> to vector<16xi32>
    tpu.vector_store %arg9[%swap3A_1161], %swap3A_1164 {strides = array<i32>} : memref<80xi32, #tpu.memory_space<vmem>>, vector<16xi32>,
    %swap3A_1165 = arith.constant 64 : index
    %swap3A_1166 = tpu.vector_load %arg12[%swap3A_1165] {strides = array<i32>} : memref<80xi32, #tpu.memory_space<vmem>>, vector<16xi32>,
    %swap3A_1167 = vector.shape_cast %swap3A_1166 : vector<16xi32> to vector<16xi32>
    %swap3A_1168 = vector.shape_cast %add3A_1159 : vector<16xi32> to vector<16xi32>
    tpu.vector_store %arg12[%swap3A_1165], %swap3A_1168 {strides = array<i32>} : memref<80xi32, #tpu.memory_space<vmem>>, vector<16xi32>,
    %add3A_1169 = arith.constant 80000 : i32
    %add3A_1170 = vector.broadcast %add3A_1169 : i32 to vector<16xi32>
    %add3A_1171 = arith.addi %add3A_1159, %add3A_1170 : vector<16xi32>
    %swap3A_1172 = arith.constant 64 : index
    %swap3A_1173 = tpu.vector_load %arg15[%swap3A_1172] {strides = array<i32>} : memref<80xi32, #tpu.memory_space<vmem>>, vector<16xi32>,
    %swap3A_1174 = vector.shape_cast %swap3A_1173 : vector<16xi32> to vector<16xi32>
    %swap3A_1175 = vector.shape_cast %add3A_1171 : vector<16xi32> to vector<16xi32>
    tpu.vector_store %arg15[%swap3A_1172], %swap3A_1175 {strides = array<i32>} : memref<80xi32, #tpu.memory_space<vmem>>, vector<16xi32>,
    %swap3A_1176 = arith.constant 64 : index
    %swap3A_1177 = tpu.vector_load %arg18[%swap3A_1176] {strides = array<i32>} : memref<80xi32, #tpu.memory_space<vmem>>, vector<16xi32>,
    %swap3A_1178 = vector.shape_cast %swap3A_1177 : vector<16xi32> to vector<16xi32>
    %swap3A_1179 = vector.shape_cast %and3A_1152 : vector<16xi32> to vector<16xi32>
    tpu.vector_store %arg18[%swap3A_1176], %swap3A_1179 {strides = array<i32>} : memref<80xi32, #tpu.memory_space<vmem>>, vector<16xi32>,
    %dma_start3A_1180 = arith.constant 0 : i32
    %dma_start3A_1181 = arith.constant 0 : i32
    %dma_start3A_1182 = tpu.memref_slice %arg2[%dma_start3A_1180, %dma_start3A_1181] : memref<80000x128xf32, #tpu.memory_space<hbm>> -> memref<80000x128xf32, #tpu.memory_space<hbm>>
    tpu.enqueue_indirect_dma source(%dma_start3A_1182 : memref<80000x128xf32, #tpu.memory_space<hbm>>) target(%arg30 : memref<80x128xf32, #tpu.memory_space<vmem>>) offsets(%arg9 : memref<80xi32, #tpu.memory_space<vmem>>) semaphore(%arg34 : memref<!tpu.dma_semaphore, #tpu.memory_space<semaphore_mem>>)
    %dma_start3A_1183 = arith.constant 0 : i32
    %dma_start3A_1184 = tpu.memref_slice %arg4[%dma_start3A_1183] : memref<160000xf32, #tpu.memory_space<hbm>> -> memref<160000xf32, #tpu.memory_space<hbm>>
    tpu.enqueue_indirect_dma source(%dma_start3A_1184 : memref<160000xf32, #tpu.memory_space<hbm>>) target(%arg21 : memref<80xf32, #tpu.memory_space<vmem>>) offsets(%arg12 : memref<80xi32, #tpu.memory_space<vmem>>) semaphore(%arg37 : memref<!tpu.dma_semaphore, #tpu.memory_space<semaphore_mem>>)
    %dma_start3A_1185 = arith.constant 0 : i32
    %dma_start3A_1186 = tpu.memref_slice %arg4[%dma_start3A_1185] : memref<160000xf32, #tpu.memory_space<hbm>> -> memref<160000xf32, #tpu.memory_space<hbm>>
    tpu.enqueue_indirect_dma source(%dma_start3A_1186 : memref<160000xf32, #tpu.memory_space<hbm>>) target(%arg24 : memref<80xf32, #tpu.memory_space<vmem>>) offsets(%arg15 : memref<80xi32, #tpu.memory_space<vmem>>) semaphore(%arg40 : memref<!tpu.dma_semaphore, #tpu.memory_space<semaphore_mem>>)
    %scan3A_1187 = arith.constant 0 : i32
    %scan3A_1188 = arith.constant 40 : i32
    %scan3A_1189 = arith.addi %scan3A_1187, %scan3A_1188 : i32
    %scan3A_1190 = arith.constant 1 : i32
    scf.for %scan3A_1343 = %scan3A_1187 to %scan3A_1189 step %scan3A_1190  : i32 {
      %mul3A_1344 = arith.constant 1 : i32
      %mul3A_1345 = arith.muli %scan3A_1343, %mul3A_1344 : i32
      %add3A_1346 = arith.constant 0 : i32
      %add3A_1347 = arith.addi %add3A_1346, %mul3A_1345 : i32
      %mul3A_1348 = arith.constant 3 : i32
      %mul3A_1349 = arith.muli %mul3A_1348, %add3A_1347 : i32
      %add3A_1350 = arith.constant 3 : i32
      %add3A_1351 = arith.addi %mul3A_1349, %add3A_1350 : i32
      %dma_wait3A_1352 = arith.constant 0 : i32
      %dma_wait3A_1353 = tpu.memref_slice %arg4[%dma_wait3A_1352] : memref<160000xf32, #tpu.memory_space<hbm>> -> memref<160000xf32, #tpu.memory_space<hbm>>
      tpu.wait_indirect_dma semaphore(%arg36 : memref<!tpu.dma_semaphore, #tpu.memory_space<semaphore_mem>>) src(%dma_wait3A_1353 : memref<160000xf32, #tpu.memory_space<hbm>>) dst(%arg20 : memref<80xf32, #tpu.memory_space<vmem>>)
      %dma_wait3A_1354 = arith.constant 0 : i32
      %dma_wait3A_1355 = tpu.memref_slice %arg4[%dma_wait3A_1354] : memref<160000xf32, #tpu.memory_space<hbm>> -> memref<160000xf32, #tpu.memory_space<hbm>>
      tpu.wait_indirect_dma semaphore(%arg39 : memref<!tpu.dma_semaphore, #tpu.memory_space<semaphore_mem>>) src(%dma_wait3A_1355 : memref<160000xf32, #tpu.memory_space<hbm>>) dst(%arg23 : memref<80xf32, #tpu.memory_space<vmem>>)
      %get3A_1356 = arith.constant 0 : index
      %get3A_1357 = tpu.vector_load %arg20[%get3A_1356] {strides = array<i32>} : memref<80xf32, #tpu.memory_space<vmem>>, vector<16xf32>,
      %get3A_1358 = arith.constant 0 : index
      %get3A_1359 = tpu.vector_load %arg23[%get3A_1358] {strides = array<i32>} : memref<80xf32, #tpu.memory_space<vmem>>, vector<16xf32>,
      %add3A_1360 = arith.addf %get3A_1357, %get3A_1359 : vector<16xf32>
      %div3A_1361 = arith.constant 1.000000e+00 : f32
      %div3A_1362 = vector.broadcast %div3A_1361 : f32 to vector<16xf32>
      %div3A_1363 = arith.divf %div3A_1362, %add3A_1360 : vector<16xf32>
      %swap3A_1364 = arith.constant 0 : index
      %swap3A_1365 = tpu.vector_load %arg26[%swap3A_1364] {strides = array<i32>} : memref<80xf32, #tpu.memory_space<vmem>>, vector<16xf32>,
      tpu.vector_store %arg26[%swap3A_1364], %div3A_1363 {strides = array<i32>} : memref<80xf32, #tpu.memory_space<vmem>>, vector<16xf32>,
      %get3A_1366 = arith.constant 16 : index
      %get3A_1367 = tpu.vector_load %arg20[%get3A_1366] {strides = array<i32>} : memref<80xf32, #tpu.memory_space<vmem>>, vector<16xf32>,
      %get3A_1368 = arith.constant 16 : index
      %get3A_1369 = tpu.vector_load %arg23[%get3A_1368] {strides = array<i32>} : memref<80xf32, #tpu.memory_space<vmem>>, vector<16xf32>,
      %add3A_1370 = arith.addf %get3A_1367, %get3A_1369 : vector<16xf32>
      %div3A_1371 = arith.constant 1.000000e+00 : f32
      %div3A_1372 = vector.broadcast %div3A_1371 : f32 to vector<16xf32>
      %div3A_1373 = arith.divf %div3A_1372, %add3A_1370 : vector<16xf32>
      %swap3A_1374 = arith.constant 16 : index
      %swap3A_1375 = tpu.vector_load %arg26[%swap3A_1374] {strides = array<i32>} : memref<80xf32, #tpu.memory_space<vmem>>, vector<16xf32>,
      tpu.vector_store %arg26[%swap3A_1374], %div3A_1373 {strides = array<i32>} : memref<80xf32, #tpu.memory_space<vmem>>, vector<16xf32>,
      %get3A_1376 = arith.constant 32 : index
      %get3A_1377 = tpu.vector_load %arg20[%get3A_1376] {strides = array<i32>} : memref<80xf32, #tpu.memory_space<vmem>>, vector<16xf32>,
      %get3A_1378 = arith.constant 32 : index
      %get3A_1379 = tpu.vector_load %arg23[%get3A_1378] {strides = array<i32>} : memref<80xf32, #tpu.memory_space<vmem>>, vector<16xf32>,
      %add3A_1380 = arith.addf %get3A_1377, %get3A_1379 : vector<16xf32>
      %div3A_1381 = arith.constant 1.000000e+00 : f32
      %div3A_1382 = vector.broadcast %div3A_1381 : f32 to vector<16xf32>
      %div3A_1383 = arith.divf %div3A_1382, %add3A_1380 : vector<16xf32>
      %swap3A_1384 = arith.constant 32 : index
      %swap3A_1385 = tpu.vector_load %arg26[%swap3A_1384] {strides = array<i32>} : memref<80xf32, #tpu.memory_space<vmem>>, vector<16xf32>,
      tpu.vector_store %arg26[%swap3A_1384], %div3A_1383 {strides = array<i32>} : memref<80xf32, #tpu.memory_space<vmem>>, vector<16xf32>,
      %get3A_1386 = arith.constant 48 : index
      %get3A_1387 = tpu.vector_load %arg20[%get3A_1386] {strides = array<i32>} : memref<80xf32, #tpu.memory_space<vmem>>, vector<16xf32>,
      %get3A_1388 = arith.constant 48 : index
      %get3A_1389 = tpu.vector_load %arg23[%get3A_1388] {strides = array<i32>} : memref<80xf32, #tpu.memory_space<vmem>>, vector<16xf32>,
      %add3A_1390 = arith.addf %get3A_1387, %get3A_1389 : vector<16xf32>
      %div3A_1391 = arith.constant 1.000000e+00 : f32
      %div3A_1392 = vector.broadcast %div3A_1391 : f32 to vector<16xf32>
      %div3A_1393 = arith.divf %div3A_1392, %add3A_1390 : vector<16xf32>
      %swap3A_1394 = arith.constant 48 : index
      %swap3A_1395 = tpu.vector_load %arg26[%swap3A_1394] {strides = array<i32>} : memref<80xf32, #tpu.memory_space<vmem>>, vector<16xf32>,
      tpu.vector_store %arg26[%swap3A_1394], %div3A_1393 {strides = array<i32>} : memref<80xf32, #tpu.memory_space<vmem>>, vector<16xf32>,
      %get3A_1396 = arith.constant 64 : index
      %get3A_1397 = tpu.vector_load %arg20[%get3A_1396] {strides = array<i32>} : memref<80xf32, #tpu.memory_space<vmem>>, vector<16xf32>,
      %get3A_1398 = arith.constant 64 : index
      %get3A_1399 = tpu.vector_load %arg23[%get3A_1398] {strides = array<i32>} : memref<80xf32, #tpu.memory_space<vmem>>, vector<16xf32>,
      %add3A_1400 = arith.addf %get3A_1397, %get3A_1399 : vector<16xf32>
      %div3A_1401 = arith.constant 1.000000e+00 : f32
      %div3A_1402 = vector.broadcast %div3A_1401 : f32 to vector<16xf32>
      %div3A_1403 = arith.divf %div3A_1402, %add3A_1400 : vector<16xf32>
      %swap3A_1404 = arith.constant 64 : index
      %swap3A_1405 = tpu.vector_load %arg26[%swap3A_1404] {strides = array<i32>} : memref<80xf32, #tpu.memory_space<vmem>>, vector<16xf32>,
      tpu.vector_store %arg26[%swap3A_1404], %div3A_1403 {strides = array<i32>} : memref<80xf32, #tpu.memory_space<vmem>>, vector<16xf32>,
      %dma_wait3A_1406 = arith.constant 0 : i32
      %dma_wait3A_1407 = arith.constant 0 : i32
      %dma_wait3A_1408 = tpu.memref_slice %arg2[%dma_wait3A_1406, %dma_wait3A_1407] : memref<80000x128xf32, #tpu.memory_space<hbm>> -> memref<80000x128xf32, #tpu.memory_space<hbm>>
      tpu.wait_indirect_dma semaphore(%arg33 : memref<!tpu.dma_semaphore, #tpu.memory_space<semaphore_mem>>) src(%dma_wait3A_1408 : memref<80000x128xf32, #tpu.memory_space<hbm>>) dst(%arg29 : memref<80x128xf32, #tpu.memory_space<vmem>>)
      %scan3A_1409 = arith.constant 0 : i32
      %scan3A_1410 = arith.constant 80 : i32
      %scan3A_1411 = arith.addi %scan3A_1409, %scan3A_1410 : i32
      %scan3A_1412 = arith.constant 1 : i32
      scf.for %scan3A_2210 = %scan3A_1409 to %scan3A_1411 step %scan3A_1412  : i32 {
        %mul3A_2211 = arith.constant 1 : i32
        %mul3A_2212 = arith.muli %scan3A_2210, %mul3A_2211 : i32
        %add3A_2213 = arith.constant 0 : i32
        %add3A_2214 = arith.addi %add3A_2213, %mul3A_2212 : i32
        %broadcast_in_dim3A = vector.broadcast %add3A_2214 : i32 to vector<16xi32>
        %gather3A = tpu.vector_load_idx %arg26[%broadcast_in_dim3A] : memref<80xf32, #tpu.memory_space<vmem>>[vector<16xi32>], vector<16xf32>,
        %get3A_2215 = arith.index_cast %add3A_2214 : i32 to index
        %get3A_2216 = arith.constant 0 : index
        %get3A_2217 = tpu.vector_load %arg29[%get3A_2215, %get3A_2216] {strides = array<i32>} : memref<80x128xf32, #tpu.memory_space<vmem>>, vector<16xf32>,
        %mul3A_2218 = arith.mulf %get3A_2217, %gather3A : vector<16xf32>
        %swap3A_2219 = arith.index_cast %add3A_2214 : i32 to index
        %swap3A_2220 = arith.constant 0 : index
        %swap3A_2221 = tpu.vector_load %arg29[%swap3A_2219, %swap3A_2220] {strides = array<i32>} : memref<80x128xf32, #tpu.memory_space<vmem>>, vector<16xf32>,
        tpu.vector_store %arg29[%swap3A_2219, %swap3A_2220], %mul3A_2218 {strides = array<i32>} : memref<80x128xf32, #tpu.memory_space<vmem>>, vector<16xf32>,
        %get3A_2222 = arith.index_cast %add3A_2214 : i32 to index
        %get3A_2223 = arith.constant 16 : index
        %get3A_2224 = tpu.vector_load %arg29[%get3A_2222, %get3A_2223] {strides = array<i32>} : memref<80x128xf32, #tpu.memory_space<vmem>>, vector<16xf32>,
        %mul3A_2225 = arith.mulf %get3A_2224, %gather3A : vector<16xf32>
        %swap3A_2226 = arith.index_cast %add3A_2214 : i32 to index
        %swap3A_2227 = arith.constant 16 : index
        %swap3A_2228 = tpu.vector_load %arg29[%swap3A_2226, %swap3A_2227] {strides = array<i32>} : memref<80x128xf32, #tpu.memory_space<vmem>>, vector<16xf32>,
        tpu.vector_store %arg29[%swap3A_2226, %swap3A_2227], %mul3A_2225 {strides = array<i32>} : memref<80x128xf32, #tpu.memory_space<vmem>>, vector<16xf32>,
        %get3A_2229 = arith.index_cast %add3A_2214 : i32 to index
        %get3A_2230 = arith.constant 32 : index
        %get3A_2231 = tpu.vector_load %arg29[%get3A_2229, %get3A_2230] {strides = array<i32>} : memref<80x128xf32, #tpu.memory_space<vmem>>, vector<16xf32>,
        %mul3A_2232 = arith.mulf %get3A_2231, %gather3A : vector<16xf32>
        %swap3A_2233 = arith.index_cast %add3A_2214 : i32 to index
        %swap3A_2234 = arith.constant 32 : index
        %swap3A_2235 = tpu.vector_load %arg29[%swap3A_2233, %swap3A_2234] {strides = array<i32>} : memref<80x128xf32, #tpu.memory_space<vmem>>, vector<16xf32>,
        tpu.vector_store %arg29[%swap3A_2233, %swap3A_2234], %mul3A_2232 {strides = array<i32>} : memref<80x128xf32, #tpu.memory_space<vmem>>, vector<16xf32>,
        %get3A_2236 = arith.index_cast %add3A_2214 : i32 to index
        %get3A_2237 = arith.constant 48 : index
        %get3A_2238 = tpu.vector_load %arg29[%get3A_2236, %get3A_2237] {strides = array<i32>} : memref<80x128xf32, #tpu.memory_space<vmem>>, vector<16xf32>,
        %mul3A_2239 = arith.mulf %get3A_2238, %gather3A : vector<16xf32>
        %swap3A_2240 = arith.index_cast %add3A_2214 : i32 to index
        %swap3A_2241 = arith.constant 48 : index
        %swap3A_2242 = tpu.vector_load %arg29[%swap3A_2240, %swap3A_2241] {strides = array<i32>} : memref<80x128xf32, #tpu.memory_space<vmem>>, vector<16xf32>,
        tpu.vector_store %arg29[%swap3A_2240, %swap3A_2241], %mul3A_2239 {strides = array<i32>} : memref<80x128xf32, #tpu.memory_space<vmem>>, vector<16xf32>,
        %get3A_2243 = arith.index_cast %add3A_2214 : i32 to index
        %get3A_2244 = arith.constant 64 : index
        %get3A_2245 = tpu.vector_load %arg29[%get3A_2243, %get3A_2244] {strides = array<i32>} : memref<80x128xf32, #tpu.memory_space<vmem>>, vector<16xf32>,
        %mul3A_2246 = arith.mulf %get3A_2245, %gather3A : vector<16xf32>
        %swap3A_2247 = arith.index_cast %add3A_2214 : i32 to index
        %swap3A_2248 = arith.constant 64 : index
        %swap3A_2249 = tpu.vector_load %arg29[%swap3A_2247, %swap3A_2248] {strides = array<i32>} : memref<80x128xf32, #tpu.memory_space<vmem>>, vector<16xf32>,
        tpu.vector_store %arg29[%swap3A_2247, %swap3A_2248], %mul3A_2246 {strides = array<i32>} : memref<80x128xf32, #tpu.memory_space<vmem>>, vector<16xf32>,
        %get3A_2250 = arith.index_cast %add3A_2214 : i32 to index
        %get3A_2251 = arith.constant 80 : index
        %get3A_2252 = tpu.vector_load %arg29[%get3A_2250, %get3A_2251] {strides = array<i32>} : memref<80x128xf32, #tpu.memory_space<vmem>>, vector<16xf32>,
        %mul3A_2253 = arith.mulf %get3A_2252, %gather3A : vector<16xf32>
        %swap3A_2254 = arith.index_cast %add3A_2214 : i32 to index
        %swap3A_2255 = arith.constant 80 : index
        %swap3A_2256 = tpu.vector_load %arg29[%swap3A_2254, %swap3A_2255] {strides = array<i32>} : memref<80x128xf32, #tpu.memory_space<vmem>>, vector<16xf32>,
        tpu.vector_store %arg29[%swap3A_2254, %swap3A_2255], %mul3A_2253 {strides = array<i32>} : memref<80x128xf32, #tpu.memory_space<vmem>>, vector<16xf32>,
        %get3A_2257 = arith.index_cast %add3A_2214 : i32 to index
        %get3A_2258 = arith.constant 96 : index
        %get3A_2259 = tpu.vector_load %arg29[%get3A_2257, %get3A_2258] {strides = array<i32>} : memref<80x128xf32, #tpu.memory_space<vmem>>, vector<16xf32>,
        %mul3A_2260 = arith.mulf %get3A_2259, %gather3A : vector<16xf32>
        %swap3A_2261 = arith.index_cast %add3A_2214 : i32 to index
        %swap3A_2262 = arith.constant 96 : index
        %swap3A_2263 = tpu.vector_load %arg29[%swap3A_2261, %swap3A_2262] {strides = array<i32>} : memref<80x128xf32, #tpu.memory_space<vmem>>, vector<16xf32>,
        tpu.vector_store %arg29[%swap3A_2261, %swap3A_2262], %mul3A_2260 {strides = array<i32>} : memref<80x128xf32, #tpu.memory_space<vmem>>, vector<16xf32>,
        %get3A_2264 = arith.index_cast %add3A_2214 : i32 to index
        %get3A_2265 = arith.constant 112 : index
        %get3A_2266 = tpu.vector_load %arg29[%get3A_2264, %get3A_2265] {strides = array<i32>} : memref<80x128xf32, #tpu.memory_space<vmem>>, vector<16xf32>,
        %mul3A_2267 = arith.mulf %get3A_2266, %gather3A : vector<16xf32>
        %swap3A_2268 = arith.index_cast %add3A_2214 : i32 to index
        %swap3A_2269 = arith.constant 112 : index
        %swap3A_2270 = tpu.vector_load %arg29[%swap3A_2268, %swap3A_2269] {strides = array<i32>} : memref<80x128xf32, #tpu.memory_space<vmem>>, vector<16xf32>,
        tpu.vector_store %arg29[%swap3A_2268, %swap3A_2269], %mul3A_2267 {strides = array<i32>} : memref<80x128xf32, #tpu.memory_space<vmem>>, vector<16xf32>,
      }
      %scan3A_1413 = arith.constant 80 : i32
      %dma_start3A_1414 = arith.constant 0 : i32
      %dma_start3A_1415 = arith.constant 0 : i32
      %dma_start3A_1416 = tpu.memref_slice %arg32[%dma_start3A_1414, %dma_start3A_1415] : memref<10000x128xf32, #tpu.memory_space<vmem_shared>> -> memref<10000x128xf32, #tpu.memory_space<vmem_shared>>
      tpu.enqueue_indirect_dma source(%arg29 : memref<80x128xf32, #tpu.memory_space<vmem>>) target(%dma_start3A_1416 : memref<10000x128xf32, #tpu.memory_space<vmem_shared>>) offsets(%arg17 : memref<80xi32, #tpu.memory_space<vmem>>) semaphore(%arg42 : memref<!tpu.dma_semaphore, #tpu.memory_space<semaphore_mem>>) {add = true}
      %dma_wait3A_1417 = arith.constant 0 : i32
      %dma_wait3A_1418 = arith.constant 0 : i32
      %dma_wait3A_1419 = tpu.memref_slice %arg32[%dma_wait3A_1417, %dma_wait3A_1418] : memref<10000x128xf32, #tpu.memory_space<vmem_shared>> -> memref<10000x128xf32, #tpu.memory_space<vmem_shared>>
      tpu.wait_indirect_dma semaphore(%arg44 : memref<!tpu.dma_semaphore, #tpu.memory_space<semaphore_mem>>) src(%arg31 : memref<80x128xf32, #tpu.memory_space<vmem>>) dst(%dma_wait3A_1419 : memref<10000x128xf32, #tpu.memory_space<vmem_shared>>)
      %add3A_1420 = arith.constant 0 : i32
      %add3A_1421 = arith.addi %add3A_1351, %add3A_1420 : i32
      %add3A_1422 = arith.constant 2 : i32
      %add3A_1423 = arith.addi %add3A_1421, %add3A_1422 : i32
      %mul3A_1424 = arith.constant 80 : i32
      %mul3A_1425 = arith.muli %add3A_1423, %mul3A_1424 : i32
      %add3A_1426 = arith.constant 0 : i32
      %add3A_1427 = arith.addi %mul3A_1425, %add3A_1426 : i32
      %get3A_1428 = arith.index_cast %add3A_1427 : i32 to index
      %get3A_1429 = tpu.vector_load %arg7[%get3A_1428] {strides = array<i32>} : memref<10000xi32, #tpu.memory_space<vmem>>, vector<16xi32>,
      %get3A_1430 = vector.shape_cast %get3A_1429 : vector<16xi32> to vector<16xi32>
      %and3A_1431 = arith.constant 16383 : i32
      %and3A_1432 = vector.broadcast %and3A_1431 : i32 to vector<16xi32>
      %and3A_1433 = arith.andi %get3A_1430, %and3A_1432 : vector<16xi32>
      %shift_right_logical3A_1434 = arith.constant 14 : i32
      %shift_right_logical3A_1435 = vector.broadcast %shift_right_logical3A_1434 : i32 to vector<16xi32>
      %shift_right_logical3A_1436 = arith.shrui %get3A_1430, %shift_right_logical3A_1435 : vector<16xi32>
      %and3A_1437 = arith.constant 16383 : i32
      %and3A_1438 = vector.broadcast %and3A_1437 : i32 to vector<16xi32>
      %and3A_1439 = arith.andi %shift_right_logical3A_1436, %and3A_1438 : vector<16xi32>
      %shift_right_logical3A_1440 = arith.constant 28 : i32
      %shift_right_logical3A_1441 = vector.broadcast %shift_right_logical3A_1440 : i32 to vector<16xi32>
      %shift_right_logical3A_1442 = arith.shrui %get3A_1430, %shift_right_logical3A_1441 : vector<16xi32>
      %mul3A_1443 = arith.constant 10000 : i32
      %mul3A_1444 = vector.broadcast %mul3A_1443 : i32 to vector<16xi32>
      %mul3A_1445 = arith.muli %shift_right_logical3A_1442, %mul3A_1444 : vector<16xi32>
      %add3A_1446 = arith.addi %mul3A_1445, %and3A_1439 : vector<16xi32>
      %add3A_1447 = arith.addi %mul3A_1445, %and3A_1433 : vector<16xi32>
      %swap3A_1448 = arith.constant 0 : index
      %swap3A_1449 = tpu.vector_load %arg10[%swap3A_1448] {strides = array<i32>} : memref<80xi32, #tpu.memory_space<vmem>>, vector<16xi32>,
      %swap3A_1450 = vector.shape_cast %swap3A_1449 : vector<16xi32> to vector<16xi32>
      %swap3A_1451 = vector.shape_cast %add3A_1447 : vector<16xi32> to vector<16xi32>
      tpu.vector_store %arg10[%swap3A_1448], %swap3A_1451 {strides = array<i32>} : memref<80xi32, #tpu.memory_space<vmem>>, vector<16xi32>,
      %swap3A_1452 = arith.constant 0 : index
      %swap3A_1453 = tpu.vector_load %arg13[%swap3A_1452] {strides = array<i32>} : memref<80xi32, #tpu.memory_space<vmem>>, vector<16xi32>,
      %swap3A_1454 = vector.shape_cast %swap3A_1453 : vector<16xi32> to vector<16xi32>
      %swap3A_1455 = vector.shape_cast %add3A_1446 : vector<16xi32> to vector<16xi32>
      tpu.vector_store %arg13[%swap3A_1452], %swap3A_1455 {strides = array<i32>} : memref<80xi32, #tpu.memory_space<vmem>>, vector<16xi32>,
      %add3A_1456 = arith.constant 80000 : i32
      %add3A_1457 = vector.broadcast %add3A_1456 : i32 to vector<16xi32>
      %add3A_1458 = arith.addi %add3A_1446, %add3A_1457 : vector<16xi32>
      %swap3A_1459 = arith.constant 0 : index
      %swap3A_1460 = tpu.vector_load %arg16[%swap3A_1459] {strides = array<i32>} : memref<80xi32, #tpu.memory_space<vmem>>, vector<16xi32>,
      %swap3A_1461 = vector.shape_cast %swap3A_1460 : vector<16xi32> to vector<16xi32>
      %swap3A_1462 = vector.shape_cast %add3A_1458 : vector<16xi32> to vector<16xi32>
      tpu.vector_store %arg16[%swap3A_1459], %swap3A_1462 {strides = array<i32>} : memref<80xi32, #tpu.memory_space<vmem>>, vector<16xi32>,
      %swap3A_1463 = arith.constant 0 : index
      %swap3A_1464 = tpu.vector_load %arg19[%swap3A_1463] {strides = array<i32>} : memref<80xi32, #tpu.memory_space<vmem>>, vector<16xi32>,
      %swap3A_1465 = vector.shape_cast %swap3A_1464 : vector<16xi32> to vector<16xi32>
      %swap3A_1466 = vector.shape_cast %and3A_1439 : vector<16xi32> to vector<16xi32>
      tpu.vector_store %arg19[%swap3A_1463], %swap3A_1466 {strides = array<i32>} : memref<80xi32, #tpu.memory_space<vmem>>, vector<16xi32>,
      %add3A_1467 = arith.constant 16 : i32
      %add3A_1468 = arith.addi %mul3A_1425, %add3A_1467 : i32
      %get3A_1469 = arith.index_cast %add3A_1468 : i32 to index
      %get3A_1470 = tpu.vector_load %arg7[%get3A_1469] {strides = array<i32>} : memref<10000xi32, #tpu.memory_space<vmem>>, vector<16xi32>,
      %get3A_1471 = vector.shape_cast %get3A_1470 : vector<16xi32> to vector<16xi32>
      %and3A_1472 = arith.constant 16383 : i32
      %and3A_1473 = vector.broadcast %and3A_1472 : i32 to vector<16xi32>
      %and3A_1474 = arith.andi %get3A_1471, %and3A_1473 : vector<16xi32>
      %shift_right_logical3A_1475 = arith.constant 14 : i32
      %shift_right_logical3A_1476 = vector.broadcast %shift_right_logical3A_1475 : i32 to vector<16xi32>
      %shift_right_logical3A_1477 = arith.shrui %get3A_1471, %shift_right_logical3A_1476 : vector<16xi32>
      %and3A_1478 = arith.constant 16383 : i32
      %and3A_1479 = vector.broadcast %and3A_1478 : i32 to vector<16xi32>
      %and3A_1480 = arith.andi %shift_right_logical3A_1477, %and3A_1479 : vector<16xi32>
      %shift_right_logical3A_1481 = arith.constant 28 : i32
      %shift_right_logical3A_1482 = vector.broadcast %shift_right_logical3A_1481 : i32 to vector<16xi32>
      %shift_right_logical3A_1483 = arith.shrui %get3A_1471, %shift_right_logical3A_1482 : vector<16xi32>
      %mul3A_1484 = arith.constant 10000 : i32
      %mul3A_1485 = vector.broadcast %mul3A_1484 : i32 to vector<16xi32>
      %mul3A_1486 = arith.muli %shift_right_logical3A_1483, %mul3A_1485 : vector<16xi32>
      %add3A_1487 = arith.addi %mul3A_1486, %and3A_1480 : vector<16xi32>
      %add3A_1488 = arith.addi %mul3A_1486, %and3A_1474 : vector<16xi32>
      %swap3A_1489 = arith.constant 16 : index
      %swap3A_1490 = tpu.vector_load %arg10[%swap3A_1489] {strides = array<i32>} : memref<80xi32, #tpu.memory_space<vmem>>, vector<16xi32>,
      %swap3A_1491 = vector.shape_cast %swap3A_1490 : vector<16xi32> to vector<16xi32>
      %swap3A_1492 = vector.shape_cast %add3A_1488 : vector<16xi32> to vector<16xi32>
      tpu.vector_store %arg10[%swap3A_1489], %swap3A_1492 {strides = array<i32>} : memref<80xi32, #tpu.memory_space<vmem>>, vector<16xi32>,
      %swap3A_1493 = arith.constant 16 : index
      %swap3A_1494 = tpu.vector_load %arg13[%swap3A_1493] {strides = array<i32>} : memref<80xi32, #tpu.memory_space<vmem>>, vector<16xi32>,
      %swap3A_1495 = vector.shape_cast %swap3A_1494 : vector<16xi32> to vector<16xi32>
      %swap3A_1496 = vector.shape_cast %add3A_1487 : vector<16xi32> to vector<16xi32>
      tpu.vector_store %arg13[%swap3A_1493], %swap3A_1496 {strides = array<i32>} : memref<80xi32, #tpu.memory_space<vmem>>, vector<16xi32>,
      %add3A_1497 = arith.constant 80000 : i32
      %add3A_1498 = vector.broadcast %add3A_1497 : i32 to vector<16xi32>
      %add3A_1499 = arith.addi %add3A_1487, %add3A_1498 : vector<16xi32>
      %swap3A_1500 = arith.constant 16 : index
      %swap3A_1501 = tpu.vector_load %arg16[%swap3A_1500] {strides = array<i32>} : memref<80xi32, #tpu.memory_space<vmem>>, vector<16xi32>,
      %swap3A_1502 = vector.shape_cast %swap3A_1501 : vector<16xi32> to vector<16xi32>
      %swap3A_1503 = vector.shape_cast %add3A_1499 : vector<16xi32> to vector<16xi32>
      tpu.vector_store %arg16[%swap3A_1500], %swap3A_1503 {strides = array<i32>} : memref<80xi32, #tpu.memory_space<vmem>>, vector<16xi32>,
      %swap3A_1504 = arith.constant 16 : index
      %swap3A_1505 = tpu.vector_load %arg19[%swap3A_1504] {strides = array<i32>} : memref<80xi32, #tpu.memory_space<vmem>>, vector<16xi32>,
      %swap3A_1506 = vector.shape_cast %swap3A_1505 : vector<16xi32> to vector<16xi32>
      %swap3A_1507 = vector.shape_cast %and3A_1480 : vector<16xi32> to vector<16xi32>
      tpu.vector_store %arg19[%swap3A_1504], %swap3A_1507 {strides = array<i32>} : memref<80xi32, #tpu.memory_space<vmem>>, vector<16xi32>,
      %add3A_1508 = arith.constant 32 : i32
      %add3A_1509 = arith.addi %mul3A_1425, %add3A_1508 : i32
      %get3A_1510 = arith.index_cast %add3A_1509 : i32 to index
      %get3A_1511 = tpu.vector_load %arg7[%get3A_1510] {strides = array<i32>} : memref<10000xi32, #tpu.memory_space<vmem>>, vector<16xi32>,
      %get3A_1512 = vector.shape_cast %get3A_1511 : vector<16xi32> to vector<16xi32>
      %and3A_1513 = arith.constant 16383 : i32
      %and3A_1514 = vector.broadcast %and3A_1513 : i32 to vector<16xi32>
      %and3A_1515 = arith.andi %get3A_1512, %and3A_1514 : vector<16xi32>
      %shift_right_logical3A_1516 = arith.constant 14 : i32
      %shift_right_logical3A_1517 = vector.broadcast %shift_right_logical3A_1516 : i32 to vector<16xi32>
      %shift_right_logical3A_1518 = arith.shrui %get3A_1512, %shift_right_logical3A_1517 : vector<16xi32>
      %and3A_1519 = arith.constant 16383 : i32
      %and3A_1520 = vector.broadcast %and3A_1519 : i32 to vector<16xi32>
      %and3A_1521 = arith.andi %shift_right_logical3A_1518, %and3A_1520 : vector<16xi32>
      %shift_right_logical3A_1522 = arith.constant 28 : i32
      %shift_right_logical3A_1523 = vector.broadcast %shift_right_logical3A_1522 : i32 to vector<16xi32>
      %shift_right_logical3A_1524 = arith.shrui %get3A_1512, %shift_right_logical3A_1523 : vector<16xi32>
      %mul3A_1525 = arith.constant 10000 : i32
      %mul3A_1526 = vector.broadcast %mul3A_1525 : i32 to vector<16xi32>
      %mul3A_1527 = arith.muli %shift_right_logical3A_1524, %mul3A_1526 : vector<16xi32>
      %add3A_1528 = arith.addi %mul3A_1527, %and3A_1521 : vector<16xi32>
      %add3A_1529 = arith.addi %mul3A_1527, %and3A_1515 : vector<16xi32>
      %swap3A_1530 = arith.constant 32 : index
      %swap3A_1531 = tpu.vector_load %arg10[%swap3A_1530] {strides = array<i32>} : memref<80xi32, #tpu.memory_space<vmem>>, vector<16xi32>,
      %swap3A_1532 = vector.shape_cast %swap3A_1531 : vector<16xi32> to vector<16xi32>
      %swap3A_1533 = vector.shape_cast %add3A_1529 : vector<16xi32> to vector<16xi32>
      tpu.vector_store %arg10[%swap3A_1530], %swap3A_1533 {strides = array<i32>} : memref<80xi32, #tpu.memory_space<vmem>>, vector<16xi32>,
      %swap3A_1534 = arith.constant 32 : index
      %swap3A_1535 = tpu.vector_load %arg13[%swap3A_1534] {strides = array<i32>} : memref<80xi32, #tpu.memory_space<vmem>>, vector<16xi32>,
      %swap3A_1536 = vector.shape_cast %swap3A_1535 : vector<16xi32> to vector<16xi32>
      %swap3A_1537 = vector.shape_cast %add3A_1528 : vector<16xi32> to vector<16xi32>
      tpu.vector_store %arg13[%swap3A_1534], %swap3A_1537 {strides = array<i32>} : memref<80xi32, #tpu.memory_space<vmem>>, vector<16xi32>,
      %add3A_1538 = arith.constant 80000 : i32
      %add3A_1539 = vector.broadcast %add3A_1538 : i32 to vector<16xi32>
      %add3A_1540 = arith.addi %add3A_1528, %add3A_1539 : vector<16xi32>
      %swap3A_1541 = arith.constant 32 : index
      %swap3A_1542 = tpu.vector_load %arg16[%swap3A_1541] {strides = array<i32>} : memref<80xi32, #tpu.memory_space<vmem>>, vector<16xi32>,
      %swap3A_1543 = vector.shape_cast %swap3A_1542 : vector<16xi32> to vector<16xi32>
      %swap3A_1544 = vector.shape_cast %add3A_1540 : vector<16xi32> to vector<16xi32>
      tpu.vector_store %arg16[%swap3A_1541], %swap3A_1544 {strides = array<i32>} : memref<80xi32, #tpu.memory_space<vmem>>, vector<16xi32>,
      %swap3A_1545 = arith.constant 32 : index
      %swap3A_1546 = tpu.vector_load %arg19[%swap3A_1545] {strides = array<i32>} : memref<80xi32, #tpu.memory_space<vmem>>, vector<16xi32>,
      %swap3A_1547 = vector.shape_cast %swap3A_1546 : vector<16xi32> to vector<16xi32>
      %swap3A_1548 = vector.shape_cast %and3A_1521 : vector<16xi32> to vector<16xi32>
      tpu.vector_store %arg19[%swap3A_1545], %swap3A_1548 {strides = array<i32>} : memref<80xi32, #tpu.memory_space<vmem>>, vector<16xi32>,
      %add3A_1549 = arith.constant 48 : i32
      %add3A_1550 = arith.addi %mul3A_1425, %add3A_1549 : i32
      %get3A_1551 = arith.index_cast %add3A_1550 : i32 to index
      %get3A_1552 = tpu.vector_load %arg7[%get3A_1551] {strides = array<i32>} : memref<10000xi32, #tpu.memory_space<vmem>>, vector<16xi32>,
      %get3A_1553 = vector.shape_cast %get3A_1552 : vector<16xi32> to vector<16xi32>
      %and3A_1554 = arith.constant 16383 : i32
      %and3A_1555 = vector.broadcast %and3A_1554 : i32 to vector<16xi32>
      %and3A_1556 = arith.andi %get3A_1553, %and3A_1555 : vector<16xi32>
      %shift_right_logical3A_1557 = arith.constant 14 : i32
      %shift_right_logical3A_1558 = vector.broadcast %shift_right_logical3A_1557 : i32 to vector<16xi32>
      %shift_right_logical3A_1559 = arith.shrui %get3A_1553, %shift_right_logical3A_1558 : vector<16xi32>
      %and3A_1560 = arith.constant 16383 : i32
      %and3A_1561 = vector.broadcast %and3A_1560 : i32 to vector<16xi32>
      %and3A_1562 = arith.andi %shift_right_logical3A_1559, %and3A_1561 : vector<16xi32>
      %shift_right_logical3A_1563 = arith.constant 28 : i32
      %shift_right_logical3A_1564 = vector.broadcast %shift_right_logical3A_1563 : i32 to vector<16xi32>
      %shift_right_logical3A_1565 = arith.shrui %get3A_1553, %shift_right_logical3A_1564 : vector<16xi32>
      %mul3A_1566 = arith.constant 10000 : i32
      %mul3A_1567 = vector.broadcast %mul3A_1566 : i32 to vector<16xi32>
      %mul3A_1568 = arith.muli %shift_right_logical3A_1565, %mul3A_1567 : vector<16xi32>
      %add3A_1569 = arith.addi %mul3A_1568, %and3A_1562 : vector<16xi32>
      %add3A_1570 = arith.addi %mul3A_1568, %and3A_1556 : vector<16xi32>
      %swap3A_1571 = arith.constant 48 : index
      %swap3A_1572 = tpu.vector_load %arg10[%swap3A_1571] {strides = array<i32>} : memref<80xi32, #tpu.memory_space<vmem>>, vector<16xi32>,
      %swap3A_1573 = vector.shape_cast %swap3A_1572 : vector<16xi32> to vector<16xi32>
      %swap3A_1574 = vector.shape_cast %add3A_1570 : vector<16xi32> to vector<16xi32>
      tpu.vector_store %arg10[%swap3A_1571], %swap3A_1574 {strides = array<i32>} : memref<80xi32, #tpu.memory_space<vmem>>, vector<16xi32>,
      %swap3A_1575 = arith.constant 48 : index
      %swap3A_1576 = tpu.vector_load %arg13[%swap3A_1575] {strides = array<i32>} : memref<80xi32, #tpu.memory_space<vmem>>, vector<16xi32>,
      %swap3A_1577 = vector.shape_cast %swap3A_1576 : vector<16xi32> to vector<16xi32>
      %swap3A_1578 = vector.shape_cast %add3A_1569 : vector<16xi32> to vector<16xi32>
      tpu.vector_store %arg13[%swap3A_1575], %swap3A_1578 {strides = array<i32>} : memref<80xi32, #tpu.memory_space<vmem>>, vector<16xi32>,
      %add3A_1579 = arith.constant 80000 : i32
      %add3A_1580 = vector.broadcast %add3A_1579 : i32 to vector<16xi32>
      %add3A_1581 = arith.addi %add3A_1569, %add3A_1580 : vector<16xi32>
      %swap3A_1582 = arith.constant 48 : index
      %swap3A_1583 = tpu.vector_load %arg16[%swap3A_1582] {strides = array<i32>} : memref<80xi32, #tpu.memory_space<vmem>>, vector<16xi32>,
      %swap3A_1584 = vector.shape_cast %swap3A_1583 : vector<16xi32> to vector<16xi32>
      %swap3A_1585 = vector.shape_cast %add3A_1581 : vector<16xi32> to vector<16xi32>
      tpu.vector_store %arg16[%swap3A_1582], %swap3A_1585 {strides = array<i32>} : memref<80xi32, #tpu.memory_space<vmem>>, vector<16xi32>,
      %swap3A_1586 = arith.constant 48 : index
      %swap3A_1587 = tpu.vector_load %arg19[%swap3A_1586] {strides = array<i32>} : memref<80xi32, #tpu.memory_space<vmem>>, vector<16xi32>,
      %swap3A_1588 = vector.shape_cast %swap3A_1587 : vector<16xi32> to vector<16xi32>
      %swap3A_1589 = vector.shape_cast %and3A_1562 : vector<16xi32> to vector<16xi32>
      tpu.vector_store %arg19[%swap3A_1586], %swap3A_1589 {strides = array<i32>} : memref<80xi32, #tpu.memory_space<vmem>>, vector<16xi32>,
      %add3A_1590 = arith.constant 64 : i32
      %add3A_1591 = arith.addi %mul3A_1425, %add3A_1590 : i32
      %get3A_1592 = arith.index_cast %add3A_1591 : i32 to index
      %get3A_1593 = tpu.vector_load %arg7[%get3A_1592] {strides = array<i32>} : memref<10000xi32, #tpu.memory_space<vmem>>, vector<16xi32>,
      %get3A_1594 = vector.shape_cast %get3A_1593 : vector<16xi32> to vector<16xi32>
      %and3A_1595 = arith.constant 16383 : i32
      %and3A_1596 = vector.broadcast %and3A_1595 : i32 to vector<16xi32>
      %and3A_1597 = arith.andi %get3A_1594, %and3A_1596 : vector<16xi32>
      %shift_right_logical3A_1598 = arith.constant 14 : i32
      %shift_right_logical3A_1599 = vector.broadcast %shift_right_logical3A_1598 : i32 to vector<16xi32>
      %shift_right_logical3A_1600 = arith.shrui %get3A_1594, %shift_right_logical3A_1599 : vector<16xi32>
      %and3A_1601 = arith.constant 16383 : i32
      %and3A_1602 = vector.broadcast %and3A_1601 : i32 to vector<16xi32>
      %and3A_1603 = arith.andi %shift_right_logical3A_1600, %and3A_1602 : vector<16xi32>
      %shift_right_logical3A_1604 = arith.constant 28 : i32
      %shift_right_logical3A_1605 = vector.broadcast %shift_right_logical3A_1604 : i32 to vector<16xi32>
      %shift_right_logical3A_1606 = arith.shrui %get3A_1594, %shift_right_logical3A_1605 : vector<16xi32>
      %mul3A_1607 = arith.constant 10000 : i32
      %mul3A_1608 = vector.broadcast %mul3A_1607 : i32 to vector<16xi32>
      %mul3A_1609 = arith.muli %shift_right_logical3A_1606, %mul3A_1608 : vector<16xi32>
      %add3A_1610 = arith.addi %mul3A_1609, %and3A_1603 : vector<16xi32>
      %add3A_1611 = arith.addi %mul3A_1609, %and3A_1597 : vector<16xi32>
      %swap3A_1612 = arith.constant 64 : index
      %swap3A_1613 = tpu.vector_load %arg10[%swap3A_1612] {strides = array<i32>} : memref<80xi32, #tpu.memory_space<vmem>>, vector<16xi32>,
      %swap3A_1614 = vector.shape_cast %swap3A_1613 : vector<16xi32> to vector<16xi32>
      %swap3A_1615 = vector.shape_cast %add3A_1611 : vector<16xi32> to vector<16xi32>
      tpu.vector_store %arg10[%swap3A_1612], %swap3A_1615 {strides = array<i32>} : memref<80xi32, #tpu.memory_space<vmem>>, vector<16xi32>,
      %swap3A_1616 = arith.constant 64 : index
      %swap3A_1617 = tpu.vector_load %arg13[%swap3A_1616] {strides = array<i32>} : memref<80xi32, #tpu.memory_space<vmem>>, vector<16xi32>,
      %swap3A_1618 = vector.shape_cast %swap3A_1617 : vector<16xi32> to vector<16xi32>
      %swap3A_1619 = vector.shape_cast %add3A_1610 : vector<16xi32> to vector<16xi32>
      tpu.vector_store %arg13[%swap3A_1616], %swap3A_1619 {strides = array<i32>} : memref<80xi32, #tpu.memory_space<vmem>>, vector<16xi32>,
      %add3A_1620 = arith.constant 80000 : i32
      %add3A_1621 = vector.broadcast %add3A_1620 : i32 to vector<16xi32>
      %add3A_1622 = arith.addi %add3A_1610, %add3A_1621 : vector<16xi32>
      %swap3A_1623 = arith.constant 64 : index
      %swap3A_1624 = tpu.vector_load %arg16[%swap3A_1623] {strides = array<i32>} : memref<80xi32, #tpu.memory_space<vmem>>, vector<16xi32>,
      %swap3A_1625 = vector.shape_cast %swap3A_1624 : vector<16xi32> to vector<16xi32>
      %swap3A_1626 = vector.shape_cast %add3A_1622 : vector<16xi32> to vector<16xi32>
      tpu.vector_store %arg16[%swap3A_1623], %swap3A_1626 {strides = array<i32>} : memref<80xi32, #tpu.memory_space<vmem>>, vector<16xi32>,
      %swap3A_1627 = arith.constant 64 : index
      %swap3A_1628 = tpu.vector_load %arg19[%swap3A_1627] {strides = array<i32>} : memref<80xi32, #tpu.memory_space<vmem>>, vector<16xi32>,
      %swap3A_1629 = vector.shape_cast %swap3A_1628 : vector<16xi32> to vector<16xi32>
      %swap3A_1630 = vector.shape_cast %and3A_1603 : vector<16xi32> to vector<16xi32>
      tpu.vector_store %arg19[%swap3A_1627], %swap3A_1630 {strides = array<i32>} : memref<80xi32, #tpu.memory_space<vmem>>, vector<16xi32>,
      %dma_start3A_1631 = arith.constant 0 : i32
      %dma_start3A_1632 = arith.constant 0 : i32
      %dma_start3A_1633 = tpu.memref_slice %arg2[%dma_start3A_1631, %dma_start3A_1632] : memref<80000x128xf32, #tpu.memory_space<hbm>> -> memref<80000x128xf32, #tpu.memory_space<hbm>>
      tpu.enqueue_indirect_dma source(%dma_start3A_1633 : memref<80000x128xf32, #tpu.memory_space<hbm>>) target(%arg31 : memref<80x128xf32, #tpu.memory_space<vmem>>) offsets(%arg10 : memref<80xi32, #tpu.memory_space<vmem>>) semaphore(%arg35 : memref<!tpu.dma_semaphore, #tpu.memory_space<semaphore_mem>>)
      %dma_start3A_1634 = arith.constant 0 : i32
      %dma_start3A_1635 = tpu.memref_slice %arg4[%dma_start3A_1634] : memref<160000xf32, #tpu.memory_space<hbm>> -> memref<160000xf32, #tpu.memory_space<hbm>>
      tpu.enqueue_indirect_dma source(%dma_start3A_1635 : memref<160000xf32, #tpu.memory_space<hbm>>) target(%arg22 : memref<80xf32, #tpu.memory_space<vmem>>) offsets(%arg13 : memref<80xi32, #tpu.memory_space<vmem>>) semaphore(%arg38 : memref<!tpu.dma_semaphore, #tpu.memory_space<semaphore_mem>>)
      %dma_start3A_1636 = arith.constant 0 : i32
      %dma_start3A_1637 = tpu.memref_slice %arg4[%dma_start3A_1636] : memref<160000xf32, #tpu.memory_space<hbm>> -> memref<160000xf32, #tpu.memory_space<hbm>>
      tpu.enqueue_indirect_dma source(%dma_start3A_1637 : memref<160000xf32, #tpu.memory_space<hbm>>) target(%arg25 : memref<80xf32, #tpu.memory_space<vmem>>) offsets(%arg16 : memref<80xi32, #tpu.memory_space<vmem>>) semaphore(%arg41 : memref<!tpu.dma_semaphore, #tpu.memory_space<semaphore_mem>>)
      %dma_wait3A_1638 = arith.constant 0 : i32
      %dma_wait3A_1639 = tpu.memref_slice %arg4[%dma_wait3A_1638] : memref<160000xf32, #tpu.memory_space<hbm>> -> memref<160000xf32, #tpu.memory_space<hbm>>
      tpu.wait_indirect_dma semaphore(%arg37 : memref<!tpu.dma_semaphore, #tpu.memory_space<semaphore_mem>>) src(%dma_wait3A_1639 : memref<160000xf32, #tpu.memory_space<hbm>>) dst(%arg21 : memref<80xf32, #tpu.memory_space<vmem>>)
      %dma_wait3A_1640 = arith.constant 0 : i32
      %dma_wait3A_1641 = tpu.memref_slice %arg4[%dma_wait3A_1640] : memref<160000xf32, #tpu.memory_space<hbm>> -> memref<160000xf32, #tpu.memory_space<hbm>>
      tpu.wait_indirect_dma semaphore(%arg40 : memref<!tpu.dma_semaphore, #tpu.memory_space<semaphore_mem>>) src(%dma_wait3A_1641 : memref<160000xf32, #tpu.memory_space<hbm>>) dst(%arg24 : memref<80xf32, #tpu.memory_space<vmem>>)
      %get3A_1642 = arith.constant 0 : index
      %get3A_1643 = tpu.vector_load %arg21[%get3A_1642] {strides = array<i32>} : memref<80xf32, #tpu.memory_space<vmem>>, vector<16xf32>,
      %get3A_1644 = arith.constant 0 : index
      %get3A_1645 = tpu.vector_load %arg24[%get3A_1644] {strides = array<i32>} : memref<80xf32, #tpu.memory_space<vmem>>, vector<16xf32>,
      %add3A_1646 = arith.addf %get3A_1643, %get3A_1645 : vector<16xf32>
      %div3A_1647 = arith.constant 1.000000e+00 : f32
      %div3A_1648 = vector.broadcast %div3A_1647 : f32 to vector<16xf32>
      %div3A_1649 = arith.divf %div3A_1648, %add3A_1646 : vector<16xf32>
      %swap3A_1650 = arith.constant 0 : index
      %swap3A_1651 = tpu.vector_load %arg27[%swap3A_1650] {strides = array<i32>} : memref<80xf32, #tpu.memory_space<vmem>>, vector<16xf32>,
      tpu.vector_store %arg27[%swap3A_1650], %div3A_1649 {strides = array<i32>} : memref<80xf32, #tpu.memory_space<vmem>>, vector<16xf32>,
      %get3A_1652 = arith.constant 16 : index
      %get3A_1653 = tpu.vector_load %arg21[%get3A_1652] {strides = array<i32>} : memref<80xf32, #tpu.memory_space<vmem>>, vector<16xf32>,
      %get3A_1654 = arith.constant 16 : index
      %get3A_1655 = tpu.vector_load %arg24[%get3A_1654] {strides = array<i32>} : memref<80xf32, #tpu.memory_space<vmem>>, vector<16xf32>,
      %add3A_1656 = arith.addf %get3A_1653, %get3A_1655 : vector<16xf32>
      %div3A_1657 = arith.constant 1.000000e+00 : f32
      %div3A_1658 = vector.broadcast %div3A_1657 : f32 to vector<16xf32>
      %div3A_1659 = arith.divf %div3A_1658, %add3A_1656 : vector<16xf32>
      %swap3A_1660 = arith.constant 16 : index
      %swap3A_1661 = tpu.vector_load %arg27[%swap3A_1660] {strides = array<i32>} : memref<80xf32, #tpu.memory_space<vmem>>, vector<16xf32>,
      tpu.vector_store %arg27[%swap3A_1660], %div3A_1659 {strides = array<i32>} : memref<80xf32, #tpu.memory_space<vmem>>, vector<16xf32>,
      %get3A_1662 = arith.constant 32 : index
      %get3A_1663 = tpu.vector_load %arg21[%get3A_1662] {strides = array<i32>} : memref<80xf32, #tpu.memory_space<vmem>>, vector<16xf32>,
      %get3A_1664 = arith.constant 32 : index
      %get3A_1665 = tpu.vector_load %arg24[%get3A_1664] {strides = array<i32>} : memref<80xf32, #tpu.memory_space<vmem>>, vector<16xf32>,
      %add3A_1666 = arith.addf %get3A_1663, %get3A_1665 : vector<16xf32>
      %div3A_1667 = arith.constant 1.000000e+00 : f32
      %div3A_1668 = vector.broadcast %div3A_1667 : f32 to vector<16xf32>
      %div3A_1669 = arith.divf %div3A_1668, %add3A_1666 : vector<16xf32>
      %swap3A_1670 = arith.constant 32 : index
      %swap3A_1671 = tpu.vector_load %arg27[%swap3A_1670] {strides = array<i32>} : memref<80xf32, #tpu.memory_space<vmem>>, vector<16xf32>,
      tpu.vector_store %arg27[%swap3A_1670], %div3A_1669 {strides = array<i32>} : memref<80xf32, #tpu.memory_space<vmem>>, vector<16xf32>,
      %get3A_1672 = arith.constant 48 : index
      %get3A_1673 = tpu.vector_load %arg21[%get3A_1672] {strides = array<i32>} : memref<80xf32, #tpu.memory_space<vmem>>, vector<16xf32>,
      %get3A_1674 = arith.constant 48 : index
      %get3A_1675 = tpu.vector_load %arg24[%get3A_1674] {strides = array<i32>} : memref<80xf32, #tpu.memory_space<vmem>>, vector<16xf32>,
      %add3A_1676 = arith.addf %get3A_1673, %get3A_1675 : vector<16xf32>
      %div3A_1677 = arith.constant 1.000000e+00 : f32
      %div3A_1678 = vector.broadcast %div3A_1677 : f32 to vector<16xf32>
      %div3A_1679 = arith.divf %div3A_1678, %add3A_1676 : vector<16xf32>
      %swap3A_1680 = arith.constant 48 : index
      %swap3A_1681 = tpu.vector_load %arg27[%swap3A_1680] {strides = array<i32>} : memref<80xf32, #tpu.memory_space<vmem>>, vector<16xf32>,
      tpu.vector_store %arg27[%swap3A_1680], %div3A_1679 {strides = array<i32>} : memref<80xf32, #tpu.memory_space<vmem>>, vector<16xf32>,
      %get3A_1682 = arith.constant 64 : index
      %get3A_1683 = tpu.vector_load %arg21[%get3A_1682] {strides = array<i32>} : memref<80xf32, #tpu.memory_space<vmem>>, vector<16xf32>,
      %get3A_1684 = arith.constant 64 : index
      %get3A_1685 = tpu.vector_load %arg24[%get3A_1684] {strides = array<i32>} : memref<80xf32, #tpu.memory_space<vmem>>, vector<16xf32>,
      %add3A_1686 = arith.addf %get3A_1683, %get3A_1685 : vector<16xf32>
      %div3A_1687 = arith.constant 1.000000e+00 : f32
      %div3A_1688 = vector.broadcast %div3A_1687 : f32 to vector<16xf32>
      %div3A_1689 = arith.divf %div3A_1688, %add3A_1686 : vector<16xf32>
      %swap3A_1690 = arith.constant 64 : index
      %swap3A_1691 = tpu.vector_load %arg27[%swap3A_1690] {strides = array<i32>} : memref<80xf32, #tpu.memory_space<vmem>>, vector<16xf32>,
      tpu.vector_store %arg27[%swap3A_1690], %div3A_1689 {strides = array<i32>} : memref<80xf32, #tpu.memory_space<vmem>>, vector<16xf32>,
      %dma_wait3A_1692 = arith.constant 0 : i32
      %dma_wait3A_1693 = arith.constant 0 : i32
      %dma_wait3A_1694 = tpu.memref_slice %arg2[%dma_wait3A_1692, %dma_wait3A_1693] : memref<80000x128xf32, #tpu.memory_space<hbm>> -> memref<80000x128xf32, #tpu.memory_space<hbm>>
      tpu.wait_indirect_dma semaphore(%arg34 : memref<!tpu.dma_semaphore, #tpu.memory_space<semaphore_mem>>) src(%dma_wait3A_1694 : memref<80000x128xf32, #tpu.memory_space<hbm>>) dst(%arg30 : memref<80x128xf32, #tpu.memory_space<vmem>>)
      %scan3A_1695 = arith.constant 0 : i32
      %scan3A_1696 = arith.constant 80 : i32
      %scan3A_1697 = arith.addi %scan3A_1695, %scan3A_1696 : i32
      %scan3A_1698 = arith.constant 1 : i32
      scf.for %scan3A_2210 = %scan3A_1695 to %scan3A_1697 step %scan3A_1698  : i32 {
        %mul3A_2211 = arith.constant 1 : i32
        %mul3A_2212 = arith.muli %scan3A_2210, %mul3A_2211 : i32
        %add3A_2213 = arith.constant 0 : i32
        %add3A_2214 = arith.addi %add3A_2213, %mul3A_2212 : i32
        %broadcast_in_dim3A = vector.broadcast %add3A_2214 : i32 to vector<16xi32>
        %gather3A = tpu.vector_load_idx %arg27[%broadcast_in_dim3A] : memref<80xf32, #tpu.memory_space<vmem>>[vector<16xi32>], vector<16xf32>,
        %get3A_2215 = arith.index_cast %add3A_2214 : i32 to index
        %get3A_2216 = arith.constant 0 : index
        %get3A_2217 = tpu.vector_load %arg30[%get3A_2215, %get3A_2216] {strides = array<i32>} : memref<80x128xf32, #tpu.memory_space<vmem>>, vector<16xf32>,
        %mul3A_2218 = arith.mulf %get3A_2217, %gather3A : vector<16xf32>
        %swap3A_2219 = arith.index_cast %add3A_2214 : i32 to index
        %swap3A_2220 = arith.constant 0 : index
        %swap3A_2221 = tpu.vector_load %arg30[%swap3A_2219, %swap3A_2220] {strides = array<i32>} : memref<80x128xf32, #tpu.memory_space<vmem>>, vector<16xf32>,
        tpu.vector_store %arg30[%swap3A_2219, %swap3A_2220], %mul3A_2218 {strides = array<i32>} : memref<80x128xf32, #tpu.memory_space<vmem>>, vector<16xf32>,
        %get3A_2222 = arith.index_cast %add3A_2214 : i32 to index
        %get3A_2223 = arith.constant 16 : index
        %get3A_2224 = tpu.vector_load %arg30[%get3A_2222, %get3A_2223] {strides = array<i32>} : memref<80x128xf32, #tpu.memory_space<vmem>>, vector<16xf32>,
        %mul3A_2225 = arith.mulf %get3A_2224, %gather3A : vector<16xf32>
        %swap3A_2226 = arith.index_cast %add3A_2214 : i32 to index
        %swap3A_2227 = arith.constant 16 : index
        %swap3A_2228 = tpu.vector_load %arg30[%swap3A_2226, %swap3A_2227] {strides = array<i32>} : memref<80x128xf32, #tpu.memory_space<vmem>>, vector<16xf32>,
        tpu.vector_store %arg30[%swap3A_2226, %swap3A_2227], %mul3A_2225 {strides = array<i32>} : memref<80x128xf32, #tpu.memory_space<vmem>>, vector<16xf32>,
        %get3A_2229 = arith.index_cast %add3A_2214 : i32 to index
        %get3A_2230 = arith.constant 32 : index
        %get3A_2231 = tpu.vector_load %arg30[%get3A_2229, %get3A_2230] {strides = array<i32>} : memref<80x128xf32, #tpu.memory_space<vmem>>, vector<16xf32>,
        %mul3A_2232 = arith.mulf %get3A_2231, %gather3A : vector<16xf32>
        %swap3A_2233 = arith.index_cast %add3A_2214 : i32 to index
        %swap3A_2234 = arith.constant 32 : index
        %swap3A_2235 = tpu.vector_load %arg30[%swap3A_2233, %swap3A_2234] {strides = array<i32>} : memref<80x128xf32, #tpu.memory_space<vmem>>, vector<16xf32>,
        tpu.vector_store %arg30[%swap3A_2233, %swap3A_2234], %mul3A_2232 {strides = array<i32>} : memref<80x128xf32, #tpu.memory_space<vmem>>, vector<16xf32>,
        %get3A_2236 = arith.index_cast %add3A_2214 : i32 to index
        %get3A_2237 = arith.constant 48 : index
        %get3A_2238 = tpu.vector_load %arg30[%get3A_2236, %get3A_2237] {strides = array<i32>} : memref<80x128xf32, #tpu.memory_space<vmem>>, vector<16xf32>,
        %mul3A_2239 = arith.mulf %get3A_2238, %gather3A : vector<16xf32>
        %swap3A_2240 = arith.index_cast %add3A_2214 : i32 to index
        %swap3A_2241 = arith.constant 48 : index
        %swap3A_2242 = tpu.vector_load %arg30[%swap3A_2240, %swap3A_2241] {strides = array<i32>} : memref<80x128xf32, #tpu.memory_space<vmem>>, vector<16xf32>,
        tpu.vector_store %arg30[%swap3A_2240, %swap3A_2241], %mul3A_2239 {strides = array<i32>} : memref<80x128xf32, #tpu.memory_space<vmem>>, vector<16xf32>,
        %get3A_2243 = arith.index_cast %add3A_2214 : i32 to index
        %get3A_2244 = arith.constant 64 : index
        %get3A_2245 = tpu.vector_load %arg30[%get3A_2243, %get3A_2244] {strides = array<i32>} : memref<80x128xf32, #tpu.memory_space<vmem>>, vector<16xf32>,
        %mul3A_2246 = arith.mulf %get3A_2245, %gather3A : vector<16xf32>
        %swap3A_2247 = arith.index_cast %add3A_2214 : i32 to index
        %swap3A_2248 = arith.constant 64 : index
        %swap3A_2249 = tpu.vector_load %arg30[%swap3A_2247, %swap3A_2248] {strides = array<i32>} : memref<80x128xf32, #tpu.memory_space<vmem>>, vector<16xf32>,
        tpu.vector_store %arg30[%swap3A_2247, %swap3A_2248], %mul3A_2246 {strides = array<i32>} : memref<80x128xf32, #tpu.memory_space<vmem>>, vector<16xf32>,
        %get3A_2250 = arith.index_cast %add3A_2214 : i32 to index
        %get3A_2251 = arith.constant 80 : index
        %get3A_2252 = tpu.vector_load %arg30[%get3A_2250, %get3A_2251] {strides = array<i32>} : memref<80x128xf32, #tpu.memory_space<vmem>>, vector<16xf32>,
        %mul3A_2253 = arith.mulf %get3A_2252, %gather3A : vector<16xf32>
        %swap3A_2254 = arith.index_cast %add3A_2214 : i32 to index
        %swap3A_2255 = arith.constant 80 : index
        %swap3A_2256 = tpu.vector_load %arg30[%swap3A_2254, %swap3A_2255] {strides = array<i32>} : memref<80x128xf32, #tpu.memory_space<vmem>>, vector<16xf32>,
        tpu.vector_store %arg30[%swap3A_2254, %swap3A_2255], %mul3A_2253 {strides = array<i32>} : memref<80x128xf32, #tpu.memory_space<vmem>>, vector<16xf32>,
        %get3A_2257 = arith.index_cast %add3A_2214 : i32 to index
        %get3A_2258 = arith.constant 96 : index
        %get3A_2259 = tpu.vector_load %arg30[%get3A_2257, %get3A_2258] {strides = array<i32>} : memref<80x128xf32, #tpu.memory_space<vmem>>, vector<16xf32>,
        %mul3A_2260 = arith.mulf %get3A_2259, %gather3A : vector<16xf32>
        %swap3A_2261 = arith.index_cast %add3A_2214 : i32 to index
        %swap3A_2262 = arith.constant 96 : index
        %swap3A_2263 = tpu.vector_load %arg30[%swap3A_2261, %swap3A_2262] {strides = array<i32>} : memref<80x128xf32, #tpu.memory_space<vmem>>, vector<16xf32>,
        tpu.vector_store %arg30[%swap3A_2261, %swap3A_2262], %mul3A_2260 {strides = array<i32>} : memref<80x128xf32, #tpu.memory_space<vmem>>, vector<16xf32>,
        %get3A_2264 = arith.index_cast %add3A_2214 : i32 to index
        %get3A_2265 = arith.constant 112 : index
        %get3A_2266 = tpu.vector_load %arg30[%get3A_2264, %get3A_2265] {strides = array<i32>} : memref<80x128xf32, #tpu.memory_space<vmem>>, vector<16xf32>,
        %mul3A_2267 = arith.mulf %get3A_2266, %gather3A : vector<16xf32>
        %swap3A_2268 = arith.index_cast %add3A_2214 : i32 to index
        %swap3A_2269 = arith.constant 112 : index
        %swap3A_2270 = tpu.vector_load %arg30[%swap3A_2268, %swap3A_2269] {strides = array<i32>} : memref<80x128xf32, #tpu.memory_space<vmem>>, vector<16xf32>,
        tpu.vector_store %arg30[%swap3A_2268, %swap3A_2269], %mul3A_2267 {strides = array<i32>} : memref<80x128xf32, #tpu.memory_space<vmem>>, vector<16xf32>,
      }
      %scan3A_1699 = arith.constant 80 : i32
      %dma_start3A_1700 = arith.constant 0 : i32
      %dma_start3A_1701 = arith.constant 0 : i32
      %dma_start3A_1702 = tpu.memref_slice %arg32[%dma_start3A_1700, %dma_start3A_1701] : memref<10000x128xf32, #tpu.memory_space<vmem_shared>> -> memref<10000x128xf32, #tpu.memory_space<vmem_shared>>
      tpu.enqueue_indirect_dma source(%arg30 : memref<80x128xf32, #tpu.memory_space<vmem>>) target(%dma_start3A_1702 : memref<10000x128xf32, #tpu.memory_space<vmem_shared>>) offsets(%arg18 : memref<80xi32, #tpu.memory_space<vmem>>) semaphore(%arg43 : memref<!tpu.dma_semaphore, #tpu.memory_space<semaphore_mem>>) {add = true}
      %dma_wait3A_1703 = arith.constant 0 : i32
      %dma_wait3A_1704 = arith.constant 0 : i32
      %dma_wait3A_1705 = tpu.memref_slice %arg32[%dma_wait3A_1703, %dma_wait3A_1704] : memref<10000x128xf32, #tpu.memory_space<vmem_shared>> -> memref<10000x128xf32, #tpu.memory_space<vmem_shared>>
      tpu.wait_indirect_dma semaphore(%arg42 : memref<!tpu.dma_semaphore, #tpu.memory_space<semaphore_mem>>) src(%arg29 : memref<80x128xf32, #tpu.memory_space<vmem>>) dst(%dma_wait3A_1705 : memref<10000x128xf32, #tpu.memory_space<vmem_shared>>)
      %add3A_1706 = arith.constant 1 : i32
      %add3A_1707 = arith.addi %add3A_1351, %add3A_1706 : i32
      %add3A_1708 = arith.constant 2 : i32
      %add3A_1709 = arith.addi %add3A_1707, %add3A_1708 : i32
      %mul3A_1710 = arith.constant 80 : i32
      %mul3A_1711 = arith.muli %add3A_1709, %mul3A_1710 : i32
      %add3A_1712 = arith.constant 0 : i32
      %add3A_1713 = arith.addi %mul3A_1711, %add3A_1712 : i32
      %get3A_1714 = arith.index_cast %add3A_1713 : i32 to index
      %get3A_1715 = tpu.vector_load %arg7[%get3A_1714] {strides = array<i32>} : memref<10000xi32, #tpu.memory_space<vmem>>, vector<16xi32>,
      %get3A_1716 = vector.shape_cast %get3A_1715 : vector<16xi32> to vector<16xi32>
      %and3A_1717 = arith.constant 16383 : i32
      %and3A_1718 = vector.broadcast %and3A_1717 : i32 to vector<16xi32>
      %and3A_1719 = arith.andi %get3A_1716, %and3A_1718 : vector<16xi32>
      %shift_right_logical3A_1720 = arith.constant 14 : i32
      %shift_right_logical3A_1721 = vector.broadcast %shift_right_logical3A_1720 : i32 to vector<16xi32>
      %shift_right_logical3A_1722 = arith.shrui %get3A_1716, %shift_right_logical3A_1721 : vector<16xi32>
      %and3A_1723 = arith.constant 16383 : i32
      %and3A_1724 = vector.broadcast %and3A_1723 : i32 to vector<16xi32>
      %and3A_1725 = arith.andi %shift_right_logical3A_1722, %and3A_1724 : vector<16xi32>
      %shift_right_logical3A_1726 = arith.constant 28 : i32
      %shift_right_logical3A_1727 = vector.broadcast %shift_right_logical3A_1726 : i32 to vector<16xi32>
      %shift_right_logical3A_1728 = arith.shrui %get3A_1716, %shift_right_logical3A_1727 : vector<16xi32>
      %mul3A_1729 = arith.constant 10000 : i32
      %mul3A_1730 = vector.broadcast %mul3A_1729 : i32 to vector<16xi32>
      %mul3A_1731 = arith.muli %shift_right_logical3A_1728, %mul3A_1730 : vector<16xi32>
      %add3A_1732 = arith.addi %mul3A_1731, %and3A_1725 : vector<16xi32>
      %add3A_1733 = arith.addi %mul3A_1731, %and3A_1719 : vector<16xi32>
      %swap3A_1734 = arith.constant 0 : index
      %swap3A_1735 = tpu.vector_load %arg8[%swap3A_1734] {strides = array<i32>} : memref<80xi32, #tpu.memory_space<vmem>>, vector<16xi32>,
      %swap3A_1736 = vector.shape_cast %swap3A_1735 : vector<16xi32> to vector<16xi32>
      %swap3A_1737 = vector.shape_cast %add3A_1733 : vector<16xi32> to vector<16xi32>
      tpu.vector_store %arg8[%swap3A_1734], %swap3A_1737 {strides = array<i32>} : memref<80xi32, #tpu.memory_space<vmem>>, vector<16xi32>,
      %swap3A_1738 = arith.constant 0 : index
      %swap3A_1739 = tpu.vector_load %arg11[%swap3A_1738] {strides = array<i32>} : memref<80xi32, #tpu.memory_space<vmem>>, vector<16xi32>,
      %swap3A_1740 = vector.shape_cast %swap3A_1739 : vector<16xi32> to vector<16xi32>
      %swap3A_1741 = vector.shape_cast %add3A_1732 : vector<16xi32> to vector<16xi32>
      tpu.vector_store %arg11[%swap3A_1738], %swap3A_1741 {strides = array<i32>} : memref<80xi32, #tpu.memory_space<vmem>>, vector<16xi32>,
      %add3A_1742 = arith.constant 80000 : i32
      %add3A_1743 = vector.broadcast %add3A_1742 : i32 to vector<16xi32>
      %add3A_1744 = arith.addi %add3A_1732, %add3A_1743 : vector<16xi32>
      %swap3A_1745 = arith.constant 0 : index
      %swap3A_1746 = tpu.vector_load %arg14[%swap3A_1745] {strides = array<i32>} : memref<80xi32, #tpu.memory_space<vmem>>, vector<16xi32>,
      %swap3A_1747 = vector.shape_cast %swap3A_1746 : vector<16xi32> to vector<16xi32>
      %swap3A_1748 = vector.shape_cast %add3A_1744 : vector<16xi32> to vector<16xi32>
      tpu.vector_store %arg14[%swap3A_1745], %swap3A_1748 {strides = array<i32>} : memref<80xi32, #tpu.memory_space<vmem>>, vector<16xi32>,
      %swap3A_1749 = arith.constant 0 : index
      %swap3A_1750 = tpu.vector_load %arg17[%swap3A_1749] {strides = array<i32>} : memref<80xi32, #tpu.memory_space<vmem>>, vector<16xi32>,
      %swap3A_1751 = vector.shape_cast %swap3A_1750 : vector<16xi32> to vector<16xi32>
      %swap3A_1752 = vector.shape_cast %and3A_1725 : vector<16xi32> to vector<16xi32>
      tpu.vector_store %arg17[%swap3A_1749], %swap3A_1752 {strides = array<i32>} : memref<80xi32, #tpu.memory_space<vmem>>, vector<16xi32>,
      %add3A_1753 = arith.constant 16 : i32
      %add3A_1754 = arith.addi %mul3A_1711, %add3A_1753 : i32
      %get3A_1755 = arith.index_cast %add3A_1754 : i32 to index
      %get3A_1756 = tpu.vector_load %arg7[%get3A_1755] {strides = array<i32>} : memref<10000xi32, #tpu.memory_space<vmem>>, vector<16xi32>,
      %get3A_1757 = vector.shape_cast %get3A_1756 : vector<16xi32> to vector<16xi32>
      %and3A_1758 = arith.constant 16383 : i32
      %and3A_1759 = vector.broadcast %and3A_1758 : i32 to vector<16xi32>
      %and3A_1760 = arith.andi %get3A_1757, %and3A_1759 : vector<16xi32>
      %shift_right_logical3A_1761 = arith.constant 14 : i32
      %shift_right_logical3A_1762 = vector.broadcast %shift_right_logical3A_1761 : i32 to vector<16xi32>
      %shift_right_logical3A_1763 = arith.shrui %get3A_1757, %shift_right_logical3A_1762 : vector<16xi32>
      %and3A_1764 = arith.constant 16383 : i32
      %and3A_1765 = vector.broadcast %and3A_1764 : i32 to vector<16xi32>
      %and3A_1766 = arith.andi %shift_right_logical3A_1763, %and3A_1765 : vector<16xi32>
      %shift_right_logical3A_1767 = arith.constant 28 : i32
      %shift_right_logical3A_1768 = vector.broadcast %shift_right_logical3A_1767 : i32 to vector<16xi32>
      %shift_right_logical3A_1769 = arith.shrui %get3A_1757, %shift_right_logical3A_1768 : vector<16xi32>
      %mul3A_1770 = arith.constant 10000 : i32
      %mul3A_1771 = vector.broadcast %mul3A_1770 : i32 to vector<16xi32>
      %mul3A_1772 = arith.muli %shift_right_logical3A_1769, %mul3A_1771 : vector<16xi32>
      %add3A_1773 = arith.addi %mul3A_1772, %and3A_1766 : vector<16xi32>
      %add3A_1774 = arith.addi %mul3A_1772, %and3A_1760 : vector<16xi32>
      %swap3A_1775 = arith.constant 16 : index
      %swap3A_1776 = tpu.vector_load %arg8[%swap3A_1775] {strides = array<i32>} : memref<80xi32, #tpu.memory_space<vmem>>, vector<16xi32>,
      %swap3A_1777 = vector.shape_cast %swap3A_1776 : vector<16xi32> to vector<16xi32>
      %swap3A_1778 = vector.shape_cast %add3A_1774 : vector<16xi32> to vector<16xi32>
      tpu.vector_store %arg8[%swap3A_1775], %swap3A_1778 {strides = array<i32>} : memref<80xi32, #tpu.memory_space<vmem>>, vector<16xi32>,
      %swap3A_1779 = arith.constant 16 : index
      %swap3A_1780 = tpu.vector_load %arg11[%swap3A_1779] {strides = array<i32>} : memref<80xi32, #tpu.memory_space<vmem>>, vector<16xi32>,
      %swap3A_1781 = vector.shape_cast %swap3A_1780 : vector<16xi32> to vector<16xi32>
      %swap3A_1782 = vector.shape_cast %add3A_1773 : vector<16xi32> to vector<16xi32>
      tpu.vector_store %arg11[%swap3A_1779], %swap3A_1782 {strides = array<i32>} : memref<80xi32, #tpu.memory_space<vmem>>, vector<16xi32>,
      %add3A_1783 = arith.constant 80000 : i32
      %add3A_1784 = vector.broadcast %add3A_1783 : i32 to vector<16xi32>
      %add3A_1785 = arith.addi %add3A_1773, %add3A_1784 : vector<16xi32>
      %swap3A_1786 = arith.constant 16 : index
      %swap3A_1787 = tpu.vector_load %arg14[%swap3A_1786] {strides = array<i32>} : memref<80xi32, #tpu.memory_space<vmem>>, vector<16xi32>,
      %swap3A_1788 = vector.shape_cast %swap3A_1787 : vector<16xi32> to vector<16xi32>
      %swap3A_1789 = vector.shape_cast %add3A_1785 : vector<16xi32> to vector<16xi32>
      tpu.vector_store %arg14[%swap3A_1786], %swap3A_1789 {strides = array<i32>} : memref<80xi32, #tpu.memory_space<vmem>>, vector<16xi32>,
      %swap3A_1790 = arith.constant 16 : index
      %swap3A_1791 = tpu.vector_load %arg17[%swap3A_1790] {strides = array<i32>} : memref<80xi32, #tpu.memory_space<vmem>>, vector<16xi32>,
      %swap3A_1792 = vector.shape_cast %swap3A_1791 : vector<16xi32> to vector<16xi32>
      %swap3A_1793 = vector.shape_cast %and3A_1766 : vector<16xi32> to vector<16xi32>
      tpu.vector_store %arg17[%swap3A_1790], %swap3A_1793 {strides = array<i32>} : memref<80xi32, #tpu.memory_space<vmem>>, vector<16xi32>,
      %add3A_1794 = arith.constant 32 : i32
      %add3A_1795 = arith.addi %mul3A_1711, %add3A_1794 : i32
      %get3A_1796 = arith.index_cast %add3A_1795 : i32 to index
      %get3A_1797 = tpu.vector_load %arg7[%get3A_1796] {strides = array<i32>} : memref<10000xi32, #tpu.memory_space<vmem>>, vector<16xi32>,
      %get3A_1798 = vector.shape_cast %get3A_1797 : vector<16xi32> to vector<16xi32>
      %and3A_1799 = arith.constant 16383 : i32
      %and3A_1800 = vector.broadcast %and3A_1799 : i32 to vector<16xi32>
      %and3A_1801 = arith.andi %get3A_1798, %and3A_1800 : vector<16xi32>
      %shift_right_logical3A_1802 = arith.constant 14 : i32
      %shift_right_logical3A_1803 = vector.broadcast %shift_right_logical3A_1802 : i32 to vector<16xi32>
      %shift_right_logical3A_1804 = arith.shrui %get3A_1798, %shift_right_logical3A_1803 : vector<16xi32>
      %and3A_1805 = arith.constant 16383 : i32
      %and3A_1806 = vector.broadcast %and3A_1805 : i32 to vector<16xi32>
      %and3A_1807 = arith.andi %shift_right_logical3A_1804, %and3A_1806 : vector<16xi32>
      %shift_right_logical3A_1808 = arith.constant 28 : i32
      %shift_right_logical3A_1809 = vector.broadcast %shift_right_logical3A_1808 : i32 to vector<16xi32>
      %shift_right_logical3A_1810 = arith.shrui %get3A_1798, %shift_right_logical3A_1809 : vector<16xi32>
      %mul3A_1811 = arith.constant 10000 : i32
      %mul3A_1812 = vector.broadcast %mul3A_1811 : i32 to vector<16xi32>
      %mul3A_1813 = arith.muli %shift_right_logical3A_1810, %mul3A_1812 : vector<16xi32>
      %add3A_1814 = arith.addi %mul3A_1813, %and3A_1807 : vector<16xi32>
      %add3A_1815 = arith.addi %mul3A_1813, %and3A_1801 : vector<16xi32>
      %swap3A_1816 = arith.constant 32 : index
      %swap3A_1817 = tpu.vector_load %arg8[%swap3A_1816] {strides = array<i32>} : memref<80xi32, #tpu.memory_space<vmem>>, vector<16xi32>,
      %swap3A_1818 = vector.shape_cast %swap3A_1817 : vector<16xi32> to vector<16xi32>
      %swap3A_1819 = vector.shape_cast %add3A_1815 : vector<16xi32> to vector<16xi32>
      tpu.vector_store %arg8[%swap3A_1816], %swap3A_1819 {strides = array<i32>} : memref<80xi32, #tpu.memory_space<vmem>>, vector<16xi32>,
      %swap3A_1820 = arith.constant 32 : index
      %swap3A_1821 = tpu.vector_load %arg11[%swap3A_1820] {strides = array<i32>} : memref<80xi32, #tpu.memory_space<vmem>>, vector<16xi32>,
      %swap3A_1822 = vector.shape_cast %swap3A_1821 : vector<16xi32> to vector<16xi32>
      %swap3A_1823 = vector.shape_cast %add3A_1814 : vector<16xi32> to vector<16xi32>
      tpu.vector_store %arg11[%swap3A_1820], %swap3A_1823 {strides = array<i32>} : memref<80xi32, #tpu.memory_space<vmem>>, vector<16xi32>,
      %add3A_1824 = arith.constant 80000 : i32
      %add3A_1825 = vector.broadcast %add3A_1824 : i32 to vector<16xi32>
      %add3A_1826 = arith.addi %add3A_1814, %add3A_1825 : vector<16xi32>
      %swap3A_1827 = arith.constant 32 : index
      %swap3A_1828 = tpu.vector_load %arg14[%swap3A_1827] {strides = array<i32>} : memref<80xi32, #tpu.memory_space<vmem>>, vector<16xi32>,
      %swap3A_1829 = vector.shape_cast %swap3A_1828 : vector<16xi32> to vector<16xi32>
      %swap3A_1830 = vector.shape_cast %add3A_1826 : vector<16xi32> to vector<16xi32>
      tpu.vector_store %arg14[%swap3A_1827], %swap3A_1830 {strides = array<i32>} : memref<80xi32, #tpu.memory_space<vmem>>, vector<16xi32>,
      %swap3A_1831 = arith.constant 32 : index
      %swap3A_1832 = tpu.vector_load %arg17[%swap3A_1831] {strides = array<i32>} : memref<80xi32, #tpu.memory_space<vmem>>, vector<16xi32>,
      %swap3A_1833 = vector.shape_cast %swap3A_1832 : vector<16xi32> to vector<16xi32>
      %swap3A_1834 = vector.shape_cast %and3A_1807 : vector<16xi32> to vector<16xi32>
      tpu.vector_store %arg17[%swap3A_1831], %swap3A_1834 {strides = array<i32>} : memref<80xi32, #tpu.memory_space<vmem>>, vector<16xi32>,
      %add3A_1835 = arith.constant 48 : i32
      %add3A_1836 = arith.addi %mul3A_1711, %add3A_1835 : i32
      %get3A_1837 = arith.index_cast %add3A_1836 : i32 to index
      %get3A_1838 = tpu.vector_load %arg7[%get3A_1837] {strides = array<i32>} : memref<10000xi32, #tpu.memory_space<vmem>>, vector<16xi32>,
      %get3A_1839 = vector.shape_cast %get3A_1838 : vector<16xi32> to vector<16xi32>
      %and3A_1840 = arith.constant 16383 : i32
      %and3A_1841 = vector.broadcast %and3A_1840 : i32 to vector<16xi32>
      %and3A_1842 = arith.andi %get3A_1839, %and3A_1841 : vector<16xi32>
      %shift_right_logical3A_1843 = arith.constant 14 : i32
      %shift_right_logical3A_1844 = vector.broadcast %shift_right_logical3A_1843 : i32 to vector<16xi32>
      %shift_right_logical3A_1845 = arith.shrui %get3A_1839, %shift_right_logical3A_1844 : vector<16xi32>
      %and3A_1846 = arith.constant 16383 : i32
      %and3A_1847 = vector.broadcast %and3A_1846 : i32 to vector<16xi32>
      %and3A_1848 = arith.andi %shift_right_logical3A_1845, %and3A_1847 : vector<16xi32>
      %shift_right_logical3A_1849 = arith.constant 28 : i32
      %shift_right_logical3A_1850 = vector.broadcast %shift_right_logical3A_1849 : i32 to vector<16xi32>
      %shift_right_logical3A_1851 = arith.shrui %get3A_1839, %shift_right_logical3A_1850 : vector<16xi32>
      %mul3A_1852 = arith.constant 10000 : i32
      %mul3A_1853 = vector.broadcast %mul3A_1852 : i32 to vector<16xi32>
      %mul3A_1854 = arith.muli %shift_right_logical3A_1851, %mul3A_1853 : vector<16xi32>
      %add3A_1855 = arith.addi %mul3A_1854, %and3A_1848 : vector<16xi32>
      %add3A_1856 = arith.addi %mul3A_1854, %and3A_1842 : vector<16xi32>
      %swap3A_1857 = arith.constant 48 : index
      %swap3A_1858 = tpu.vector_load %arg8[%swap3A_1857] {strides = array<i32>} : memref<80xi32, #tpu.memory_space<vmem>>, vector<16xi32>,
      %swap3A_1859 = vector.shape_cast %swap3A_1858 : vector<16xi32> to vector<16xi32>
      %swap3A_1860 = vector.shape_cast %add3A_1856 : vector<16xi32> to vector<16xi32>
      tpu.vector_store %arg8[%swap3A_1857], %swap3A_1860 {strides = array<i32>} : memref<80xi32, #tpu.memory_space<vmem>>, vector<16xi32>,
      %swap3A_1861 = arith.constant 48 : index
      %swap3A_1862 = tpu.vector_load %arg11[%swap3A_1861] {strides = array<i32>} : memref<80xi32, #tpu.memory_space<vmem>>, vector<16xi32>,
      %swap3A_1863 = vector.shape_cast %swap3A_1862 : vector<16xi32> to vector<16xi32>
      %swap3A_1864 = vector.shape_cast %add3A_1855 : vector<16xi32> to vector<16xi32>
      tpu.vector_store %arg11[%swap3A_1861], %swap3A_1864 {strides = array<i32>} : memref<80xi32, #tpu.memory_space<vmem>>, vector<16xi32>,
      %add3A_1865 = arith.constant 80000 : i32
      %add3A_1866 = vector.broadcast %add3A_1865 : i32 to vector<16xi32>
      %add3A_1867 = arith.addi %add3A_1855, %add3A_1866 : vector<16xi32>
      %swap3A_1868 = arith.constant 48 : index
      %swap3A_1869 = tpu.vector_load %arg14[%swap3A_1868] {strides = array<i32>} : memref<80xi32, #tpu.memory_space<vmem>>, vector<16xi32>,
      %swap3A_1870 = vector.shape_cast %swap3A_1869 : vector<16xi32> to vector<16xi32>
      %swap3A_1871 = vector.shape_cast %add3A_1867 : vector<16xi32> to vector<16xi32>
      tpu.vector_store %arg14[%swap3A_1868], %swap3A_1871 {strides = array<i32>} : memref<80xi32, #tpu.memory_space<vmem>>, vector<16xi32>,
      %swap3A_1872 = arith.constant 48 : index
      %swap3A_1873 = tpu.vector_load %arg17[%swap3A_1872] {strides = array<i32>} : memref<80xi32, #tpu.memory_space<vmem>>, vector<16xi32>,
      %swap3A_1874 = vector.shape_cast %swap3A_1873 : vector<16xi32> to vector<16xi32>
      %swap3A_1875 = vector.shape_cast %and3A_1848 : vector<16xi32> to vector<16xi32>
      tpu.vector_store %arg17[%swap3A_1872], %swap3A_1875 {strides = array<i32>} : memref<80xi32, #tpu.memory_space<vmem>>, vector<16xi32>,
      %add3A_1876 = arith.constant 64 : i32
      %add3A_1877 = arith.addi %mul3A_1711, %add3A_1876 : i32
      %get3A_1878 = arith.index_cast %add3A_1877 : i32 to index
      %get3A_1879 = tpu.vector_load %arg7[%get3A_1878] {strides = array<i32>} : memref<10000xi32, #tpu.memory_space<vmem>>, vector<16xi32>,
      %get3A_1880 = vector.shape_cast %get3A_1879 : vector<16xi32> to vector<16xi32>
      %and3A_1881 = arith.constant 16383 : i32
      %and3A_1882 = vector.broadcast %and3A_1881 : i32 to vector<16xi32>
      %and3A_1883 = arith.andi %get3A_1880, %and3A_1882 : vector<16xi32>
      %shift_right_logical3A_1884 = arith.constant 14 : i32
      %shift_right_logical3A_1885 = vector.broadcast %shift_right_logical3A_1884 : i32 to vector<16xi32>
      %shift_right_logical3A_1886 = arith.shrui %get3A_1880, %shift_right_logical3A_1885 : vector<16xi32>
      %and3A_1887 = arith.constant 16383 : i32
      %and3A_1888 = vector.broadcast %and3A_1887 : i32 to vector<16xi32>
      %and3A_1889 = arith.andi %shift_right_logical3A_1886, %and3A_1888 : vector<16xi32>
      %shift_right_logical3A_1890 = arith.constant 28 : i32
      %shift_right_logical3A_1891 = vector.broadcast %shift_right_logical3A_1890 : i32 to vector<16xi32>
      %shift_right_logical3A_1892 = arith.shrui %get3A_1880, %shift_right_logical3A_1891 : vector<16xi32>
      %mul3A_1893 = arith.constant 10000 : i32
      %mul3A_1894 = vector.broadcast %mul3A_1893 : i32 to vector<16xi32>
      %mul3A_1895 = arith.muli %shift_right_logical3A_1892, %mul3A_1894 : vector<16xi32>
      %add3A_1896 = arith.addi %mul3A_1895, %and3A_1889 : vector<16xi32>
      %add3A_1897 = arith.addi %mul3A_1895, %and3A_1883 : vector<16xi32>
      %swap3A_1898 = arith.constant 64 : index
      %swap3A_1899 = tpu.vector_load %arg8[%swap3A_1898] {strides = array<i32>} : memref<80xi32, #tpu.memory_space<vmem>>, vector<16xi32>,
      %swap3A_1900 = vector.shape_cast %swap3A_1899 : vector<16xi32> to vector<16xi32>
      %swap3A_1901 = vector.shape_cast %add3A_1897 : vector<16xi32> to vector<16xi32>
      tpu.vector_store %arg8[%swap3A_1898], %swap3A_1901 {strides = array<i32>} : memref<80xi32, #tpu.memory_space<vmem>>, vector<16xi32>,
      %swap3A_1902 = arith.constant 64 : index
      %swap3A_1903 = tpu.vector_load %arg11[%swap3A_1902] {strides = array<i32>} : memref<80xi32, #tpu.memory_space<vmem>>, vector<16xi32>,
      %swap3A_1904 = vector.shape_cast %swap3A_1903 : vector<16xi32> to vector<16xi32>
      %swap3A_1905 = vector.shape_cast %add3A_1896 : vector<16xi32> to vector<16xi32>
      tpu.vector_store %arg11[%swap3A_1902], %swap3A_1905 {strides = array<i32>} : memref<80xi32, #tpu.memory_space<vmem>>, vector<16xi32>,
      %add3A_1906 = arith.constant 80000 : i32
      %add3A_1907 = vector.broadcast %add3A_1906 : i32 to vector<16xi32>
      %add3A_1908 = arith.addi %add3A_1896, %add3A_1907 : vector<16xi32>
      %swap3A_1909 = arith.constant 64 : index
      %swap3A_1910 = tpu.vector_load %arg14[%swap3A_1909] {strides = array<i32>} : memref<80xi32, #tpu.memory_space<vmem>>, vector<16xi32>,
      %swap3A_1911 = vector.shape_cast %swap3A_1910 : vector<16xi32> to vector<16xi32>
      %swap3A_1912 = vector.shape_cast %add3A_1908 : vector<16xi32> to vector<16xi32>
      tpu.vector_store %arg14[%swap3A_1909], %swap3A_1912 {strides = array<i32>} : memref<80xi32, #tpu.memory_space<vmem>>, vector<16xi32>,
      %swap3A_1913 = arith.constant 64 : index
      %swap3A_1914 = tpu.vector_load %arg17[%swap3A_1913] {strides = array<i32>} : memref<80xi32, #tpu.memory_space<vmem>>, vector<16xi32>,
      %swap3A_1915 = vector.shape_cast %swap3A_1914 : vector<16xi32> to vector<16xi32>
      %swap3A_1916 = vector.shape_cast %and3A_1889 : vector<16xi32> to vector<16xi32>
      tpu.vector_store %arg17[%swap3A_1913], %swap3A_1916 {strides = array<i32>} : memref<80xi32, #tpu.memory_space<vmem>>, vector<16xi32>,
      %dma_start3A_1917 = arith.constant 0 : i32
      %dma_start3A_1918 = arith.constant 0 : i32
      %dma_start3A_1919 = tpu.memref_slice %arg2[%dma_start3A_1917, %dma_start3A_1918] : memref<80000x128xf32, #tpu.memory_space<hbm>> -> memref<80000x128xf32, #tpu.memory_space<hbm>>
      tpu.enqueue_indirect_dma source(%dma_start3A_1919 : memref<80000x128xf32, #tpu.memory_space<hbm>>) target(%arg29 : memref<80x128xf32, #tpu.memory_space<vmem>>) offsets(%arg8 : memref<80xi32, #tpu.memory_space<vmem>>) semaphore(%arg33 : memref<!tpu.dma_semaphore, #tpu.memory_space<semaphore_mem>>)
      %dma_start3A_1920 = arith.constant 0 : i32
      %dma_start3A_1921 = tpu.memref_slice %arg4[%dma_start3A_1920] : memref<160000xf32, #tpu.memory_space<hbm>> -> memref<160000xf32, #tpu.memory_space<hbm>>
      tpu.enqueue_indirect_dma source(%dma_start3A_1921 : memref<160000xf32, #tpu.memory_space<hbm>>) target(%arg20 : memref<80xf32, #tpu.memory_space<vmem>>) offsets(%arg11 : memref<80xi32, #tpu.memory_space<vmem>>) semaphore(%arg36 : memref<!tpu.dma_semaphore, #tpu.memory_space<semaphore_mem>>)
      %dma_start3A_1922 = arith.constant 0 : i32
      %dma_start3A_1923 = tpu.memref_slice %arg4[%dma_start3A_1922] : memref<160000xf32, #tpu.memory_space<hbm>> -> memref<160000xf32, #tpu.memory_space<hbm>>
      tpu.enqueue_indirect_dma source(%dma_start3A_1923 : memref<160000xf32, #tpu.memory_space<hbm>>) target(%arg23 : memref<80xf32, #tpu.memory_space<vmem>>) offsets(%arg14 : memref<80xi32, #tpu.memory_space<vmem>>) semaphore(%arg39 : memref<!tpu.dma_semaphore, #tpu.memory_space<semaphore_mem>>)
      %dma_wait3A_1924 = arith.constant 0 : i32
      %dma_wait3A_1925 = tpu.memref_slice %arg4[%dma_wait3A_1924] : memref<160000xf32, #tpu.memory_space<hbm>> -> memref<160000xf32, #tpu.memory_space<hbm>>
      tpu.wait_indirect_dma semaphore(%arg38 : memref<!tpu.dma_semaphore, #tpu.memory_space<semaphore_mem>>) src(%dma_wait3A_1925 : memref<160000xf32, #tpu.memory_space<hbm>>) dst(%arg22 : memref<80xf32, #tpu.memory_space<vmem>>)
      %dma_wait3A_1926 = arith.constant 0 : i32
      %dma_wait3A_1927 = tpu.memref_slice %arg4[%dma_wait3A_1926] : memref<160000xf32, #tpu.memory_space<hbm>> -> memref<160000xf32, #tpu.memory_space<hbm>>
      tpu.wait_indirect_dma semaphore(%arg41 : memref<!tpu.dma_semaphore, #tpu.memory_space<semaphore_mem>>) src(%dma_wait3A_1927 : memref<160000xf32, #tpu.memory_space<hbm>>) dst(%arg25 : memref<80xf32, #tpu.memory_space<vmem>>)
      %get3A_1928 = arith.constant 0 : index
      %get3A_1929 = tpu.vector_load %arg22[%get3A_1928] {strides = array<i32>} : memref<80xf32, #tpu.memory_space<vmem>>, vector<16xf32>,
      %get3A_1930 = arith.constant 0 : index
      %get3A_1931 = tpu.vector_load %arg25[%get3A_1930] {strides = array<i32>} : memref<80xf32, #tpu.memory_space<vmem>>, vector<16xf32>,
      %add3A_1932 = arith.addf %get3A_1929, %get3A_1931 : vector<16xf32>
      %div3A_1933 = arith.constant 1.000000e+00 : f32
      %div3A_1934 = vector.broadcast %div3A_1933 : f32 to vector<16xf32>
      %div3A_1935 = arith.divf %div3A_1934, %add3A_1932 : vector<16xf32>
      %swap3A_1936 = arith.constant 0 : index
      %swap3A_1937 = tpu.vector_load %arg28[%swap3A_1936] {strides = array<i32>} : memref<80xf32, #tpu.memory_space<vmem>>, vector<16xf32>,
      tpu.vector_store %arg28[%swap3A_1936], %div3A_1935 {strides = array<i32>} : memref<80xf32, #tpu.memory_space<vmem>>, vector<16xf32>,
      %get3A_1938 = arith.constant 16 : index
      %get3A_1939 = tpu.vector_load %arg22[%get3A_1938] {strides = array<i32>} : memref<80xf32, #tpu.memory_space<vmem>>, vector<16xf32>,
      %get3A_1940 = arith.constant 16 : index
      %get3A_1941 = tpu.vector_load %arg25[%get3A_1940] {strides = array<i32>} : memref<80xf32, #tpu.memory_space<vmem>>, vector<16xf32>,
      %add3A_1942 = arith.addf %get3A_1939, %get3A_1941 : vector<16xf32>
      %div3A_1943 = arith.constant 1.000000e+00 : f32
      %div3A_1944 = vector.broadcast %div3A_1943 : f32 to vector<16xf32>
      %div3A_1945 = arith.divf %div3A_1944, %add3A_1942 : vector<16xf32>
      %swap3A_1946 = arith.constant 16 : index
      %swap3A_1947 = tpu.vector_load %arg28[%swap3A_1946] {strides = array<i32>} : memref<80xf32, #tpu.memory_space<vmem>>, vector<16xf32>,
      tpu.vector_store %arg28[%swap3A_1946], %div3A_1945 {strides = array<i32>} : memref<80xf32, #tpu.memory_space<vmem>>, vector<16xf32>,
      %get3A_1948 = arith.constant 32 : index
      %get3A_1949 = tpu.vector_load %arg22[%get3A_1948] {strides = array<i32>} : memref<80xf32, #tpu.memory_space<vmem>>, vector<16xf32>,
      %get3A_1950 = arith.constant 32 : index
      %get3A_1951 = tpu.vector_load %arg25[%get3A_1950] {strides = array<i32>} : memref<80xf32, #tpu.memory_space<vmem>>, vector<16xf32>,
      %add3A_1952 = arith.addf %get3A_1949, %get3A_1951 : vector<16xf32>
      %div3A_1953 = arith.constant 1.000000e+00 : f32
      %div3A_1954 = vector.broadcast %div3A_1953 : f32 to vector<16xf32>
      %div3A_1955 = arith.divf %div3A_1954, %add3A_1952 : vector<16xf32>
      %swap3A_1956 = arith.constant 32 : index
      %swap3A_1957 = tpu.vector_load %arg28[%swap3A_1956] {strides = array<i32>} : memref<80xf32, #tpu.memory_space<vmem>>, vector<16xf32>,
      tpu.vector_store %arg28[%swap3A_1956], %div3A_1955 {strides = array<i32>} : memref<80xf32, #tpu.memory_space<vmem>>, vector<16xf32>,
      %get3A_1958 = arith.constant 48 : index
      %get3A_1959 = tpu.vector_load %arg22[%get3A_1958] {strides = array<i32>} : memref<80xf32, #tpu.memory_space<vmem>>, vector<16xf32>,
      %get3A_1960 = arith.constant 48 : index
      %get3A_1961 = tpu.vector_load %arg25[%get3A_1960] {strides = array<i32>} : memref<80xf32, #tpu.memory_space<vmem>>, vector<16xf32>,
      %add3A_1962 = arith.addf %get3A_1959, %get3A_1961 : vector<16xf32>
      %div3A_1963 = arith.constant 1.000000e+00 : f32
      %div3A_1964 = vector.broadcast %div3A_1963 : f32 to vector<16xf32>
      %div3A_1965 = arith.divf %div3A_1964, %add3A_1962 : vector<16xf32>
      %swap3A_1966 = arith.constant 48 : index
      %swap3A_1967 = tpu.vector_load %arg28[%swap3A_1966] {strides = array<i32>} : memref<80xf32, #tpu.memory_space<vmem>>, vector<16xf32>,
      tpu.vector_store %arg28[%swap3A_1966], %div3A_1965 {strides = array<i32>} : memref<80xf32, #tpu.memory_space<vmem>>, vector<16xf32>,
      %get3A_1968 = arith.constant 64 : index
      %get3A_1969 = tpu.vector_load %arg22[%get3A_1968] {strides = array<i32>} : memref<80xf32, #tpu.memory_space<vmem>>, vector<16xf32>,
      %get3A_1970 = arith.constant 64 : index
      %get3A_1971 = tpu.vector_load %arg25[%get3A_1970] {strides = array<i32>} : memref<80xf32, #tpu.memory_space<vmem>>, vector<16xf32>,
      %add3A_1972 = arith.addf %get3A_1969, %get3A_1971 : vector<16xf32>
      %div3A_1973 = arith.constant 1.000000e+00 : f32
      %div3A_1974 = vector.broadcast %div3A_1973 : f32 to vector<16xf32>
      %div3A_1975 = arith.divf %div3A_1974, %add3A_1972 : vector<16xf32>
      %swap3A_1976 = arith.constant 64 : index
      %swap3A_1977 = tpu.vector_load %arg28[%swap3A_1976] {strides = array<i32>} : memref<80xf32, #tpu.memory_space<vmem>>, vector<16xf32>,
      tpu.vector_store %arg28[%swap3A_1976], %div3A_1975 {strides = array<i32>} : memref<80xf32, #tpu.memory_space<vmem>>, vector<16xf32>,
      %dma_wait3A_1978 = arith.constant 0 : i32
      %dma_wait3A_1979 = arith.constant 0 : i32
      %dma_wait3A_1980 = tpu.memref_slice %arg2[%dma_wait3A_1978, %dma_wait3A_1979] : memref<80000x128xf32, #tpu.memory_space<hbm>> -> memref<80000x128xf32, #tpu.memory_space<hbm>>
      tpu.wait_indirect_dma semaphore(%arg35 : memref<!tpu.dma_semaphore, #tpu.memory_space<semaphore_mem>>) src(%dma_wait3A_1980 : memref<80000x128xf32, #tpu.memory_space<hbm>>) dst(%arg31 : memref<80x128xf32, #tpu.memory_space<vmem>>)
      %scan3A_1981 = arith.constant 0 : i32
      %scan3A_1982 = arith.constant 80 : i32
      %scan3A_1983 = arith.addi %scan3A_1981, %scan3A_1982 : i32
      %scan3A_1984 = arith.constant 1 : i32
      scf.for %scan3A_2210 = %scan3A_1981 to %scan3A_1983 step %scan3A_1984  : i32 {
        %mul3A_2211 = arith.constant 1 : i32
        %mul3A_2212 = arith.muli %scan3A_2210, %mul3A_2211 : i32
        %add3A_2213 = arith.constant 0 : i32
        %add3A_2214 = arith.addi %add3A_2213, %mul3A_2212 : i32
        %broadcast_in_dim3A = vector.broadcast %add3A_2214 : i32 to vector<16xi32>
        %gather3A = tpu.vector_load_idx %arg28[%broadcast_in_dim3A] : memref<80xf32, #tpu.memory_space<vmem>>[vector<16xi32>], vector<16xf32>,
        %get3A_2215 = arith.index_cast %add3A_2214 : i32 to index
        %get3A_2216 = arith.constant 0 : index
        %get3A_2217 = tpu.vector_load %arg31[%get3A_2215, %get3A_2216] {strides = array<i32>} : memref<80x128xf32, #tpu.memory_space<vmem>>, vector<16xf32>,
        %mul3A_2218 = arith.mulf %get3A_2217, %gather3A : vector<16xf32>
        %swap3A_2219 = arith.index_cast %add3A_2214 : i32 to index
        %swap3A_2220 = arith.constant 0 : index
        %swap3A_2221 = tpu.vector_load %arg31[%swap3A_2219, %swap3A_2220] {strides = array<i32>} : memref<80x128xf32, #tpu.memory_space<vmem>>, vector<16xf32>,
        tpu.vector_store %arg31[%swap3A_2219, %swap3A_2220], %mul3A_2218 {strides = array<i32>} : memref<80x128xf32, #tpu.memory_space<vmem>>, vector<16xf32>,
        %get3A_2222 = arith.index_cast %add3A_2214 : i32 to index
        %get3A_2223 = arith.constant 16 : index
        %get3A_2224 = tpu.vector_load %arg31[%get3A_2222, %get3A_2223] {strides = array<i32>} : memref<80x128xf32, #tpu.memory_space<vmem>>, vector<16xf32>,
        %mul3A_2225 = arith.mulf %get3A_2224, %gather3A : vector<16xf32>
        %swap3A_2226 = arith.index_cast %add3A_2214 : i32 to index
        %swap3A_2227 = arith.constant 16 : index
        %swap3A_2228 = tpu.vector_load %arg31[%swap3A_2226, %swap3A_2227] {strides = array<i32>} : memref<80x128xf32, #tpu.memory_space<vmem>>, vector<16xf32>,
        tpu.vector_store %arg31[%swap3A_2226, %swap3A_2227], %mul3A_2225 {strides = array<i32>} : memref<80x128xf32, #tpu.memory_space<vmem>>, vector<16xf32>,
        %get3A_2229 = arith.index_cast %add3A_2214 : i32 to index
        %get3A_2230 = arith.constant 32 : index
        %get3A_2231 = tpu.vector_load %arg31[%get3A_2229, %get3A_2230] {strides = array<i32>} : memref<80x128xf32, #tpu.memory_space<vmem>>, vector<16xf32>,
        %mul3A_2232 = arith.mulf %get3A_2231, %gather3A : vector<16xf32>
        %swap3A_2233 = arith.index_cast %add3A_2214 : i32 to index
        %swap3A_2234 = arith.constant 32 : index
        %swap3A_2235 = tpu.vector_load %arg31[%swap3A_2233, %swap3A_2234] {strides = array<i32>} : memref<80x128xf32, #tpu.memory_space<vmem>>, vector<16xf32>,
        tpu.vector_store %arg31[%swap3A_2233, %swap3A_2234], %mul3A_2232 {strides = array<i32>} : memref<80x128xf32, #tpu.memory_space<vmem>>, vector<16xf32>,
        %get3A_2236 = arith.index_cast %add3A_2214 : i32 to index
        %get3A_2237 = arith.constant 48 : index
        %get3A_2238 = tpu.vector_load %arg31[%get3A_2236, %get3A_2237] {strides = array<i32>} : memref<80x128xf32, #tpu.memory_space<vmem>>, vector<16xf32>,
        %mul3A_2239 = arith.mulf %get3A_2238, %gather3A : vector<16xf32>
        %swap3A_2240 = arith.index_cast %add3A_2214 : i32 to index
        %swap3A_2241 = arith.constant 48 : index
        %swap3A_2242 = tpu.vector_load %arg31[%swap3A_2240, %swap3A_2241] {strides = array<i32>} : memref<80x128xf32, #tpu.memory_space<vmem>>, vector<16xf32>,
        tpu.vector_store %arg31[%swap3A_2240, %swap3A_2241], %mul3A_2239 {strides = array<i32>} : memref<80x128xf32, #tpu.memory_space<vmem>>, vector<16xf32>,
        %get3A_2243 = arith.index_cast %add3A_2214 : i32 to index
        %get3A_2244 = arith.constant 64 : index
        %get3A_2245 = tpu.vector_load %arg31[%get3A_2243, %get3A_2244] {strides = array<i32>} : memref<80x128xf32, #tpu.memory_space<vmem>>, vector<16xf32>,
        %mul3A_2246 = arith.mulf %get3A_2245, %gather3A : vector<16xf32>
        %swap3A_2247 = arith.index_cast %add3A_2214 : i32 to index
        %swap3A_2248 = arith.constant 64 : index
        %swap3A_2249 = tpu.vector_load %arg31[%swap3A_2247, %swap3A_2248] {strides = array<i32>} : memref<80x128xf32, #tpu.memory_space<vmem>>, vector<16xf32>,
        tpu.vector_store %arg31[%swap3A_2247, %swap3A_2248], %mul3A_2246 {strides = array<i32>} : memref<80x128xf32, #tpu.memory_space<vmem>>, vector<16xf32>,
        %get3A_2250 = arith.index_cast %add3A_2214 : i32 to index
        %get3A_2251 = arith.constant 80 : index
        %get3A_2252 = tpu.vector_load %arg31[%get3A_2250, %get3A_2251] {strides = array<i32>} : memref<80x128xf32, #tpu.memory_space<vmem>>, vector<16xf32>,
        %mul3A_2253 = arith.mulf %get3A_2252, %gather3A : vector<16xf32>
        %swap3A_2254 = arith.index_cast %add3A_2214 : i32 to index
        %swap3A_2255 = arith.constant 80 : index
        %swap3A_2256 = tpu.vector_load %arg31[%swap3A_2254, %swap3A_2255] {strides = array<i32>} : memref<80x128xf32, #tpu.memory_space<vmem>>, vector<16xf32>,
        tpu.vector_store %arg31[%swap3A_2254, %swap3A_2255], %mul3A_2253 {strides = array<i32>} : memref<80x128xf32, #tpu.memory_space<vmem>>, vector<16xf32>,
        %get3A_2257 = arith.index_cast %add3A_2214 : i32 to index
        %get3A_2258 = arith.constant 96 : index
        %get3A_2259 = tpu.vector_load %arg31[%get3A_2257, %get3A_2258] {strides = array<i32>} : memref<80x128xf32, #tpu.memory_space<vmem>>, vector<16xf32>,
        %mul3A_2260 = arith.mulf %get3A_2259, %gather3A : vector<16xf32>
        %swap3A_2261 = arith.index_cast %add3A_2214 : i32 to index
        %swap3A_2262 = arith.constant 96 : index
        %swap3A_2263 = tpu.vector_load %arg31[%swap3A_2261, %swap3A_2262] {strides = array<i32>} : memref<80x128xf32, #tpu.memory_space<vmem>>, vector<16xf32>,
        tpu.vector_store %arg31[%swap3A_2261, %swap3A_2262], %mul3A_2260 {strides = array<i32>} : memref<80x128xf32, #tpu.memory_space<vmem>>, vector<16xf32>,
        %get3A_2264 = arith.index_cast %add3A_2214 : i32 to index
        %get3A_2265 = arith.constant 112 : index
        %get3A_2266 = tpu.vector_load %arg31[%get3A_2264, %get3A_2265] {strides = array<i32>} : memref<80x128xf32, #tpu.memory_space<vmem>>, vector<16xf32>,
        %mul3A_2267 = arith.mulf %get3A_2266, %gather3A : vector<16xf32>
        %swap3A_2268 = arith.index_cast %add3A_2214 : i32 to index
        %swap3A_2269 = arith.constant 112 : index
        %swap3A_2270 = tpu.vector_load %arg31[%swap3A_2268, %swap3A_2269] {strides = array<i32>} : memref<80x128xf32, #tpu.memory_space<vmem>>, vector<16xf32>,
        tpu.vector_store %arg31[%swap3A_2268, %swap3A_2269], %mul3A_2267 {strides = array<i32>} : memref<80x128xf32, #tpu.memory_space<vmem>>, vector<16xf32>,
      }
      %scan3A_1985 = arith.constant 80 : i32
      %dma_start3A_1986 = arith.constant 0 : i32
      %dma_start3A_1987 = arith.constant 0 : i32
      %dma_start3A_1988 = tpu.memref_slice %arg32[%dma_start3A_1986, %dma_start3A_1987] : memref<10000x128xf32, #tpu.memory_space<vmem_shared>> -> memref<10000x128xf32, #tpu.memory_space<vmem_shared>>
      tpu.enqueue_indirect_dma source(%arg31 : memref<80x128xf32, #tpu.memory_space<vmem>>) target(%dma_start3A_1988 : memref<10000x128xf32, #tpu.memory_space<vmem_shared>>) offsets(%arg19 : memref<80xi32, #tpu.memory_space<vmem>>) semaphore(%arg44 : memref<!tpu.dma_semaphore, #tpu.memory_space<semaphore_mem>>) {add = true}
      %dma_wait3A_1989 = arith.constant 0 : i32
      %dma_wait3A_1990 = arith.constant 0 : i32
      %dma_wait3A_1991 = tpu.memref_slice %arg32[%dma_wait3A_1989, %dma_wait3A_1990] : memref<10000x128xf32, #tpu.memory_space<vmem_shared>> -> memref<10000x128xf32, #tpu.memory_space<vmem_shared>>
      tpu.wait_indirect_dma semaphore(%arg43 : memref<!tpu.dma_semaphore, #tpu.memory_space<semaphore_mem>>) src(%arg30 : memref<80x128xf32, #tpu.memory_space<vmem>>) dst(%dma_wait3A_1991 : memref<10000x128xf32, #tpu.memory_space<vmem_shared>>)
      %add3A_1992 = arith.constant 2 : i32
      %add3A_1993 = arith.addi %add3A_1351, %add3A_1992 : i32
      %add3A_1994 = arith.constant 2 : i32
      %add3A_1995 = arith.addi %add3A_1993, %add3A_1994 : i32
      %mul3A_1996 = arith.constant 80 : i32
      %mul3A_1997 = arith.muli %add3A_1995, %mul3A_1996 : i32
      %add3A_1998 = arith.constant 0 : i32
      %add3A_1999 = arith.addi %mul3A_1997, %add3A_1998 : i32
      %get3A_2000 = arith.index_cast %add3A_1999 : i32 to index
      %get3A_2001 = tpu.vector_load %arg7[%get3A_2000] {strides = array<i32>} : memref<10000xi32, #tpu.memory_space<vmem>>, vector<16xi32>,
      %get3A_2002 = vector.shape_cast %get3A_2001 : vector<16xi32> to vector<16xi32>
      %and3A_2003 = arith.constant 16383 : i32
      %and3A_2004 = vector.broadcast %and3A_2003 : i32 to vector<16xi32>
      %and3A_2005 = arith.andi %get3A_2002, %and3A_2004 : vector<16xi32>
      %shift_right_logical3A_2006 = arith.constant 14 : i32
      %shift_right_logical3A_2007 = vector.broadcast %shift_right_logical3A_2006 : i32 to vector<16xi32>
      %shift_right_logical3A_2008 = arith.shrui %get3A_2002, %shift_right_logical3A_2007 : vector<16xi32>
      %and3A_2009 = arith.constant 16383 : i32
      %and3A_2010 = vector.broadcast %and3A_2009 : i32 to vector<16xi32>
      %and3A_2011 = arith.andi %shift_right_logical3A_2008, %and3A_2010 : vector<16xi32>
      %shift_right_logical3A_2012 = arith.constant 28 : i32
      %shift_right_logical3A_2013 = vector.broadcast %shift_right_logical3A_2012 : i32 to vector<16xi32>
      %shift_right_logical3A_2014 = arith.shrui %get3A_2002, %shift_right_logical3A_2013 : vector<16xi32>
      %mul3A_2015 = arith.constant 10000 : i32
      %mul3A_2016 = vector.broadcast %mul3A_2015 : i32 to vector<16xi32>
      %mul3A_2017 = arith.muli %shift_right_logical3A_2014, %mul3A_2016 : vector<16xi32>
      %add3A_2018 = arith.addi %mul3A_2017, %and3A_2011 : vector<16xi32>
      %add3A_2019 = arith.addi %mul3A_2017, %and3A_2005 : vector<16xi32>
      %swap3A_2020 = arith.constant 0 : index
      %swap3A_2021 = tpu.vector_load %arg9[%swap3A_2020] {strides = array<i32>} : memref<80xi32, #tpu.memory_space<vmem>>, vector<16xi32>,
      %swap3A_2022 = vector.shape_cast %swap3A_2021 : vector<16xi32> to vector<16xi32>
      %swap3A_2023 = vector.shape_cast %add3A_2019 : vector<16xi32> to vector<16xi32>
      tpu.vector_store %arg9[%swap3A_2020], %swap3A_2023 {strides = array<i32>} : memref<80xi32, #tpu.memory_space<vmem>>, vector<16xi32>,
      %swap3A_2024 = arith.constant 0 : index
      %swap3A_2025 = tpu.vector_load %arg12[%swap3A_2024] {strides = array<i32>} : memref<80xi32, #tpu.memory_space<vmem>>, vector<16xi32>,
      %swap3A_2026 = vector.shape_cast %swap3A_2025 : vector<16xi32> to vector<16xi32>
      %swap3A_2027 = vector.shape_cast %add3A_2018 : vector<16xi32> to vector<16xi32>
      tpu.vector_store %arg12[%swap3A_2024], %swap3A_2027 {strides = array<i32>} : memref<80xi32, #tpu.memory_space<vmem>>, vector<16xi32>,
      %add3A_2028 = arith.constant 80000 : i32
      %add3A_2029 = vector.broadcast %add3A_2028 : i32 to vector<16xi32>
      %add3A_2030 = arith.addi %add3A_2018, %add3A_2029 : vector<16xi32>
      %swap3A_2031 = arith.constant 0 : index
      %swap3A_2032 = tpu.vector_load %arg15[%swap3A_2031] {strides = array<i32>} : memref<80xi32, #tpu.memory_space<vmem>>, vector<16xi32>,
      %swap3A_2033 = vector.shape_cast %swap3A_2032 : vector<16xi32> to vector<16xi32>
      %swap3A_2034 = vector.shape_cast %add3A_2030 : vector<16xi32> to vector<16xi32>
      tpu.vector_store %arg15[%swap3A_2031], %swap3A_2034 {strides = array<i32>} : memref<80xi32, #tpu.memory_space<vmem>>, vector<16xi32>,
      %swap3A_2035 = arith.constant 0 : index
      %swap3A_2036 = tpu.vector_load %arg18[%swap3A_2035] {strides = array<i32>} : memref<80xi32, #tpu.memory_space<vmem>>, vector<16xi32>,
      %swap3A_2037 = vector.shape_cast %swap3A_2036 : vector<16xi32> to vector<16xi32>
      %swap3A_2038 = vector.shape_cast %and3A_2011 : vector<16xi32> to vector<16xi32>
      tpu.vector_store %arg18[%swap3A_2035], %swap3A_2038 {strides = array<i32>} : memref<80xi32, #tpu.memory_space<vmem>>, vector<16xi32>,
      %add3A_2039 = arith.constant 16 : i32
      %add3A_2040 = arith.addi %mul3A_1997, %add3A_2039 : i32
      %get3A_2041 = arith.index_cast %add3A_2040 : i32 to index
      %get3A_2042 = tpu.vector_load %arg7[%get3A_2041] {strides = array<i32>} : memref<10000xi32, #tpu.memory_space<vmem>>, vector<16xi32>,
      %get3A_2043 = vector.shape_cast %get3A_2042 : vector<16xi32> to vector<16xi32>
      %and3A_2044 = arith.constant 16383 : i32
      %and3A_2045 = vector.broadcast %and3A_2044 : i32 to vector<16xi32>
      %and3A_2046 = arith.andi %get3A_2043, %and3A_2045 : vector<16xi32>
      %shift_right_logical3A_2047 = arith.constant 14 : i32
      %shift_right_logical3A_2048 = vector.broadcast %shift_right_logical3A_2047 : i32 to vector<16xi32>
      %shift_right_logical3A_2049 = arith.shrui %get3A_2043, %shift_right_logical3A_2048 : vector<16xi32>
      %and3A_2050 = arith.constant 16383 : i32
      %and3A_2051 = vector.broadcast %and3A_2050 : i32 to vector<16xi32>
      %and3A_2052 = arith.andi %shift_right_logical3A_2049, %and3A_2051 : vector<16xi32>
      %shift_right_logical3A_2053 = arith.constant 28 : i32
      %shift_right_logical3A_2054 = vector.broadcast %shift_right_logical3A_2053 : i32 to vector<16xi32>
      %shift_right_logical3A_2055 = arith.shrui %get3A_2043, %shift_right_logical3A_2054 : vector<16xi32>
      %mul3A_2056 = arith.constant 10000 : i32
      %mul3A_2057 = vector.broadcast %mul3A_2056 : i32 to vector<16xi32>
      %mul3A_2058 = arith.muli %shift_right_logical3A_2055, %mul3A_2057 : vector<16xi32>
      %add3A_2059 = arith.addi %mul3A_2058, %and3A_2052 : vector<16xi32>
      %add3A_2060 = arith.addi %mul3A_2058, %and3A_2046 : vector<16xi32>
      %swap3A_2061 = arith.constant 16 : index
      %swap3A_2062 = tpu.vector_load %arg9[%swap3A_2061] {strides = array<i32>} : memref<80xi32, #tpu.memory_space<vmem>>, vector<16xi32>,
      %swap3A_2063 = vector.shape_cast %swap3A_2062 : vector<16xi32> to vector<16xi32>
      %swap3A_2064 = vector.shape_cast %add3A_2060 : vector<16xi32> to vector<16xi32>
      tpu.vector_store %arg9[%swap3A_2061], %swap3A_2064 {strides = array<i32>} : memref<80xi32, #tpu.memory_space<vmem>>, vector<16xi32>,
      %swap3A_2065 = arith.constant 16 : index
      %swap3A_2066 = tpu.vector_load %arg12[%swap3A_2065] {strides = array<i32>} : memref<80xi32, #tpu.memory_space<vmem>>, vector<16xi32>,
      %swap3A_2067 = vector.shape_cast %swap3A_2066 : vector<16xi32> to vector<16xi32>
      %swap3A_2068 = vector.shape_cast %add3A_2059 : vector<16xi32> to vector<16xi32>
      tpu.vector_store %arg12[%swap3A_2065], %swap3A_2068 {strides = array<i32>} : memref<80xi32, #tpu.memory_space<vmem>>, vector<16xi32>,
      %add3A_2069 = arith.constant 80000 : i32
      %add3A_2070 = vector.broadcast %add3A_2069 : i32 to vector<16xi32>
      %add3A_2071 = arith.addi %add3A_2059, %add3A_2070 : vector<16xi32>
      %swap3A_2072 = arith.constant 16 : index
      %swap3A_2073 = tpu.vector_load %arg15[%swap3A_2072] {strides = array<i32>} : memref<80xi32, #tpu.memory_space<vmem>>, vector<16xi32>,
      %swap3A_2074 = vector.shape_cast %swap3A_2073 : vector<16xi32> to vector<16xi32>
      %swap3A_2075 = vector.shape_cast %add3A_2071 : vector<16xi32> to vector<16xi32>
      tpu.vector_store %arg15[%swap3A_2072], %swap3A_2075 {strides = array<i32>} : memref<80xi32, #tpu.memory_space<vmem>>, vector<16xi32>,
      %swap3A_2076 = arith.constant 16 : index
      %swap3A_2077 = tpu.vector_load %arg18[%swap3A_2076] {strides = array<i32>} : memref<80xi32, #tpu.memory_space<vmem>>, vector<16xi32>,
      %swap3A_2078 = vector.shape_cast %swap3A_2077 : vector<16xi32> to vector<16xi32>
      %swap3A_2079 = vector.shape_cast %and3A_2052 : vector<16xi32> to vector<16xi32>
      tpu.vector_store %arg18[%swap3A_2076], %swap3A_2079 {strides = array<i32>} : memref<80xi32, #tpu.memory_space<vmem>>, vector<16xi32>,
      %add3A_2080 = arith.constant 32 : i32
      %add3A_2081 = arith.addi %mul3A_1997, %add3A_2080 : i32
      %get3A_2082 = arith.index_cast %add3A_2081 : i32 to index
      %get3A_2083 = tpu.vector_load %arg7[%get3A_2082] {strides = array<i32>} : memref<10000xi32, #tpu.memory_space<vmem>>, vector<16xi32>,
      %get3A_2084 = vector.shape_cast %get3A_2083 : vector<16xi32> to vector<16xi32>
      %and3A_2085 = arith.constant 16383 : i32
      %and3A_2086 = vector.broadcast %and3A_2085 : i32 to vector<16xi32>
      %and3A_2087 = arith.andi %get3A_2084, %and3A_2086 : vector<16xi32>
      %shift_right_logical3A_2088 = arith.constant 14 : i32
      %shift_right_logical3A_2089 = vector.broadcast %shift_right_logical3A_2088 : i32 to vector<16xi32>
      %shift_right_logical3A_2090 = arith.shrui %get3A_2084, %shift_right_logical3A_2089 : vector<16xi32>
      %and3A_2091 = arith.constant 16383 : i32
      %and3A_2092 = vector.broadcast %and3A_2091 : i32 to vector<16xi32>
      %and3A_2093 = arith.andi %shift_right_logical3A_2090, %and3A_2092 : vector<16xi32>
      %shift_right_logical3A_2094 = arith.constant 28 : i32
      %shift_right_logical3A_2095 = vector.broadcast %shift_right_logical3A_2094 : i32 to vector<16xi32>
      %shift_right_logical3A_2096 = arith.shrui %get3A_2084, %shift_right_logical3A_2095 : vector<16xi32>
      %mul3A_2097 = arith.constant 10000 : i32
      %mul3A_2098 = vector.broadcast %mul3A_2097 : i32 to vector<16xi32>
      %mul3A_2099 = arith.muli %shift_right_logical3A_2096, %mul3A_2098 : vector<16xi32>
      %add3A_2100 = arith.addi %mul3A_2099, %and3A_2093 : vector<16xi32>
      %add3A_2101 = arith.addi %mul3A_2099, %and3A_2087 : vector<16xi32>
      %swap3A_2102 = arith.constant 32 : index
      %swap3A_2103 = tpu.vector_load %arg9[%swap3A_2102] {strides = array<i32>} : memref<80xi32, #tpu.memory_space<vmem>>, vector<16xi32>,
      %swap3A_2104 = vector.shape_cast %swap3A_2103 : vector<16xi32> to vector<16xi32>
      %swap3A_2105 = vector.shape_cast %add3A_2101 : vector<16xi32> to vector<16xi32>
      tpu.vector_store %arg9[%swap3A_2102], %swap3A_2105 {strides = array<i32>} : memref<80xi32, #tpu.memory_space<vmem>>, vector<16xi32>,
      %swap3A_2106 = arith.constant 32 : index
      %swap3A_2107 = tpu.vector_load %arg12[%swap3A_2106] {strides = array<i32>} : memref<80xi32, #tpu.memory_space<vmem>>, vector<16xi32>,
      %swap3A_2108 = vector.shape_cast %swap3A_2107 : vector<16xi32> to vector<16xi32>
      %swap3A_2109 = vector.shape_cast %add3A_2100 : vector<16xi32> to vector<16xi32>
      tpu.vector_store %arg12[%swap3A_2106], %swap3A_2109 {strides = array<i32>} : memref<80xi32, #tpu.memory_space<vmem>>, vector<16xi32>,
      %add3A_2110 = arith.constant 80000 : i32
      %add3A_2111 = vector.broadcast %add3A_2110 : i32 to vector<16xi32>
      %add3A_2112 = arith.addi %add3A_2100, %add3A_2111 : vector<16xi32>
      %swap3A_2113 = arith.constant 32 : index
      %swap3A_2114 = tpu.vector_load %arg15[%swap3A_2113] {strides = array<i32>} : memref<80xi32, #tpu.memory_space<vmem>>, vector<16xi32>,
      %swap3A_2115 = vector.shape_cast %swap3A_2114 : vector<16xi32> to vector<16xi32>
      %swap3A_2116 = vector.shape_cast %add3A_2112 : vector<16xi32> to vector<16xi32>
      tpu.vector_store %arg15[%swap3A_2113], %swap3A_2116 {strides = array<i32>} : memref<80xi32, #tpu.memory_space<vmem>>, vector<16xi32>,
      %swap3A_2117 = arith.constant 32 : index
      %swap3A_2118 = tpu.vector_load %arg18[%swap3A_2117] {strides = array<i32>} : memref<80xi32, #tpu.memory_space<vmem>>, vector<16xi32>,
      %swap3A_2119 = vector.shape_cast %swap3A_2118 : vector<16xi32> to vector<16xi32>
      %swap3A_2120 = vector.shape_cast %and3A_2093 : vector<16xi32> to vector<16xi32>
      tpu.vector_store %arg18[%swap3A_2117], %swap3A_2120 {strides = array<i32>} : memref<80xi32, #tpu.memory_space<vmem>>, vector<16xi32>,
      %add3A_2121 = arith.constant 48 : i32
      %add3A_2122 = arith.addi %mul3A_1997, %add3A_2121 : i32
      %get3A_2123 = arith.index_cast %add3A_2122 : i32 to index
      %get3A_2124 = tpu.vector_load %arg7[%get3A_2123] {strides = array<i32>} : memref<10000xi32, #tpu.memory_space<vmem>>, vector<16xi32>,
      %get3A_2125 = vector.shape_cast %get3A_2124 : vector<16xi32> to vector<16xi32>
      %and3A_2126 = arith.constant 16383 : i32
      %and3A_2127 = vector.broadcast %and3A_2126 : i32 to vector<16xi32>
      %and3A_2128 = arith.andi %get3A_2125, %and3A_2127 : vector<16xi32>
      %shift_right_logical3A_2129 = arith.constant 14 : i32
      %shift_right_logical3A_2130 = vector.broadcast %shift_right_logical3A_2129 : i32 to vector<16xi32>
      %shift_right_logical3A_2131 = arith.shrui %get3A_2125, %shift_right_logical3A_2130 : vector<16xi32>
      %and3A_2132 = arith.constant 16383 : i32
      %and3A_2133 = vector.broadcast %and3A_2132 : i32 to vector<16xi32>
      %and3A_2134 = arith.andi %shift_right_logical3A_2131, %and3A_2133 : vector<16xi32>
      %shift_right_logical3A_2135 = arith.constant 28 : i32
      %shift_right_logical3A_2136 = vector.broadcast %shift_right_logical3A_2135 : i32 to vector<16xi32>
      %shift_right_logical3A_2137 = arith.shrui %get3A_2125, %shift_right_logical3A_2136 : vector<16xi32>
      %mul3A_2138 = arith.constant 10000 : i32
      %mul3A_2139 = vector.broadcast %mul3A_2138 : i32 to vector<16xi32>
      %mul3A_2140 = arith.muli %shift_right_logical3A_2137, %mul3A_2139 : vector<16xi32>
      %add3A_2141 = arith.addi %mul3A_2140, %and3A_2134 : vector<16xi32>
      %add3A_2142 = arith.addi %mul3A_2140, %and3A_2128 : vector<16xi32>
      %swap3A_2143 = arith.constant 48 : index
      %swap3A_2144 = tpu.vector_load %arg9[%swap3A_2143] {strides = array<i32>} : memref<80xi32, #tpu.memory_space<vmem>>, vector<16xi32>,
      %swap3A_2145 = vector.shape_cast %swap3A_2144 : vector<16xi32> to vector<16xi32>
      %swap3A_2146 = vector.shape_cast %add3A_2142 : vector<16xi32> to vector<16xi32>
      tpu.vector_store %arg9[%swap3A_2143], %swap3A_2146 {strides = array<i32>} : memref<80xi32, #tpu.memory_space<vmem>>, vector<16xi32>,
      %swap3A_2147 = arith.constant 48 : index
      %swap3A_2148 = tpu.vector_load %arg12[%swap3A_2147] {strides = array<i32>} : memref<80xi32, #tpu.memory_space<vmem>>, vector<16xi32>,
      %swap3A_2149 = vector.shape_cast %swap3A_2148 : vector<16xi32> to vector<16xi32>
      %swap3A_2150 = vector.shape_cast %add3A_2141 : vector<16xi32> to vector<16xi32>
      tpu.vector_store %arg12[%swap3A_2147], %swap3A_2150 {strides = array<i32>} : memref<80xi32, #tpu.memory_space<vmem>>, vector<16xi32>,
      %add3A_2151 = arith.constant 80000 : i32
      %add3A_2152 = vector.broadcast %add3A_2151 : i32 to vector<16xi32>
      %add3A_2153 = arith.addi %add3A_2141, %add3A_2152 : vector<16xi32>
      %swap3A_2154 = arith.constant 48 : index
      %swap3A_2155 = tpu.vector_load %arg15[%swap3A_2154] {strides = array<i32>} : memref<80xi32, #tpu.memory_space<vmem>>, vector<16xi32>,
      %swap3A_2156 = vector.shape_cast %swap3A_2155 : vector<16xi32> to vector<16xi32>
      %swap3A_2157 = vector.shape_cast %add3A_2153 : vector<16xi32> to vector<16xi32>
      tpu.vector_store %arg15[%swap3A_2154], %swap3A_2157 {strides = array<i32>} : memref<80xi32, #tpu.memory_space<vmem>>, vector<16xi32>,
      %swap3A_2158 = arith.constant 48 : index
      %swap3A_2159 = tpu.vector_load %arg18[%swap3A_2158] {strides = array<i32>} : memref<80xi32, #tpu.memory_space<vmem>>, vector<16xi32>,
      %swap3A_2160 = vector.shape_cast %swap3A_2159 : vector<16xi32> to vector<16xi32>
      %swap3A_2161 = vector.shape_cast %and3A_2134 : vector<16xi32> to vector<16xi32>
      tpu.vector_store %arg18[%swap3A_2158], %swap3A_2161 {strides = array<i32>} : memref<80xi32, #tpu.memory_space<vmem>>, vector<16xi32>,
      %add3A_2162 = arith.constant 64 : i32
      %add3A_2163 = arith.addi %mul3A_1997, %add3A_2162 : i32
      %get3A_2164 = arith.index_cast %add3A_2163 : i32 to index
      %get3A_2165 = tpu.vector_load %arg7[%get3A_2164] {strides = array<i32>} : memref<10000xi32, #tpu.memory_space<vmem>>, vector<16xi32>,
      %get3A_2166 = vector.shape_cast %get3A_2165 : vector<16xi32> to vector<16xi32>
      %and3A_2167 = arith.constant 16383 : i32
      %and3A_2168 = vector.broadcast %and3A_2167 : i32 to vector<16xi32>
      %and3A_2169 = arith.andi %get3A_2166, %and3A_2168 : vector<16xi32>
      %shift_right_logical3A_2170 = arith.constant 14 : i32
      %shift_right_logical3A_2171 = vector.broadcast %shift_right_logical3A_2170 : i32 to vector<16xi32>
      %shift_right_logical3A_2172 = arith.shrui %get3A_2166, %shift_right_logical3A_2171 : vector<16xi32>
      %and3A_2173 = arith.constant 16383 : i32
      %and3A_2174 = vector.broadcast %and3A_2173 : i32 to vector<16xi32>
      %and3A_2175 = arith.andi %shift_right_logical3A_2172, %and3A_2174 : vector<16xi32>
      %shift_right_logical3A_2176 = arith.constant 28 : i32
      %shift_right_logical3A_2177 = vector.broadcast %shift_right_logical3A_2176 : i32 to vector<16xi32>
      %shift_right_logical3A_2178 = arith.shrui %get3A_2166, %shift_right_logical3A_2177 : vector<16xi32>
      %mul3A_2179 = arith.constant 10000 : i32
      %mul3A_2180 = vector.broadcast %mul3A_2179 : i32 to vector<16xi32>
      %mul3A_2181 = arith.muli %shift_right_logical3A_2178, %mul3A_2180 : vector<16xi32>
      %add3A_2182 = arith.addi %mul3A_2181, %and3A_2175 : vector<16xi32>
      %add3A_2183 = arith.addi %mul3A_2181, %and3A_2169 : vector<16xi32>
      %swap3A_2184 = arith.constant 64 : index
      %swap3A_2185 = tpu.vector_load %arg9[%swap3A_2184] {strides = array<i32>} : memref<80xi32, #tpu.memory_space<vmem>>, vector<16xi32>,
      %swap3A_2186 = vector.shape_cast %swap3A_2185 : vector<16xi32> to vector<16xi32>
      %swap3A_2187 = vector.shape_cast %add3A_2183 : vector<16xi32> to vector<16xi32>
      tpu.vector_store %arg9[%swap3A_2184], %swap3A_2187 {strides = array<i32>} : memref<80xi32, #tpu.memory_space<vmem>>, vector<16xi32>,
      %swap3A_2188 = arith.constant 64 : index
      %swap3A_2189 = tpu.vector_load %arg12[%swap3A_2188] {strides = array<i32>} : memref<80xi32, #tpu.memory_space<vmem>>, vector<16xi32>,
      %swap3A_2190 = vector.shape_cast %swap3A_2189 : vector<16xi32> to vector<16xi32>
      %swap3A_2191 = vector.shape_cast %add3A_2182 : vector<16xi32> to vector<16xi32>
      tpu.vector_store %arg12[%swap3A_2188], %swap3A_2191 {strides = array<i32>} : memref<80xi32, #tpu.memory_space<vmem>>, vector<16xi32>,
      %add3A_2192 = arith.constant 80000 : i32
      %add3A_2193 = vector.broadcast %add3A_2192 : i32 to vector<16xi32>
      %add3A_2194 = arith.addi %add3A_2182, %add3A_2193 : vector<16xi32>
      %swap3A_2195 = arith.constant 64 : index
      %swap3A_2196 = tpu.vector_load %arg15[%swap3A_2195] {strides = array<i32>} : memref<80xi32, #tpu.memory_space<vmem>>, vector<16xi32>,
      %swap3A_2197 = vector.shape_cast %swap3A_2196 : vector<16xi32> to vector<16xi32>
      %swap3A_2198 = vector.shape_cast %add3A_2194 : vector<16xi32> to vector<16xi32>
      tpu.vector_store %arg15[%swap3A_2195], %swap3A_2198 {strides = array<i32>} : memref<80xi32, #tpu.memory_space<vmem>>, vector<16xi32>,
      %swap3A_2199 = arith.constant 64 : index
      %swap3A_2200 = tpu.vector_load %arg18[%swap3A_2199] {strides = array<i32>} : memref<80xi32, #tpu.memory_space<vmem>>, vector<16xi32>,
      %swap3A_2201 = vector.shape_cast %swap3A_2200 : vector<16xi32> to vector<16xi32>
      %swap3A_2202 = vector.shape_cast %and3A_2175 : vector<16xi32> to vector<16xi32>
      tpu.vector_store %arg18[%swap3A_2199], %swap3A_2202 {strides = array<i32>} : memref<80xi32, #tpu.memory_space<vmem>>, vector<16xi32>,
      %dma_start3A_2203 = arith.constant 0 : i32
      %dma_start3A_2204 = arith.constant 0 : i32
      %dma_start3A_2205 = tpu.memref_slice %arg2[%dma_start3A_2203, %dma_start3A_2204] : memref<80000x128xf32, #tpu.memory_space<hbm>> -> memref<80000x128xf32, #tpu.memory_space<hbm>>
      tpu.enqueue_indirect_dma source(%dma_start3A_2205 : memref<80000x128xf32, #tpu.memory_space<hbm>>) target(%arg30 : memref<80x128xf32, #tpu.memory_space<vmem>>) offsets(%arg9 : memref<80xi32, #tpu.memory_space<vmem>>) semaphore(%arg34 : memref<!tpu.dma_semaphore, #tpu.memory_space<semaphore_mem>>)
      %dma_start3A_2206 = arith.constant 0 : i32
      %dma_start3A_2207 = tpu.memref_slice %arg4[%dma_start3A_2206] : memref<160000xf32, #tpu.memory_space<hbm>> -> memref<160000xf32, #tpu.memory_space<hbm>>
      tpu.enqueue_indirect_dma source(%dma_start3A_2207 : memref<160000xf32, #tpu.memory_space<hbm>>) target(%arg21 : memref<80xf32, #tpu.memory_space<vmem>>) offsets(%arg12 : memref<80xi32, #tpu.memory_space<vmem>>) semaphore(%arg37 : memref<!tpu.dma_semaphore, #tpu.memory_space<semaphore_mem>>)
      %dma_start3A_2208 = arith.constant 0 : i32
      %dma_start3A_2209 = tpu.memref_slice %arg4[%dma_start3A_2208] : memref<160000xf32, #tpu.memory_space<hbm>> -> memref<160000xf32, #tpu.memory_space<hbm>>
      tpu.enqueue_indirect_dma source(%dma_start3A_2209 : memref<160000xf32, #tpu.memory_space<hbm>>) target(%arg24 : memref<80xf32, #tpu.memory_space<vmem>>) offsets(%arg15 : memref<80xi32, #tpu.memory_space<vmem>>) semaphore(%arg40 : memref<!tpu.dma_semaphore, #tpu.memory_space<semaphore_mem>>)
    }
    %scan3A_1191 = arith.constant 40 : i32
    %dma_wait3A_1192 = arith.constant 0 : i32
    %dma_wait3A_1193 = tpu.memref_slice %arg4[%dma_wait3A_1192] : memref<160000xf32, #tpu.memory_space<hbm>> -> memref<160000xf32, #tpu.memory_space<hbm>>
    tpu.wait_indirect_dma semaphore(%arg36 : memref<!tpu.dma_semaphore, #tpu.memory_space<semaphore_mem>>) src(%dma_wait3A_1193 : memref<160000xf32, #tpu.memory_space<hbm>>) dst(%arg20 : memref<80xf32, #tpu.memory_space<vmem>>)
    %dma_wait3A_1194 = arith.constant 0 : i32
    %dma_wait3A_1195 = tpu.memref_slice %arg4[%dma_wait3A_1194] : memref<160000xf32, #tpu.memory_space<hbm>> -> memref<160000xf32, #tpu.memory_space<hbm>>
    tpu.wait_indirect_dma semaphore(%arg39 : memref<!tpu.dma_semaphore, #tpu.memory_space<semaphore_mem>>) src(%dma_wait3A_1195 : memref<160000xf32, #tpu.memory_space<hbm>>) dst(%arg23 : memref<80xf32, #tpu.memory_space<vmem>>)
    %get3A_1196 = arith.constant 0 : index
    %get3A_1197 = tpu.vector_load %arg20[%get3A_1196] {strides = array<i32>} : memref<80xf32, #tpu.memory_space<vmem>>, vector<16xf32>,
    %get3A_1198 = arith.constant 0 : index
    %get3A_1199 = tpu.vector_load %arg23[%get3A_1198] {strides = array<i32>} : memref<80xf32, #tpu.memory_space<vmem>>, vector<16xf32>,
    %add3A_1200 = arith.addf %get3A_1197, %get3A_1199 : vector<16xf32>
    %div3A_1201 = arith.constant 1.000000e+00 : f32
    %div3A_1202 = vector.broadcast %div3A_1201 : f32 to vector<16xf32>
    %div3A_1203 = arith.divf %div3A_1202, %add3A_1200 : vector<16xf32>
    %swap3A_1204 = arith.constant 0 : index
    %swap3A_1205 = tpu.vector_load %arg26[%swap3A_1204] {strides = array<i32>} : memref<80xf32, #tpu.memory_space<vmem>>, vector<16xf32>,
    tpu.vector_store %arg26[%swap3A_1204], %div3A_1203 {strides = array<i32>} : memref<80xf32, #tpu.memory_space<vmem>>, vector<16xf32>,
    %get3A_1206 = arith.constant 16 : index
    %get3A_1207 = tpu.vector_load %arg20[%get3A_1206] {strides = array<i32>} : memref<80xf32, #tpu.memory_space<vmem>>, vector<16xf32>,
    %get3A_1208 = arith.constant 16 : index
    %get3A_1209 = tpu.vector_load %arg23[%get3A_1208] {strides = array<i32>} : memref<80xf32, #tpu.memory_space<vmem>>, vector<16xf32>,
    %add3A_1210 = arith.addf %get3A_1207, %get3A_1209 : vector<16xf32>
    %div3A_1211 = arith.constant 1.000000e+00 : f32
    %div3A_1212 = vector.broadcast %div3A_1211 : f32 to vector<16xf32>
    %div3A_1213 = arith.divf %div3A_1212, %add3A_1210 : vector<16xf32>
    %swap3A_1214 = arith.constant 16 : index
    %swap3A_1215 = tpu.vector_load %arg26[%swap3A_1214] {strides = array<i32>} : memref<80xf32, #tpu.memory_space<vmem>>, vector<16xf32>,
    tpu.vector_store %arg26[%swap3A_1214], %div3A_1213 {strides = array<i32>} : memref<80xf32, #tpu.memory_space<vmem>>, vector<16xf32>,
    %get3A_1216 = arith.constant 32 : index
    %get3A_1217 = tpu.vector_load %arg20[%get3A_1216] {strides = array<i32>} : memref<80xf32, #tpu.memory_space<vmem>>, vector<16xf32>,
    %get3A_1218 = arith.constant 32 : index
    %get3A_1219 = tpu.vector_load %arg23[%get3A_1218] {strides = array<i32>} : memref<80xf32, #tpu.memory_space<vmem>>, vector<16xf32>,
    %add3A_1220 = arith.addf %get3A_1217, %get3A_1219 : vector<16xf32>
    %div3A_1221 = arith.constant 1.000000e+00 : f32
    %div3A_1222 = vector.broadcast %div3A_1221 : f32 to vector<16xf32>
    %div3A_1223 = arith.divf %div3A_1222, %add3A_1220 : vector<16xf32>
    %swap3A_1224 = arith.constant 32 : index
    %swap3A_1225 = tpu.vector_load %arg26[%swap3A_1224] {strides = array<i32>} : memref<80xf32, #tpu.memory_space<vmem>>, vector<16xf32>,
    tpu.vector_store %arg26[%swap3A_1224], %div3A_1223 {strides = array<i32>} : memref<80xf32, #tpu.memory_space<vmem>>, vector<16xf32>,
    %get3A_1226 = arith.constant 48 : index
    %get3A_1227 = tpu.vector_load %arg20[%get3A_1226] {strides = array<i32>} : memref<80xf32, #tpu.memory_space<vmem>>, vector<16xf32>,
    %get3A_1228 = arith.constant 48 : index
    %get3A_1229 = tpu.vector_load %arg23[%get3A_1228] {strides = array<i32>} : memref<80xf32, #tpu.memory_space<vmem>>, vector<16xf32>,
    %add3A_1230 = arith.addf %get3A_1227, %get3A_1229 : vector<16xf32>
    %div3A_1231 = arith.constant 1.000000e+00 : f32
    %div3A_1232 = vector.broadcast %div3A_1231 : f32 to vector<16xf32>
    %div3A_1233 = arith.divf %div3A_1232, %add3A_1230 : vector<16xf32>
    %swap3A_1234 = arith.constant 48 : index
    %swap3A_1235 = tpu.vector_load %arg26[%swap3A_1234] {strides = array<i32>} : memref<80xf32, #tpu.memory_space<vmem>>, vector<16xf32>,
    tpu.vector_store %arg26[%swap3A_1234], %div3A_1233 {strides = array<i32>} : memref<80xf32, #tpu.memory_space<vmem>>, vector<16xf32>,
    %get3A_1236 = arith.constant 64 : index
    %get3A_1237 = tpu.vector_load %arg20[%get3A_1236] {strides = array<i32>} : memref<80xf32, #tpu.memory_space<vmem>>, vector<16xf32>,
    %get3A_1238 = arith.constant 64 : index
    %get3A_1239 = tpu.vector_load %arg23[%get3A_1238] {strides = array<i32>} : memref<80xf32, #tpu.memory_space<vmem>>, vector<16xf32>,
    %add3A_1240 = arith.addf %get3A_1237, %get3A_1239 : vector<16xf32>
    %div3A_1241 = arith.constant 1.000000e+00 : f32
    %div3A_1242 = vector.broadcast %div3A_1241 : f32 to vector<16xf32>
    %div3A_1243 = arith.divf %div3A_1242, %add3A_1240 : vector<16xf32>
    %swap3A_1244 = arith.constant 64 : index
    %swap3A_1245 = tpu.vector_load %arg26[%swap3A_1244] {strides = array<i32>} : memref<80xf32, #tpu.memory_space<vmem>>, vector<16xf32>,
    tpu.vector_store %arg26[%swap3A_1244], %div3A_1243 {strides = array<i32>} : memref<80xf32, #tpu.memory_space<vmem>>, vector<16xf32>,
    %dma_wait3A_1246 = arith.constant 0 : i32
    %dma_wait3A_1247 = arith.constant 0 : i32
    %dma_wait3A_1248 = tpu.memref_slice %arg2[%dma_wait3A_1246, %dma_wait3A_1247] : memref<80000x128xf32, #tpu.memory_space<hbm>> -> memref<80000x128xf32, #tpu.memory_space<hbm>>
    tpu.wait_indirect_dma semaphore(%arg33 : memref<!tpu.dma_semaphore, #tpu.memory_space<semaphore_mem>>) src(%dma_wait3A_1248 : memref<80000x128xf32, #tpu.memory_space<hbm>>) dst(%arg29 : memref<80x128xf32, #tpu.memory_space<vmem>>)
    %scan3A_1249 = arith.constant 0 : i32
    %scan3A_1250 = arith.constant 80 : i32
    %scan3A_1251 = arith.addi %scan3A_1249, %scan3A_1250 : i32
    %scan3A_1252 = arith.constant 1 : i32
    scf.for %scan3A_1343 = %scan3A_1249 to %scan3A_1251 step %scan3A_1252  : i32 {
      %mul3A_1344 = arith.constant 1 : i32
      %mul3A_1345 = arith.muli %scan3A_1343, %mul3A_1344 : i32
      %add3A_1346 = arith.constant 0 : i32
      %add3A_1347 = arith.addi %add3A_1346, %mul3A_1345 : i32
      %broadcast_in_dim3A = vector.broadcast %add3A_1347 : i32 to vector<16xi32>
      %gather3A = tpu.vector_load_idx %arg26[%broadcast_in_dim3A] : memref<80xf32, #tpu.memory_space<vmem>>[vector<16xi32>], vector<16xf32>,
      %get3A_1348 = arith.index_cast %add3A_1347 : i32 to index
      %get3A_1349 = arith.constant 0 : index
      %get3A_1350 = tpu.vector_load %arg29[%get3A_1348, %get3A_1349] {strides = array<i32>} : memref<80x128xf32, #tpu.memory_space<vmem>>, vector<16xf32>,
      %mul3A_1351 = arith.mulf %get3A_1350, %gather3A : vector<16xf32>
      %swap3A_1352 = arith.index_cast %add3A_1347 : i32 to index
      %swap3A_1353 = arith.constant 0 : index
      %swap3A_1354 = tpu.vector_load %arg29[%swap3A_1352, %swap3A_1353] {strides = array<i32>} : memref<80x128xf32, #tpu.memory_space<vmem>>, vector<16xf32>,
      tpu.vector_store %arg29[%swap3A_1352, %swap3A_1353], %mul3A_1351 {strides = array<i32>} : memref<80x128xf32, #tpu.memory_space<vmem>>, vector<16xf32>,
      %get3A_1355 = arith.index_cast %add3A_1347 : i32 to index
      %get3A_1356 = arith.constant 16 : index
      %get3A_1357 = tpu.vector_load %arg29[%get3A_1355, %get3A_1356] {strides = array<i32>} : memref<80x128xf32, #tpu.memory_space<vmem>>, vector<16xf32>,
      %mul3A_1358 = arith.mulf %get3A_1357, %gather3A : vector<16xf32>
      %swap3A_1359 = arith.index_cast %add3A_1347 : i32 to index
      %swap3A_1360 = arith.constant 16 : index
      %swap3A_1361 = tpu.vector_load %arg29[%swap3A_1359, %swap3A_1360] {strides = array<i32>} : memref<80x128xf32, #tpu.memory_space<vmem>>, vector<16xf32>,
      tpu.vector_store %arg29[%swap3A_1359, %swap3A_1360], %mul3A_1358 {strides = array<i32>} : memref<80x128xf32, #tpu.memory_space<vmem>>, vector<16xf32>,
      %get3A_1362 = arith.index_cast %add3A_1347 : i32 to index
      %get3A_1363 = arith.constant 32 : index
      %get3A_1364 = tpu.vector_load %arg29[%get3A_1362, %get3A_1363] {strides = array<i32>} : memref<80x128xf32, #tpu.memory_space<vmem>>, vector<16xf32>,
      %mul3A_1365 = arith.mulf %get3A_1364, %gather3A : vector<16xf32>
      %swap3A_1366 = arith.index_cast %add3A_1347 : i32 to index
      %swap3A_1367 = arith.constant 32 : index
      %swap3A_1368 = tpu.vector_load %arg29[%swap3A_1366, %swap3A_1367] {strides = array<i32>} : memref<80x128xf32, #tpu.memory_space<vmem>>, vector<16xf32>,
      tpu.vector_store %arg29[%swap3A_1366, %swap3A_1367], %mul3A_1365 {strides = array<i32>} : memref<80x128xf32, #tpu.memory_space<vmem>>, vector<16xf32>,
      %get3A_1369 = arith.index_cast %add3A_1347 : i32 to index
      %get3A_1370 = arith.constant 48 : index
      %get3A_1371 = tpu.vector_load %arg29[%get3A_1369, %get3A_1370] {strides = array<i32>} : memref<80x128xf32, #tpu.memory_space<vmem>>, vector<16xf32>,
      %mul3A_1372 = arith.mulf %get3A_1371, %gather3A : vector<16xf32>
      %swap3A_1373 = arith.index_cast %add3A_1347 : i32 to index
      %swap3A_1374 = arith.constant 48 : index
      %swap3A_1375 = tpu.vector_load %arg29[%swap3A_1373, %swap3A_1374] {strides = array<i32>} : memref<80x128xf32, #tpu.memory_space<vmem>>, vector<16xf32>,
      tpu.vector_store %arg29[%swap3A_1373, %swap3A_1374], %mul3A_1372 {strides = array<i32>} : memref<80x128xf32, #tpu.memory_space<vmem>>, vector<16xf32>,
      %get3A_1376 = arith.index_cast %add3A_1347 : i32 to index
      %get3A_1377 = arith.constant 64 : index
      %get3A_1378 = tpu.vector_load %arg29[%get3A_1376, %get3A_1377] {strides = array<i32>} : memref<80x128xf32, #tpu.memory_space<vmem>>, vector<16xf32>,
      %mul3A_1379 = arith.mulf %get3A_1378, %gather3A : vector<16xf32>
      %swap3A_1380 = arith.index_cast %add3A_1347 : i32 to index
      %swap3A_1381 = arith.constant 64 : index
      %swap3A_1382 = tpu.vector_load %arg29[%swap3A_1380, %swap3A_1381] {strides = array<i32>} : memref<80x128xf32, #tpu.memory_space<vmem>>, vector<16xf32>,
      tpu.vector_store %arg29[%swap3A_1380, %swap3A_1381], %mul3A_1379 {strides = array<i32>} : memref<80x128xf32, #tpu.memory_space<vmem>>, vector<16xf32>,
      %get3A_1383 = arith.index_cast %add3A_1347 : i32 to index
      %get3A_1384 = arith.constant 80 : index
      %get3A_1385 = tpu.vector_load %arg29[%get3A_1383, %get3A_1384] {strides = array<i32>} : memref<80x128xf32, #tpu.memory_space<vmem>>, vector<16xf32>,
      %mul3A_1386 = arith.mulf %get3A_1385, %gather3A : vector<16xf32>
      %swap3A_1387 = arith.index_cast %add3A_1347 : i32 to index
      %swap3A_1388 = arith.constant 80 : index
      %swap3A_1389 = tpu.vector_load %arg29[%swap3A_1387, %swap3A_1388] {strides = array<i32>} : memref<80x128xf32, #tpu.memory_space<vmem>>, vector<16xf32>,
      tpu.vector_store %arg29[%swap3A_1387, %swap3A_1388], %mul3A_1386 {strides = array<i32>} : memref<80x128xf32, #tpu.memory_space<vmem>>, vector<16xf32>,
      %get3A_1390 = arith.index_cast %add3A_1347 : i32 to index
      %get3A_1391 = arith.constant 96 : index
      %get3A_1392 = tpu.vector_load %arg29[%get3A_1390, %get3A_1391] {strides = array<i32>} : memref<80x128xf32, #tpu.memory_space<vmem>>, vector<16xf32>,
      %mul3A_1393 = arith.mulf %get3A_1392, %gather3A : vector<16xf32>
      %swap3A_1394 = arith.index_cast %add3A_1347 : i32 to index
      %swap3A_1395 = arith.constant 96 : index
      %swap3A_1396 = tpu.vector_load %arg29[%swap3A_1394, %swap3A_1395] {strides = array<i32>} : memref<80x128xf32, #tpu.memory_space<vmem>>, vector<16xf32>,
      tpu.vector_store %arg29[%swap3A_1394, %swap3A_1395], %mul3A_1393 {strides = array<i32>} : memref<80x128xf32, #tpu.memory_space<vmem>>, vector<16xf32>,
      %get3A_1397 = arith.index_cast %add3A_1347 : i32 to index
      %get3A_1398 = arith.constant 112 : index
      %get3A_1399 = tpu.vector_load %arg29[%get3A_1397, %get3A_1398] {strides = array<i32>} : memref<80x128xf32, #tpu.memory_space<vmem>>, vector<16xf32>,
      %mul3A_1400 = arith.mulf %get3A_1399, %gather3A : vector<16xf32>
      %swap3A_1401 = arith.index_cast %add3A_1347 : i32 to index
      %swap3A_1402 = arith.constant 112 : index
      %swap3A_1403 = tpu.vector_load %arg29[%swap3A_1401, %swap3A_1402] {strides = array<i32>} : memref<80x128xf32, #tpu.memory_space<vmem>>, vector<16xf32>,
      tpu.vector_store %arg29[%swap3A_1401, %swap3A_1402], %mul3A_1400 {strides = array<i32>} : memref<80x128xf32, #tpu.memory_space<vmem>>, vector<16xf32>,
    }
    %scan3A_1253 = arith.constant 80 : i32
    %dma_start3A_1254 = arith.constant 0 : i32
    %dma_start3A_1255 = arith.constant 0 : i32
    %dma_start3A_1256 = tpu.memref_slice %arg32[%dma_start3A_1254, %dma_start3A_1255] : memref<10000x128xf32, #tpu.memory_space<vmem_shared>> -> memref<10000x128xf32, #tpu.memory_space<vmem_shared>>
    tpu.enqueue_indirect_dma source(%arg29 : memref<80x128xf32, #tpu.memory_space<vmem>>) target(%dma_start3A_1256 : memref<10000x128xf32, #tpu.memory_space<vmem_shared>>) offsets(%arg17 : memref<80xi32, #tpu.memory_space<vmem>>) semaphore(%arg42 : memref<!tpu.dma_semaphore, #tpu.memory_space<semaphore_mem>>) {add = true}
    %dma_wait3A_1257 = arith.constant 0 : i32
    %dma_wait3A_1258 = tpu.memref_slice %arg4[%dma_wait3A_1257] : memref<160000xf32, #tpu.memory_space<hbm>> -> memref<160000xf32, #tpu.memory_space<hbm>>
    tpu.wait_indirect_dma semaphore(%arg37 : memref<!tpu.dma_semaphore, #tpu.memory_space<semaphore_mem>>) src(%dma_wait3A_1258 : memref<160000xf32, #tpu.memory_space<hbm>>) dst(%arg21 : memref<80xf32, #tpu.memory_space<vmem>>)
    %dma_wait3A_1259 = arith.constant 0 : i32
    %dma_wait3A_1260 = tpu.memref_slice %arg4[%dma_wait3A_1259] : memref<160000xf32, #tpu.memory_space<hbm>> -> memref<160000xf32, #tpu.memory_space<hbm>>
    tpu.wait_indirect_dma semaphore(%arg40 : memref<!tpu.dma_semaphore, #tpu.memory_space<semaphore_mem>>) src(%dma_wait3A_1260 : memref<160000xf32, #tpu.memory_space<hbm>>) dst(%arg24 : memref<80xf32, #tpu.memory_space<vmem>>)
    %get3A_1261 = arith.constant 0 : index
    %get3A_1262 = tpu.vector_load %arg21[%get3A_1261] {strides = array<i32>} : memref<80xf32, #tpu.memory_space<vmem>>, vector<16xf32>,
    %get3A_1263 = arith.constant 0 : index
    %get3A_1264 = tpu.vector_load %arg24[%get3A_1263] {strides = array<i32>} : memref<80xf32, #tpu.memory_space<vmem>>, vector<16xf32>,
    %add3A_1265 = arith.addf %get3A_1262, %get3A_1264 : vector<16xf32>
    %div3A_1266 = arith.constant 1.000000e+00 : f32
    %div3A_1267 = vector.broadcast %div3A_1266 : f32 to vector<16xf32>
    %div3A_1268 = arith.divf %div3A_1267, %add3A_1265 : vector<16xf32>
    %swap3A_1269 = arith.constant 0 : index
    %swap3A_1270 = tpu.vector_load %arg27[%swap3A_1269] {strides = array<i32>} : memref<80xf32, #tpu.memory_space<vmem>>, vector<16xf32>,
    tpu.vector_store %arg27[%swap3A_1269], %div3A_1268 {strides = array<i32>} : memref<80xf32, #tpu.memory_space<vmem>>, vector<16xf32>,
    %get3A_1271 = arith.constant 16 : index
    %get3A_1272 = tpu.vector_load %arg21[%get3A_1271] {strides = array<i32>} : memref<80xf32, #tpu.memory_space<vmem>>, vector<16xf32>,
    %get3A_1273 = arith.constant 16 : index
    %get3A_1274 = tpu.vector_load %arg24[%get3A_1273] {strides = array<i32>} : memref<80xf32, #tpu.memory_space<vmem>>, vector<16xf32>,
    %add3A_1275 = arith.addf %get3A_1272, %get3A_1274 : vector<16xf32>
    %div3A_1276 = arith.constant 1.000000e+00 : f32
    %div3A_1277 = vector.broadcast %div3A_1276 : f32 to vector<16xf32>
    %div3A_1278 = arith.divf %div3A_1277, %add3A_1275 : vector<16xf32>
    %swap3A_1279 = arith.constant 16 : index
    %swap3A_1280 = tpu.vector_load %arg27[%swap3A_1279] {strides = array<i32>} : memref<80xf32, #tpu.memory_space<vmem>>, vector<16xf32>,
    tpu.vector_store %arg27[%swap3A_1279], %div3A_1278 {strides = array<i32>} : memref<80xf32, #tpu.memory_space<vmem>>, vector<16xf32>,
    %get3A_1281 = arith.constant 32 : index
    %get3A_1282 = tpu.vector_load %arg21[%get3A_1281] {strides = array<i32>} : memref<80xf32, #tpu.memory_space<vmem>>, vector<16xf32>,
    %get3A_1283 = arith.constant 32 : index
    %get3A_1284 = tpu.vector_load %arg24[%get3A_1283] {strides = array<i32>} : memref<80xf32, #tpu.memory_space<vmem>>, vector<16xf32>,
    %add3A_1285 = arith.addf %get3A_1282, %get3A_1284 : vector<16xf32>
    %div3A_1286 = arith.constant 1.000000e+00 : f32
    %div3A_1287 = vector.broadcast %div3A_1286 : f32 to vector<16xf32>
    %div3A_1288 = arith.divf %div3A_1287, %add3A_1285 : vector<16xf32>
    %swap3A_1289 = arith.constant 32 : index
    %swap3A_1290 = tpu.vector_load %arg27[%swap3A_1289] {strides = array<i32>} : memref<80xf32, #tpu.memory_space<vmem>>, vector<16xf32>,
    tpu.vector_store %arg27[%swap3A_1289], %div3A_1288 {strides = array<i32>} : memref<80xf32, #tpu.memory_space<vmem>>, vector<16xf32>,
    %get3A_1291 = arith.constant 48 : index
    %get3A_1292 = tpu.vector_load %arg21[%get3A_1291] {strides = array<i32>} : memref<80xf32, #tpu.memory_space<vmem>>, vector<16xf32>,
    %get3A_1293 = arith.constant 48 : index
    %get3A_1294 = tpu.vector_load %arg24[%get3A_1293] {strides = array<i32>} : memref<80xf32, #tpu.memory_space<vmem>>, vector<16xf32>,
    %add3A_1295 = arith.addf %get3A_1292, %get3A_1294 : vector<16xf32>
    %div3A_1296 = arith.constant 1.000000e+00 : f32
    %div3A_1297 = vector.broadcast %div3A_1296 : f32 to vector<16xf32>
    %div3A_1298 = arith.divf %div3A_1297, %add3A_1295 : vector<16xf32>
    %swap3A_1299 = arith.constant 48 : index
    %swap3A_1300 = tpu.vector_load %arg27[%swap3A_1299] {strides = array<i32>} : memref<80xf32, #tpu.memory_space<vmem>>, vector<16xf32>,
    tpu.vector_store %arg27[%swap3A_1299], %div3A_1298 {strides = array<i32>} : memref<80xf32, #tpu.memory_space<vmem>>, vector<16xf32>,
    %get3A_1301 = arith.constant 64 : index
    %get3A_1302 = tpu.vector_load %arg21[%get3A_1301] {strides = array<i32>} : memref<80xf32, #tpu.memory_space<vmem>>, vector<16xf32>,
    %get3A_1303 = arith.constant 64 : index
    %get3A_1304 = tpu.vector_load %arg24[%get3A_1303] {strides = array<i32>} : memref<80xf32, #tpu.memory_space<vmem>>, vector<16xf32>,
    %add3A_1305 = arith.addf %get3A_1302, %get3A_1304 : vector<16xf32>
    %div3A_1306 = arith.constant 1.000000e+00 : f32
    %div3A_1307 = vector.broadcast %div3A_1306 : f32 to vector<16xf32>
    %div3A_1308 = arith.divf %div3A_1307, %add3A_1305 : vector<16xf32>
    %swap3A_1309 = arith.constant 64 : index
    %swap3A_1310 = tpu.vector_load %arg27[%swap3A_1309] {strides = array<i32>} : memref<80xf32, #tpu.memory_space<vmem>>, vector<16xf32>,
    tpu.vector_store %arg27[%swap3A_1309], %div3A_1308 {strides = array<i32>} : memref<80xf32, #tpu.memory_space<vmem>>, vector<16xf32>,
    %dma_wait3A_1311 = arith.constant 0 : i32
    %dma_wait3A_1312 = arith.constant 0 : i32
    %dma_wait3A_1313 = tpu.memref_slice %arg2[%dma_wait3A_1311, %dma_wait3A_1312] : memref<80000x128xf32, #tpu.memory_space<hbm>> -> memref<80000x128xf32, #tpu.memory_space<hbm>>
    tpu.wait_indirect_dma semaphore(%arg34 : memref<!tpu.dma_semaphore, #tpu.memory_space<semaphore_mem>>) src(%dma_wait3A_1313 : memref<80000x128xf32, #tpu.memory_space<hbm>>) dst(%arg30 : memref<80x128xf32, #tpu.memory_space<vmem>>)
    %scan3A_1314 = arith.constant 0 : i32
    %scan3A_1315 = arith.constant 80 : i32
    %scan3A_1316 = arith.addi %scan3A_1314, %scan3A_1315 : i32
    %scan3A_1317 = arith.constant 1 : i32
    scf.for %scan3A_1343 = %scan3A_1314 to %scan3A_1316 step %scan3A_1317  : i32 {
      %mul3A_1344 = arith.constant 1 : i32
      %mul3A_1345 = arith.muli %scan3A_1343, %mul3A_1344 : i32
      %add3A_1346 = arith.constant 0 : i32
      %add3A_1347 = arith.addi %add3A_1346, %mul3A_1345 : i32
      %broadcast_in_dim3A = vector.broadcast %add3A_1347 : i32 to vector<16xi32>
      %gather3A = tpu.vector_load_idx %arg27[%broadcast_in_dim3A] : memref<80xf32, #tpu.memory_space<vmem>>[vector<16xi32>], vector<16xf32>,
      %get3A_1348 = arith.index_cast %add3A_1347 : i32 to index
      %get3A_1349 = arith.constant 0 : index
      %get3A_1350 = tpu.vector_load %arg30[%get3A_1348, %get3A_1349] {strides = array<i32>} : memref<80x128xf32, #tpu.memory_space<vmem>>, vector<16xf32>,
      %mul3A_1351 = arith.mulf %get3A_1350, %gather3A : vector<16xf32>
      %swap3A_1352 = arith.index_cast %add3A_1347 : i32 to index
      %swap3A_1353 = arith.constant 0 : index
      %swap3A_1354 = tpu.vector_load %arg30[%swap3A_1352, %swap3A_1353] {strides = array<i32>} : memref<80x128xf32, #tpu.memory_space<vmem>>, vector<16xf32>,
      tpu.vector_store %arg30[%swap3A_1352, %swap3A_1353], %mul3A_1351 {strides = array<i32>} : memref<80x128xf32, #tpu.memory_space<vmem>>, vector<16xf32>,
      %get3A_1355 = arith.index_cast %add3A_1347 : i32 to index
      %get3A_1356 = arith.constant 16 : index
      %get3A_1357 = tpu.vector_load %arg30[%get3A_1355, %get3A_1356] {strides = array<i32>} : memref<80x128xf32, #tpu.memory_space<vmem>>, vector<16xf32>,
      %mul3A_1358 = arith.mulf %get3A_1357, %gather3A : vector<16xf32>
      %swap3A_1359 = arith.index_cast %add3A_1347 : i32 to index
      %swap3A_1360 = arith.constant 16 : index
      %swap3A_1361 = tpu.vector_load %arg30[%swap3A_1359, %swap3A_1360] {strides = array<i32>} : memref<80x128xf32, #tpu.memory_space<vmem>>, vector<16xf32>,
      tpu.vector_store %arg30[%swap3A_1359, %swap3A_1360], %mul3A_1358 {strides = array<i32>} : memref<80x128xf32, #tpu.memory_space<vmem>>, vector<16xf32>,
      %get3A_1362 = arith.index_cast %add3A_1347 : i32 to index
      %get3A_1363 = arith.constant 32 : index
      %get3A_1364 = tpu.vector_load %arg30[%get3A_1362, %get3A_1363] {strides = array<i32>} : memref<80x128xf32, #tpu.memory_space<vmem>>, vector<16xf32>,
      %mul3A_1365 = arith.mulf %get3A_1364, %gather3A : vector<16xf32>
      %swap3A_1366 = arith.index_cast %add3A_1347 : i32 to index
      %swap3A_1367 = arith.constant 32 : index
      %swap3A_1368 = tpu.vector_load %arg30[%swap3A_1366, %swap3A_1367] {strides = array<i32>} : memref<80x128xf32, #tpu.memory_space<vmem>>, vector<16xf32>,
      tpu.vector_store %arg30[%swap3A_1366, %swap3A_1367], %mul3A_1365 {strides = array<i32>} : memref<80x128xf32, #tpu.memory_space<vmem>>, vector<16xf32>,
      %get3A_1369 = arith.index_cast %add3A_1347 : i32 to index
      %get3A_1370 = arith.constant 48 : index
      %get3A_1371 = tpu.vector_load %arg30[%get3A_1369, %get3A_1370] {strides = array<i32>} : memref<80x128xf32, #tpu.memory_space<vmem>>, vector<16xf32>,
      %mul3A_1372 = arith.mulf %get3A_1371, %gather3A : vector<16xf32>
      %swap3A_1373 = arith.index_cast %add3A_1347 : i32 to index
      %swap3A_1374 = arith.constant 48 : index
      %swap3A_1375 = tpu.vector_load %arg30[%swap3A_1373, %swap3A_1374] {strides = array<i32>} : memref<80x128xf32, #tpu.memory_space<vmem>>, vector<16xf32>,
      tpu.vector_store %arg30[%swap3A_1373, %swap3A_1374], %mul3A_1372 {strides = array<i32>} : memref<80x128xf32, #tpu.memory_space<vmem>>, vector<16xf32>,
      %get3A_1376 = arith.index_cast %add3A_1347 : i32 to index
      %get3A_1377 = arith.constant 64 : index
      %get3A_1378 = tpu.vector_load %arg30[%get3A_1376, %get3A_1377] {strides = array<i32>} : memref<80x128xf32, #tpu.memory_space<vmem>>, vector<16xf32>,
      %mul3A_1379 = arith.mulf %get3A_1378, %gather3A : vector<16xf32>
      %swap3A_1380 = arith.index_cast %add3A_1347 : i32 to index
      %swap3A_1381 = arith.constant 64 : index
      %swap3A_1382 = tpu.vector_load %arg30[%swap3A_1380, %swap3A_1381] {strides = array<i32>} : memref<80x128xf32, #tpu.memory_space<vmem>>, vector<16xf32>,
      tpu.vector_store %arg30[%swap3A_1380, %swap3A_1381], %mul3A_1379 {strides = array<i32>} : memref<80x128xf32, #tpu.memory_space<vmem>>, vector<16xf32>,
      %get3A_1383 = arith.index_cast %add3A_1347 : i32 to index
      %get3A_1384 = arith.constant 80 : index
      %get3A_1385 = tpu.vector_load %arg30[%get3A_1383, %get3A_1384] {strides = array<i32>} : memref<80x128xf32, #tpu.memory_space<vmem>>, vector<16xf32>,
      %mul3A_1386 = arith.mulf %get3A_1385, %gather3A : vector<16xf32>
      %swap3A_1387 = arith.index_cast %add3A_1347 : i32 to index
      %swap3A_1388 = arith.constant 80 : index
      %swap3A_1389 = tpu.vector_load %arg30[%swap3A_1387, %swap3A_1388] {strides = array<i32>} : memref<80x128xf32, #tpu.memory_space<vmem>>, vector<16xf32>,
      tpu.vector_store %arg30[%swap3A_1387, %swap3A_1388], %mul3A_1386 {strides = array<i32>} : memref<80x128xf32, #tpu.memory_space<vmem>>, vector<16xf32>,
      %get3A_1390 = arith.index_cast %add3A_1347 : i32 to index
      %get3A_1391 = arith.constant 96 : index
      %get3A_1392 = tpu.vector_load %arg30[%get3A_1390, %get3A_1391] {strides = array<i32>} : memref<80x128xf32, #tpu.memory_space<vmem>>, vector<16xf32>,
      %mul3A_1393 = arith.mulf %get3A_1392, %gather3A : vector<16xf32>
      %swap3A_1394 = arith.index_cast %add3A_1347 : i32 to index
      %swap3A_1395 = arith.constant 96 : index
      %swap3A_1396 = tpu.vector_load %arg30[%swap3A_1394, %swap3A_1395] {strides = array<i32>} : memref<80x128xf32, #tpu.memory_space<vmem>>, vector<16xf32>,
      tpu.vector_store %arg30[%swap3A_1394, %swap3A_1395], %mul3A_1393 {strides = array<i32>} : memref<80x128xf32, #tpu.memory_space<vmem>>, vector<16xf32>,
      %get3A_1397 = arith.index_cast %add3A_1347 : i32 to index
      %get3A_1398 = arith.constant 112 : index
      %get3A_1399 = tpu.vector_load %arg30[%get3A_1397, %get3A_1398] {strides = array<i32>} : memref<80x128xf32, #tpu.memory_space<vmem>>, vector<16xf32>,
      %mul3A_1400 = arith.mulf %get3A_1399, %gather3A : vector<16xf32>
      %swap3A_1401 = arith.index_cast %add3A_1347 : i32 to index
      %swap3A_1402 = arith.constant 112 : index
      %swap3A_1403 = tpu.vector_load %arg30[%swap3A_1401, %swap3A_1402] {strides = array<i32>} : memref<80x128xf32, #tpu.memory_space<vmem>>, vector<16xf32>,
      tpu.vector_store %arg30[%swap3A_1401, %swap3A_1402], %mul3A_1400 {strides = array<i32>} : memref<80x128xf32, #tpu.memory_space<vmem>>, vector<16xf32>,
    }
    %scan3A_1318 = arith.constant 80 : i32
    %dma_start3A_1319 = arith.constant 0 : i32
    %dma_start3A_1320 = arith.constant 0 : i32
    %dma_start3A_1321 = tpu.memref_slice %arg32[%dma_start3A_1319, %dma_start3A_1320] : memref<10000x128xf32, #tpu.memory_space<vmem_shared>> -> memref<10000x128xf32, #tpu.memory_space<vmem_shared>>
    tpu.enqueue_indirect_dma source(%arg30 : memref<80x128xf32, #tpu.memory_space<vmem>>) target(%dma_start3A_1321 : memref<10000x128xf32, #tpu.memory_space<vmem_shared>>) offsets(%arg18 : memref<80xi32, #tpu.memory_space<vmem>>) semaphore(%arg43 : memref<!tpu.dma_semaphore, #tpu.memory_space<semaphore_mem>>) {add = true}
    %dma_wait3A_1322 = arith.constant 0 : i32
    %dma_wait3A_1323 = arith.constant 0 : i32
    %dma_wait3A_1324 = tpu.memref_slice %arg32[%dma_wait3A_1322, %dma_wait3A_1323] : memref<10000x128xf32, #tpu.memory_space<vmem_shared>> -> memref<10000x128xf32, #tpu.memory_space<vmem_shared>>
    tpu.wait_indirect_dma semaphore(%arg44 : memref<!tpu.dma_semaphore, #tpu.memory_space<semaphore_mem>>) src(%arg31 : memref<80x128xf32, #tpu.memory_space<vmem>>) dst(%dma_wait3A_1324 : memref<10000x128xf32, #tpu.memory_space<vmem_shared>>)
    %dma_wait3A_1325 = arith.constant 0 : i32
    %dma_wait3A_1326 = arith.constant 0 : i32
    %dma_wait3A_1327 = tpu.memref_slice %arg32[%dma_wait3A_1325, %dma_wait3A_1326] : memref<10000x128xf32, #tpu.memory_space<vmem_shared>> -> memref<10000x128xf32, #tpu.memory_space<vmem_shared>>
    tpu.wait_indirect_dma semaphore(%arg42 : memref<!tpu.dma_semaphore, #tpu.memory_space<semaphore_mem>>) src(%arg29 : memref<80x128xf32, #tpu.memory_space<vmem>>) dst(%dma_wait3A_1327 : memref<10000x128xf32, #tpu.memory_space<vmem_shared>>)
    %dma_wait3A_1328 = arith.constant 0 : i32
    %dma_wait3A_1329 = arith.constant 0 : i32
    %dma_wait3A_1330 = tpu.memref_slice %arg32[%dma_wait3A_1328, %dma_wait3A_1329] : memref<10000x128xf32, #tpu.memory_space<vmem_shared>> -> memref<10000x128xf32, #tpu.memory_space<vmem_shared>>
    tpu.wait_indirect_dma semaphore(%arg43 : memref<!tpu.dma_semaphore, #tpu.memory_space<semaphore_mem>>) src(%arg30 : memref<80x128xf32, #tpu.memory_space<vmem>>) dst(%dma_wait3A_1330 : memref<10000x128xf32, #tpu.memory_space<vmem_shared>>)
    %barrier3A_1331 = arith.constant 0 : index
    tpu.barrier barrier_id(%barrier3A_1331)
    %barrier3A_1332 = arith.constant 0 : index
    tpu.barrier barrier_id(%barrier3A_1332)
    %lt3A_1333 = arith.constant 15 : i32
    %lt3A_1334 = arith.cmpi slt, %arg1, %lt3A_1333 : i32
    %convert_element_type3A_1335 = arith.extui %lt3A_1334 : i1 to i32
    %cond3A_1336 = arith.constant 0 : i32
    %cond3A_1337 = arith.cmpi ne, %convert_element_type3A_1335, %cond3A_1336 : i32
    scf.if %cond3A_1337 {
      %mul3A_1343 = arith.constant 632 : i32
      %mul3A_1344 = arith.muli %arg1, %mul3A_1343 : i32
      %scan3A_1345 = arith.constant 0 : i32
      %scan3A_1346 = arith.constant 7 : i32
      %scan3A_1347 = arith.addi %scan3A_1345, %scan3A_1346 : i32
      %scan3A_1348 = arith.constant 1 : i32
      scf.for %scan3A_1360 = %scan3A_1345 to %scan3A_1347 step %scan3A_1348  : i32 {
        %mul3A_1361 = arith.constant 1 : i32
        %mul3A_1362 = arith.muli %scan3A_1360, %mul3A_1361 : i32
        %add3A_1363 = arith.constant 0 : i32
        %add3A_1364 = arith.addi %add3A_1363, %mul3A_1362 : i32
        %mul3A_1365 = arith.constant 80 : i32
        %mul3A_1366 = arith.muli %add3A_1364, %mul3A_1365 : i32
        %add3A_1367 = arith.addi %mul3A_1344, %mul3A_1366 : i32
        "tpu.region"() ({
          %run_scoped3A = tpu.sem_alloc : memref<!tpu.dma_semaphore, #tpu.memory_space<semaphore_mem>>
          %dma_start3A_1374 = arith.constant 0 : i32
          %dma_start3A_1375 = tpu.memref_slice %arg32[%add3A_1367, %dma_start3A_1374] : memref<10000x128xf32, #tpu.memory_space<vmem_shared>> -> memref<80x128xf32, #tpu.memory_space<vmem_shared>>
          %dma_start3A_1376 = arith.constant 0 : i32
          %dma_start3A_1377 = tpu.memref_slice %arg32[%add3A_1367, %dma_start3A_1376] : memref<10000x128xf32, #tpu.memory_space<vmem_shared>> -> memref<80x128xf32, #tpu.memory_space<vmem_shared>>
          tpu.enqueue_dma source(%dma_start3A_1377 : memref<80x128xf32, #tpu.memory_space<vmem_shared>>) target(%arg29 : memref<80x128xf32, #tpu.memory_space<vmem>>) target_semaphore(%run_scoped3A : memref<!tpu.dma_semaphore, #tpu.memory_space<semaphore_mem>>)
          %dma_wait3A_1378 = arith.constant 0 : i32
          %dma_wait3A_1379 = tpu.memref_slice %arg32[%add3A_1367, %dma_wait3A_1378] : memref<10000x128xf32, #tpu.memory_space<vmem_shared>> -> memref<80x128xf32, #tpu.memory_space<vmem_shared>>
          %dma_wait3A_1380 = arith.constant 0 : i32
          %dma_wait3A_1381 = tpu.memref_slice %arg32[%add3A_1367, %dma_wait3A_1380] : memref<10000x128xf32, #tpu.memory_space<vmem_shared>> -> memref<80x128xf32, #tpu.memory_space<vmem_shared>>
          tpu.wait_dma2 semaphore(%run_scoped3A : memref<!tpu.dma_semaphore, #tpu.memory_space<semaphore_mem>>) src(%dma_wait3A_1381 : memref<80x128xf32, #tpu.memory_space<vmem_shared>>) dst(%arg29 : memref<80x128xf32, #tpu.memory_space<vmem>>)
          tpu.yield
        }) : () -> ()
        %mul3A_1368 = arith.constant 10000 : i32
        %mul3A_1369 = arith.muli %arg0, %mul3A_1368 : i32
        %add3A_1370 = arith.addi %mul3A_1369, %mul3A_1344 : i32
        %mul3A_1371 = arith.constant 80 : i32
        %mul3A_1372 = arith.muli %add3A_1364, %mul3A_1371 : i32
        %add3A_1373 = arith.addi %add3A_1370, %mul3A_1372 : i32
        "tpu.region"() ({
          %run_scoped3A = tpu.sem_alloc : memref<!tpu.dma_semaphore, #tpu.memory_space<semaphore_mem>>
          %dma_start3A_1374 = arith.constant 0 : i32
          %dma_start3A_1375 = tpu.memref_slice %arg6[%add3A_1373, %dma_start3A_1374] : memref<20000x128xf32, #tpu.memory_space<hbm>> -> memref<80x128xf32, #tpu.memory_space<hbm>>
          %dma_start3A_1376 = arith.constant 0 : i32
          %dma_start3A_1377 = tpu.memref_slice %arg6[%add3A_1373, %dma_start3A_1376] : memref<20000x128xf32, #tpu.memory_space<hbm>> -> memref<80x128xf32, #tpu.memory_space<hbm>>
          tpu.enqueue_dma source(%arg29 : memref<80x128xf32, #tpu.memory_space<vmem>>) target(%dma_start3A_1377 : memref<80x128xf32, #tpu.memory_space<hbm>>) target_semaphore(%run_scoped3A : memref<!tpu.dma_semaphore, #tpu.memory_space<semaphore_mem>>)
          %dma_wait3A_1378 = arith.constant 0 : i32
          %dma_wait3A_1379 = tpu.memref_slice %arg6[%add3A_1373, %dma_wait3A_1378] : memref<20000x128xf32, #tpu.memory_space<hbm>> -> memref<80x128xf32, #tpu.memory_space<hbm>>
          %dma_wait3A_1380 = arith.constant 0 : i32
          %dma_wait3A_1381 = tpu.memref_slice %arg6[%add3A_1373, %dma_wait3A_1380] : memref<20000x128xf32, #tpu.memory_space<hbm>> -> memref<80x128xf32, #tpu.memory_space<hbm>>
          tpu.wait_dma2 semaphore(%run_scoped3A : memref<!tpu.dma_semaphore, #tpu.memory_space<semaphore_mem>>) src(%arg29 : memref<80x128xf32, #tpu.memory_space<vmem>>) dst(%dma_wait3A_1381 : memref<80x128xf32, #tpu.memory_space<hbm>>)
          tpu.yield
        }) : () -> ()
      }
      %scan3A_1349 = arith.constant 7 : i32
      %add3A_1350 = arith.constant 632 : i32
      %add3A_1351 = arith.addi %mul3A_1344, %add3A_1350 : i32
      %sub3A = arith.constant 72 : i32
      %sub3A_1352 = arith.subi %add3A_1351, %sub3A : i32
      "tpu.region"() ({
        %run_scoped3A = tpu.sem_alloc : memref<!tpu.dma_semaphore, #tpu.memory_space<semaphore_mem>>
        %dma_start3A_1360 = arith.constant 0 : i32
        %dma_start3A_1361 = arith.constant 0 : i32
        %dma_start3A_1362 = tpu.memref_slice %arg29[%dma_start3A_1360, %dma_start3A_1361] : memref<80x128xf32, #tpu.memory_space<vmem>> -> memref<72x128xf32, #tpu.memory_space<vmem>>
        %dma_start3A_1363 = arith.constant 0 : i32
        %dma_start3A_1364 = tpu.memref_slice %arg32[%sub3A_1352, %dma_start3A_1363] : memref<10000x128xf32, #tpu.memory_space<vmem_shared>> -> memref<72x128xf32, #tpu.memory_space<vmem_shared>>
        %dma_start3A_1365 = arith.constant 0 : i32
        %dma_start3A_1366 = arith.constant 0 : i32
        %dma_start3A_1367 = tpu.memref_slice %arg29[%dma_start3A_1365, %dma_start3A_1366] : memref<80x128xf32, #tpu.memory_space<vmem>> -> memref<72x128xf32, #tpu.memory_space<vmem>>
        %dma_start3A_1368 = arith.constant 0 : i32
        %dma_start3A_1369 = tpu.memref_slice %arg32[%sub3A_1352, %dma_start3A_1368] : memref<10000x128xf32, #tpu.memory_space<vmem_shared>> -> memref<72x128xf32, #tpu.memory_space<vmem_shared>>
        tpu.enqueue_dma source(%dma_start3A_1369 : memref<72x128xf32, #tpu.memory_space<vmem_shared>>) target(%dma_start3A_1367 : memref<72x128xf32, #tpu.memory_space<vmem>>) target_semaphore(%run_scoped3A : memref<!tpu.dma_semaphore, #tpu.memory_space<semaphore_mem>>)
        %dma_wait3A_1370 = arith.constant 0 : i32
        %dma_wait3A_1371 = arith.constant 0 : i32
        %dma_wait3A_1372 = tpu.memref_slice %arg29[%dma_wait3A_1370, %dma_wait3A_1371] : memref<80x128xf32, #tpu.memory_space<vmem>> -> memref<72x128xf32, #tpu.memory_space<vmem>>
        %dma_wait3A_1373 = arith.constant 0 : i32
        %dma_wait3A_1374 = tpu.memref_slice %arg32[%sub3A_1352, %dma_wait3A_1373] : memref<10000x128xf32, #tpu.memory_space<vmem_shared>> -> memref<72x128xf32, #tpu.memory_space<vmem_shared>>
        %dma_wait3A_1375 = arith.constant 0 : i32
        %dma_wait3A_1376 = arith.constant 0 : i32
        %dma_wait3A_1377 = tpu.memref_slice %arg29[%dma_wait3A_1375, %dma_wait3A_1376] : memref<80x128xf32, #tpu.memory_space<vmem>> -> memref<72x128xf32, #tpu.memory_space<vmem>>
        %dma_wait3A_1378 = arith.constant 0 : i32
        %dma_wait3A_1379 = tpu.memref_slice %arg32[%sub3A_1352, %dma_wait3A_1378] : memref<10000x128xf32, #tpu.memory_space<vmem_shared>> -> memref<72x128xf32, #tpu.memory_space<vmem_shared>>
        tpu.wait_dma2 semaphore(%run_scoped3A : memref<!tpu.dma_semaphore, #tpu.memory_space<semaphore_mem>>) src(%dma_wait3A_1379 : memref<72x128xf32, #tpu.memory_space<vmem_shared>>) dst(%dma_wait3A_1377 : memref<72x128xf32, #tpu.memory_space<vmem>>)
        tpu.yield
      }) : () -> ()
      %mul3A_1353 = arith.constant 10000 : i32
      %mul3A_1354 = arith.muli %arg0, %mul3A_1353 : i32
      %add3A_1355 = arith.addi %mul3A_1354, %mul3A_1344 : i32
      %add3A_1356 = arith.constant 632 : i32
      %add3A_1357 = arith.addi %add3A_1355, %add3A_1356 : i32
      %sub3A_1358 = arith.constant 72 : i32
      %sub3A_1359 = arith.subi %add3A_1357, %sub3A_1358 : i32
      "tpu.region"() ({
        %run_scoped3A = tpu.sem_alloc : memref<!tpu.dma_semaphore, #tpu.memory_space<semaphore_mem>>
        %dma_start3A_1360 = arith.constant 0 : i32
        %dma_start3A_1361 = arith.constant 0 : i32
        %dma_start3A_1362 = tpu.memref_slice %arg29[%dma_start3A_1360, %dma_start3A_1361] : memref<80x128xf32, #tpu.memory_space<vmem>> -> memref<72x128xf32, #tpu.memory_space<vmem>>
        %dma_start3A_1363 = arith.constant 0 : i32
        %dma_start3A_1364 = tpu.memref_slice %arg6[%sub3A_1359, %dma_start3A_1363] : memref<20000x128xf32, #tpu.memory_space<hbm>> -> memref<72x128xf32, #tpu.memory_space<hbm>>
        %dma_start3A_1365 = arith.constant 0 : i32
        %dma_start3A_1366 = tpu.memref_slice %arg6[%sub3A_1359, %dma_start3A_1365] : memref<20000x128xf32, #tpu.memory_space<hbm>> -> memref<72x128xf32, #tpu.memory_space<hbm>>
        %dma_start3A_1367 = arith.constant 0 : i32
        %dma_start3A_1368 = arith.constant 0 : i32
        %dma_start3A_1369 = tpu.memref_slice %arg29[%dma_start3A_1367, %dma_start3A_1368] : memref<80x128xf32, #tpu.memory_space<vmem>> -> memref<72x128xf32, #tpu.memory_space<vmem>>
        tpu.enqueue_dma source(%dma_start3A_1369 : memref<72x128xf32, #tpu.memory_space<vmem>>) target(%dma_start3A_1366 : memref<72x128xf32, #tpu.memory_space<hbm>>) target_semaphore(%run_scoped3A : memref<!tpu.dma_semaphore, #tpu.memory_space<semaphore_mem>>)
        %dma_wait3A_1370 = arith.constant 0 : i32
        %dma_wait3A_1371 = arith.constant 0 : i32
        %dma_wait3A_1372 = tpu.memref_slice %arg29[%dma_wait3A_1370, %dma_wait3A_1371] : memref<80x128xf32, #tpu.memory_space<vmem>> -> memref<72x128xf32, #tpu.memory_space<vmem>>
        %dma_wait3A_1373 = arith.constant 0 : i32
        %dma_wait3A_1374 = tpu.memref_slice %arg6[%sub3A_1359, %dma_wait3A_1373] : memref<20000x128xf32, #tpu.memory_space<hbm>> -> memref<72x128xf32, #tpu.memory_space<hbm>>
        %dma_wait3A_1375 = arith.constant 0 : i32
        %dma_wait3A_1376 = tpu.memref_slice %arg6[%sub3A_1359, %dma_wait3A_1375] : memref<20000x128xf32, #tpu.memory_space<hbm>> -> memref<72x128xf32, #tpu.memory_space<hbm>>
        %dma_wait3A_1377 = arith.constant 0 : i32
        %dma_wait3A_1378 = arith.constant 0 : i32
        %dma_wait3A_1379 = tpu.memref_slice %arg29[%dma_wait3A_1377, %dma_wait3A_1378] : memref<80x128xf32, #tpu.memory_space<vmem>> -> memref<72x128xf32, #tpu.memory_space<vmem>>
        tpu.wait_dma2 semaphore(%run_scoped3A : memref<!tpu.dma_semaphore, #tpu.memory_space<semaphore_mem>>) src(%dma_wait3A_1379 : memref<72x128xf32, #tpu.memory_space<vmem>>) dst(%dma_wait3A_1376 : memref<72x128xf32, #tpu.memory_space<hbm>>)
        tpu.yield
      }) : () -> ()
    } else {
    }
    %eq3A_1338 = arith.constant 15 : i32
    %eq3A_1339 = arith.cmpi eq, %arg1, %eq3A_1338 : i32
    %convert_element_type3A_1340 = arith.extui %eq3A_1339 : i1 to i32
    %cond3A_1341 = arith.constant 0 : i32
    %cond3A_1342 = arith.cmpi ne, %convert_element_type3A_1340, %cond3A_1341 : i32
    scf.if %cond3A_1342 {
      %scan3A_1343 = arith.constant 0 : i32
      %scan3A_1344 = arith.constant 6 : i32
      %scan3A_1345 = arith.addi %scan3A_1343, %scan3A_1344 : i32
      %scan3A_1346 = arith.constant 1 : i32
      scf.for %scan3A_1355 = %scan3A_1343 to %scan3A_1345 step %scan3A_1346  : i32 {
        %mul3A_1356 = arith.constant 1 : i32
        %mul3A_1357 = arith.muli %scan3A_1355, %mul3A_1356 : i32
        %add3A_1358 = arith.constant 0 : i32
        %add3A_1359 = arith.addi %add3A_1358, %mul3A_1357 : i32
        %mul3A_1360 = arith.constant 80 : i32
        %mul3A_1361 = arith.muli %add3A_1359, %mul3A_1360 : i32
        %add3A_1362 = arith.constant 9480 : i32
        %add3A_1363 = arith.addi %add3A_1362, %mul3A_1361 : i32
        "tpu.region"() ({
          %run_scoped3A = tpu.sem_alloc : memref<!tpu.dma_semaphore, #tpu.memory_space<semaphore_mem>>
          %dma_start3A_1371 = arith.constant 0 : i32
          %dma_start3A_1372 = tpu.memref_slice %arg32[%add3A_1363, %dma_start3A_1371] : memref<10000x128xf32, #tpu.memory_space<vmem_shared>> -> memref<80x128xf32, #tpu.memory_space<vmem_shared>>
          %dma_start3A_1373 = arith.constant 0 : i32
          %dma_start3A_1374 = tpu.memref_slice %arg32[%add3A_1363, %dma_start3A_1373] : memref<10000x128xf32, #tpu.memory_space<vmem_shared>> -> memref<80x128xf32, #tpu.memory_space<vmem_shared>>
          tpu.enqueue_dma source(%dma_start3A_1374 : memref<80x128xf32, #tpu.memory_space<vmem_shared>>) target(%arg29 : memref<80x128xf32, #tpu.memory_space<vmem>>) target_semaphore(%run_scoped3A : memref<!tpu.dma_semaphore, #tpu.memory_space<semaphore_mem>>)
          %dma_wait3A_1375 = arith.constant 0 : i32
          %dma_wait3A_1376 = tpu.memref_slice %arg32[%add3A_1363, %dma_wait3A_1375] : memref<10000x128xf32, #tpu.memory_space<vmem_shared>> -> memref<80x128xf32, #tpu.memory_space<vmem_shared>>
          %dma_wait3A_1377 = arith.constant 0 : i32
          %dma_wait3A_1378 = tpu.memref_slice %arg32[%add3A_1363, %dma_wait3A_1377] : memref<10000x128xf32, #tpu.memory_space<vmem_shared>> -> memref<80x128xf32, #tpu.memory_space<vmem_shared>>
          tpu.wait_dma2 semaphore(%run_scoped3A : memref<!tpu.dma_semaphore, #tpu.memory_space<semaphore_mem>>) src(%dma_wait3A_1378 : memref<80x128xf32, #tpu.memory_space<vmem_shared>>) dst(%arg29 : memref<80x128xf32, #tpu.memory_space<vmem>>)
          tpu.yield
        }) : () -> ()
        %mul3A_1364 = arith.constant 10000 : i32
        %mul3A_1365 = arith.muli %arg0, %mul3A_1364 : i32
        %add3A_1366 = arith.constant 9480 : i32
        %add3A_1367 = arith.addi %mul3A_1365, %add3A_1366 : i32
        %mul3A_1368 = arith.constant 80 : i32
        %mul3A_1369 = arith.muli %add3A_1359, %mul3A_1368 : i32
        %add3A_1370 = arith.addi %add3A_1367, %mul3A_1369 : i32
        "tpu.region"() ({
          %run_scoped3A = tpu.sem_alloc : memref<!tpu.dma_semaphore, #tpu.memory_space<semaphore_mem>>
          %dma_start3A_1371 = arith.constant 0 : i32
          %dma_start3A_1372 = tpu.memref_slice %arg6[%add3A_1370, %dma_start3A_1371] : memref<20000x128xf32, #tpu.memory_space<hbm>> -> memref<80x128xf32, #tpu.memory_space<hbm>>
          %dma_start3A_1373 = arith.constant 0 : i32
          %dma_start3A_1374 = tpu.memref_slice %arg6[%add3A_1370, %dma_start3A_1373] : memref<20000x128xf32, #tpu.memory_space<hbm>> -> memref<80x128xf32, #tpu.memory_space<hbm>>
          tpu.enqueue_dma source(%arg29 : memref<80x128xf32, #tpu.memory_space<vmem>>) target(%dma_start3A_1374 : memref<80x128xf32, #tpu.memory_space<hbm>>) target_semaphore(%run_scoped3A : memref<!tpu.dma_semaphore, #tpu.memory_space<semaphore_mem>>)
          %dma_wait3A_1375 = arith.constant 0 : i32
          %dma_wait3A_1376 = tpu.memref_slice %arg6[%add3A_1370, %dma_wait3A_1375] : memref<20000x128xf32, #tpu.memory_space<hbm>> -> memref<80x128xf32, #tpu.memory_space<hbm>>
          %dma_wait3A_1377 = arith.constant 0 : i32
          %dma_wait3A_1378 = tpu.memref_slice %arg6[%add3A_1370, %dma_wait3A_1377] : memref<20000x128xf32, #tpu.memory_space<hbm>> -> memref<80x128xf32, #tpu.memory_space<hbm>>
          tpu.wait_dma2 semaphore(%run_scoped3A : memref<!tpu.dma_semaphore, #tpu.memory_space<semaphore_mem>>) src(%arg29 : memref<80x128xf32, #tpu.memory_space<vmem>>) dst(%dma_wait3A_1378 : memref<80x128xf32, #tpu.memory_space<hbm>>)
          tpu.yield
        }) : () -> ()
      }
      %scan3A_1347 = arith.constant 6 : i32
      "tpu.region"() ({
        %run_scoped3A = tpu.sem_alloc : memref<!tpu.dma_semaphore, #tpu.memory_space<semaphore_mem>>
        %dma_start3A_1355 = arith.constant 0 : i32
        %dma_start3A_1356 = arith.constant 0 : i32
        %dma_start3A_1357 = tpu.memref_slice %arg29[%dma_start3A_1355, %dma_start3A_1356] : memref<80x128xf32, #tpu.memory_space<vmem>> -> memref<40x128xf32, #tpu.memory_space<vmem>>
        %dma_start3A_1358 = arith.constant 9960 : i32
        %dma_start3A_1359 = arith.constant 0 : i32
        %dma_start3A_1360 = tpu.memref_slice %arg32[%dma_start3A_1358, %dma_start3A_1359] : memref<10000x128xf32, #tpu.memory_space<vmem_shared>> -> memref<40x128xf32, #tpu.memory_space<vmem_shared>>
        %dma_start3A_1361 = arith.constant 0 : i32
        %dma_start3A_1362 = arith.constant 0 : i32
        %dma_start3A_1363 = tpu.memref_slice %arg29[%dma_start3A_1361, %dma_start3A_1362] : memref<80x128xf32, #tpu.memory_space<vmem>> -> memref<40x128xf32, #tpu.memory_space<vmem>>
        %dma_start3A_1364 = arith.constant 9960 : i32
        %dma_start3A_1365 = arith.constant 0 : i32
        %dma_start3A_1366 = tpu.memref_slice %arg32[%dma_start3A_1364, %dma_start3A_1365] : memref<10000x128xf32, #tpu.memory_space<vmem_shared>> -> memref<40x128xf32, #tpu.memory_space<vmem_shared>>
        tpu.enqueue_dma source(%dma_start3A_1366 : memref<40x128xf32, #tpu.memory_space<vmem_shared>>) target(%dma_start3A_1363 : memref<40x128xf32, #tpu.memory_space<vmem>>) target_semaphore(%run_scoped3A : memref<!tpu.dma_semaphore, #tpu.memory_space<semaphore_mem>>)
        %dma_wait3A_1367 = arith.constant 0 : i32
        %dma_wait3A_1368 = arith.constant 0 : i32
        %dma_wait3A_1369 = tpu.memref_slice %arg29[%dma_wait3A_1367, %dma_wait3A_1368] : memref<80x128xf32, #tpu.memory_space<vmem>> -> memref<40x128xf32, #tpu.memory_space<vmem>>
        %dma_wait3A_1370 = arith.constant 9960 : i32
        %dma_wait3A_1371 = arith.constant 0 : i32
        %dma_wait3A_1372 = tpu.memref_slice %arg32[%dma_wait3A_1370, %dma_wait3A_1371] : memref<10000x128xf32, #tpu.memory_space<vmem_shared>> -> memref<40x128xf32, #tpu.memory_space<vmem_shared>>
        %dma_wait3A_1373 = arith.constant 0 : i32
        %dma_wait3A_1374 = arith.constant 0 : i32
        %dma_wait3A_1375 = tpu.memref_slice %arg29[%dma_wait3A_1373, %dma_wait3A_1374] : memref<80x128xf32, #tpu.memory_space<vmem>> -> memref<40x128xf32, #tpu.memory_space<vmem>>
        %dma_wait3A_1376 = arith.constant 9960 : i32
        %dma_wait3A_1377 = arith.constant 0 : i32
        %dma_wait3A_1378 = tpu.memref_slice %arg32[%dma_wait3A_1376, %dma_wait3A_1377] : memref<10000x128xf32, #tpu.memory_space<vmem_shared>> -> memref<40x128xf32, #tpu.memory_space<vmem_shared>>
        tpu.wait_dma2 semaphore(%run_scoped3A : memref<!tpu.dma_semaphore, #tpu.memory_space<semaphore_mem>>) src(%dma_wait3A_1378 : memref<40x128xf32, #tpu.memory_space<vmem_shared>>) dst(%dma_wait3A_1375 : memref<40x128xf32, #tpu.memory_space<vmem>>)
        tpu.yield
      }) : () -> ()
      %mul3A_1348 = arith.constant 10000 : i32
      %mul3A_1349 = arith.muli %arg0, %mul3A_1348 : i32
      %add3A_1350 = arith.constant 9480 : i32
      %add3A_1351 = arith.addi %mul3A_1349, %add3A_1350 : i32
      %add3A_1352 = arith.constant 520 : i32
      %add3A_1353 = arith.addi %add3A_1351, %add3A_1352 : i32
      %sub3A = arith.constant 40 : i32
      %sub3A_1354 = arith.subi %add3A_1353, %sub3A : i32
      "tpu.region"() ({
        %run_scoped3A = tpu.sem_alloc : memref<!tpu.dma_semaphore, #tpu.memory_space<semaphore_mem>>
        %dma_start3A_1355 = arith.constant 0 : i32
        %dma_start3A_1356 = arith.constant 0 : i32
        %dma_start3A_1357 = tpu.memref_slice %arg29[%dma_start3A_1355, %dma_start3A_1356] : memref<80x128xf32, #tpu.memory_space<vmem>> -> memref<40x128xf32, #tpu.memory_space<vmem>>
        %dma_start3A_1358 = arith.constant 0 : i32
        %dma_start3A_1359 = tpu.memref_slice %arg6[%sub3A_1354, %dma_start3A_1358] : memref<20000x128xf32, #tpu.memory_space<hbm>> -> memref<40x128xf32, #tpu.memory_space<hbm>>
        %dma_start3A_1360 = arith.constant 0 : i32
        %dma_start3A_1361 = tpu.memref_slice %arg6[%sub3A_1354, %dma_start3A_1360] : memref<20000x128xf32, #tpu.memory_space<hbm>> -> memref<40x128xf32, #tpu.memory_space<hbm>>
        %dma_start3A_1362 = arith.constant 0 : i32
        %dma_start3A_1363 = arith.constant 0 : i32
        %dma_start3A_1364 = tpu.memref_slice %arg29[%dma_start3A_1362, %dma_start3A_1363] : memref<80x128xf32, #tpu.memory_space<vmem>> -> memref<40x128xf32, #tpu.memory_space<vmem>>
        tpu.enqueue_dma source(%dma_start3A_1364 : memref<40x128xf32, #tpu.memory_space<vmem>>) target(%dma_start3A_1361 : memref<40x128xf32, #tpu.memory_space<hbm>>) target_semaphore(%run_scoped3A : memref<!tpu.dma_semaphore, #tpu.memory_space<semaphore_mem>>)
        %dma_wait3A_1365 = arith.constant 0 : i32
        %dma_wait3A_1366 = arith.constant 0 : i32
        %dma_wait3A_1367 = tpu.memref_slice %arg29[%dma_wait3A_1365, %dma_wait3A_1366] : memref<80x128xf32, #tpu.memory_space<vmem>> -> memref<40x128xf32, #tpu.memory_space<vmem>>
        %dma_wait3A_1368 = arith.constant 0 : i32
        %dma_wait3A_1369 = tpu.memref_slice %arg6[%sub3A_1354, %dma_wait3A_1368] : memref<20000x128xf32, #tpu.memory_space<hbm>> -> memref<40x128xf32, #tpu.memory_space<hbm>>
        %dma_wait3A_1370 = arith.constant 0 : i32
        %dma_wait3A_1371 = tpu.memref_slice %arg6[%sub3A_1354, %dma_wait3A_1370] : memref<20000x128xf32, #tpu.memory_space<hbm>> -> memref<40x128xf32, #tpu.memory_space<hbm>>
        %dma_wait3A_1372 = arith.constant 0 : i32
        %dma_wait3A_1373 = arith.constant 0 : i32
        %dma_wait3A_1374 = tpu.memref_slice %arg29[%dma_wait3A_1372, %dma_wait3A_1373] : memref<80x128xf32, #tpu.memory_space<vmem>> -> memref<40x128xf32, #tpu.memory_space<vmem>>
        tpu.wait_dma2 semaphore(%run_scoped3A : memref<!tpu.dma_semaphore, #tpu.memory_space<semaphore_mem>>) src(%dma_wait3A_1374 : memref<40x128xf32, #tpu.memory_space<vmem>>) dst(%dma_wait3A_1371 : memref<40x128xf32, #tpu.memory_space<hbm>>)
        tpu.yield
      }) : () -> ()
    } else {
    }
    return
  }
}

module attributes {stable_mosaic.version = 14 : i64} {
  func.func @body(%arg0: i32, %arg1: i32, %arg2: memref<2000x128xf32, #tpu.memory_space<vmem>>, %arg3: memref<1x128x128xf32, #tpu.memory_space<vmem>>, %arg4: memref<1x2000x128xf32, #tpu.memory_space<vmem>>) attributes {dimension_semantics = [#tpu.dimension_semantics<arbitrary>, #tpu.dimension_semantics<arbitrary>], iteration_bounds = array<i64: 8, 5>, scalar_prefetch = 0 : i64, scratch_operands = 0 : i64, tpu.core_type = #tpu.core_type<tc>, window_params = [{transform_indices = @transform_0, window_bounds = array<i64: 2000, 128>}, {transform_indices = @transform_1, window_bounds = array<i64: 1, 128, 128>}, {transform_indices = @transform_2, window_bounds = array<i64: 1, 2000, 128>}]} {
    %get3A = arith.constant 0 : index
    %get3A_0 = arith.constant 0 : index
    %get3A_1 = vector.load %arg2[%get3A, %get3A_0] : memref<2000x128xf32, #tpu.memory_space<vmem>>, vector<2000x128xf32>
    %get3A_2 = arith.constant 0 : index
    %get3A_3 = arith.constant 0 : index
    %get3A_4 = arith.constant 0 : index
    %get3A_5 = vector.load %arg3[%get3A_2, %get3A_3, %get3A_4] : memref<1x128x128xf32, #tpu.memory_space<vmem>>, vector<1x128x128xf32>
    %get3A_6 = vector.shape_cast %get3A_5 : vector<1x128x128xf32> to vector<128x128xf32>
    %dot_general3A = arith.constant dense<0.000000e+00> : vector<2000x128xf32>
    %dot_general3A_7 = tpu.matmul %get3A_1, %get3A_6, %dot_general3A {dimension_numbers = #tpu.dot_dimension_numbers<[1], [0], [0], [1], [0, 0, 1, 1], [], []>, transpose_lhs_hint = false} : vector<2000x128xf32>, vector<128x128xf32>, vector<2000x128xf32> -> vector<2000x128xf32>
    %swap3A = arith.constant 0 : index
    %swap3A_8 = arith.constant 0 : index
    %swap3A_9 = arith.constant 0 : index
    %swap3A_10 = vector.load %arg4[%swap3A, %swap3A_8, %swap3A_9] : memref<1x2000x128xf32, #tpu.memory_space<vmem>>, vector<1x2000x128xf32>
    %swap3A_11 = vector.shape_cast %swap3A_10 : vector<1x2000x128xf32> to vector<2000x128xf32>
    %swap3A_12 = vector.shape_cast %dot_general3A_7 : vector<2000x128xf32> to vector<1x2000x128xf32>
    tpu.vector_store %arg4[%swap3A, %swap3A_8, %swap3A_9], %swap3A_12 {strides = array<i32>} : memref<1x2000x128xf32, #tpu.memory_space<vmem>>, vector<1x2000x128xf32>,
    return
  }
  func.func @transform_0(%arg0: i32, %arg1: i32) -> (i32, i32) {
    %c0_i32 = arith.constant 0 : i32
    %c0_i32_0 = arith.constant 0 : i32
    return %arg1, %c0_i32 : i32, i32
  }
  func.func @transform_1(%arg0: i32, %arg1: i32) -> (i32, i32, i32) {
    %c0_i32 = arith.constant 0 : i32
    %c0_i32_0 = arith.constant 0 : i32
    %c0_i32_1 = arith.constant 0 : i32
    return %arg0, %c0_i32, %c0_i32_0 : i32, i32, i32
  }
  func.func @transform_2(%arg0: i32, %arg1: i32) -> (i32, i32, i32) {
    %c0_i32 = arith.constant 0 : i32
    %c0_i32_0 = arith.constant 0 : i32
    return %arg0, %arg1, %c0_i32 : i32, i32, i32
  }
}

module attributes {stable_mosaic.version = 14 : i64} {
  func.func @body(%arg0: i32, %arg1: memref<2000x128xf32, #tpu.memory_space<vmem>>, %arg2: memref<2000x128xf32, #tpu.memory_space<vmem>>, %arg3: memref<2000x128xf32, #tpu.memory_space<vmem>>, %arg4: memref<128x128xf32, #tpu.memory_space<vmem>>, %arg5: memref<1x128xf32, #tpu.memory_space<vmem>>, %arg6: memref<128x128xf32, #tpu.memory_space<vmem>>, %arg7: memref<128x128xf32, #tpu.memory_space<vmem>>, %arg8: memref<1x128xf32, #tpu.memory_space<vmem>>, %arg9: memref<2000x128xf32, #tpu.memory_space<vmem>>) attributes {dimension_semantics = [#tpu.dimension_semantics<arbitrary>], iteration_bounds = array<i64: 5>, scalar_prefetch = 0 : i64, scratch_operands = 0 : i64, tpu.core_type = #tpu.core_type<tc>, window_params = [{transform_indices = @transform_0, window_bounds = array<i64: 2000, 128>}, {transform_indices = @transform_1, window_bounds = array<i64: 2000, 128>}, {transform_indices = @transform_2, window_bounds = array<i64: 2000, 128>}, {pipeline_mode = #tpu.pipeline_mode<synchronous>, transform_indices = @transform_3, window_bounds = array<i64: 128, 128>}, {pipeline_mode = #tpu.pipeline_mode<synchronous>, transform_indices = @transform_4, window_bounds = array<i64: 1, 128>}, {pipeline_mode = #tpu.pipeline_mode<synchronous>, transform_indices = @transform_5, window_bounds = array<i64: 128, 128>}, {pipeline_mode = #tpu.pipeline_mode<synchronous>, transform_indices = @transform_6, window_bounds = array<i64: 128, 128>}, {pipeline_mode = #tpu.pipeline_mode<synchronous>, transform_indices = @transform_7, window_bounds = array<i64: 1, 128>}, {transform_indices = @transform_8, window_bounds = array<i64: 2000, 128>}]} {
    %get3A = arith.constant 0 : index
    %get3A_0 = arith.constant 0 : index
    %get3A_1 = vector.load %arg1[%get3A, %get3A_0] : memref<2000x128xf32, #tpu.memory_space<vmem>>, vector<2000x128xf32>
    %get3A_2 = arith.constant 0 : index
    %get3A_3 = arith.constant 0 : index
    %get3A_4 = vector.load %arg4[%get3A_2, %get3A_3] : memref<128x128xf32, #tpu.memory_space<vmem>>, vector<128x128xf32>
    %dot_general3A = arith.constant dense<0.000000e+00> : vector<2000x128xf32>
    %dot_general3A_5 = tpu.matmul %get3A_1, %get3A_4, %dot_general3A {dimension_numbers = #tpu.dot_dimension_numbers<[1], [0], [0], [1], [0, 0, 1, 1], [], []>, transpose_lhs_hint = false} : vector<2000x128xf32>, vector<128x128xf32>, vector<2000x128xf32> -> vector<2000x128xf32>
    %get3A_6 = arith.constant 0 : index
    %get3A_7 = arith.constant 0 : index
    %get3A_8 = vector.load %arg5[%get3A_6, %get3A_7] : memref<1x128xf32, #tpu.memory_space<vmem>>, vector<1x128xf32>
    %add3A = vector.broadcast %get3A_8 : vector<1x128xf32> to vector<2000x128xf32>
    %add3A_9 = arith.addf %dot_general3A_5, %add3A : vector<2000x128xf32>
    %get3A_10 = arith.constant 0 : index
    %get3A_11 = arith.constant 0 : index
    %get3A_12 = vector.load %arg2[%get3A_10, %get3A_11] : memref<2000x128xf32, #tpu.memory_space<vmem>>, vector<2000x128xf32>
    %add3A_13 = arith.addf %add3A_9, %get3A_12 : vector<2000x128xf32>
    %get3A_14 = arith.constant 0 : index
    %get3A_15 = arith.constant 0 : index
    %get3A_16 = vector.load %arg3[%get3A_14, %get3A_15] : memref<2000x128xf32, #tpu.memory_space<vmem>>, vector<2000x128xf32>
    %add3A_17 = arith.addf %add3A_13, %get3A_16 : vector<2000x128xf32>
    %get3A_18 = arith.constant 0 : index
    %get3A_19 = arith.constant 0 : index
    %get3A_20 = vector.load %arg6[%get3A_18, %get3A_19] : memref<128x128xf32, #tpu.memory_space<vmem>>, vector<128x128xf32>
    %dot_general3A_21 = arith.constant dense<0.000000e+00> : vector<2000x128xf32>
    %dot_general3A_22 = tpu.matmul %add3A_17, %get3A_20, %dot_general3A_21 {dimension_numbers = #tpu.dot_dimension_numbers<[1], [0], [0], [1], [0, 0, 1, 1], [], []>, transpose_lhs_hint = false} : vector<2000x128xf32>, vector<128x128xf32>, vector<2000x128xf32> -> vector<2000x128xf32>
    %get3A_23 = arith.constant 0 : index
    %get3A_24 = arith.constant 0 : index
    %get3A_25 = vector.load %arg7[%get3A_23, %get3A_24] : memref<128x128xf32, #tpu.memory_space<vmem>>, vector<128x128xf32>
    %dot_general3A_26 = arith.constant dense<0.000000e+00> : vector<2000x128xf32>
    %dot_general3A_27 = tpu.matmul %get3A_1, %get3A_25, %dot_general3A_26 {dimension_numbers = #tpu.dot_dimension_numbers<[1], [0], [0], [1], [0, 0, 1, 1], [], []>, transpose_lhs_hint = false} : vector<2000x128xf32>, vector<128x128xf32>, vector<2000x128xf32> -> vector<2000x128xf32>
    %add3A_28 = arith.addf %dot_general3A_22, %dot_general3A_27 : vector<2000x128xf32>
    %get3A_29 = arith.constant 0 : index
    %get3A_30 = arith.constant 0 : index
    %get3A_31 = vector.load %arg8[%get3A_29, %get3A_30] : memref<1x128xf32, #tpu.memory_space<vmem>>, vector<1x128xf32>
    %add3A_32 = vector.broadcast %get3A_31 : vector<1x128xf32> to vector<2000x128xf32>
    %add3A_33 = arith.addf %add3A_28, %add3A_32 : vector<2000x128xf32>
    %tanh3A = math.tanh %add3A_17 : vector<2000x128xf32>
    %mul3A = arith.mulf %tanh3A, %add3A_33 : vector<2000x128xf32>
    %sub3A = arith.constant 1.000000e+00 : f32
    %sub3A_34 = vector.broadcast %sub3A : f32 to vector<2000x128xf32>
    %sub3A_35 = arith.subf %sub3A_34, %add3A_33 : vector<2000x128xf32>
    %mul3A_36 = arith.mulf %get3A_1, %sub3A_35 : vector<2000x128xf32>
    %add3A_37 = arith.addf %mul3A, %mul3A_36 : vector<2000x128xf32>
    %swap3A = arith.constant 0 : index
    %swap3A_38 = arith.constant 0 : index
    %swap3A_39 = vector.load %arg9[%swap3A, %swap3A_38] : memref<2000x128xf32, #tpu.memory_space<vmem>>, vector<2000x128xf32>
    tpu.vector_store %arg9[%swap3A, %swap3A_38], %add3A_37 {strides = array<i32>} : memref<2000x128xf32, #tpu.memory_space<vmem>>, vector<2000x128xf32>,
    return
  }
  func.func @transform_0(%arg0: i32) -> (i32, i32) {
    %c0_i32 = arith.constant 0 : i32
    %c0_i32_0 = arith.constant 0 : i32
    return %arg0, %c0_i32 : i32, i32
  }
  func.func @transform_1(%arg0: i32) -> (i32, i32) {
    %c0_i32 = arith.constant 0 : i32
    %c0_i32_0 = arith.constant 0 : i32
    return %arg0, %c0_i32 : i32, i32
  }
  func.func @transform_2(%arg0: i32) -> (i32, i32) {
    %c0_i32 = arith.constant 0 : i32
    %c0_i32_0 = arith.constant 0 : i32
    return %arg0, %c0_i32 : i32, i32
  }
  func.func @transform_3(%arg0: i32) -> (i32, i32) {
    %c0_i32 = arith.constant 0 : i32
    %c0_i32_0 = arith.constant 0 : i32
    %c0_i32_1 = arith.constant 0 : i32
    return %c0_i32, %c0_i32_0 : i32, i32
  }
  func.func @transform_4(%arg0: i32) -> (i32, i32) {
    %c0_i32 = arith.constant 0 : i32
    %c0_i32_0 = arith.constant 0 : i32
    %c0_i32_1 = arith.constant 0 : i32
    return %c0_i32, %c0_i32_0 : i32, i32
  }
  func.func @transform_5(%arg0: i32) -> (i32, i32) {
    %c0_i32 = arith.constant 0 : i32
    %c0_i32_0 = arith.constant 0 : i32
    %c0_i32_1 = arith.constant 0 : i32
    return %c0_i32, %c0_i32_0 : i32, i32
  }
  func.func @transform_6(%arg0: i32) -> (i32, i32) {
    %c0_i32 = arith.constant 0 : i32
    %c0_i32_0 = arith.constant 0 : i32
    %c0_i32_1 = arith.constant 0 : i32
    return %c0_i32, %c0_i32_0 : i32, i32
  }
  func.func @transform_7(%arg0: i32) -> (i32, i32) {
    %c0_i32 = arith.constant 0 : i32
    %c0_i32_0 = arith.constant 0 : i32
    %c0_i32_1 = arith.constant 0 : i32
    return %c0_i32, %c0_i32_0 : i32, i32
  }
  func.func @transform_8(%arg0: i32) -> (i32, i32) {
    %c0_i32 = arith.constant 0 : i32
    %c0_i32_0 = arith.constant 0 : i32
    return %arg0, %c0_i32 : i32, i32
  }
}

</mosaic_0001>

<sc_bundles>
// kernel: kernel.6.cloned.1.call-start
scs
__scs_entry_jumppad:
0x0: {  	(pc) =	sbr.rel $0x88, $3  }
0x1: {  	(tag) =	ssettag $0x0;
	lr =	simm.s32 $0x1  }
0x2: {  	[smem:$0x3F99] =	sst lr;
	_ =	strace $0xD0000000  }
0x3: {  	_ = 	snop  }
0x4: {  	_ = 	snop  }
0x5: {  	_ = 	snop  }
0x6: {  	_ = 	snop  }
0x7: {  	_ = 	snop  }
__scs_overlays_trampoline_lowered:
0x8: {  	[smem:$0x3FA8] =	sst s0  }
0x9: {  	[smem:$0x3FA9] =	sst s1  }
0xa: {  	[smem:$0x3FAA] =	sst s2  }
0xb: {  	[smem:$0x3FAB] =	sst s3  }
0xc: {  	[smem:$0x3FAC] =	sst s4  }
0xd: {  	[smem:$0x3FAD] =	sst s5  }
0xe: {  	[smem:$0x3FAE] =	sst s6  }
0xf: {  	[smem:$0x3FAF] =	sst s7  }
0x10: {  	[smem:$0x3FB0] =	sst s8  }
0x11: {  	[smem:$0x3FB1] =	sst s9;
	s0 =	simm.s32 @!p0 $0x0  }
0x12: {  	s1 =	sld [smem:$0x3F97];
	s0 =	simm.s32 @p0 $0x1  }
0x13: {  	[smem:$0x3FB2] =	sst s0;
	s0 =	simm.s32 @!p1 $0x0  }
0x14: {  	s2 =	sld [smem:$0x3F96];
	s0 =	simm.s32 @p1 $0x1  }
0x15: {  	[smem:$0x3FB3] =	sst s0;
	s0 =	simm.s32 @!p2 $0x0  }
0x16: {  	s3 =	sld [smem:$0x3FDB];
	s0 =	simm.s32 @p2 $0x1  }
0x17: {  	s4 =	simm.s32 $0x1BF5;
	[smem:$0x3FB5] =	sst s0  }
0x18: {  	s0 =	sld [smem:$0x3F98];
	_ =	swait.ge [sflag:s4], $0x0  }
0x19: {  	s7 =	sld [smem:$0x3F99]  }
0x1a: {  	s8 =	sadd.s32 $0xFFFFE003, lr  }
0x1b: {  	s9 =	sadd.s32 $0xFFFFFEF7, lr;
	s5 =	simm.s32 $0xFFFFFFFF;
	p2 =	slt.u32 s8, $0xFFFFF086  }
0x1c: {  	p1 =	slt.u32 s9, $0xF7A;
	s5 =	simm.s32 @!p2 $0x0  }
0x1d: {  	s5 =	simm.s32 @p1 $0x1;
	p0 =	seq.s32 s7, s2  }
0x1e: {  	s7 =	smul.u32 @!p0 $0xF7A, s2;
	p2 =	seq.s32 @!p0 s5, $0x0  }
0x1f: {  	s9 =	smul.u32 $0xF7A, s1;
	s8 =	simm.s32 @!p0 $0x1BF5;
	p2 =	por !p2, p0  }
0x20: {  	[sflag:s8] =	ssyncset.s32 @!p0 $0xFFFFF086;
	s6 =	sadd.s32 @!p0 s3, s7;
	s7 =	simm.s32 @!p0 $0x108  }
0x21: {  	s3 =	sadd.s32 s3, s9;
	s6 =	sadd.s32 @!p0 $0x88, s6;
	s7 =	simm.s32 @p2 $0x1082  }
0x22: {  	[simem:s7], [sflag:s8] =	dma.local @!p0 [hbm:s6], $0xF7A  }
0x23: {  	s9 =	sor.u32 $0xD0000000, s2;
	s6 =	simm.s32 $0x108;
	_ =	swait.ge @!p0 [sflag:s8], $0x0  }
0x24: {  	s3 =	sadd.s32 $0x88, s3;
	s6 =	simm.s32 @!p1 $0x1082;
	[sflag:s4] =	ssyncset.s32 $0xFFFFF086  }
0x25: {  	[simem:s6], [sflag:s4] =	dma.local [hbm:s3], $0xF7A  }
0x26: {  	[smem:$0x3F99] =	sst s1;
	(tag) =	ssettag s2;
	_ =	strace s9  }
0x27: {  	s1 =	sld [smem:$0x3FA9]  }
0x28: {  	s2 =	sld [smem:$0x3FAA]  }
0x29: {  	s4 =	sld [smem:$0x3FAC]  }
0x2a: {  	p0 =	seq.s32 s5, $0x0;
	s5 =	sld [smem:$0x3FAD]  }
0x2b: {  	s6 =	sld [smem:$0x3FAE]  }
0x2c: {  	s7 =	sld [smem:$0x3FAF]  }
0x2d: {  	s3 =	simm.s32 $0x108;
	s8 =	sld [smem:$0x3FB0]  }
0x2e: {  	s3 =	simm.s32 @!p0 $0x1082;
	s9 =	sld [smem:$0x3FB1]  }
0x2f: {  	lr =	sadd.s32 s0, s3;
	s0 =	sld [smem:$0x3FA8]  }
0x30: {  	s3 =	sld [smem:$0x3FAB]  }
0x31: {  	[smem:$0x3FB4] =	sst s10  }
0x32: {  	s10 =	sld [smem:$0x3FB2];
	_ =	sdelay $0x3  }
0x33: {  	p0 =	seq.s32 s10, $0x1;
	s10 =	sld [smem:$0x3FB4];
	_ =	sdelay $0x3  }
0x34: {  	[smem:$0x3FB4] =	sst s10  }
0x35: {  	s10 =	sld [smem:$0x3FB3];
	_ =	sdelay $0x3  }
0x36: {  	p1 =	seq.s32 s10, $0x1;
	s10 =	sld [smem:$0x3FB4];
	_ =	sdelay $0x3  }
0x37: {  	[smem:$0x3FB4] =	sst s10  }
0x38: {  	s10 =	sld [smem:$0x3FB5]  }
0x39: {  	_ = 	snop;
	(pc) =	sbr.ind lr, $3  }
0x3a: {  	_ = 	snop  }
0x3b: {  	_ = 	snop  }
0x3c: {  	p2 =	seq.s32 s10, $0x1;
	s10 =	sld [smem:$0x3FB4]  }
0x3d: {  	_ =	shalt  }
0x3e: {  	_ =	shalt  }
0x3f: {  	_ =	shalt  }
0x40: {  	_ =	shalt  }
0x41: {  	_ =	shalt  }
0x42: {  	_ =	shalt  }
0x43: {  	_ =	shalt  }
0x44: {  	_ =	shalt  }
0x45: {  	_ =	shalt  }
0x46: {  	_ =	shalt  }
0x47: {  	_ =	shalt  }
0x48: {  	_ =	shalt  }
0x49: {  	_ =	shalt  }
0x4a: {  	_ =	shalt  }
0x4b: {  	_ =	shalt  }
0x4c: {  	_ =	shalt  }
0x4d: {  	_ =	shalt  }
0x4e: {  	_ =	shalt  }
0x4f: {  	_ =	shalt  }
0x50: {  	_ =	shalt  }
0x51: {  	_ =	shalt  }
0x52: {  	_ =	shalt  }
0x53: {  	_ =	shalt  }
0x54: {  	_ =	shalt  }
0x55: {  	_ =	shalt  }
0x56: {  	_ =	shalt  }
0x57: {  	_ =	shalt  }
0x58: {  	_ =	shalt  }
0x59: {  	_ =	shalt  }
0x5a: {  	_ =	shalt  }
0x5b: {  	_ =	shalt  }
0x5c: {  	_ =	shalt  }
0x5d: {  	_ =	shalt  }
0x5e: {  	_ =	shalt  }
0x5f: {  	_ =	shalt  }
0x60: {  	_ =	shalt  }
0x61: {  	_ =	shalt  }
0x62: {  	_ =	shalt  }
0x63: {  	_ =	shalt  }
0x64: {  	_ =	shalt  }
0x65: {  	_ =	shalt  }
0x66: {  	_ =	shalt  }
0x67: {  	_ =	shalt  }
0x68: {  	_ =	shalt  }
0x69: {  	_ =	shalt  }
0x6a: {  	_ =	shalt  }
0x6b: {  	_ =	shalt  }
0x6c: {  	_ =	shalt  }
0x6d: {  	_ =	shalt  }
0x6e: {  	_ =	shalt  }
0x6f: {  	_ =	shalt  }
0x70: {  	_ =	shalt  }
0x71: {  	_ =	shalt  }
0x72: {  	_ =	shalt  }
0x73: {  	_ =	shalt  }
0x74: {  	_ =	shalt  }
0x75: {  	_ =	shalt  }
0x76: {  	_ =	shalt  }
0x77: {  	_ =	shalt  }
0x78: {  	_ =	shalt  }
0x79: {  	_ =	shalt  }
0x7a: {  	_ =	shalt  }
0x7b: {  	_ =	shalt  }
0x7c: {  	_ =	shalt  }
0x7d: {  	_ =	shalt  }
0x7e: {  	_ =	shalt  }
0x7f: {  	_ =	shalt  }
0x80: {  	_ =	shalt  }
0x81: {  	_ =	shalt  }
0x82: {  	_ =	shalt  }
0x83: {  	_ =	shalt  }
0x84: {  	_ =	shalt  }
0x85: {  	_ =	shalt  }
0x86: {  	_ =	shalt  }
0x87: {  	_ =	shalt  }
.Lfunc_end0:
.L_simem_size_0:
called_computation_lowered:
.L_overlay_start_0:
0x88: {  	s2 =	sld [smem:$0x3FD9]  }
0x89: {  	s3 =	sld [smem:$0x3FFE];
	_ =	sdelay $0x1  }
0x8a: {  	s1 =	srdreg.scid  }
0x8b: {  	s0 =	sand.u32 $0x1, s1  }
0x8c: {  	s17 =	sshll.u32 s0, $0xA;
	s2 =	sadd.s32 s3, s2  }
0x8d: {  	s2 =	sadd.s32 s2, s17  }
0x8e: {  	[smem:$0x3FC0] =	sst s2  }
0x8f: {  	_ = 	snop  }
0x90: {  	s2 =	sld [smem:$0x3FD0];
	(tm) =	ssettm $0x1  }
0x91: {  	s18 =	sld [smem:$0x3FFB];
	_ =	sdelay $0x3  }
0x92: {  	_ =	strace s18  }
0x93: {  	s3 =	sld [smem:$0x3FFC];
	_ =	sdelay $0x3  }
0x94: {  	_ =	strace s3  }
0x95: {  	s3 =	sld [smem:$0x3FFD];
	_ =	sdelay $0x3  }
0x96: {  	_ =	strace s3  }
0x97: {  	_ =	strace $0x8FFFFFFF  }
0x98: {  	s19 =	sld [smem:$0x3FDB];
	_ =	sdelay $0x1  }
0x99: {  	s4 =	simm.s32 $_scs_section_size  }
0x9a: {  	s5 =	simm.s32 $_size__tile_overlayer_lowered;
	s6 =	simm.s32 $_tile_overlayer_lowered  }
0x9b: {  	s22 =	simm.s32 $0x1BFF;
	s21 =	sshll.u32 s6, $0x1;
	s3 =	sadd.s32 s4, s19  }
0x9c: {  	s7 =	simm.s32 $0x0;
	s20 =	sshll.u32 s5, $0x1;
	s5 =	sadd.s32 s21, s3  }
0x9d: {  	[timem:s7], [sflag:s22] =	dma.local [hbm:s5], s20  }
0x9e: {  	_ =	swait.ge [sflag:s22], s20  }
0x9f: {  	s4 =	ssub.s32 $0x0, s20;
	[sflag:s22] =	ssyncset.done $0x0  }
0xa0: {  	[sflag:s22] =	ssyncadd.s32 s4;
	_ =	sdelay $0x1  }
0xa1: {  	s23 =	simm.s32 $0x1B8B  }
0xa2: {  	_ =	swait.ge [sflag:s23], $0x1  }
0xa3: {  	[sflag:s23] =	ssyncset.done $0x0  }
0xa4: {  	s25 =	simm.s32 $0x1B8E;
	s24 =	sld [smem:$0x3FFE];
	[sflag:s23] =	ssyncadd.s32 $0xFFFFFFFF  }
0xa5: {  	s26 =	simm.s32 $execute0_lowered;
	[smem:$0x3FD2] =	sst s25  }
0xa6: {  	s5 =	sshll.u32 s26, $0x1;
	_ =	strace $0x80000046;
	[dreg:$0x1] =	wrdreg $0xFFFFFFFF  }
0xa7: {  	s28 =	simm.s32 $_size_execute0_lowered;
	s3 =	sadd.s32 s3, s5;
	[dreg:$0x0] =	wrdreg $0x0  }
0xa8: {  	s5 =	sshll.u32 s28, $0x1;
	[dreg:$0x2] =	wrdreg s3  }
0xa9: {  	[dreg:$0x3] =	wrdreg s5  }
0xaa: {  	[dreg:$0x4] =	wrdreg $0xC0  }
0xab: {  	_ =	task [dreg:s7], $0x5FFFF  }
0xac: {  	[dreg:$0x1] =	wrdreg $0xFFFFFFFF  }
0xad: {  	[dreg:$0x0] =	wrdreg $0x60  }
0xae: {  	[dreg:$0x2] =	wrdreg s2  }
0xaf: {  	[dreg:$0x3] =	wrdreg s24  }
0xb0: {  	[dreg:$0x4] =	wrdreg $0x3C800  }
0xb1: {  	[dreg:$0x5] =	wrdreg $0x9  }
0xb2: {  	_ =	task.clear_ibuf [dreg:s7], $0x6FFFF;
	_ =	strace $0x90000046  }
0xb3: {  	s29 =	simm.s32 $0x9;
	_ =	strace $0x80000048  }
0xb4: {  	_ =	swait.ge [sflag:s29], $0x1  }
0xb5: {  	[sflag:s29] =	ssyncadd.s32 $0xFFFFFFFF  }
0xb6: {  	_ =	strace $0x90000048  }
0xb7: {  	_ =	sfence  }
0xb8: {  	s30 =	sld [smem:$0x0];
	_ =	sdelay $0x2  }
0xb9: {  	s31 =	sshll.u32 s1, $0xD;
	s1 =	sshrl.u32 s1, $0x2  }
0xba: {  	s3 =	sand.u32 $0x4000, s31;
	s1 =	sadd.s32 s1, s30  }
0xbb: {  	s0 =	sor.u32 s3, s0;
	s1 =	sshll.u32 s1, $0x11  }
0xbc: {  	s0 =	sor.u32 s1, s0  }
0xbd: {  	s0 =	sadd.s32 $0x8F2B, s0  }
0xbe: {  	[sflag:s0] =	ssyncadd.remote.s32 $0x1  }
0xbf: {  	_ =	sfence.sel $0xFFFF  }
0xc0: {  	[dreg:$0x0] =	wrdreg $0xFFFFFFFF;
	(pc) =	sbr.abs _section_cstart, $3  }
0xc1: {  	[dreg:$0x1] =	wrdreg $0xFFFFFFFF  }
0xc2: {  	_ =	task.clear_ibuf [dreg:s7], $0x2FFFF;
	_ =	strace $0x9FFFFFFF  }
0xc3: {  	(tm) =	ssettm $0x7FFFFFFF  }
tec
execute0_lowered:
.L_overlay_start_1:
0x0: {  	(tag) =	ssettag $0x1  }
0x1: {  	s7 =	rddreg [dreg:$0x0]  }
0x2: {  	s6 =	rddreg [dreg:$0x1]  }
0x3: {  	s2 =	rddreg [dreg:$0x2]  }
0x4: {  	s0 =	rddreg [dreg:$0x3];
	s3 =	simm.s32 $0x0;
	s4 =	srdreg.scid  }
0x5: {  	s1 =	stileid.u32;
	s13 =	simm.s32 $0x50;
	s14 =	simm.s32 $0x2780  }
0x6: {  	s15 =	simm.s32 $0x0;
	s8 =	sand.u32 $0x1, s4;
	s9 =	smul.u32 $0x1388, s1  }
0x7: {  	[smem:$0x7FF] =	sst s3;
	s4 =	sadd.s32 $0x1A00, s6;
	s10 =	smul.u32 $0x13880, s8  }
0x8: {  	s5 =	sadd.s32 $0x1E00, s6;
	_ =	strace $0x80000047;
	s11 =	sshll.u32 s8, $0x4  }
0x9: {  	s8 =	ssub.s32 $0x2, s8;
	s11 =	sor.u32 s1, s11;
	s10 =	sadd.s32 s9, s10  }
0xa: {  	s12 =	sshrl.u32 s8, $0x1;
	s11 =	smul.u32 $0x4E2, s11;
	s10 =	sshrl.u32 s10, $0x3  }
0xb: {  	s12 =	ssub.s32 s8, s12;
	s10 =	sadd.s32 s10, s6;
	s6 =	sadd.s32 s9, s2  }
0xc: {  	s7 =	sadd.s32 s7, s11;
	s9 =	smax.u32 s12, $0x1;
	s11 =	simm.s32 $0x1  }
0xd: {  	s12 =	simm.s32 $0x2800;
	s8 =	sadd.s32 $0x2000, s10;
	s10 =	simm.s32 $0x2880  }
.LBB2_1:
0xe: {  	[tilespmem:s10], [sflag:$0x1] =	stream.linear.gather [hbm4b:s4+s3], $0x1400, $0x38;
	[tilespmem:$0x5008] =	vst v63  }
0xf: {  	_ =	swait.ge [sflag:s11], $0x1400  }
0x10: {  	[sflag:s11] =	ssyncset.done $0x0  }
0x11: {  	[sflag:s11] =	ssyncadd.s32 $0xFFFFEC00  }
0x12: {  	[spmem:s6] =	stream.linear.scatter [tilespmem:s10], [sflag:$0x1], $0x1388, $0x38;
	[tilespmem:$0x5008] =	vst v63  }
0x13: {  	_ =	swait.ge [sflag:s11], $0x1388  }
0x14: {  	[sflag:s11] =	ssyncset.done $0x0  }
0x15: {  	[sflag:s11] =	ssyncadd.s32 $0xFFFFEC78  }
0x16: {  	[tilespmem:s3], [sflag:$0x1] =	stream.linear.gather [hbm4b:s7+s3], $0x2710, $0x38;
	[tilespmem:$0x5008] =	vst v63  }
0x17: {  	_ =	swait.ge [sflag:s11], $0x2710  }
0x18: {  	[sflag:s11] =	ssyncset.done $0x0  }
0x19: {  	[sflag:s11] =	ssyncadd.s32 $0xFFFFD8F0  }
0x1a: {  	[tilespmem:s12], [sflag:$0x1] =	stream.linear.gather [hbm4b:s5+s3], $0x80, $0x38;
	[tilespmem:$0x5008] =	vst v63  }
0x1b: {  	_ =	swait.ge [sflag:s11], $0x80  }
0x1c: {  	[sflag:s11] =	ssyncset.done $0x0  }
0x1d: {  	[sflag:s11] =	ssyncadd.s32 $0xFFFFFF80  }
0x1e: {  	s16 =	simm.s32 $0x0;
	[bflag:$0x0] =	sbarrier.arrive $0xFFFF  }
0x1f: {  	v0 =	vld [tilespmem:s16+$0x0];
	_ =	sdelay $0x4  }
0x20: {  	v1 =	vshrl.u32 v0, $0x1C  }
0x21: {  	v0 =	vshrl.u32 v0, $0xE;
	v1 =	vmul.u32 $0x2710, v1  }
0x22: {  	v0 =	vand.u32 $0x3FFF, v0  }
0x23: {  	v0 =	vadd.s32 v0, v1  }
0x24: {  	[tilespmem:$0x2780] =	vst v0  }
0x25: {  	v0 =	vld [tilespmem:s16+$0x10];
	_ =	sdelay $0x4  }
0x26: {  	v60 =	vshrl.u32 v0, $0x1C  }
0x27: {  	v0 =	vshrl.u32 v0, $0xE;
	v1 =	vmul.u32 $0x2710, v60  }
0x28: {  	v0 =	vand.u32 $0x3FFF, v0  }
0x29: {  	v0 =	vadd.s32 v0, v1  }
0x2a: {  	[tilespmem:$0x2790] =	vst v0  }
0x2b: {  	v0 =	vld [tilespmem:s16+$0x20];
	_ =	sdelay $0x4  }
0x2c: {  	v61 =	vshrl.u32 v0, $0x1C  }
0x2d: {  	v0 =	vshrl.u32 v0, $0xE;
	v1 =	vmul.u32 $0x2710, v61  }
0x2e: {  	v0 =	vand.u32 $0x3FFF, v0  }
0x2f: {  	v0 =	vadd.s32 v0, v1  }
0x30: {  	[tilespmem:$0x27A0] =	vst v0  }
0x31: {  	v0 =	vld [tilespmem:s16+$0x30];
	_ =	sdelay $0x4  }
0x32: {  	v62 =	vshrl.u32 v0, $0x1C  }
0x33: {  	v0 =	vshrl.u32 v0, $0xE;
	v1 =	vmul.u32 $0x2710, v62  }
0x34: {  	v0 =	vand.u32 $0x3FFF, v0  }
0x35: {  	v0 =	vadd.s32 v0, v1  }
0x36: {  	[tilespmem:$0x27B0] =	vst v0  }
0x37: {  	v0 =	vld [tilespmem:s16+$0x40];
	_ =	sdelay $0x4  }
0x38: {  	v63 =	vshrl.u32 v0, $0x1C  }
0x39: {  	v0 =	vshrl.u32 v0, $0xE;
	v1 =	vmul.u32 $0x2710, v63  }
0x3a: {  	v0 =	vand.u32 $0x3FFF, v0  }
0x3b: {  	v0 =	vadd.s32 v0, v1  }
0x3c: {  	[tilespmem:$0x27C0] =	vst v0  }
0x3d: {  	[spmem:s2] =	stream.indirect.scatter.add.f32 [tilespmem:s12], [sflag:$0x1], $0x1, s14, s13, $0xb8;
	[tilespmem:$0x5008] =	vst v63  }
0x3e: {  	_ =	swait.ge [sflag:s11], $0x50  }
0x3f: {  	s19 =	simm.s32 $0x280;
	s16 =	simm.s32 $0x140;
	[sflag:s11] =	ssyncset.done $0x0  }
.LBB2_2:
0x40: {  	s18 =	sshra.s32 s16, $0x2  }
0x41: {  	[sflag:s11] =	ssyncadd.s32 $0xFFFFFFB0;
	s16 =	smov.u32 s19;
	s17 =	sadd.s32 $0x140, s19  }
0x42: {  	p0 =	sne.s32 s19, $0x9B00;
	v0 =	vld [tilespmem:s18+$0x0];
	_ =	sdelay $0x4  }
0x43: {  	v1 =	vshrl.u32 v0, $0xE;
	v0 =	vshrl.u32 v0, $0x1C  }
0x44: {  	v0 =	vmul.u32 $0x2710, v0  }
0x45: {  	v1 =	vand.u32 $0x3FFF, v1  }
0x46: {  	v0 =	vadd.s32 v1, v0  }
0x47: {  	[tilespmem:$0x2780] =	vst v0  }
0x48: {  	v0 =	vld [tilespmem:s18+$0x10];
	_ =	sdelay $0x4  }
0x49: {  	v1 =	vshrl.u32 v0, $0xE;
	v0 =	vshrl.u32 v0, $0x1C  }
0x4a: {  	v0 =	vmul.u32 $0x2710, v0  }
0x4b: {  	v1 =	vand.u32 $0x3FFF, v1  }
0x4c: {  	v0 =	vadd.s32 v1, v0  }
0x4d: {  	[tilespmem:$0x2790] =	vst v0  }
0x4e: {  	v0 =	vld [tilespmem:s18+$0x20];
	_ =	sdelay $0x4  }
0x4f: {  	v1 =	vshrl.u32 v0, $0xE;
	v0 =	vshrl.u32 v0, $0x1C  }
0x50: {  	v0 =	vmul.u32 $0x2710, v0  }
0x51: {  	v1 =	vand.u32 $0x3FFF, v1  }
0x52: {  	v0 =	vadd.s32 v1, v0  }
0x53: {  	[tilespmem:$0x27A0] =	vst v0  }
0x54: {  	v0 =	vld [tilespmem:s18+$0x30];
	_ =	sdelay $0x4  }
0x55: {  	v1 =	vshrl.u32 v0, $0xE;
	v0 =	vshrl.u32 v0, $0x1C  }
0x56: {  	v0 =	vmul.u32 $0x2710, v0  }
0x57: {  	v1 =	vand.u32 $0x3FFF, v1  }
0x58: {  	v0 =	vadd.s32 v1, v0  }
0x59: {  	[tilespmem:$0x27B0] =	vst v0  }
0x5a: {  	v0 =	vld [tilespmem:s18+$0x40];
	_ =	sdelay $0x4  }
0x5b: {  	v1 =	vshrl.u32 v0, $0xE;
	v0 =	vshrl.u32 v0, $0x1C  }
0x5c: {  	v0 =	vmul.u32 $0x2710, v0  }
0x5d: {  	v1 =	vand.u32 $0x3FFF, v1  }
.Ltmp0:
0x5e: {  	v0 =	vadd.s32 v1, v0;
	(pc) =	sbr.rel @p0 .LBB2_2-.Ltmp0, $4  }
0x5f: {  	[tilespmem:$0x27C0] =	vst v0  }
0x60: {  	[spmem:s2] =	stream.indirect.scatter.add.f32 [tilespmem:s12], [sflag:$0x1], $0x1, s14, s13, $0xb8;
	[tilespmem:$0x5008] =	vst v63  }
0x61: {  	_ =	swait.ge [sflag:s11], $0x50  }
0x62: {  	s19 =	smov.u32 s17;
	[sflag:s11] =	ssyncset.done $0x0  }
0x63: {  	s16 =	sshra.s32 s16, $0x2;
	[sflag:s11] =	ssyncadd.s32 $0xFFFFFFB0  }
0x64: {  	v0 =	vld [tilespmem:s16+$0x0];
	_ =	sdelay $0x4  }
0x65: {  	v1 =	vshrl.u32 v0, $0x1C  }
0x66: {  	v0 =	vshrl.u32 v0, $0xE;
	v1 =	vmul.u32 $0x2710, v1  }
0x67: {  	v0 =	vand.u32 $0x3FFF, v0  }
0x68: {  	v0 =	vadd.s32 v0, v1  }
0x69: {  	[tilespmem:$0x2780] =	vst v0  }
0x6a: {  	v0 =	vld [tilespmem:s16+$0x10];
	_ =	sdelay $0x4  }
0x6b: {  	v60 =	vshrl.u32 v0, $0x1C  }
0x6c: {  	v0 =	vshrl.u32 v0, $0xE;
	v1 =	vmul.u32 $0x2710, v60  }
0x6d: {  	v0 =	vand.u32 $0x3FFF, v0  }
0x6e: {  	v0 =	vadd.s32 v0, v1  }
0x6f: {  	[tilespmem:$0x2790] =	vst v0  }
0x70: {  	v0 =	vld [tilespmem:s16+$0x20];
	_ =	sdelay $0x4  }
0x71: {  	v61 =	vshrl.u32 v0, $0x1C  }
0x72: {  	v0 =	vshrl.u32 v0, $0xE;
	v1 =	vmul.u32 $0x2710, v61  }
0x73: {  	v0 =	vand.u32 $0x3FFF, v0  }
0x74: {  	v0 =	vadd.s32 v0, v1  }
0x75: {  	[tilespmem:$0x27A0] =	vst v0  }
0x76: {  	v0 =	vld [tilespmem:s16+$0x30];
	_ =	sdelay $0x4  }
0x77: {  	v62 =	vshrl.u32 v0, $0x1C  }
0x78: {  	v0 =	vshrl.u32 v0, $0xE;
	v1 =	vmul.u32 $0x2710, v62  }
0x79: {  	v0 =	vand.u32 $0x3FFF, v0  }
0x7a: {  	v0 =	vadd.s32 v0, v1  }
0x7b: {  	[tilespmem:$0x27B0] =	vst v0  }
0x7c: {  	v0 =	vld [tilespmem:s16+$0x40];
	_ =	sdelay $0x4  }
0x7d: {  	v63 =	vshrl.u32 v0, $0x1C  }
0x7e: {  	v0 =	vshrl.u32 v0, $0xE;
	v1 =	vmul.u32 $0x2710, v63  }
0x7f: {  	v0 =	vand.u32 $0x3FFF, v0  }
0x80: {  	v0 =	vadd.s32 v0, v1  }
0x81: {  	[tilespmem:$0x27C0] =	vst v0  }
0x82: {  	[spmem:s2] =	stream.indirect.scatter.add.f32 [tilespmem:s12], [sflag:$0x1], $0x1, s14, s13, $0xb8;
	[tilespmem:$0x5008] =	vst v63  }
0x83: {  	_ =	swait.ge [sflag:s11], $0x50  }
0x84: {  	[sflag:s11] =	ssyncset.done $0x0  }
0x85: {  	[sflag:s11] =	ssyncadd.s32 $0xFFFFFFB0  }
0x86: {  	[bflag:$0x0] =	sbarrier.arrive $0xFFFF  }
0x87: {  	[bflag:$0x0] =	sbarrier.arrive $0xFFFF  }
0x88: {  	[tilespmem:s10], [sflag:$0x1] =	stream.linear.gather [spmem:s6], $0x1388, $0x38;
	[tilespmem:$0x5008] =	vst v63  }
0x89: {  	s15 =	sadd.s32 $0x1, s15;
	_ =	swait.ge [sflag:s11], $0x1388  }
0x8a: {  	p0 =	sne.s32 s15, s9;
	[sflag:s11] =	ssyncset.done $0x0  }
.Ltmp1:
0x8b: {  	[sflag:s11] =	ssyncadd.s32 $0xFFFFEC78;
	(pc) =	sbr.rel @p0 .LBB2_1-.Ltmp1, $4  }
0x8c: {  	[hbm4b:s8+s3] =	stream.linear.scatter [tilespmem:s10], [sflag:$0x1], $0x1388, $0x38;
	[tilespmem:$0x5008] =	vst v63  }
0x8d: {  	_ =	swait.ge [sflag:s11], $0x1388  }
0x8e: {  	[sflag:s11] =	ssyncset.done $0x0  }
0x8f: {  	[sflag:s11] =	ssyncadd.s32 $0xFFFFEC78  }
0x90: {  	_ =	sfence.sel $0x180000  }
0x91: {  	[bflag:$0x0] =	sbarrier.arrive $0xFFFF  }
0x92: {  	p0 =	sne.s32 s1, $0x0;
	_ =	strace $0x90000047  }
0x93: {  	s0 =	sadd.s32 @!p0 $0x100000, s0;
	[bflag:$0x2] =	sbarrier.arrive $0xFFFF  }
0x94: {  	[sflag:s0] =	ssyncadd.tile.s32 @!p0 $0x1;
	_ =	shalt  }
.Lfunc_end2:
_tile_overlayer_lowered:
.L_overlay_start_2:
0x95: {  	(tag) =	ssettag $0x2  }
0x96: {  	s0 =	rddreg [dreg:$0x0];
	s2 =	stileid.u32  }
0x97: {  	s1 =	rddreg [dreg:$0x1];
	p0 =	sne.s32 s2, $0x0  }
0x98: {  	s3 =	rddreg [dreg:$0x2];
	[bflag:$0x3] =	sbarrier.arrive $0xFFFF;
	s2 =	simm.s32 @!p0 $0x1C01  }
0x99: {  	[timem:s3], [sflag:s2] =	dma.local @!p0 [hbm:s0], s1  }
0x9a: {  	s0 =	simm.s32 @!p0 $0x1  }
0x9b: {  	_ =	swait.ge @!p0 [sflag:s0], s1  }
0x9c: {  	s1 =	ssub.s32 @!p0 $0x0, s1;
	[sflag:s0] =	ssyncset.done @!p0 $0x0  }
0x9d: {  	[sflag:s0] =	ssyncadd.s32 @!p0 s1  }
0x9e: {  	[bflag:$0x3] =	sbarrier.arrive $0xFFFF  }
0x9f: {  	_ =	shalt  }

// kernel: kernel.9.cloned.1.call-start
scs
__scs_entry_jumppad:
0x0: {  	(pc) =	sbr.rel $0x88, $3  }
0x1: {  	(tag) =	ssettag $0x0;
	lr =	simm.s32 $0x1  }
0x2: {  	[smem:$0x3F99] =	sst lr;
	_ =	strace $0xD0000000  }
0x3: {  	_ = 	snop  }
0x4: {  	_ = 	snop  }
0x5: {  	_ = 	snop  }
0x6: {  	_ = 	snop  }
0x7: {  	_ = 	snop  }
__scs_overlays_trampoline_lowered:
0x8: {  	[smem:$0x3FA8] =	sst s0  }
0x9: {  	[smem:$0x3FA9] =	sst s1  }
0xa: {  	[smem:$0x3FAA] =	sst s2  }
0xb: {  	[smem:$0x3FAB] =	sst s3  }
0xc: {  	[smem:$0x3FAC] =	sst s4  }
0xd: {  	[smem:$0x3FAD] =	sst s5  }
0xe: {  	[smem:$0x3FAE] =	sst s6  }
0xf: {  	[smem:$0x3FAF] =	sst s7  }
0x10: {  	[smem:$0x3FB0] =	sst s8  }
0x11: {  	[smem:$0x3FB1] =	sst s9;
	s0 =	simm.s32 @!p0 $0x0  }
0x12: {  	s1 =	sld [smem:$0x3F97];
	s0 =	simm.s32 @p0 $0x1  }
0x13: {  	[smem:$0x3FB2] =	sst s0;
	s0 =	simm.s32 @!p1 $0x0  }
0x14: {  	s2 =	sld [smem:$0x3F96];
	s0 =	simm.s32 @p1 $0x1  }
0x15: {  	[smem:$0x3FB3] =	sst s0;
	s0 =	simm.s32 @!p2 $0x0  }
0x16: {  	s3 =	sld [smem:$0x3FDB];
	s0 =	simm.s32 @p2 $0x1  }
0x17: {  	s4 =	simm.s32 $0x1BF5;
	[smem:$0x3FB5] =	sst s0  }
0x18: {  	s0 =	sld [smem:$0x3F98];
	_ =	swait.ge [sflag:s4], $0x0  }
0x19: {  	s7 =	sld [smem:$0x3F99]  }
0x1a: {  	s8 =	sadd.s32 $0xFFFFE003, lr  }
0x1b: {  	s9 =	sadd.s32 $0xFFFFFEF7, lr;
	s5 =	simm.s32 $0xFFFFFFFF;
	p2 =	slt.u32 s8, $0xFFFFF086  }
0x1c: {  	p1 =	slt.u32 s9, $0xF7A;
	s5 =	simm.s32 @!p2 $0x0  }
0x1d: {  	s5 =	simm.s32 @p1 $0x1;
	p0 =	seq.s32 s7, s2  }
0x1e: {  	s7 =	smul.u32 @!p0 $0xF7A, s2;
	p2 =	seq.s32 @!p0 s5, $0x0  }
0x1f: {  	s9 =	smul.u32 $0xF7A, s1;
	s8 =	simm.s32 @!p0 $0x1BF5;
	p2 =	por !p2, p0  }
0x20: {  	[sflag:s8] =	ssyncset.s32 @!p0 $0xFFFFF086;
	s6 =	sadd.s32 @!p0 s3, s7;
	s7 =	simm.s32 @!p0 $0x108  }
0x21: {  	s3 =	sadd.s32 s3, s9;
	s6 =	sadd.s32 @!p0 $0x88, s6;
	s7 =	simm.s32 @p2 $0x1082  }
0x22: {  	[simem:s7], [sflag:s8] =	dma.local @!p0 [hbm:s6], $0xF7A  }
0x23: {  	s9 =	sor.u32 $0xD0000000, s2;
	s6 =	simm.s32 $0x108;
	_ =	swait.ge @!p0 [sflag:s8], $0x0  }
0x24: {  	s3 =	sadd.s32 $0x88, s3;
	s6 =	simm.s32 @!p1 $0x1082;
	[sflag:s4] =	ssyncset.s32 $0xFFFFF086  }
0x25: {  	[simem:s6], [sflag:s4] =	dma.local [hbm:s3], $0xF7A  }
0x26: {  	[smem:$0x3F99] =	sst s1;
	(tag) =	ssettag s2;
	_ =	strace s9  }
0x27: {  	s1 =	sld [smem:$0x3FA9]  }
0x28: {  	s2 =	sld [smem:$0x3FAA]  }
0x29: {  	s4 =	sld [smem:$0x3FAC]  }
0x2a: {  	p0 =	seq.s32 s5, $0x0;
	s5 =	sld [smem:$0x3FAD]  }
0x2b: {  	s6 =	sld [smem:$0x3FAE]  }
0x2c: {  	s7 =	sld [smem:$0x3FAF]  }
0x2d: {  	s3 =	simm.s32 $0x108;
	s8 =	sld [smem:$0x3FB0]  }
0x2e: {  	s3 =	simm.s32 @!p0 $0x1082;
	s9 =	sld [smem:$0x3FB1]  }
0x2f: {  	lr =	sadd.s32 s0, s3;
	s0 =	sld [smem:$0x3FA8]  }
0x30: {  	s3 =	sld [smem:$0x3FAB]  }
0x31: {  	[smem:$0x3FB4] =	sst s10  }
0x32: {  	s10 =	sld [smem:$0x3FB2];
	_ =	sdelay $0x3  }
0x33: {  	p0 =	seq.s32 s10, $0x1;
	s10 =	sld [smem:$0x3FB4];
	_ =	sdelay $0x3  }
0x34: {  	[smem:$0x3FB4] =	sst s10  }
0x35: {  	s10 =	sld [smem:$0x3FB3];
	_ =	sdelay $0x3  }
0x36: {  	p1 =	seq.s32 s10, $0x1;
	s10 =	sld [smem:$0x3FB4];
	_ =	sdelay $0x3  }
0x37: {  	[smem:$0x3FB4] =	sst s10  }
0x38: {  	s10 =	sld [smem:$0x3FB5]  }
0x39: {  	_ = 	snop;
	(pc) =	sbr.ind lr, $3  }
0x3a: {  	_ = 	snop  }
0x3b: {  	_ = 	snop  }
0x3c: {  	p2 =	seq.s32 s10, $0x1;
	s10 =	sld [smem:$0x3FB4]  }
0x3d: {  	_ =	shalt  }
0x3e: {  	_ =	shalt  }
0x3f: {  	_ =	shalt  }
0x40: {  	_ =	shalt  }
0x41: {  	_ =	shalt  }
0x42: {  	_ =	shalt  }
0x43: {  	_ =	shalt  }
0x44: {  	_ =	shalt  }
0x45: {  	_ =	shalt  }
0x46: {  	_ =	shalt  }
0x47: {  	_ =	shalt  }
0x48: {  	_ =	shalt  }
0x49: {  	_ =	shalt  }
0x4a: {  	_ =	shalt  }
0x4b: {  	_ =	shalt  }
0x4c: {  	_ =	shalt  }
0x4d: {  	_ =	shalt  }
0x4e: {  	_ =	shalt  }
0x4f: {  	_ =	shalt  }
0x50: {  	_ =	shalt  }
0x51: {  	_ =	shalt  }
0x52: {  	_ =	shalt  }
0x53: {  	_ =	shalt  }
0x54: {  	_ =	shalt  }
0x55: {  	_ =	shalt  }
0x56: {  	_ =	shalt  }
0x57: {  	_ =	shalt  }
0x58: {  	_ =	shalt  }
0x59: {  	_ =	shalt  }
0x5a: {  	_ =	shalt  }
0x5b: {  	_ =	shalt  }
0x5c: {  	_ =	shalt  }
0x5d: {  	_ =	shalt  }
0x5e: {  	_ =	shalt  }
0x5f: {  	_ =	shalt  }
0x60: {  	_ =	shalt  }
0x61: {  	_ =	shalt  }
0x62: {  	_ =	shalt  }
0x63: {  	_ =	shalt  }
0x64: {  	_ =	shalt  }
0x65: {  	_ =	shalt  }
0x66: {  	_ =	shalt  }
0x67: {  	_ =	shalt  }
0x68: {  	_ =	shalt  }
0x69: {  	_ =	shalt  }
0x6a: {  	_ =	shalt  }
0x6b: {  	_ =	shalt  }
0x6c: {  	_ =	shalt  }
0x6d: {  	_ =	shalt  }
0x6e: {  	_ =	shalt  }
0x6f: {  	_ =	shalt  }
0x70: {  	_ =	shalt  }
0x71: {  	_ =	shalt  }
0x72: {  	_ =	shalt  }
0x73: {  	_ =	shalt  }
0x74: {  	_ =	shalt  }
0x75: {  	_ =	shalt  }
0x76: {  	_ =	shalt  }
0x77: {  	_ =	shalt  }
0x78: {  	_ =	shalt  }
0x79: {  	_ =	shalt  }
0x7a: {  	_ =	shalt  }
0x7b: {  	_ =	shalt  }
0x7c: {  	_ =	shalt  }
0x7d: {  	_ =	shalt  }
0x7e: {  	_ =	shalt  }
0x7f: {  	_ =	shalt  }
0x80: {  	_ =	shalt  }
0x81: {  	_ =	shalt  }
0x82: {  	_ =	shalt  }
0x83: {  	_ =	shalt  }
0x84: {  	_ =	shalt  }
0x85: {  	_ =	shalt  }
0x86: {  	_ =	shalt  }
0x87: {  	_ =	shalt  }
.Lfunc_end0:
.L_simem_size_0:
called_computation.1_lowered:
.L_overlay_start_0:
0x88: {  	s2 =	sld [smem:$0x3FD9]  }
0x89: {  	s3 =	sld [smem:$0x3FFE];
	_ =	sdelay $0x1  }
0x8a: {  	s1 =	srdreg.scid  }
0x8b: {  	s0 =	sand.u32 $0x1, s1  }
0x8c: {  	s17 =	sshll.u32 s0, $0xA;
	s2 =	sadd.s32 s3, s2  }
0x8d: {  	s2 =	sadd.s32 s2, s17  }
0x8e: {  	[smem:$0x3FC0] =	sst s2  }
0x8f: {  	_ = 	snop  }
0x90: {  	s2 =	sld [smem:$0x3FD0];
	(tm) =	ssettm $0x1  }
0x91: {  	s18 =	sld [smem:$0x3FFB];
	_ =	sdelay $0x3  }
0x92: {  	_ =	strace s18  }
0x93: {  	s3 =	sld [smem:$0x3FFC];
	_ =	sdelay $0x3  }
0x94: {  	_ =	strace s3  }
0x95: {  	s3 =	sld [smem:$0x3FFD];
	_ =	sdelay $0x3  }
0x96: {  	_ =	strace s3  }
0x97: {  	_ =	strace $0x8FFFFFFF  }
0x98: {  	s19 =	sld [smem:$0x3FDB];
	_ =	sdelay $0x1  }
0x99: {  	s4 =	simm.s32 $_scs_section_size  }
0x9a: {  	s5 =	simm.s32 $_size__tile_overlayer_lowered;
	s6 =	simm.s32 $_tile_overlayer_lowered  }
0x9b: {  	s22 =	simm.s32 $0x1BFF;
	s21 =	sshll.u32 s6, $0x1;
	s3 =	sadd.s32 s4, s19  }
0x9c: {  	s7 =	simm.s32 $0x0;
	s20 =	sshll.u32 s5, $0x1;
	s5 =	sadd.s32 s21, s3  }
0x9d: {  	[timem:s7], [sflag:s22] =	dma.local [hbm:s5], s20  }
0x9e: {  	_ =	swait.ge [sflag:s22], s20  }
0x9f: {  	s4 =	ssub.s32 $0x0, s20;
	[sflag:s22] =	ssyncset.done $0x0  }
0xa0: {  	[sflag:s22] =	ssyncadd.s32 s4;
	_ =	sdelay $0x1  }
0xa1: {  	s23 =	simm.s32 $0x1B8B  }
0xa2: {  	_ =	swait.ge [sflag:s23], $0x1  }
0xa3: {  	[sflag:s23] =	ssyncset.done $0x0  }
0xa4: {  	s25 =	simm.s32 $0x1B8E;
	s24 =	sld [smem:$0x3FFE];
	[sflag:s23] =	ssyncadd.s32 $0xFFFFFFFF  }
0xa5: {  	s26 =	simm.s32 $execute0_lowered;
	[smem:$0x3FD2] =	sst s25  }
0xa6: {  	s5 =	sshll.u32 s26, $0x1;
	_ =	strace $0x80000049;
	[dreg:$0x1] =	wrdreg $0xFFFFFFFF  }
0xa7: {  	s28 =	simm.s32 $_size_execute0_lowered;
	s3 =	sadd.s32 s3, s5;
	[dreg:$0x0] =	wrdreg $0x0  }
0xa8: {  	s5 =	sshll.u32 s28, $0x1;
	[dreg:$0x2] =	wrdreg s3  }
0xa9: {  	[dreg:$0x3] =	wrdreg s5  }
0xaa: {  	[dreg:$0x4] =	wrdreg $0xC0  }
0xab: {  	_ =	task [dreg:s7], $0x5FFFF  }
0xac: {  	[dreg:$0x1] =	wrdreg $0xFFFFFFFF  }
0xad: {  	[dreg:$0x0] =	wrdreg $0x60  }
0xae: {  	[dreg:$0x2] =	wrdreg s24  }
0xaf: {  	[dreg:$0x3] =	wrdreg s2  }
0xb0: {  	[dreg:$0x4] =	wrdreg $0xAA000  }
0xb1: {  	[dreg:$0x5] =	wrdreg $0x9  }
0xb2: {  	_ =	task.clear_ibuf [dreg:s7], $0x6FFFF;
	_ =	strace $0x90000049  }
0xb3: {  	s29 =	simm.s32 $0x9;
	_ =	strace $0x8000004B  }
0xb4: {  	_ =	swait.ge [sflag:s29], $0x1  }
0xb5: {  	[sflag:s29] =	ssyncadd.s32 $0xFFFFFFFF  }
0xb6: {  	_ =	strace $0x9000004B  }
0xb7: {  	_ =	sfence  }
0xb8: {  	s30 =	sld [smem:$0x0];
	_ =	sdelay $0x2  }
0xb9: {  	s31 =	sshll.u32 s1, $0xD;
	s1 =	sshrl.u32 s1, $0x2  }
0xba: {  	s3 =	sand.u32 $0x4000, s31;
	s1 =	sadd.s32 s1, s30  }
0xbb: {  	s0 =	sor.u32 s3, s0;
	s1 =	sshll.u32 s1, $0x11  }
0xbc: {  	s0 =	sor.u32 s1, s0  }
0xbd: {  	s0 =	sadd.s32 $0x8F2B, s0  }
0xbe: {  	[sflag:s0] =	ssyncadd.remote.s32 $0x1  }
0xbf: {  	_ =	sfence.sel $0xFFFF  }
0xc0: {  	[dreg:$0x0] =	wrdreg $0xFFFFFFFF;
	(pc) =	sbr.abs _section_cstart, $3  }
0xc1: {  	[dreg:$0x1] =	wrdreg $0xFFFFFFFF  }
0xc2: {  	_ =	task.clear_ibuf [dreg:s7], $0x2FFFF;
	_ =	strace $0x9FFFFFFF  }
0xc3: {  	(tm) =	ssettm $0x7FFFFFFF  }
tec
execute0_lowered:
.L_overlay_start_1:
0x0: {  	(tag) =	ssettag $0x1  }
0x1: {  	s0 =	rddreg [dreg:$0x0]  }
0x2: {  	s2 =	rddreg [dreg:$0x1]  }
0x3: {  	s1 =	rddreg [dreg:$0x2];
	s19 =	simm.s32 $0x0;
	s12 =	stileid.u32  }
0x4: {  	s14 =	srdreg.scid;
	s29 =	simm.s32 $0xA;
	s30 =	simm.s32 $0x6  }
0x5: {  	[smem:$0x7FF] =	sst s19;
	s4 =	sadd.s32 $0x7000, s0;
	s3 =	sadd.s32 $0x13F800, s0  }
0x6: {  	s5 =	sadd.s32 $0x2000, s0;
	s6 =	smul.u32 $0x278, s12;
	s0 =	sadd.s32 $0x13FE00, s0  }
0x7: {  	s7 =	smul.u32 $0x4F000, s12;
	s17 =	sadd.s32 $0x137400, s1;
	p0 =	seq.s32 s12, $0xF  }
0x8: {  	_ =	strace $0x8000004A;
	[dreg:$0x4] =	wrdreg s3;
	s3 =	sand.u32 $0x1, s14  }
0x9: {  	[dreg:$0x7] =	wrdreg s17;
	s17 =	sadd.s32 $0x12AC00, s1;
	s7 =	sshrl.u32 s7, $0x2  }
0xa: {  	s8 =	ssub.s32 $0x2, s3;
	[dreg:$0x18] =	wrdreg s17;
	s13 =	sadd.s32 s7, s1  }
0xb: {  	s9 =	sshll.u32 s3, $0x4;
	s16 =	sadd.s32 $0x11800, s13;
	[dreg:$0x5] =	wrdreg s13  }
0xc: {  	s10 =	smul.u32 $0x2710, s3;
	s22 =	sadd.s32 $0x2800, s13;
	[dreg:$0x6] =	wrdreg s16  }
0xd: {  	s15 =	smul.u32 $0x138800, s3;
	s23 =	sadd.s32 $0x5000, s13;
	[dreg:$0xb] =	wrdreg s22  }
0xe: {  	s9 =	sor.u32 s12, s9;
	s24 =	sadd.s32 $0x7800, s13;
	[dreg:$0xc] =	wrdreg s23  }
0xf: {  	s20 =	smul.u32 $0x4E2, s9;
	s9 =	sadd.s32 $0xA000, s13;
	[dreg:$0xd] =	wrdreg s24  }
0x10: {  	s3 =	smul.u32 $0x27100, s3;
	s12 =	sadd.s32 $0xC800, s13;
	[dreg:$0x14] =	wrdreg s9  }
0x11: {  	s6 =	sadd.s32 s10, s6;
	s14 =	sadd.s32 $0xF000, s13;
	[dreg:$0x15] =	wrdreg s12  }
0x12: {  	s18 =	sshrl.u32 s15, $0x3;
	[dreg:$0x16] =	wrdreg s14;
	s16 =	sadd.s32 $0x128400, s1  }
0x13: {  	s6 =	sshll.u32 s6, $0x4;
	s22 =	sadd.s32 $0x134C00, s1;
	[dreg:$0x17] =	wrdreg s16  }
0x14: {  	s10 =	sadd.s32 s0, s6;
	s2 =	sadd.s32 s2, s20;
	[dreg:$0x1e] =	wrdreg s22  }
0x15: {  	s6 =	sadd.s32 s0, s18;
	s18 =	sadd.s32 $0x12D400, s1;
	[dreg:$0x19] =	wrdreg s2  }
0x16: {  	s17 =	simm.s32 $0xB;
	s20 =	sadd.s32 $0x12FC00, s1;
	[dreg:$0x1a] =	wrdreg s18  }
0x17: {  	s11 =	sshrl.u32 s8, $0x1;
	s7 =	simm.s32 $0x8;
	[dreg:$0x1b] =	wrdreg s20  }
0x18: {  	s15 =	ssub.s32 s8, s11;
	s21 =	sadd.s32 $0x2300, s10;
	[dreg:$0x8] =	wrdreg s10  }
0x19: {  	s0 =	sadd.s32 s0, s3;
	s6 =	sadd.s32 $0x26E80, s6;
	[dreg:$0x9] =	wrdreg s21  }
0x1a: {  	s11 =	simm.s32 $0x50;
	s25 =	sadd.s32 $0x25080, s0;
	[dreg:$0xa] =	wrdreg s6  }
0x1b: {  	s13 =	simm.s32 $0x4;
	s26 =	sadd.s32 $0x25580, s0;
	[dreg:$0xe] =	wrdreg s25  }
0x1c: {  	s14 =	simm.s32 $0x7;
	s28 =	sadd.s32 $0x25A80, s0;
	[dreg:$0xf] =	wrdreg s26  }
0x1d: {  	s12 =	simm.s32 $0x3;
	s31 =	sadd.s32 $0x25F80, s0;
	[dreg:$0x10] =	wrdreg s28  }
0x1e: {  	s9 =	simm.s32 $0x0;
	s23 =	sadd.s32 $0x500, s10;
	[dreg:$0x11] =	wrdreg s31  }
0x1f: {  	s22 =	simm.s32 $0x3080;
	s24 =	sadd.s32 $0xA00, s10;
	[dreg:$0x1f] =	wrdreg s23  }
0x20: {  	s3 =	simm.s32 $0x5;
	s6 =	sadd.s32 $0x26480, s0;
	[smem:$0x7F9] =	sst s24  }
0x21: {  	s16 =	simm.s32 $0x3180;
	s0 =	sadd.s32 $0x26980, s0;
	[dreg:$0x12] =	wrdreg s6  }
0x22: {  	s20 =	simm.s32 $0x3200;
	s21 =	sadd.s32 $0x132400, s1;
	[dreg:$0x13] =	wrdreg s0  }
0x23: {  	s2 =	simm.s32 $0x2;
	s25 =	sadd.s32 $0xF00, s10;
	[dreg:$0x1d] =	wrdreg s21  }
0x24: {  	s18 =	simm.s32 $0xC;
	s26 =	sadd.s32 $0x1400, s10;
	[smem:$0x7FA] =	sst s25  }
.Ltmp0:
0x25: {  	s28 =	sadd.s32 $0x1900, s10;
	[smem:$0x7FB] =	sst s26;
	(pc) =	sbr.rel .LBB2_1-.Ltmp0, $4  }
0x26: {  	s31 =	sadd.s32 $0x1E00, s10;
	s24 =	simm.s32 $0x3100;
	[smem:$0x7FC] =	sst s28  }
0x27: {  	s0 =	smax.u32 s15, $0x1;
	[smem:$0x7FD] =	sst s31;
	s21 =	simm.s32 $0xD  }
0x28: {  	s6 =	simm.s32 $0x5A00;
	s15 =	simm.s32 $0x1;
	s25 =	simm.s32 $0x8200  }
0x29: {  	s26 =	simm.s32 $0x2C80;
	[dreg:$0x1c] =	wrdreg s0;
	s0 =	simm.s32 $0x9  }
.LBB2_21:
0x2a: {  	s8 =	rddreg [dreg:$0x17]  }
0x2b: {  	[tilespmem:s20], [sflag:$0xD] =	stream.linear.gather [spmem:s8], $0x2800, $0x38;
	[tilespmem:$0x1E280] =	vst v63  }
0x2c: {  	_ =	swait.ge [sflag:s21], $0x2800  }
0x2d: {  	[sflag:s21] =	ssyncset.done $0x0  }
0x2e: {  	s19 =	simm.s32 $0x0;
	s23 =	rddreg [dreg:$0xe];
	[sflag:s21] =	ssyncadd.s32 $0xFFFFD800  }
0x2f: {  	[hbm4b:s23+s19] =	stream.linear.scatter [tilespmem:s20], [sflag:$0xD], $0x2800, $0x38;
	[tilespmem:$0x1E280] =	vst v63  }
0x30: {  	_ =	swait.ge [sflag:s21], $0x2800  }
0x31: {  	[sflag:s21] =	ssyncset.done $0x0  }
0x32: {  	s28 =	rddreg [dreg:$0x18];
	[sflag:s21] =	ssyncadd.s32 $0xFFFFD800  }
0x33: {  	[tilespmem:s20], [sflag:$0xD] =	stream.linear.gather [spmem:s28], $0x2800, $0x38;
	[tilespmem:$0x1E280] =	vst v63  }
0x34: {  	_ =	swait.ge [sflag:s21], $0x2800  }
0x35: {  	[sflag:s21] =	ssyncset.done $0x0  }
0x36: {  	s31 =	rddreg [dreg:$0xf];
	[sflag:s21] =	ssyncadd.s32 $0xFFFFD800  }
0x37: {  	[hbm4b:s31+s19] =	stream.linear.scatter [tilespmem:s20], [sflag:$0xD], $0x2800, $0x38;
	[tilespmem:$0x1E280] =	vst v63  }
0x38: {  	_ =	swait.ge [sflag:s21], $0x2800  }
0x39: {  	[sflag:s21] =	ssyncset.done $0x0  }
0x3a: {  	s9 =	rddreg [dreg:$0x1a];
	[sflag:s21] =	ssyncadd.s32 $0xFFFFD800  }
0x3b: {  	[tilespmem:s20], [sflag:$0xD] =	stream.linear.gather [spmem:s9], $0x2800, $0x38;
	[tilespmem:$0x1E280] =	vst v63  }
0x3c: {  	_ =	swait.ge [sflag:s21], $0x2800  }
0x3d: {  	[sflag:s21] =	ssyncset.done $0x0  }
0x3e: {  	s10 =	rddreg [dreg:$0x10];
	[sflag:s21] =	ssyncadd.s32 $0xFFFFD800  }
0x3f: {  	[hbm4b:s10+s19] =	stream.linear.scatter [tilespmem:s20], [sflag:$0xD], $0x2800, $0x38;
	[tilespmem:$0x1E280] =	vst v63  }
0x40: {  	_ =	swait.ge [sflag:s21], $0x2800  }
0x41: {  	[sflag:s21] =	ssyncset.done $0x0  }
0x42: {  	s23 =	rddreg [dreg:$0x1b];
	[sflag:s21] =	ssyncadd.s32 $0xFFFFD800  }
0x43: {  	[tilespmem:s20], [sflag:$0xD] =	stream.linear.gather [spmem:s23], $0x2800, $0x38;
	[tilespmem:$0x1E280] =	vst v63  }
0x44: {  	_ =	swait.ge [sflag:s21], $0x2800  }
0x45: {  	[sflag:s21] =	ssyncset.done $0x0  }
0x46: {  	s28 =	rddreg [dreg:$0x11];
	[sflag:s21] =	ssyncadd.s32 $0xFFFFD800  }
0x47: {  	[hbm4b:s28+s19] =	stream.linear.scatter [tilespmem:s20], [sflag:$0xD], $0x2800, $0x38;
	[tilespmem:$0x1E280] =	vst v63  }
0x48: {  	_ =	swait.ge [sflag:s21], $0x2800  }
0x49: {  	[sflag:s21] =	ssyncset.done $0x0  }
0x4a: {  	s31 =	rddreg [dreg:$0x1d];
	[sflag:s21] =	ssyncadd.s32 $0xFFFFD800  }
0x4b: {  	[tilespmem:s20], [sflag:$0xD] =	stream.linear.gather [spmem:s31], $0x2800, $0x38;
	[tilespmem:$0x1E280] =	vst v63  }
0x4c: {  	_ =	swait.ge [sflag:s21], $0x2800  }
0x4d: {  	[sflag:s21] =	ssyncset.done $0x0  }
0x4e: {  	s9 =	rddreg [dreg:$0x12];
	[sflag:s21] =	ssyncadd.s32 $0xFFFFD800  }
0x4f: {  	[hbm4b:s9+s19] =	stream.linear.scatter [tilespmem:s20], [sflag:$0xD], $0x2800, $0x38;
	[tilespmem:$0x1E280] =	vst v63  }
0x50: {  	_ =	swait.ge [sflag:s21], $0x2800  }
0x51: {  	[sflag:s21] =	ssyncset.done $0x0  }
0x52: {  	s10 =	rddreg [dreg:$0x1e];
	[sflag:s21] =	ssyncadd.s32 $0xFFFFD800  }
0x53: {  	[tilespmem:s20], [sflag:$0xD] =	stream.linear.gather [spmem:s10], $0x2800, $0x38;
	[tilespmem:$0x1E280] =	vst v63  }
0x54: {  	_ =	swait.ge [sflag:s21], $0x2800  }
0x55: {  	[sflag:s21] =	ssyncset.done $0x0  }
0x56: {  	s23 =	rddreg [dreg:$0x13];
	[sflag:s21] =	ssyncadd.s32 $0xFFFFD800  }
0x57: {  	[hbm4b:s23+s19] =	stream.linear.scatter [tilespmem:s20], [sflag:$0xD], $0x2800, $0x38;
	[tilespmem:$0x1E280] =	vst v63  }
0x58: {  	_ =	swait.ge [sflag:s21], $0x2800  }
0x59: {  	[sflag:s21] =	ssyncset.done $0x0  }
0x5a: {  	s28 =	rddreg [dreg:$0x7];
	[sflag:s21] =	ssyncadd.s32 $0xFFFFD800  }
0x5b: {  	[tilespmem:s20], [sflag:$0xD] =	stream.linear.gather [spmem:s28], $0x1400, $0x38;
	[tilespmem:$0x1E280] =	vst v63  }
0x5c: {  	_ =	swait.ge [sflag:s21], $0x1400  }
0x5d: {  	[sflag:s21] =	ssyncset.done $0x0  }
0x5e: {  	s31 =	rddreg [dreg:$0xa];
	[sflag:s21] =	ssyncadd.s32 $0xFFFFEC00  }
0x5f: {  	[hbm4b:s31+s19] =	stream.linear.scatter [tilespmem:s20], [sflag:$0xD], $0x1400, $0x38;
	[tilespmem:$0x1E280] =	vst v63  }
0x60: {  	_ =	swait.ge [sflag:s21], $0x1400  }
0x61: {  	[sflag:s21] =	ssyncset.done $0x0  }
0x62: {  	s9 =	sld [smem:$0x7F8];
	[sflag:s21] =	ssyncadd.s32 $0xFFFFEC00  }
.LBB2_22:
0x63: {  	_ =	sdelay $0x1  }
0x64: {  	s8 =	rddreg [dreg:$0x1c];
	s9 =	sadd.s32 $0x1, s9  }
0x65: {  	p1 =	sne.s32 s9, s8  }
.Ltmp1:
0x66: {  	_ = 	snop;
	(pc) =	sbr.rel @!p1 .LBB2_23-.Ltmp1, $1  }
0x67: {  	_ =	sdelay $0x3  }
.LBB2_1:
0x68: {  	[smem:$0x7F8] =	sst s9  }
0x69: {  	s8 =	rddreg [dreg:$0x4]  }
0x6a: {  	[tilespmem:s20], [sflag:$0xD] =	stream.linear.gather [hbm4b:s8+s19], $0x2800, $0x38;
	[tilespmem:$0x1E280] =	vst v63  }
0x6b: {  	_ =	swait.ge [sflag:s21], $0x2800  }
0x6c: {  	[sflag:s21] =	ssyncset.done $0x0  }
0x6d: {  	s8 =	simm.s32 @p0 $0x3200;
	s9 =	rddreg [dreg:$0x17];
	[sflag:s21] =	ssyncadd.s32 $0xFFFFD800  }
0x6e: {  	[spmem:s9] =	stream.linear.scatter @p0 [tilespmem:s8], [sflag:$0xD], $0x2800, $0x38;
	[tilespmem:$0x1E280] =	vst v63  }
0x6f: {  	s9 =	simm.s32 @p0 $0xD  }
0x70: {  	_ =	swait.ge @p0 [sflag:s9], $0x2800  }
0x71: {  	[sflag:s9] =	ssyncset.done @p0 $0x0  }
0x72: {  	s10 =	rddreg [dreg:$0x18];
	[sflag:s9] =	ssyncadd.s32 @p0 $0xFFFFD800  }
0x73: {  	[spmem:s10] =	stream.linear.scatter @p0 [tilespmem:s8], [sflag:$0xD], $0x2800, $0x38;
	[tilespmem:$0x1E280] =	vst v63  }
0x74: {  	_ =	swait.ge @p0 [sflag:s9], $0x2800  }
0x75: {  	[sflag:s9] =	ssyncset.done @p0 $0x0  }
0x76: {  	s10 =	rddreg [dreg:$0x1a];
	[sflag:s9] =	ssyncadd.s32 @p0 $0xFFFFD800  }
0x77: {  	[spmem:s10] =	stream.linear.scatter @p0 [tilespmem:s8], [sflag:$0xD], $0x2800, $0x38;
	[tilespmem:$0x1E280] =	vst v63  }
0x78: {  	_ =	swait.ge @p0 [sflag:s9], $0x2800  }
0x79: {  	[sflag:s9] =	ssyncset.done @p0 $0x0  }
0x7a: {  	s10 =	rddreg [dreg:$0x1b];
	[sflag:s9] =	ssyncadd.s32 @p0 $0xFFFFD800  }
0x7b: {  	[spmem:s10] =	stream.linear.scatter @p0 [tilespmem:s8], [sflag:$0xD], $0x2800, $0x38;
	[tilespmem:$0x1E280] =	vst v63  }
0x7c: {  	_ =	swait.ge @p0 [sflag:s9], $0x2800  }
0x7d: {  	[sflag:s9] =	ssyncset.done @p0 $0x0  }
0x7e: {  	s10 =	rddreg [dreg:$0x1d];
	[sflag:s9] =	ssyncadd.s32 @p0 $0xFFFFD800  }
0x7f: {  	[spmem:s10] =	stream.linear.scatter @p0 [tilespmem:s8], [sflag:$0xD], $0x2800, $0x38;
	[tilespmem:$0x1E280] =	vst v63  }
0x80: {  	_ =	swait.ge @p0 [sflag:s9], $0x2800  }
0x81: {  	[sflag:s9] =	ssyncset.done @p0 $0x0  }
0x82: {  	s10 =	rddreg [dreg:$0x1e];
	[sflag:s9] =	ssyncadd.s32 @p0 $0xFFFFD800  }
0x83: {  	[spmem:s10] =	stream.linear.scatter @p0 [tilespmem:s8], [sflag:$0xD], $0x2800, $0x38;
	[tilespmem:$0x1E280] =	vst v63  }
0x84: {  	_ =	swait.ge @p0 [sflag:s9], $0x2800  }
0x85: {  	[sflag:s9] =	ssyncset.done @p0 $0x0  }
0x86: {  	s10 =	rddreg [dreg:$0x7];
	[sflag:s9] =	ssyncadd.s32 @p0 $0xFFFFD800  }
0x87: {  	[spmem:s10] =	stream.linear.scatter @p0 [tilespmem:s8], [sflag:$0xD], $0x1400, $0x38;
	[tilespmem:$0x1E280] =	vst v63  }
0x88: {  	_ =	swait.ge @p0 [sflag:s9], $0x1400  }
0x89: {  	[sflag:s9] =	ssyncset.done @p0 $0x0  }
0x8a: {  	s8 =	simm.s32 @!p0 $0x3200;
	[sflag:s9] =	ssyncadd.s32 @p0 $0xFFFFEC00;
	s9 =	rddreg [dreg:$0x5]  }
0x8b: {  	[spmem:s9] =	stream.linear.scatter @!p0 [tilespmem:s8], [sflag:$0xD], $0x2800, $0x38;
	[tilespmem:$0x1E280] =	vst v63  }
0x8c: {  	s9 =	simm.s32 @!p0 $0xD  }
0x8d: {  	_ =	swait.ge @!p0 [sflag:s9], $0x2800  }
0x8e: {  	[sflag:s9] =	ssyncset.done @!p0 $0x0  }
0x8f: {  	s10 =	rddreg [dreg:$0xb];
	[sflag:s9] =	ssyncadd.s32 @!p0 $0xFFFFD800  }
0x90: {  	[spmem:s10] =	stream.linear.scatter @!p0 [tilespmem:s8], [sflag:$0xD], $0x2800, $0x38;
	[tilespmem:$0x1E280] =	vst v63  }
0x91: {  	_ =	swait.ge @!p0 [sflag:s9], $0x2800  }
0x92: {  	[sflag:s9] =	ssyncset.done @!p0 $0x0  }
0x93: {  	s10 =	rddreg [dreg:$0xc];
	[sflag:s9] =	ssyncadd.s32 @!p0 $0xFFFFD800  }
0x94: {  	[spmem:s10] =	stream.linear.scatter @!p0 [tilespmem:s8], [sflag:$0xD], $0x2800, $0x38;
	[tilespmem:$0x1E280] =	vst v63  }
0x95: {  	_ =	swait.ge @!p0 [sflag:s9], $0x2800  }
0x96: {  	[sflag:s9] =	ssyncset.done @!p0 $0x0  }
0x97: {  	s10 =	rddreg [dreg:$0xd];
	[sflag:s9] =	ssyncadd.s32 @!p0 $0xFFFFD800  }
0x98: {  	[spmem:s10] =	stream.linear.scatter @!p0 [tilespmem:s8], [sflag:$0xD], $0x2800, $0x38;
	[tilespmem:$0x1E280] =	vst v63  }
0x99: {  	_ =	swait.ge @!p0 [sflag:s9], $0x2800  }
0x9a: {  	[sflag:s9] =	ssyncset.done @!p0 $0x0  }
0x9b: {  	s10 =	rddreg [dreg:$0x14];
	[sflag:s9] =	ssyncadd.s32 @!p0 $0xFFFFD800  }
0x9c: {  	[spmem:s10] =	stream.linear.scatter @!p0 [tilespmem:s8], [sflag:$0xD], $0x2800, $0x38;
	[tilespmem:$0x1E280] =	vst v63  }
0x9d: {  	_ =	swait.ge @!p0 [sflag:s9], $0x2800  }
0x9e: {  	[sflag:s9] =	ssyncset.done @!p0 $0x0  }
0x9f: {  	s10 =	rddreg [dreg:$0x15];
	[sflag:s9] =	ssyncadd.s32 @!p0 $0xFFFFD800  }
0xa0: {  	[spmem:s10] =	stream.linear.scatter @!p0 [tilespmem:s8], [sflag:$0xD], $0x2800, $0x38;
	[tilespmem:$0x1E280] =	vst v63  }
0xa1: {  	_ =	swait.ge @!p0 [sflag:s9], $0x2800  }
0xa2: {  	[sflag:s9] =	ssyncset.done @!p0 $0x0  }
0xa3: {  	s10 =	rddreg [dreg:$0x16];
	[sflag:s9] =	ssyncadd.s32 @!p0 $0xFFFFD800  }
0xa4: {  	[spmem:s10] =	stream.linear.scatter @!p0 [tilespmem:s8], [sflag:$0xD], $0x2800, $0x38;
	[tilespmem:$0x1E280] =	vst v63  }
0xa5: {  	_ =	swait.ge @!p0 [sflag:s9], $0x2800  }
0xa6: {  	[sflag:s9] =	ssyncset.done @!p0 $0x0  }
0xa7: {  	s10 =	rddreg [dreg:$0x6];
	[sflag:s9] =	ssyncadd.s32 @!p0 $0xFFFFD800  }
0xa8: {  	[spmem:s10] =	stream.linear.scatter @!p0 [tilespmem:s8], [sflag:$0xD], $0x2400, $0x38;
	[tilespmem:$0x1E280] =	vst v63  }
0xa9: {  	_ =	swait.ge @!p0 [sflag:s9], $0x2400  }
0xaa: {  	[sflag:s9] =	ssyncset.done @!p0 $0x0  }
0xab: {  	s31 =	rddreg [dreg:$0x19];
	[sflag:s9] =	ssyncadd.s32 @!p0 $0xFFFFDC00  }
0xac: {  	[tilespmem:s19], [sflag:$0xD] =	stream.linear.gather [hbm4b:s31+s19], $0x2710, $0x38;
	[tilespmem:$0x1E280] =	vst v63  }
0xad: {  	_ =	swait.ge [sflag:s21], $0x2710  }
0xae: {  	[sflag:s21] =	ssyncset.done $0x0  }
0xaf: {  	[sflag:s21] =	ssyncadd.s32 $0xFFFFD8F0  }
0xb0: {  	[bflag:$0x0] =	sbarrier.arrive $0xFFFF  }
0xb1: {  	v0 =	vld [tilespmem:$0x0];
	_ =	sdelay $0x3  }
0xb2: {  	v1 =	vld [tilespmem:$0x10]  }
0xb3: {  	v2 =	vshrl.u32 v0, $0x1C  }
0xb4: {  	v2 =	vmul.u32 $0x2710, v2  }
0xb5: {  	v3 =	vand.u32 $0x3FFF, v0;
	v0 =	vshrl.u32 v0, $0xE  }
0xb6: {  	v4 =	vld [tilespmem:$0x20];
	v0 =	vand.u32 $0x3FFF, v0;
	v3 =	vadd.s32 v3, v2  }
0xb7: {  	v2 =	vadd.s32 v0, v2;
	[tilespmem:$0x2780] =	vst v3;
	v3 =	vshrl.u32 v1, $0x1C  }
0xb8: {  	[tilespmem:$0x2900] =	vst v2;
	v2 =	vadd.s32 $0x13880, v2;
	v3 =	vmul.u32 $0x2710, v3  }
0xb9: {  	[tilespmem:$0x2A80] =	vst v2;
	v2 =	vand.u32 $0x3FFF, v1;
	v1 =	vshrl.u32 v1, $0xE  }
0xba: {  	[tilespmem:$0x2C00] =	vst v0;
	v0 =	vand.u32 $0x3FFF, v1;
	v1 =	vadd.s32 v2, v3  }
0xbb: {  	v2 =	vld [tilespmem:$0x30];
	v3 =	vadd.s32 v0, v3;
	[tilespmem:$0x2790] =	vst v1;
	v1 =	vshrl.u32 v4, $0x1C  }
0xbc: {  	[tilespmem:$0x2910] =	vst v3;
	v3 =	vadd.s32 $0x13880, v3;
	v1 =	vmul.u32 $0x2710, v1  }
0xbd: {  	[tilespmem:$0x2A90] =	vst v3;
	v3 =	vand.u32 $0x3FFF, v4;
	v4 =	vshrl.u32 v4, $0xE  }
0xbe: {  	[tilespmem:$0x2C10] =	vst v0;
	v0 =	vand.u32 $0x3FFF, v4;
	v3 =	vadd.s32 v3, v1  }
0xbf: {  	v4 =	vld [tilespmem:$0x40];
	v1 =	vadd.s32 v0, v1;
	[tilespmem:$0x27A0] =	vst v3  }
0xc0: {  	v3 =	vshrl.u32 v2, $0x1C;
	[tilespmem:$0x2920] =	vst v1;
	v1 =	vadd.s32 $0x13880, v1  }
0xc1: {  	v3 =	vmul.u32 $0x2710, v3;
	[tilespmem:$0x2AA0] =	vst v1;
	v1 =	vand.u32 $0x3FFF, v2;
	v2 =	vshrl.u32 v2, $0xE  }
0xc2: {  	[tilespmem:$0x2C20] =	vst v0;
	v0 =	vand.u32 $0x3FFF, v2  }
0xc3: {  	v1 =	vadd.s32 v1, v3;
	[tilespmem:$0x2C30] =	vst v0  }
0xc4: {  	v2 =	vadd.s32 v0, v3;
	[tilespmem:$0x27B0] =	vst v1;
	v1 =	vshrl.u32 v4, $0x1C  }
0xc5: {  	v3 =	vshrl.u32 v4, $0xE;
	[tilespmem:$0x2930] =	vst v2;
	v2 =	vadd.s32 $0x13880, v2;
	v1 =	vmul.u32 $0x2710, v1  }
0xc6: {  	v0 =	vand.u32 $0x3FFF, v3;
	[tilespmem:$0x2AB0] =	vst v2;
	v2 =	vand.u32 $0x3FFF, v4  }
0xc7: {  	[tilespmem:$0x2C40] =	vst v0;
	v2 =	vadd.s32 v2, v1  }
0xc8: {  	v1 =	vadd.s32 v0, v1;
	[tilespmem:$0x27C0] =	vst v2  }
0xc9: {  	[tilespmem:$0x2940] =	vst v1;
	v1 =	vadd.s32 $0x13880, v1  }
0xca: {  	s9 =	simm.s32 $0x2780;
	[tilespmem:$0x2AC0] =	vst v1  }
0xcb: {  	[tilespmem:s20], [sflag:$0x1] =	stream.indirect.gather [hbm4b:s4+s11], $0x80, s9, s11, $0xb8;
	[tilespmem:$0x1E280] =	vst v63  }
0xcc: {  	s23 =	simm.s32 $0x2D80;
	s10 =	simm.s32 $0x2900  }
0xcd: {  	[tilespmem:s23], [sflag:$0x4] =	stream.indirect.gather [hbm4b:s5+s11], $0x1, s10, s11, $0xb8;
	[tilespmem:$0x1E280] =	vst v63  }
0xce: {  	s28 =	simm.s32 $0x2A80;
	s31 =	simm.s32 $0x2F00  }
0xcf: {  	[tilespmem:s31], [sflag:$0x7] =	stream.indirect.gather [hbm4b:s5+s11], $0x1, s28, s11, $0xb8;
	[tilespmem:$0x1E280] =	vst v63  }
0xd0: {  	v0 =	vld [tilespmem:$0x50];
	_ =	sdelay $0x3  }
0xd1: {  	v1 =	vld [tilespmem:$0x60]  }
0xd2: {  	v2 =	vshrl.u32 v0, $0x1C  }
0xd3: {  	v2 =	vmul.u32 $0x2710, v2  }
0xd4: {  	v3 =	vand.u32 $0x3FFF, v0;
	v0 =	vshrl.u32 v0, $0xE  }
0xd5: {  	v4 =	vld [tilespmem:$0x70];
	v0 =	vand.u32 $0x3FFF, v0;
	v3 =	vadd.s32 v3, v2  }
0xd6: {  	v2 =	vadd.s32 v0, v2;
	[tilespmem:$0x2800] =	vst v3;
	v3 =	vshrl.u32 v1, $0x1C  }
0xd7: {  	[tilespmem:$0x2980] =	vst v2;
	v2 =	vadd.s32 $0x13880, v2;
	v3 =	vmul.u32 $0x2710, v3  }
0xd8: {  	[tilespmem:$0x2B00] =	vst v2;
	v2 =	vand.u32 $0x3FFF, v1;
	v1 =	vshrl.u32 v1, $0xE  }
0xd9: {  	[tilespmem:$0x2C80] =	vst v0;
	v0 =	vand.u32 $0x3FFF, v1;
	v1 =	vadd.s32 v2, v3  }
0xda: {  	v2 =	vld [tilespmem:$0x80];
	v3 =	vadd.s32 v0, v3;
	[tilespmem:$0x2810] =	vst v1;
	v1 =	vshrl.u32 v4, $0x1C  }
0xdb: {  	[tilespmem:$0x2990] =	vst v3;
	v3 =	vadd.s32 $0x13880, v3;
	v1 =	vmul.u32 $0x2710, v1  }
0xdc: {  	[tilespmem:$0x2B10] =	vst v3;
	v3 =	vand.u32 $0x3FFF, v4;
	v4 =	vshrl.u32 v4, $0xE  }
0xdd: {  	[tilespmem:$0x2C90] =	vst v0;
	v0 =	vand.u32 $0x3FFF, v4;
	v3 =	vadd.s32 v3, v1  }
0xde: {  	v4 =	vld [tilespmem:$0x90];
	v1 =	vadd.s32 v0, v1;
	[tilespmem:$0x2820] =	vst v3  }
0xdf: {  	v3 =	vshrl.u32 v2, $0x1C;
	[tilespmem:$0x29A0] =	vst v1;
	v1 =	vadd.s32 $0x13880, v1  }
0xe0: {  	v3 =	vmul.u32 $0x2710, v3;
	[tilespmem:$0x2B20] =	vst v1;
	v1 =	vand.u32 $0x3FFF, v2;
	v2 =	vshrl.u32 v2, $0xE  }
0xe1: {  	[tilespmem:$0x2CA0] =	vst v0;
	v0 =	vand.u32 $0x3FFF, v2  }
0xe2: {  	v1 =	vadd.s32 v1, v3;
	[tilespmem:$0x2CB0] =	vst v0  }
0xe3: {  	v2 =	vadd.s32 v0, v3;
	[tilespmem:$0x2830] =	vst v1;
	v1 =	vshrl.u32 v4, $0x1C  }
0xe4: {  	v3 =	vshrl.u32 v4, $0xE;
	[tilespmem:$0x29B0] =	vst v2;
	v2 =	vadd.s32 $0x13880, v2;
	v1 =	vmul.u32 $0x2710, v1  }
0xe5: {  	v0 =	vand.u32 $0x3FFF, v3;
	[tilespmem:$0x2B30] =	vst v2;
	v2 =	vand.u32 $0x3FFF, v4  }
0xe6: {  	[tilespmem:$0x2CC0] =	vst v0;
	v2 =	vadd.s32 v2, v1  }
0xe7: {  	v1 =	vadd.s32 v0, v1;
	[tilespmem:$0x2840] =	vst v2  }
0xe8: {  	[tilespmem:$0x29C0] =	vst v1;
	v1 =	vadd.s32 $0x13880, v1  }
0xe9: {  	s9 =	simm.s32 $0x2800;
	[tilespmem:$0x2B40] =	vst v1  }
0xea: {  	[tilespmem:s6], [sflag:$0x2] =	stream.indirect.gather [hbm4b:s4+s11], $0x80, s9, s11, $0xb8;
	[tilespmem:$0x1E280] =	vst v63  }
0xeb: {  	s10 =	simm.s32 $0x2980;
	s23 =	simm.s32 $0x2E00  }
0xec: {  	[tilespmem:s23], [sflag:$0x5] =	stream.indirect.gather [hbm4b:s5+s11], $0x1, s10, s11, $0xb8;
	[tilespmem:$0x1E280] =	vst v63  }
0xed: {  	s28 =	simm.s32 $0x2B00;
	s31 =	simm.s32 $0x2F80  }
0xee: {  	[tilespmem:s31], [sflag:$0x8] =	stream.indirect.gather [hbm4b:s5+s11], $0x1, s28, s11, $0xb8;
	[tilespmem:$0x1E280] =	vst v63  }
0xef: {  	_ =	swait.ge [sflag:s13], $0x50  }
0xf0: {  	[sflag:s13] =	ssyncset.done $0x0  }
0xf1: {  	[sflag:s13] =	ssyncadd.s32 $0xFFFFFFB0  }
0xf2: {  	_ =	swait.ge [sflag:s14], $0x50  }
0xf3: {  	[sflag:s14] =	ssyncset.done $0x0  }
0xf4: {  	[sflag:s14] =	ssyncadd.s32 $0xFFFFFFB0  }
0xf5: {  	v0 =	vld [tilespmem:$0x2D80]  }
0xf6: {  	v1 =	vld [tilespmem:$0x2F00]  }
0xf7: {  	v2 =	vld [tilespmem:$0x2D90]  }
0xf8: {  	v3 =	vld [tilespmem:$0x2F10]  }
0xf9: {  	v4 =	vld [tilespmem:$0x2DA0]  }
0xfa: {  	v5 =	vld [tilespmem:$0x2F20]  }
0xfb: {  	v6 =	vld [tilespmem:$0x2DB0]  }
0xfc: {  	v7 =	vld [tilespmem:$0x2F30]  }
0xfd: {  	v8 =	vld [tilespmem:$0x2DC0]  }
0xfe: {  	v9 =	vld [tilespmem:$0x2F40]  }
0xff: {  	v0 =	vadd.f32 v1, v0  }
0x100: {  	v1 =	vadd.f32 v3, v2  }
0x101: {  	(erf) = vrcp.f32 v0;
	v0 =	vadd.f32 v5, v4  }
0x102: {  	(erf) = vrcp.f32 v1;
	v1 =	vadd.f32 v7, v6  }
0x103: {  	(erf) = vrcp.f32 v0;
	v0 =	vadd.f32 v9, v8  }
0x104: {  	(erf) = vrcp.f32 v1  }
0x105: {  	(erf) = vrcp.f32 v0;
	_ =	sdelay $0x4  }
0x106: {  	v0 =	vpop (erf)  }
0x107: {  	v1 =	vpop (erf);
	[tilespmem:$0x3080] =	vst v0  }
0x108: {  	v0 =	vpop (erf);
	[tilespmem:$0x3090] =	vst v1  }
0x109: {  	v1 =	vpop (erf);
	[tilespmem:$0x30A0] =	vst v0  }
0x10a: {  	[tilespmem:$0x30B0] =	vst v1;
	v0 =	vpop (erf)  }
0x10b: {  	[tilespmem:$0x30C0] =	vst v0  }
0x10c: {  	_ =	swait.ge [sflag:s15], $0x2800  }
0x10d: {  	v0 =	vmov s19;
	[sflag:s15] =	ssyncset.done $0x0  }
0x10e: {  	s10 =	simm.s32 $0x3240;
	[sflag:s15] =	ssyncadd.s32 $0xFFFFD800  }
0x10f: {  	v4 =	vld [tilespmem:s10+$0x30]  }
0x110: {  	v7 =	vld [tilespmem:s10+$0x10]  }
0x111: {  	v5 =	vld [tilespmem:s10+$0xFFFFFFC0]  }
0x112: {  	v1 =	vld.idx.msk [tilespmem:v0+s22+$0x0], $0xffff  }
0x113: {  	v9 =	vld [tilespmem:s10+$0xFFFFFFE0]  }
0x114: {  	v2 =	vld [tilespmem:s10+$0x20]  }
0x115: {  	v3 =	vld [tilespmem:s10+$0xFFFFFFD0]  }
0x116: {  	v0 =	vld [tilespmem:s10+$0xFFFFFFF0]  }
0x117: {  	v8 =	vmul.f32 v4, v1;
	v4 =	vld [tilespmem:s10+$0x0]  }
0x118: {  	v6 =	vmul.f32 v5, v1  }
0x119: {  	s8 =	simm.s32 $0x3240;
	s19 =	simm.s32 $0x1;
	v5 =	vmul.f32 v9, v1;
	v7 =	vmul.f32 v7, v1  }
.LBB2_2:
0x11a: {  	p1 =	sne.s32 s19, $0x4F  }
0x11b: {  	v3 =	vmul.f32 v3, v1;
	v2 =	vmul.f32 v2, v1;
	[tilespmem:s10+$0x30] =	vst v8;
	s8 =	sadd.s32 $0x80, s8;
	s9 =	smov.u32 s19;
	s19 =	sadd.s32 $0x1, s19  }
0x11c: {  	[tilespmem:s10+$0xFFFFFFC0] =	vst v6;
	v6 =	vmul.f32 v0, v1;
	v1 =	vmul.f32 v4, v1  }
0x11d: {  	[tilespmem:s10+$0x10] =	vst v7  }
0x11e: {  	v4 =	vmov s9;
	[tilespmem:s10+$0xFFFFFFE0] =	vst v5  }
0x11f: {  	v0 =	vld [tilespmem:s8+$0xFFFFFFF0];
	[tilespmem:s10+$0xFFFFFFF0] =	vst v6  }
0x120: {  	v5 =	vld [tilespmem:s8+$0x30];
	[tilespmem:s10+$0x0] =	vst v1  }
0x121: {  	v7 =	vld [tilespmem:s8+$0x10];
	[tilespmem:s10+$0x20] =	vst v2  }
0x122: {  	v6 =	vld [tilespmem:s8+$0xFFFFFFC0];
	[tilespmem:s10+$0xFFFFFFD0] =	vst v3;
	s10 =	smov.u32 s8  }
0x123: {  	v1 =	vld.idx.msk [tilespmem:v4+s22+$0x0], $0xffff  }
0x124: {  	v9 =	vld [tilespmem:s8+$0xFFFFFFE0]  }
0x125: {  	v2 =	vld [tilespmem:s8+$0x20]  }
.Ltmp2:
0x126: {  	v3 =	vld [tilespmem:s8+$0xFFFFFFD0];
	(pc) =	sbr.rel @p1 .LBB2_2-.Ltmp2, $3  }
0x127: {  	v4 =	vld [tilespmem:s8+$0x0];
	_ =	sdelay $0x1  }
0x128: {  	v6 =	vmul.f32 v6, v1;
	v8 =	vmul.f32 v5, v1  }
0x129: {  	v7 =	vmul.f32 v7, v1;
	v5 =	vmul.f32 v9, v1  }
0x12a: {  	[tilespmem:s10+$0x30] =	vst v8  }
0x12b: {  	[tilespmem:s10+$0xFFFFFFC0] =	vst v6  }
0x12c: {  	v0 =	vmul.f32 v0, v1;
	[tilespmem:s10+$0x10] =	vst v7  }
0x12d: {  	v2 =	vmul.f32 v2, v1;
	[tilespmem:s10+$0xFFFFFFE0] =	vst v5  }
0x12e: {  	v4 =	vmul.f32 v4, v1;
	[tilespmem:s10+$0xFFFFFFF0] =	vst v0  }
0x12f: {  	v0 =	vmul.f32 v3, v1;
	[tilespmem:s10+$0x20] =	vst v2  }
0x130: {  	[tilespmem:s10+$0x0] =	vst v4  }
0x131: {  	s8 =	simm.s32 $0x2C00;
	[tilespmem:s10+$0xFFFFFFD0] =	vst v0  }
0x132: {  	[spmem:s1] =	stream.indirect.scatter.add.f32 [tilespmem:s20], [sflag:$0xA], $0x80, s8, s11, $0xb8;
	[tilespmem:$0x1E280] =	vst v63  }
0x133: {  	v0 =	vld [tilespmem:$0xA0];
	_ =	sdelay $0x3  }
0x134: {  	v1 =	vld [tilespmem:$0xB0]  }
0x135: {  	v2 =	vshrl.u32 v0, $0x1C  }
0x136: {  	v2 =	vmul.u32 $0x2710, v2  }
0x137: {  	v3 =	vand.u32 $0x3FFF, v0;
	v0 =	vshrl.u32 v0, $0xE  }
0x138: {  	v4 =	vld [tilespmem:$0xC0];
	v0 =	vand.u32 $0x3FFF, v0;
	v3 =	vadd.s32 v3, v2  }
0x139: {  	v2 =	vadd.s32 v0, v2;
	[tilespmem:$0x2880] =	vst v3;
	v3 =	vshrl.u32 v1, $0x1C  }
0x13a: {  	[tilespmem:$0x2A00] =	vst v2;
	v2 =	vadd.s32 $0x13880, v2;
	v3 =	vmul.u32 $0x2710, v3  }
0x13b: {  	[tilespmem:$0x2B80] =	vst v2;
	v2 =	vand.u32 $0x3FFF, v1;
	v1 =	vshrl.u32 v1, $0xE  }
0x13c: {  	[tilespmem:$0x2D00] =	vst v0;
	v0 =	vand.u32 $0x3FFF, v1;
	v1 =	vadd.s32 v2, v3  }
0x13d: {  	v2 =	vld [tilespmem:$0xD0];
	v3 =	vadd.s32 v0, v3;
	[tilespmem:$0x2890] =	vst v1;
	v1 =	vshrl.u32 v4, $0x1C  }
0x13e: {  	[tilespmem:$0x2A10] =	vst v3;
	v3 =	vadd.s32 $0x13880, v3;
	v1 =	vmul.u32 $0x2710, v1  }
0x13f: {  	[tilespmem:$0x2B90] =	vst v3;
	v3 =	vand.u32 $0x3FFF, v4;
	v4 =	vshrl.u32 v4, $0xE  }
0x140: {  	[tilespmem:$0x2D10] =	vst v0;
	v0 =	vand.u32 $0x3FFF, v4;
	v3 =	vadd.s32 v3, v1  }
0x141: {  	v4 =	vld [tilespmem:$0xE0];
	v1 =	vadd.s32 v0, v1;
	[tilespmem:$0x28A0] =	vst v3  }
0x142: {  	v3 =	vshrl.u32 v2, $0x1C;
	[tilespmem:$0x2A20] =	vst v1;
	v1 =	vadd.s32 $0x13880, v1  }
0x143: {  	v3 =	vmul.u32 $0x2710, v3;
	[tilespmem:$0x2BA0] =	vst v1;
	v1 =	vand.u32 $0x3FFF, v2;
	v2 =	vshrl.u32 v2, $0xE  }
0x144: {  	[tilespmem:$0x2D20] =	vst v0;
	v0 =	vand.u32 $0x3FFF, v2  }
0x145: {  	v1 =	vadd.s32 v1, v3;
	[tilespmem:$0x2D30] =	vst v0  }
0x146: {  	v2 =	vadd.s32 v0, v3;
	[tilespmem:$0x28B0] =	vst v1;
	v1 =	vshrl.u32 v4, $0x1C  }
0x147: {  	v3 =	vshrl.u32 v4, $0xE;
	[tilespmem:$0x2A30] =	vst v2;
	v2 =	vadd.s32 $0x13880, v2;
	v1 =	vmul.u32 $0x2710, v1  }
0x148: {  	v0 =	vand.u32 $0x3FFF, v3;
	[tilespmem:$0x2BB0] =	vst v2;
	v2 =	vand.u32 $0x3FFF, v4  }
0x149: {  	[tilespmem:$0x2D40] =	vst v0;
	v2 =	vadd.s32 v2, v1  }
0x14a: {  	v1 =	vadd.s32 v0, v1;
	[tilespmem:$0x28C0] =	vst v2  }
0x14b: {  	[tilespmem:$0x2A40] =	vst v1;
	v1 =	vadd.s32 $0x13880, v1  }
0x14c: {  	s10 =	simm.s32 $0x2880;
	[tilespmem:$0x2BC0] =	vst v1  }
0x14d: {  	[tilespmem:s25], [sflag:$0x3] =	stream.indirect.gather [hbm4b:s4+s11], $0x80, s10, s11, $0xb8;
	[tilespmem:$0x1E280] =	vst v63  }
0x14e: {  	s19 =	simm.s32 $0x2A00;
	s9 =	simm.s32 $0x2E80  }
0x14f: {  	[tilespmem:s9], [sflag:$0x6] =	stream.indirect.gather [hbm4b:s5+s11], $0x1, s19, s11, $0xb8;
	[tilespmem:$0x1E280] =	vst v63  }
0x150: {  	s23 =	simm.s32 $0x2B80;
	s28 =	simm.s32 $0x3000  }
0x151: {  	[tilespmem:s28], [sflag:$0x9] =	stream.indirect.gather [hbm4b:s5+s11], $0x1, s23, s11, $0xb8;
	[tilespmem:$0x1E280] =	vst v63  }
0x152: {  	_ =	swait.ge [sflag:s3], $0x50  }
0x153: {  	[sflag:s3] =	ssyncset.done $0x0  }
0x154: {  	[sflag:s3] =	ssyncadd.s32 $0xFFFFFFB0  }
0x155: {  	_ =	swait.ge [sflag:s7], $0x50  }
0x156: {  	[sflag:s7] =	ssyncset.done $0x0  }
0x157: {  	[sflag:s7] =	ssyncadd.s32 $0xFFFFFFB0  }
0x158: {  	v0 =	vld [tilespmem:$0x2E00]  }
0x159: {  	v1 =	vld [tilespmem:$0x2F80]  }
0x15a: {  	v2 =	vld [tilespmem:$0x2E10]  }
0x15b: {  	v3 =	vld [tilespmem:$0x2F90]  }
0x15c: {  	v4 =	vld [tilespmem:$0x2E20]  }
0x15d: {  	v5 =	vld [tilespmem:$0x2FA0]  }
0x15e: {  	v6 =	vld [tilespmem:$0x2E30]  }
0x15f: {  	v7 =	vld [tilespmem:$0x2FB0]  }
0x160: {  	v8 =	vld [tilespmem:$0x2E40]  }
0x161: {  	v9 =	vld [tilespmem:$0x2FC0]  }
0x162: {  	v0 =	vadd.f32 v1, v0  }
0x163: {  	v1 =	vadd.f32 v3, v2  }
0x164: {  	(erf) = vrcp.f32 v0;
	v0 =	vadd.f32 v5, v4  }
0x165: {  	(erf) = vrcp.f32 v1;
	v1 =	vadd.f32 v7, v6  }
0x166: {  	(erf) = vrcp.f32 v0;
	v0 =	vadd.f32 v9, v8  }
0x167: {  	(erf) = vrcp.f32 v1  }
0x168: {  	(erf) = vrcp.f32 v0;
	_ =	sdelay $0x4  }
0x169: {  	v0 =	vpop (erf)  }
0x16a: {  	v1 =	vpop (erf);
	[tilespmem:$0x3100] =	vst v0  }
0x16b: {  	v0 =	vpop (erf);
	[tilespmem:$0x3110] =	vst v1  }
0x16c: {  	v1 =	vpop (erf);
	[tilespmem:$0x3120] =	vst v0  }
0x16d: {  	[tilespmem:$0x3130] =	vst v1;
	v0 =	vpop (erf)  }
0x16e: {  	[tilespmem:$0x3140] =	vst v0  }
0x16f: {  	s31 =	simm.s32 $0x0;
	_ =	swait.ge [sflag:s2], $0x2800  }
0x170: {  	v0 =	vmov s31;
	[sflag:s2] =	ssyncset.done $0x0  }
0x171: {  	s10 =	simm.s32 $0x5A40;
	[sflag:s2] =	ssyncadd.s32 $0xFFFFD800  }
0x172: {  	v4 =	vld [tilespmem:s10+$0x30]  }
0x173: {  	v7 =	vld [tilespmem:s10+$0x10]  }
0x174: {  	v5 =	vld [tilespmem:s10+$0xFFFFFFC0]  }
0x175: {  	v1 =	vld.idx.msk [tilespmem:v0+s24+$0x0], $0xffff  }
0x176: {  	v9 =	vld [tilespmem:s10+$0xFFFFFFE0]  }
0x177: {  	v2 =	vld [tilespmem:s10+$0x20]  }
0x178: {  	v3 =	vld [tilespmem:s10+$0xFFFFFFD0]  }
0x179: {  	v0 =	vld [tilespmem:s10+$0xFFFFFFF0]  }
0x17a: {  	v8 =	vmul.f32 v4, v1;
	v4 =	vld [tilespmem:s10+$0x0]  }
0x17b: {  	v6 =	vmul.f32 v5, v1  }
0x17c: {  	s8 =	simm.s32 $0x5A40;
	s19 =	simm.s32 $0x1;
	v5 =	vmul.f32 v9, v1;
	v7 =	vmul.f32 v7, v1  }
.LBB2_4:
0x17d: {  	p1 =	sne.s32 s19, $0x4F  }
0x17e: {  	v3 =	vmul.f32 v3, v1;
	v2 =	vmul.f32 v2, v1;
	[tilespmem:s10+$0x30] =	vst v8;
	s8 =	sadd.s32 $0x80, s8;
	s9 =	smov.u32 s19;
	s19 =	sadd.s32 $0x1, s19  }
0x17f: {  	[tilespmem:s10+$0xFFFFFFC0] =	vst v6;
	v6 =	vmul.f32 v0, v1;
	v1 =	vmul.f32 v4, v1  }
0x180: {  	[tilespmem:s10+$0x10] =	vst v7  }
0x181: {  	v4 =	vmov s9;
	[tilespmem:s10+$0xFFFFFFE0] =	vst v5  }
0x182: {  	v0 =	vld [tilespmem:s8+$0xFFFFFFF0];
	[tilespmem:s10+$0xFFFFFFF0] =	vst v6  }
0x183: {  	v5 =	vld [tilespmem:s8+$0x30];
	[tilespmem:s10+$0x0] =	vst v1  }
0x184: {  	v7 =	vld [tilespmem:s8+$0x10];
	[tilespmem:s10+$0x20] =	vst v2  }
0x185: {  	v6 =	vld [tilespmem:s8+$0xFFFFFFC0];
	[tilespmem:s10+$0xFFFFFFD0] =	vst v3;
	s10 =	smov.u32 s8  }
0x186: {  	v1 =	vld.idx.msk [tilespmem:v4+s24+$0x0], $0xffff  }
0x187: {  	v9 =	vld [tilespmem:s8+$0xFFFFFFE0]  }
0x188: {  	v2 =	vld [tilespmem:s8+$0x20]  }
.Ltmp3:
0x189: {  	v3 =	vld [tilespmem:s8+$0xFFFFFFD0];
	(pc) =	sbr.rel @p1 .LBB2_4-.Ltmp3, $3  }
0x18a: {  	v4 =	vld [tilespmem:s8+$0x0];
	_ =	sdelay $0x1  }
0x18b: {  	v6 =	vmul.f32 v6, v1;
	v8 =	vmul.f32 v5, v1  }
0x18c: {  	v7 =	vmul.f32 v7, v1;
	v5 =	vmul.f32 v9, v1  }
0x18d: {  	[tilespmem:s10+$0x30] =	vst v8  }
0x18e: {  	[tilespmem:s10+$0xFFFFFFC0] =	vst v6  }
0x18f: {  	v0 =	vmul.f32 v0, v1;
	[tilespmem:s10+$0x10] =	vst v7  }
0x190: {  	v2 =	vmul.f32 v2, v1;
	[tilespmem:s10+$0xFFFFFFE0] =	vst v5  }
0x191: {  	v4 =	vmul.f32 v4, v1;
	[tilespmem:s10+$0xFFFFFFF0] =	vst v0  }
0x192: {  	v0 =	vmul.f32 v3, v1;
	[tilespmem:s10+$0x20] =	vst v2  }
0x193: {  	[tilespmem:s10+$0x0] =	vst v4  }
0x194: {  	[tilespmem:s10+$0xFFFFFFD0] =	vst v0  }
0x195: {  	[spmem:s1] =	stream.indirect.scatter.add.f32 [tilespmem:s6], [sflag:$0xB], $0x80, s26, s11, $0xb8;
	[tilespmem:$0x1E280] =	vst v63  }
0x196: {  	_ =	swait.ge [sflag:s29], $0x2800  }
0x197: {  	[sflag:s29] =	ssyncset.done $0x0  }
0x198: {  	[sflag:s29] =	ssyncadd.s32 $0xFFFFD800  }
0x199: {  	v0 =	vld [tilespmem:$0xF0];
	_ =	sdelay $0x3  }
0x19a: {  	v1 =	vld [tilespmem:$0x100]  }
0x19b: {  	v2 =	vshrl.u32 v0, $0x1C  }
0x19c: {  	v2 =	vmul.u32 $0x2710, v2  }
0x19d: {  	v3 =	vand.u32 $0x3FFF, v0;
	v0 =	vshrl.u32 v0, $0xE  }
0x19e: {  	v4 =	vld [tilespmem:$0x110];
	v0 =	vand.u32 $0x3FFF, v0;
	v3 =	vadd.s32 v3, v2  }
0x19f: {  	v2 =	vadd.s32 v0, v2;
	[tilespmem:$0x2780] =	vst v3;
	v3 =	vshrl.u32 v1, $0x1C  }
0x1a0: {  	[tilespmem:$0x2900] =	vst v2;
	v2 =	vadd.s32 $0x13880, v2;
	v3 =	vmul.u32 $0x2710, v3  }
0x1a1: {  	[tilespmem:$0x2A80] =	vst v2;
	v2 =	vand.u32 $0x3FFF, v1;
	v1 =	vshrl.u32 v1, $0xE  }
0x1a2: {  	[tilespmem:$0x2C00] =	vst v0;
	v0 =	vand.u32 $0x3FFF, v1;
	v1 =	vadd.s32 v2, v3  }
0x1a3: {  	v2 =	vld [tilespmem:$0x120];
	v3 =	vadd.s32 v0, v3;
	[tilespmem:$0x2790] =	vst v1;
	v1 =	vshrl.u32 v4, $0x1C  }
0x1a4: {  	[tilespmem:$0x2910] =	vst v3;
	v3 =	vadd.s32 $0x13880, v3;
	v1 =	vmul.u32 $0x2710, v1  }
0x1a5: {  	[tilespmem:$0x2A90] =	vst v3;
	v3 =	vand.u32 $0x3FFF, v4;
	v4 =	vshrl.u32 v4, $0xE  }
0x1a6: {  	[tilespmem:$0x2C10] =	vst v0;
	v0 =	vand.u32 $0x3FFF, v4;
	v3 =	vadd.s32 v3, v1  }
0x1a7: {  	v4 =	vld [tilespmem:$0x130];
	v1 =	vadd.s32 v0, v1;
	[tilespmem:$0x27A0] =	vst v3  }
0x1a8: {  	v3 =	vshrl.u32 v2, $0x1C;
	[tilespmem:$0x2920] =	vst v1;
	v1 =	vadd.s32 $0x13880, v1  }
0x1a9: {  	v3 =	vmul.u32 $0x2710, v3;
	[tilespmem:$0x2AA0] =	vst v1;
	v1 =	vand.u32 $0x3FFF, v2;
	v2 =	vshrl.u32 v2, $0xE  }
0x1aa: {  	[tilespmem:$0x2C20] =	vst v0;
	v0 =	vand.u32 $0x3FFF, v2  }
0x1ab: {  	v1 =	vadd.s32 v1, v3;
	[tilespmem:$0x2C30] =	vst v0  }
0x1ac: {  	v2 =	vadd.s32 v0, v3;
	[tilespmem:$0x27B0] =	vst v1;
	v1 =	vshrl.u32 v4, $0x1C  }
0x1ad: {  	v3 =	vshrl.u32 v4, $0xE;
	[tilespmem:$0x2930] =	vst v2;
	v2 =	vadd.s32 $0x13880, v2;
	v1 =	vmul.u32 $0x2710, v1  }
0x1ae: {  	v0 =	vand.u32 $0x3FFF, v3;
	[tilespmem:$0x2AB0] =	vst v2;
	v2 =	vand.u32 $0x3FFF, v4  }
0x1af: {  	[tilespmem:$0x2C40] =	vst v0;
	v2 =	vadd.s32 v2, v1  }
0x1b0: {  	v1 =	vadd.s32 v0, v1;
	[tilespmem:$0x27C0] =	vst v2  }
0x1b1: {  	[tilespmem:$0x2940] =	vst v1;
	v1 =	vadd.s32 $0x13880, v1  }
0x1b2: {  	s8 =	simm.s32 $0x2780;
	[tilespmem:$0x2AC0] =	vst v1  }
0x1b3: {  	[tilespmem:s20], [sflag:$0x1] =	stream.indirect.gather [hbm4b:s4+s11], $0x80, s8, s11, $0xb8;
	[tilespmem:$0x1E280] =	vst v63  }
0x1b4: {  	s19 =	simm.s32 $0x2900;
	s9 =	simm.s32 $0x2D80  }
0x1b5: {  	[tilespmem:s9], [sflag:$0x4] =	stream.indirect.gather [hbm4b:s5+s11], $0x1, s19, s11, $0xb8;
	[tilespmem:$0x1E280] =	vst v63  }
0x1b6: {  	s23 =	simm.s32 $0x2A80;
	s28 =	simm.s32 $0x2F00  }
0x1b7: {  	[tilespmem:s28], [sflag:$0x7] =	stream.indirect.gather [hbm4b:s5+s11], $0x1, s23, s11, $0xb8;
	[tilespmem:$0x1E280] =	vst v63  }
0x1b8: {  	_ =	swait.ge [sflag:s30], $0x50  }
0x1b9: {  	[sflag:s30] =	ssyncset.done $0x0  }
0x1ba: {  	[sflag:s30] =	ssyncadd.s32 $0xFFFFFFB0  }
0x1bb: {  	_ =	swait.ge [sflag:s0], $0x50  }
0x1bc: {  	[sflag:s0] =	ssyncset.done $0x0  }
0x1bd: {  	[sflag:s0] =	ssyncadd.s32 $0xFFFFFFB0  }
0x1be: {  	v0 =	vld [tilespmem:$0x2E80]  }
0x1bf: {  	v1 =	vld [tilespmem:$0x3000]  }
0x1c0: {  	v2 =	vld [tilespmem:$0x2E90]  }
0x1c1: {  	v3 =	vld [tilespmem:$0x3010]  }
0x1c2: {  	v4 =	vld [tilespmem:$0x2EA0]  }
0x1c3: {  	v5 =	vld [tilespmem:$0x3020]  }
0x1c4: {  	v6 =	vld [tilespmem:$0x2EB0]  }
0x1c5: {  	v7 =	vld [tilespmem:$0x3030]  }
0x1c6: {  	v8 =	vld [tilespmem:$0x2EC0]  }
0x1c7: {  	v9 =	vld [tilespmem:$0x3040]  }
0x1c8: {  	v0 =	vadd.f32 v1, v0  }
0x1c9: {  	v1 =	vadd.f32 v3, v2  }
0x1ca: {  	(erf) = vrcp.f32 v0;
	v0 =	vadd.f32 v5, v4  }
0x1cb: {  	(erf) = vrcp.f32 v1;
	v1 =	vadd.f32 v7, v6  }
0x1cc: {  	(erf) = vrcp.f32 v0;
	v0 =	vadd.f32 v9, v8  }
0x1cd: {  	(erf) = vrcp.f32 v1  }
0x1ce: {  	(erf) = vrcp.f32 v0;
	_ =	sdelay $0x4  }
0x1cf: {  	v0 =	vpop (erf)  }
0x1d0: {  	v1 =	vpop (erf);
	[tilespmem:$0x3180] =	vst v0  }
0x1d1: {  	v0 =	vpop (erf);
	[tilespmem:$0x3190] =	vst v1  }
0x1d2: {  	v1 =	vpop (erf);
	[tilespmem:$0x31A0] =	vst v0  }
0x1d3: {  	[tilespmem:$0x31B0] =	vst v1;
	v0 =	vpop (erf)  }
0x1d4: {  	[tilespmem:$0x31C0] =	vst v0  }
0x1d5: {  	s31 =	simm.s32 $0x0;
	_ =	swait.ge [sflag:s12], $0x2800  }
0x1d6: {  	v0 =	vmov s31;
	[sflag:s12] =	ssyncset.done $0x0  }
0x1d7: {  	s10 =	simm.s32 $0x8240;
	[sflag:s12] =	ssyncadd.s32 $0xFFFFD800  }
0x1d8: {  	v4 =	vld [tilespmem:s10+$0x30]  }
0x1d9: {  	v7 =	vld [tilespmem:s10+$0x10]  }
0x1da: {  	v5 =	vld [tilespmem:s10+$0xFFFFFFC0]  }
0x1db: {  	v1 =	vld.idx.msk [tilespmem:v0+s16+$0x0], $0xffff  }
0x1dc: {  	v9 =	vld [tilespmem:s10+$0xFFFFFFE0]  }
0x1dd: {  	v2 =	vld [tilespmem:s10+$0x20]  }
0x1de: {  	v3 =	vld [tilespmem:s10+$0xFFFFFFD0]  }
0x1df: {  	v0 =	vld [tilespmem:s10+$0xFFFFFFF0]  }
0x1e0: {  	v8 =	vmul.f32 v4, v1;
	v4 =	vld [tilespmem:s10+$0x0]  }
0x1e1: {  	v6 =	vmul.f32 v5, v1  }
0x1e2: {  	s8 =	simm.s32 $0x8240;
	s19 =	simm.s32 $0x1;
	v5 =	vmul.f32 v9, v1;
	v7 =	vmul.f32 v7, v1  }
.LBB2_6:
0x1e3: {  	p1 =	sne.s32 s19, $0x4F  }
0x1e4: {  	v3 =	vmul.f32 v3, v1;
	v2 =	vmul.f32 v2, v1;
	[tilespmem:s10+$0x30] =	vst v8;
	s8 =	sadd.s32 $0x80, s8;
	s9 =	smov.u32 s19;
	s19 =	sadd.s32 $0x1, s19  }
0x1e5: {  	[tilespmem:s10+$0xFFFFFFC0] =	vst v6;
	v6 =	vmul.f32 v0, v1;
	v1 =	vmul.f32 v4, v1  }
0x1e6: {  	[tilespmem:s10+$0x10] =	vst v7  }
0x1e7: {  	v4 =	vmov s9;
	[tilespmem:s10+$0xFFFFFFE0] =	vst v5  }
0x1e8: {  	v0 =	vld [tilespmem:s8+$0xFFFFFFF0];
	[tilespmem:s10+$0xFFFFFFF0] =	vst v6  }
0x1e9: {  	v5 =	vld [tilespmem:s8+$0x30];
	[tilespmem:s10+$0x0] =	vst v1  }
0x1ea: {  	v7 =	vld [tilespmem:s8+$0x10];
	[tilespmem:s10+$0x20] =	vst v2  }
0x1eb: {  	v6 =	vld [tilespmem:s8+$0xFFFFFFC0];
	[tilespmem:s10+$0xFFFFFFD0] =	vst v3;
	s10 =	smov.u32 s8  }
0x1ec: {  	v1 =	vld.idx.msk [tilespmem:v4+s16+$0x0], $0xffff  }
0x1ed: {  	v9 =	vld [tilespmem:s8+$0xFFFFFFE0]  }
0x1ee: {  	v2 =	vld [tilespmem:s8+$0x20]  }
.Ltmp4:
0x1ef: {  	v3 =	vld [tilespmem:s8+$0xFFFFFFD0];
	(pc) =	sbr.rel @p1 .LBB2_6-.Ltmp4, $3  }
0x1f0: {  	v4 =	vld [tilespmem:s8+$0x0];
	_ =	sdelay $0x1  }
0x1f1: {  	v6 =	vmul.f32 v6, v1;
	v8 =	vmul.f32 v5, v1  }
0x1f2: {  	v7 =	vmul.f32 v7, v1;
	v5 =	vmul.f32 v9, v1  }
0x1f3: {  	[tilespmem:s10+$0x30] =	vst v8  }
0x1f4: {  	[tilespmem:s10+$0xFFFFFFC0] =	vst v6  }
0x1f5: {  	v0 =	vmul.f32 v0, v1;
	[tilespmem:s10+$0x10] =	vst v7  }
0x1f6: {  	v2 =	vmul.f32 v2, v1;
	[tilespmem:s10+$0xFFFFFFE0] =	vst v5  }
0x1f7: {  	v42 =	vmul.f32 v3, v1;
	[tilespmem:s10+$0xFFFFFFF0] =	vst v0  }
0x1f8: {  	v4 =	vmul.f32 v4, v1;
	[tilespmem:s10+$0x20] =	vst v2  }
0x1f9: {  	[tilespmem:s10+$0xFFFFFFD0] =	vst v42  }
0x1fa: {  	s8 =	simm.s32 $0x2D00;
	[tilespmem:s10+$0x0] =	vst v4  }
0x1fb: {  	[spmem:s1] =	stream.indirect.scatter.add.f32 [tilespmem:s25], [sflag:$0xC], $0x80, s8, s11, $0xb8;
	[tilespmem:$0x1E280] =	vst v63  }
0x1fc: {  	_ =	swait.ge [sflag:s17], $0x2800  }
0x1fd: {  	[sflag:s17] =	ssyncset.done $0x0  }
0x1fe: {  	[sflag:s17] =	ssyncadd.s32 $0xFFFFD800  }
0x1ff: {  	v43 =	vld [tilespmem:$0x140]  }
0x200: {  	v44 =	vld [tilespmem:$0x150]  }
0x201: {  	v47 =	vld [tilespmem:$0x160]  }
0x202: {  	v56 =	vld [tilespmem:$0x180];
	_ =	sdelay $0x1  }
0x203: {  	v0 =	vshrl.u32 v43, $0xE  }
0x204: {  	v1 =	vshrl.u32 v44, $0xE;
	v0 =	vand.u32 $0x3FFF, v0  }
0x205: {  	v45 =	vshrl.u32 v43, $0x1C;
	v4 =	vshrl.u32 v47, $0xE;
	v50 =	vand.u32 $0x3FFF, v1;
	[tilespmem:$0x2C80] =	vst v0  }
0x206: {  	v62 =	vshrl.u32 v56, $0xE;
	v2 =	vmul.u32 $0x2710, v45;
	v55 =	vand.u32 $0x3FFF, v4;
	[tilespmem:$0x2C90] =	vst v50  }
0x207: {  	v52 =	vld [tilespmem:$0x170];
	v46 =	vand.u32 $0x3FFF, v43;
	v63 =	vand.u32 $0x3FFF, v62;
	[tilespmem:$0x2CA0] =	vst v55  }
0x208: {  	v48 =	vshrl.u32 v44, $0x1C;
	[tilespmem:$0x2CC0] =	vst v63;
	v3 =	vadd.s32 v46, v2  }
0x209: {  	v2 =	vadd.s32 v0, v2;
	[tilespmem:$0x2800] =	vst v3;
	v3 =	vmul.u32 $0x2710, v48  }
0x20a: {  	v49 =	vand.u32 $0x3FFF, v44;
	[tilespmem:$0x2980] =	vst v2;
	v2 =	vadd.s32 $0x13880, v2  }
0x20b: {  	[tilespmem:$0x2B00] =	vst v2;
	v51 =	vadd.s32 v49, v3  }
0x20c: {  	v53 =	vshrl.u32 v47, $0x1C;
	v2 =	vshrl.u32 v52, $0xE;
	v3 =	vadd.s32 v50, v3;
	[tilespmem:$0x2810] =	vst v51  }
0x20d: {  	v1 =	vmul.u32 $0x2710, v53;
	v59 =	vand.u32 $0x3FFF, v2;
	[tilespmem:$0x2990] =	vst v3  }
0x20e: {  	v54 =	vand.u32 $0x3FFF, v47;
	v3 =	vadd.s32 $0x13880, v3;
	[tilespmem:$0x2CB0] =	vst v59  }
0x20f: {  	v57 =	vshrl.u32 v52, $0x1C;
	[tilespmem:$0x2B10] =	vst v3;
	v3 =	vadd.s32 v54, v1  }
0x210: {  	v1 =	vadd.s32 v55, v1;
	[tilespmem:$0x2820] =	vst v3;
	v3 =	vmul.u32 $0x2710, v57  }
0x211: {  	v58 =	vand.u32 $0x3FFF, v52;
	[tilespmem:$0x29A0] =	vst v1;
	v1 =	vadd.s32 $0x13880, v1  }
0x212: {  	v60 =	vshrl.u32 v56, $0x1C;
	[tilespmem:$0x2B20] =	vst v1;
	v1 =	vadd.s32 v58, v3  }
0x213: {  	v2 =	vadd.s32 v59, v3;
	[tilespmem:$0x2830] =	vst v1;
	v1 =	vmul.u32 $0x2710, v60  }
0x214: {  	v61 =	vand.u32 $0x3FFF, v56;
	[tilespmem:$0x29B0] =	vst v2;
	v2 =	vadd.s32 $0x13880, v2  }
0x215: {  	[tilespmem:$0x2B30] =	vst v2;
	v2 =	vadd.s32 v61, v1  }
0x216: {  	v1 =	vadd.s32 v63, v1;
	[tilespmem:$0x2840] =	vst v2  }
0x217: {  	[tilespmem:$0x29C0] =	vst v1;
	v1 =	vadd.s32 $0x13880, v1  }
0x218: {  	s19 =	simm.s32 $0x2800;
	[tilespmem:$0x2B40] =	vst v1  }
0x219: {  	[tilespmem:s6], [sflag:$0x2] =	stream.indirect.gather [hbm4b:s4+s11], $0x80, s19, s11, $0xb8;
	[tilespmem:$0x1E280] =	vst v63  }
0x21a: {  	s23 =	simm.s32 $0x2980;
	s9 =	simm.s32 $0x2E00;
	s28 =	simm.s32 $0x2B00  }
0x21b: {  	[tilespmem:s9], [sflag:$0x5] =	stream.indirect.gather [hbm4b:s5+s11], $0x1, s23, s11, $0xb8;
	[tilespmem:$0x1E280] =	vst v63  }
0x21c: {  	s31 =	simm.s32 $0x2F80;
	s10 =	simm.s32 $0x0;
	s19 =	simm.s32 $0x0  }
0x21d: {  	[tilespmem:s31], [sflag:$0x8] =	stream.indirect.gather [hbm4b:s5+s11], $0x1, s28, s11, $0xb8;
	[tilespmem:$0x1E280] =	vst v63  }
.LBB2_8:
0x21e: {  	_ =	swait.ge [sflag:s13], $0x50  }
0x21f: {  	[sflag:s13] =	ssyncset.done $0x0  }
0x220: {  	[sflag:s13] =	ssyncadd.s32 $0xFFFFFFB0  }
0x221: {  	_ =	swait.ge [sflag:s14], $0x50  }
0x222: {  	[sflag:s14] =	ssyncset.done $0x0  }
0x223: {  	[sflag:s14] =	ssyncadd.s32 $0xFFFFFFB0  }
0x224: {  	v0 =	vld [tilespmem:$0x2D80]  }
0x225: {  	v1 =	vld [tilespmem:$0x2F00]  }
0x226: {  	v2 =	vld [tilespmem:$0x2D90]  }
0x227: {  	v3 =	vld [tilespmem:$0x2F10]  }
0x228: {  	v4 =	vld [tilespmem:$0x2DA0]  }
0x229: {  	v5 =	vld [tilespmem:$0x2F20]  }
0x22a: {  	v6 =	vld [tilespmem:$0x2DB0]  }
0x22b: {  	v7 =	vld [tilespmem:$0x2F30]  }
0x22c: {  	v8 =	vld [tilespmem:$0x2DC0]  }
0x22d: {  	v9 =	vld [tilespmem:$0x2F40]  }
0x22e: {  	v0 =	vadd.f32 v1, v0  }
0x22f: {  	v1 =	vadd.f32 v3, v2  }
0x230: {  	(erf) = vrcp.f32 v0;
	v0 =	vadd.f32 v5, v4  }
0x231: {  	(erf) = vrcp.f32 v1;
	v1 =	vadd.f32 v7, v6  }
0x232: {  	(erf) = vrcp.f32 v0;
	v0 =	vadd.f32 v9, v8  }
0x233: {  	(erf) = vrcp.f32 v1  }
0x234: {  	(erf) = vrcp.f32 v0;
	_ =	sdelay $0x4  }
0x235: {  	v0 =	vpop (erf)  }
0x236: {  	v1 =	vpop (erf);
	[tilespmem:$0x3080] =	vst v0  }
0x237: {  	v0 =	vpop (erf);
	[tilespmem:$0x3090] =	vst v1  }
0x238: {  	v1 =	vpop (erf);
	[tilespmem:$0x30A0] =	vst v0  }
0x239: {  	[tilespmem:$0x30B0] =	vst v1;
	v0 =	vpop (erf)  }
0x23a: {  	[tilespmem:$0x30C0] =	vst v0  }
0x23b: {  	_ =	swait.ge [sflag:s15], $0x2800  }
0x23c: {  	v0 =	vmov s19;
	[sflag:s15] =	ssyncset.done $0x0  }
0x23d: {  	s28 =	simm.s32 $0x3240;
	[sflag:s15] =	ssyncadd.s32 $0xFFFFD800  }
0x23e: {  	v4 =	vld [tilespmem:s28+$0x30]  }
0x23f: {  	v7 =	vld [tilespmem:s28+$0x10]  }
0x240: {  	v5 =	vld [tilespmem:s28+$0xFFFFFFC0]  }
0x241: {  	v1 =	vld.idx.msk [tilespmem:v0+s22+$0x0], $0xffff  }
0x242: {  	v9 =	vld [tilespmem:s28+$0xFFFFFFE0]  }
0x243: {  	v2 =	vld [tilespmem:s28+$0x20]  }
0x244: {  	v3 =	vld [tilespmem:s28+$0xFFFFFFD0]  }
0x245: {  	v0 =	vld [tilespmem:s28+$0xFFFFFFF0]  }
0x246: {  	v8 =	vmul.f32 v4, v1;
	v4 =	vld [tilespmem:s28+$0x0]  }
0x247: {  	v6 =	vmul.f32 v5, v1  }
0x248: {  	s31 =	simm.s32 $0x1;
	s8 =	simm.s32 $0x3240;
	v5 =	vmul.f32 v9, v1;
	v7 =	vmul.f32 v7, v1  }
.LBB2_9:
0x249: {  	p1 =	sne.s32 s31, $0x4F  }
0x24a: {  	v3 =	vmul.f32 v3, v1;
	v2 =	vmul.f32 v2, v1;
	[tilespmem:s28+$0x30] =	vst v8;
	s8 =	sadd.s32 $0x80, s8;
	s9 =	smov.u32 s31;
	s31 =	sadd.s32 $0x1, s31  }
0x24b: {  	[tilespmem:s28+$0xFFFFFFC0] =	vst v6;
	v6 =	vmul.f32 v0, v1;
	v1 =	vmul.f32 v4, v1  }
0x24c: {  	[tilespmem:s28+$0x10] =	vst v7  }
0x24d: {  	v4 =	vmov s9;
	[tilespmem:s28+$0xFFFFFFE0] =	vst v5  }
0x24e: {  	v0 =	vld [tilespmem:s8+$0xFFFFFFF0];
	[tilespmem:s28+$0xFFFFFFF0] =	vst v6  }
0x24f: {  	v5 =	vld [tilespmem:s8+$0x30];
	[tilespmem:s28+$0x0] =	vst v1  }
0x250: {  	v7 =	vld [tilespmem:s8+$0x10];
	[tilespmem:s28+$0x20] =	vst v2  }
0x251: {  	v6 =	vld [tilespmem:s8+$0xFFFFFFC0];
	[tilespmem:s28+$0xFFFFFFD0] =	vst v3;
	s28 =	smov.u32 s8  }
0x252: {  	v1 =	vld.idx.msk [tilespmem:v4+s22+$0x0], $0xffff  }
0x253: {  	v9 =	vld [tilespmem:s8+$0xFFFFFFE0]  }
0x254: {  	v2 =	vld [tilespmem:s8+$0x20]  }
.Ltmp5:
0x255: {  	v3 =	vld [tilespmem:s8+$0xFFFFFFD0];
	(pc) =	sbr.rel @p1 .LBB2_9-.Ltmp5, $3  }
0x256: {  	v4 =	vld [tilespmem:s8+$0x0];
	_ =	sdelay $0x1  }
0x257: {  	v6 =	vmul.f32 v6, v1;
	v8 =	vmul.f32 v5, v1  }
0x258: {  	v7 =	vmul.f32 v7, v1;
	v5 =	vmul.f32 v9, v1  }
0x259: {  	[tilespmem:s28+$0x30] =	vst v8  }
0x25a: {  	[tilespmem:s28+$0xFFFFFFC0] =	vst v6  }
0x25b: {  	v0 =	vmul.f32 v0, v1;
	[tilespmem:s28+$0x10] =	vst v7  }
0x25c: {  	v2 =	vmul.f32 v2, v1;
	[tilespmem:s28+$0xFFFFFFE0] =	vst v5  }
0x25d: {  	v4 =	vmul.f32 v4, v1;
	[tilespmem:s28+$0xFFFFFFF0] =	vst v0  }
0x25e: {  	v0 =	vmul.f32 v3, v1;
	[tilespmem:s28+$0x20] =	vst v2  }
0x25f: {  	[tilespmem:s28+$0x0] =	vst v4  }
0x260: {  	s8 =	simm.s32 $0x2C00;
	[tilespmem:s28+$0xFFFFFFD0] =	vst v0  }
0x261: {  	[spmem:s1] =	stream.indirect.scatter.add.f32 [tilespmem:s20], [sflag:$0xA], $0x80, s8, s11, $0xb8;
	[tilespmem:$0x1E280] =	vst v63  }
0x262: {  	_ =	swait.ge [sflag:s18], $0x2800  }
0x263: {  	s28 =	smul.u32 $0xF0, s10;
	[sflag:s18] =	ssyncset.done $0x0  }
0x264: {  	[sflag:s18] =	ssyncadd.s32 $0xFFFFD800  }
0x265: {  	v0 =	vld [tilespmem:s28+$0x190];
	_ =	sdelay $0x4  }
0x266: {  	v1 =	vshrl.u32 v0, $0x1C  }
0x267: {  	v2 =	vand.u32 $0x3FFF, v0;
	v0 =	vshrl.u32 v0, $0xE;
	v1 =	vmul.u32 $0x2710, v1  }
0x268: {  	v0 =	vand.u32 $0x3FFF, v0  }
0x269: {  	[tilespmem:$0x2D00] =	vst v0;
	v2 =	vadd.s32 v2, v1  }
0x26a: {  	v1 =	vadd.s32 v0, v1;
	[tilespmem:$0x2880] =	vst v2  }
0x26b: {  	[tilespmem:$0x2A00] =	vst v1;
	v1 =	vadd.s32 $0x13880, v1  }
0x26c: {  	[tilespmem:$0x2B80] =	vst v1  }
0x26d: {  	v0 =	vld [tilespmem:s28+$0x1A0];
	_ =	sdelay $0x4  }
0x26e: {  	v1 =	vshrl.u32 v0, $0x1C  }
0x26f: {  	v2 =	vand.u32 $0x3FFF, v0;
	v0 =	vshrl.u32 v0, $0xE;
	v1 =	vmul.u32 $0x2710, v1  }
0x270: {  	v0 =	vand.u32 $0x3FFF, v0  }
0x271: {  	[tilespmem:$0x2D10] =	vst v0;
	v2 =	vadd.s32 v2, v1  }
0x272: {  	v1 =	vadd.s32 v0, v1;
	[tilespmem:$0x2890] =	vst v2  }
0x273: {  	[tilespmem:$0x2A10] =	vst v1;
	v1 =	vadd.s32 $0x13880, v1  }
0x274: {  	[tilespmem:$0x2B90] =	vst v1  }
0x275: {  	v0 =	vld [tilespmem:s28+$0x1B0];
	_ =	sdelay $0x4  }
0x276: {  	v1 =	vshrl.u32 v0, $0x1C  }
0x277: {  	v2 =	vand.u32 $0x3FFF, v0;
	v0 =	vshrl.u32 v0, $0xE;
	v1 =	vmul.u32 $0x2710, v1  }
0x278: {  	v0 =	vand.u32 $0x3FFF, v0  }
0x279: {  	[tilespmem:$0x2D20] =	vst v0;
	v2 =	vadd.s32 v2, v1  }
0x27a: {  	v1 =	vadd.s32 v0, v1;
	[tilespmem:$0x28A0] =	vst v2  }
0x27b: {  	[tilespmem:$0x2A20] =	vst v1;
	v1 =	vadd.s32 $0x13880, v1  }
0x27c: {  	[tilespmem:$0x2BA0] =	vst v1  }
0x27d: {  	v0 =	vld [tilespmem:s28+$0x1C0];
	_ =	sdelay $0x4  }
0x27e: {  	v1 =	vshrl.u32 v0, $0x1C  }
0x27f: {  	v2 =	vand.u32 $0x3FFF, v0;
	v0 =	vshrl.u32 v0, $0xE;
	v1 =	vmul.u32 $0x2710, v1  }
0x280: {  	v0 =	vand.u32 $0x3FFF, v0  }
0x281: {  	[tilespmem:$0x2D30] =	vst v0;
	v2 =	vadd.s32 v2, v1  }
0x282: {  	v1 =	vadd.s32 v0, v1;
	[tilespmem:$0x28B0] =	vst v2  }
0x283: {  	[tilespmem:$0x2A30] =	vst v1;
	v1 =	vadd.s32 $0x13880, v1  }
0x284: {  	[tilespmem:$0x2BB0] =	vst v1  }
0x285: {  	v0 =	vld [tilespmem:s28+$0x1D0];
	_ =	sdelay $0x4  }
0x286: {  	v1 =	vshrl.u32 v0, $0x1C  }
0x287: {  	v2 =	vand.u32 $0x3FFF, v0;
	v0 =	vshrl.u32 v0, $0xE;
	v1 =	vmul.u32 $0x2710, v1  }
0x288: {  	v0 =	vand.u32 $0x3FFF, v0  }
0x289: {  	[tilespmem:$0x2D40] =	vst v0;
	v2 =	vadd.s32 v2, v1  }
0x28a: {  	v1 =	vadd.s32 v0, v1;
	[tilespmem:$0x28C0] =	vst v2  }
0x28b: {  	[tilespmem:$0x2A40] =	vst v1;
	v1 =	vadd.s32 $0x13880, v1  }
0x28c: {  	s9 =	simm.s32 $0x2880;
	[tilespmem:$0x2BC0] =	vst v1  }
0x28d: {  	[tilespmem:s25], [sflag:$0x3] =	stream.indirect.gather [hbm4b:s4+s11], $0x80, s9, s11, $0xb8;
	[tilespmem:$0x1E280] =	vst v63  }
0x28e: {  	s23 =	simm.s32 $0x2A00;
	s9 =	simm.s32 $0x2E80  }
0x28f: {  	[tilespmem:s9], [sflag:$0x6] =	stream.indirect.gather [hbm4b:s5+s11], $0x1, s23, s11, $0xb8;
	[tilespmem:$0x1E280] =	vst v63  }
0x290: {  	s9 =	simm.s32 $0x2B80;
	s23 =	simm.s32 $0x3000  }
0x291: {  	[tilespmem:s23], [sflag:$0x9] =	stream.indirect.gather [hbm4b:s5+s11], $0x1, s9, s11, $0xb8;
	[tilespmem:$0x1E280] =	vst v63  }
0x292: {  	_ =	swait.ge [sflag:s3], $0x50  }
0x293: {  	[sflag:s3] =	ssyncset.done $0x0  }
0x294: {  	[sflag:s3] =	ssyncadd.s32 $0xFFFFFFB0  }
0x295: {  	_ =	swait.ge [sflag:s7], $0x50  }
0x296: {  	[sflag:s7] =	ssyncset.done $0x0  }
0x297: {  	[sflag:s7] =	ssyncadd.s32 $0xFFFFFFB0  }
0x298: {  	v0 =	vld [tilespmem:$0x2E00]  }
0x299: {  	v1 =	vld [tilespmem:$0x2F80]  }
0x29a: {  	v2 =	vld [tilespmem:$0x2E10]  }
0x29b: {  	v3 =	vld [tilespmem:$0x2F90]  }
0x29c: {  	v4 =	vld [tilespmem:$0x2E20]  }
0x29d: {  	v5 =	vld [tilespmem:$0x2FA0]  }
0x29e: {  	v6 =	vld [tilespmem:$0x2E30]  }
0x29f: {  	v7 =	vld [tilespmem:$0x2FB0]  }
0x2a0: {  	v8 =	vld [tilespmem:$0x2E40]  }
0x2a1: {  	v9 =	vld [tilespmem:$0x2FC0]  }
0x2a2: {  	v0 =	vadd.f32 v1, v0  }
0x2a3: {  	v1 =	vadd.f32 v3, v2  }
0x2a4: {  	(erf) = vrcp.f32 v0;
	v0 =	vadd.f32 v5, v4  }
0x2a5: {  	(erf) = vrcp.f32 v1;
	v1 =	vadd.f32 v7, v6  }
0x2a6: {  	(erf) = vrcp.f32 v0;
	v0 =	vadd.f32 v9, v8  }
0x2a7: {  	(erf) = vrcp.f32 v1  }
0x2a8: {  	(erf) = vrcp.f32 v0;
	_ =	sdelay $0x4  }
0x2a9: {  	v0 =	vpop (erf)  }
0x2aa: {  	v1 =	vpop (erf);
	[tilespmem:$0x3100] =	vst v0  }
0x2ab: {  	v0 =	vpop (erf);
	[tilespmem:$0x3110] =	vst v1  }
0x2ac: {  	v1 =	vpop (erf);
	[tilespmem:$0x3120] =	vst v0  }
0x2ad: {  	[tilespmem:$0x3130] =	vst v1;
	v0 =	vpop (erf)  }
0x2ae: {  	[tilespmem:$0x3140] =	vst v0  }
0x2af: {  	s23 =	simm.s32 $0x0;
	_ =	swait.ge [sflag:s2], $0x2800  }
0x2b0: {  	v0 =	vmov s23;
	[sflag:s2] =	ssyncset.done $0x0  }
0x2b1: {  	s31 =	simm.s32 $0x5A40;
	[sflag:s2] =	ssyncadd.s32 $0xFFFFD800  }
0x2b2: {  	v4 =	vld [tilespmem:s31+$0x30]  }
0x2b3: {  	v7 =	vld [tilespmem:s31+$0x10]  }
0x2b4: {  	v5 =	vld [tilespmem:s31+$0xFFFFFFC0]  }
0x2b5: {  	v1 =	vld.idx.msk [tilespmem:v0+s24+$0x0], $0xffff  }
0x2b6: {  	v9 =	vld [tilespmem:s31+$0xFFFFFFE0]  }
0x2b7: {  	v2 =	vld [tilespmem:s31+$0x20]  }
0x2b8: {  	v3 =	vld [tilespmem:s31+$0xFFFFFFD0]  }
0x2b9: {  	v0 =	vld [tilespmem:s31+$0xFFFFFFF0]  }
0x2ba: {  	v8 =	vmul.f32 v4, v1;
	v4 =	vld [tilespmem:s31+$0x0]  }
0x2bb: {  	v6 =	vmul.f32 v5, v1  }
0x2bc: {  	s8 =	simm.s32 $0x1;
	s9 =	simm.s32 $0x5A40;
	v5 =	vmul.f32 v9, v1;
	v7 =	vmul.f32 v7, v1  }
.LBB2_11:
0x2bd: {  	p1 =	sne.s32 s8, $0x4F  }
0x2be: {  	v3 =	vmul.f32 v3, v1;
	v2 =	vmul.f32 v2, v1;
	[tilespmem:s31+$0x30] =	vst v8;
	s9 =	sadd.s32 $0x80, s9;
	s23 =	smov.u32 s8;
	s8 =	sadd.s32 $0x1, s8  }
0x2bf: {  	[tilespmem:s31+$0xFFFFFFC0] =	vst v6;
	v6 =	vmul.f32 v0, v1;
	v1 =	vmul.f32 v4, v1  }
0x2c0: {  	[tilespmem:s31+$0x10] =	vst v7  }
0x2c1: {  	v4 =	vmov s23;
	[tilespmem:s31+$0xFFFFFFE0] =	vst v5  }
0x2c2: {  	v0 =	vld [tilespmem:s9+$0xFFFFFFF0];
	[tilespmem:s31+$0xFFFFFFF0] =	vst v6  }
0x2c3: {  	v5 =	vld [tilespmem:s9+$0x30];
	[tilespmem:s31+$0x0] =	vst v1  }
0x2c4: {  	v7 =	vld [tilespmem:s9+$0x10];
	[tilespmem:s31+$0x20] =	vst v2  }
0x2c5: {  	v6 =	vld [tilespmem:s9+$0xFFFFFFC0];
	[tilespmem:s31+$0xFFFFFFD0] =	vst v3;
	s31 =	smov.u32 s9  }
0x2c6: {  	v1 =	vld.idx.msk [tilespmem:v4+s24+$0x0], $0xffff  }
0x2c7: {  	v9 =	vld [tilespmem:s9+$0xFFFFFFE0]  }
0x2c8: {  	v2 =	vld [tilespmem:s9+$0x20]  }
.Ltmp6:
0x2c9: {  	v3 =	vld [tilespmem:s9+$0xFFFFFFD0];
	(pc) =	sbr.rel @p1 .LBB2_11-.Ltmp6, $3  }
0x2ca: {  	v4 =	vld [tilespmem:s9+$0x0];
	_ =	sdelay $0x1  }
0x2cb: {  	v6 =	vmul.f32 v6, v1;
	v8 =	vmul.f32 v5, v1  }
0x2cc: {  	v7 =	vmul.f32 v7, v1;
	v5 =	vmul.f32 v9, v1  }
0x2cd: {  	[tilespmem:s31+$0x30] =	vst v8  }
0x2ce: {  	[tilespmem:s31+$0xFFFFFFC0] =	vst v6  }
0x2cf: {  	v0 =	vmul.f32 v0, v1;
	[tilespmem:s31+$0x10] =	vst v7  }
0x2d0: {  	v2 =	vmul.f32 v2, v1;
	[tilespmem:s31+$0xFFFFFFE0] =	vst v5  }
0x2d1: {  	v4 =	vmul.f32 v4, v1;
	[tilespmem:s31+$0xFFFFFFF0] =	vst v0  }
0x2d2: {  	v0 =	vmul.f32 v3, v1;
	[tilespmem:s31+$0x20] =	vst v2  }
0x2d3: {  	[tilespmem:s31+$0x0] =	vst v4  }
0x2d4: {  	[tilespmem:s31+$0xFFFFFFD0] =	vst v0  }
0x2d5: {  	[spmem:s1] =	stream.indirect.scatter.add.f32 [tilespmem:s6], [sflag:$0xB], $0x80, s26, s11, $0xb8;
	[tilespmem:$0x1E280] =	vst v63  }
0x2d6: {  	_ =	swait.ge [sflag:s29], $0x2800  }
0x2d7: {  	[sflag:s29] =	ssyncset.done $0x0  }
0x2d8: {  	[sflag:s29] =	ssyncadd.s32 $0xFFFFD800  }
0x2d9: {  	v0 =	vld [tilespmem:s28+$0x1E0];
	_ =	sdelay $0x4  }
0x2da: {  	v1 =	vshrl.u32 v0, $0x1C  }
0x2db: {  	v2 =	vand.u32 $0x3FFF, v0;
	v0 =	vshrl.u32 v0, $0xE;
	v1 =	vmul.u32 $0x2710, v1  }
0x2dc: {  	v0 =	vand.u32 $0x3FFF, v0  }
0x2dd: {  	[tilespmem:$0x2C00] =	vst v0;
	v2 =	vadd.s32 v2, v1  }
0x2de: {  	v1 =	vadd.s32 v0, v1;
	[tilespmem:$0x2780] =	vst v2  }
0x2df: {  	[tilespmem:$0x2900] =	vst v1;
	v1 =	vadd.s32 $0x13880, v1  }
0x2e0: {  	[tilespmem:$0x2A80] =	vst v1  }
0x2e1: {  	v0 =	vld [tilespmem:s28+$0x1F0];
	_ =	sdelay $0x4  }
0x2e2: {  	v1 =	vshrl.u32 v0, $0x1C  }
0x2e3: {  	v2 =	vand.u32 $0x3FFF, v0;
	v0 =	vshrl.u32 v0, $0xE;
	v1 =	vmul.u32 $0x2710, v1  }
0x2e4: {  	v0 =	vand.u32 $0x3FFF, v0  }
0x2e5: {  	[tilespmem:$0x2C10] =	vst v0;
	v2 =	vadd.s32 v2, v1  }
0x2e6: {  	v1 =	vadd.s32 v0, v1;
	[tilespmem:$0x2790] =	vst v2  }
0x2e7: {  	[tilespmem:$0x2910] =	vst v1;
	v1 =	vadd.s32 $0x13880, v1  }
0x2e8: {  	s8 =	sand.u32 $0x3FF0, s28;
	[tilespmem:$0x2A90] =	vst v1  }
0x2e9: {  	v0 =	vld [tilespmem:s8+$0x200];
	_ =	sdelay $0x4  }
0x2ea: {  	v1 =	vshrl.u32 v0, $0x1C  }
0x2eb: {  	v2 =	vand.u32 $0x3FFF, v0;
	v0 =	vshrl.u32 v0, $0xE;
	v1 =	vmul.u32 $0x2710, v1  }
0x2ec: {  	v0 =	vand.u32 $0x3FFF, v0  }
0x2ed: {  	[tilespmem:$0x2C20] =	vst v0;
	v2 =	vadd.s32 v2, v1  }
0x2ee: {  	v1 =	vadd.s32 v0, v1;
	[tilespmem:$0x27A0] =	vst v2  }
0x2ef: {  	[tilespmem:$0x2920] =	vst v1;
	v1 =	vadd.s32 $0x13880, v1  }
0x2f0: {  	[tilespmem:$0x2AA0] =	vst v1  }
0x2f1: {  	v0 =	vld [tilespmem:s28+$0x210];
	_ =	sdelay $0x4  }
0x2f2: {  	v1 =	vshrl.u32 v0, $0x1C  }
0x2f3: {  	v2 =	vand.u32 $0x3FFF, v0;
	v0 =	vshrl.u32 v0, $0xE;
	v1 =	vmul.u32 $0x2710, v1  }
0x2f4: {  	v0 =	vand.u32 $0x3FFF, v0  }
0x2f5: {  	[tilespmem:$0x2C30] =	vst v0;
	v2 =	vadd.s32 v2, v1  }
0x2f6: {  	v1 =	vadd.s32 v0, v1;
	[tilespmem:$0x27B0] =	vst v2  }
0x2f7: {  	[tilespmem:$0x2930] =	vst v1;
	v1 =	vadd.s32 $0x13880, v1  }
0x2f8: {  	[tilespmem:$0x2AB0] =	vst v1  }
0x2f9: {  	v0 =	vld [tilespmem:s28+$0x220];
	_ =	sdelay $0x4  }
0x2fa: {  	v1 =	vshrl.u32 v0, $0x1C  }
0x2fb: {  	v2 =	vand.u32 $0x3FFF, v0;
	v0 =	vshrl.u32 v0, $0xE;
	v1 =	vmul.u32 $0x2710, v1  }
0x2fc: {  	v0 =	vand.u32 $0x3FFF, v0  }
0x2fd: {  	[tilespmem:$0x2C40] =	vst v0;
	v2 =	vadd.s32 v2, v1  }
0x2fe: {  	v1 =	vadd.s32 v0, v1;
	[tilespmem:$0x27C0] =	vst v2  }
0x2ff: {  	[tilespmem:$0x2940] =	vst v1;
	v1 =	vadd.s32 $0x13880, v1  }
0x300: {  	s9 =	simm.s32 $0x2780;
	[tilespmem:$0x2AC0] =	vst v1  }
0x301: {  	[tilespmem:s20], [sflag:$0x1] =	stream.indirect.gather [hbm4b:s4+s11], $0x80, s9, s11, $0xb8;
	[tilespmem:$0x1E280] =	vst v63  }
0x302: {  	s23 =	simm.s32 $0x2900;
	s9 =	simm.s32 $0x2D80  }
0x303: {  	[tilespmem:s9], [sflag:$0x4] =	stream.indirect.gather [hbm4b:s5+s11], $0x1, s23, s11, $0xb8;
	[tilespmem:$0x1E280] =	vst v63  }
0x304: {  	s9 =	simm.s32 $0x2A80;
	s23 =	simm.s32 $0x2F00  }
0x305: {  	[tilespmem:s23], [sflag:$0x7] =	stream.indirect.gather [hbm4b:s5+s11], $0x1, s9, s11, $0xb8;
	[tilespmem:$0x1E280] =	vst v63  }
0x306: {  	_ =	swait.ge [sflag:s30], $0x50  }
0x307: {  	[sflag:s30] =	ssyncset.done $0x0  }
0x308: {  	[sflag:s30] =	ssyncadd.s32 $0xFFFFFFB0  }
0x309: {  	_ =	swait.ge [sflag:s0], $0x50  }
0x30a: {  	[sflag:s0] =	ssyncset.done $0x0  }
0x30b: {  	[sflag:s0] =	ssyncadd.s32 $0xFFFFFFB0  }
0x30c: {  	v0 =	vld [tilespmem:$0x2E80]  }
0x30d: {  	v1 =	vld [tilespmem:$0x3000]  }
0x30e: {  	v2 =	vld [tilespmem:$0x2E90]  }
0x30f: {  	v3 =	vld [tilespmem:$0x3010]  }
0x310: {  	v4 =	vld [tilespmem:$0x2EA0]  }
0x311: {  	v5 =	vld [tilespmem:$0x3020]  }
0x312: {  	v6 =	vld [tilespmem:$0x2EB0]  }
0x313: {  	v7 =	vld [tilespmem:$0x3030]  }
0x314: {  	v8 =	vld [tilespmem:$0x2EC0]  }
0x315: {  	v9 =	vld [tilespmem:$0x3040]  }
0x316: {  	v0 =	vadd.f32 v1, v0  }
0x317: {  	v1 =	vadd.f32 v3, v2  }
0x318: {  	(erf) = vrcp.f32 v0;
	v0 =	vadd.f32 v5, v4  }
0x319: {  	(erf) = vrcp.f32 v1;
	v1 =	vadd.f32 v7, v6  }
0x31a: {  	(erf) = vrcp.f32 v0;
	v0 =	vadd.f32 v9, v8  }
0x31b: {  	(erf) = vrcp.f32 v1  }
0x31c: {  	(erf) = vrcp.f32 v0;
	_ =	sdelay $0x4  }
0x31d: {  	v0 =	vpop (erf)  }
0x31e: {  	v1 =	vpop (erf);
	[tilespmem:$0x3180] =	vst v0  }
0x31f: {  	v0 =	vpop (erf);
	[tilespmem:$0x3190] =	vst v1  }
0x320: {  	v1 =	vpop (erf);
	[tilespmem:$0x31A0] =	vst v0  }
0x321: {  	[tilespmem:$0x31B0] =	vst v1;
	v0 =	vpop (erf)  }
0x322: {  	[tilespmem:$0x31C0] =	vst v0  }
0x323: {  	s23 =	simm.s32 $0x0;
	_ =	swait.ge [sflag:s12], $0x2800  }
0x324: {  	v0 =	vmov s23;
	[sflag:s12] =	ssyncset.done $0x0  }
0x325: {  	s31 =	simm.s32 $0x8240;
	[sflag:s12] =	ssyncadd.s32 $0xFFFFD800  }
0x326: {  	v4 =	vld [tilespmem:s31+$0x30]  }
0x327: {  	v7 =	vld [tilespmem:s31+$0x10]  }
0x328: {  	v5 =	vld [tilespmem:s31+$0xFFFFFFC0]  }
0x329: {  	v1 =	vld.idx.msk [tilespmem:v0+s16+$0x0], $0xffff  }
0x32a: {  	v9 =	vld [tilespmem:s31+$0xFFFFFFE0]  }
0x32b: {  	v2 =	vld [tilespmem:s31+$0x20]  }
0x32c: {  	v3 =	vld [tilespmem:s31+$0xFFFFFFD0]  }
0x32d: {  	v0 =	vld [tilespmem:s31+$0xFFFFFFF0]  }
0x32e: {  	v8 =	vmul.f32 v4, v1;
	v4 =	vld [tilespmem:s31+$0x0]  }
0x32f: {  	v6 =	vmul.f32 v5, v1  }
0x330: {  	s8 =	simm.s32 $0x1;
	s9 =	simm.s32 $0x8240;
	v5 =	vmul.f32 v9, v1;
	v7 =	vmul.f32 v7, v1  }
.LBB2_13:
0x331: {  	p1 =	sne.s32 s8, $0x4F  }
0x332: {  	v3 =	vmul.f32 v3, v1;
	v2 =	vmul.f32 v2, v1;
	[tilespmem:s31+$0x30] =	vst v8;
	s9 =	sadd.s32 $0x80, s9;
	s23 =	smov.u32 s8;
	s8 =	sadd.s32 $0x1, s8  }
0x333: {  	[tilespmem:s31+$0xFFFFFFC0] =	vst v6;
	v6 =	vmul.f32 v0, v1;
	v1 =	vmul.f32 v4, v1  }
0x334: {  	[tilespmem:s31+$0x10] =	vst v7  }
0x335: {  	v4 =	vmov s23;
	[tilespmem:s31+$0xFFFFFFE0] =	vst v5  }
0x336: {  	v0 =	vld [tilespmem:s9+$0xFFFFFFF0];
	[tilespmem:s31+$0xFFFFFFF0] =	vst v6  }
0x337: {  	v5 =	vld [tilespmem:s9+$0x30];
	[tilespmem:s31+$0x0] =	vst v1  }
0x338: {  	v7 =	vld [tilespmem:s9+$0x10];
	[tilespmem:s31+$0x20] =	vst v2  }
0x339: {  	v6 =	vld [tilespmem:s9+$0xFFFFFFC0];
	[tilespmem:s31+$0xFFFFFFD0] =	vst v3;
	s31 =	smov.u32 s9  }
0x33a: {  	v1 =	vld.idx.msk [tilespmem:v4+s16+$0x0], $0xffff  }
0x33b: {  	v9 =	vld [tilespmem:s9+$0xFFFFFFE0]  }
0x33c: {  	v2 =	vld [tilespmem:s9+$0x20]  }
.Ltmp7:
0x33d: {  	v3 =	vld [tilespmem:s9+$0xFFFFFFD0];
	(pc) =	sbr.rel @p1 .LBB2_13-.Ltmp7, $3  }
0x33e: {  	v4 =	vld [tilespmem:s9+$0x0];
	_ =	sdelay $0x1  }
0x33f: {  	v6 =	vmul.f32 v6, v1;
	v8 =	vmul.f32 v5, v1  }
0x340: {  	v7 =	vmul.f32 v7, v1;
	v5 =	vmul.f32 v9, v1  }
0x341: {  	[tilespmem:s31+$0x30] =	vst v8  }
0x342: {  	[tilespmem:s31+$0xFFFFFFC0] =	vst v6  }
0x343: {  	v0 =	vmul.f32 v0, v1;
	[tilespmem:s31+$0x10] =	vst v7  }
0x344: {  	v2 =	vmul.f32 v2, v1;
	[tilespmem:s31+$0xFFFFFFE0] =	vst v5  }
0x345: {  	v52 =	vmul.f32 v3, v1;
	[tilespmem:s31+$0xFFFFFFF0] =	vst v0  }
0x346: {  	v4 =	vmul.f32 v4, v1;
	[tilespmem:s31+$0x20] =	vst v2  }
0x347: {  	[tilespmem:s31+$0xFFFFFFD0] =	vst v52  }
0x348: {  	s8 =	simm.s32 $0x2D00;
	[tilespmem:s31+$0x0] =	vst v4  }
0x349: {  	[spmem:s1] =	stream.indirect.scatter.add.f32 [tilespmem:s25], [sflag:$0xC], $0x80, s8, s11, $0xb8;
	[tilespmem:$0x1E280] =	vst v63  }
0x34a: {  	_ =	swait.ge [sflag:s17], $0x2800  }
0x34b: {  	[sflag:s17] =	ssyncset.done $0x0  }
0x34c: {  	[sflag:s17] =	ssyncadd.s32 $0xFFFFD800  }
0x34d: {  	v53 =	vld [tilespmem:s28+$0x230];
	_ =	sdelay $0x4  }
0x34e: {  	v54 =	vshrl.u32 v53, $0x1C  }
0x34f: {  	v0 =	vshrl.u32 v53, $0xE;
	v1 =	vmul.u32 $0x2710, v54  }
0x350: {  	v55 =	vand.u32 $0x3FFF, v53;
	v0 =	vand.u32 $0x3FFF, v0  }
0x351: {  	[tilespmem:$0x2C80] =	vst v0;
	v2 =	vadd.s32 v55, v1  }
0x352: {  	v1 =	vadd.s32 v0, v1;
	[tilespmem:$0x2800] =	vst v2  }
0x353: {  	[tilespmem:$0x2980] =	vst v1;
	v1 =	vadd.s32 $0x13880, v1  }
0x354: {  	[tilespmem:$0x2B00] =	vst v1  }
0x355: {  	v0 =	vld [tilespmem:s28+$0x240];
	_ =	sdelay $0x4  }
0x356: {  	v56 =	vshrl.u32 v0, $0x1C  }
0x357: {  	v57 =	vand.u32 $0x3FFF, v0;
	v0 =	vshrl.u32 v0, $0xE;
	v1 =	vmul.u32 $0x2710, v56  }
0x358: {  	v0 =	vand.u32 $0x3FFF, v0  }
0x359: {  	[tilespmem:$0x2C90] =	vst v0;
	v2 =	vadd.s32 v57, v1  }
0x35a: {  	v1 =	vadd.s32 v0, v1;
	[tilespmem:$0x2810] =	vst v2  }
0x35b: {  	[tilespmem:$0x2990] =	vst v1;
	v1 =	vadd.s32 $0x13880, v1  }
0x35c: {  	[tilespmem:$0x2B10] =	vst v1  }
0x35d: {  	v0 =	vld [tilespmem:s28+$0x250];
	_ =	sdelay $0x4  }
0x35e: {  	v58 =	vshrl.u32 v0, $0x1C  }
0x35f: {  	v59 =	vand.u32 $0x3FFF, v0;
	v0 =	vshrl.u32 v0, $0xE;
	v1 =	vmul.u32 $0x2710, v58  }
0x360: {  	v0 =	vand.u32 $0x3FFF, v0  }
0x361: {  	[tilespmem:$0x2CA0] =	vst v0;
	v2 =	vadd.s32 v59, v1  }
0x362: {  	v1 =	vadd.s32 v0, v1;
	[tilespmem:$0x2820] =	vst v2  }
0x363: {  	[tilespmem:$0x29A0] =	vst v1;
	v1 =	vadd.s32 $0x13880, v1  }
0x364: {  	[tilespmem:$0x2B20] =	vst v1  }
0x365: {  	v0 =	vld [tilespmem:s28+$0x260];
	_ =	sdelay $0x4  }
0x366: {  	v60 =	vshrl.u32 v0, $0x1C  }
0x367: {  	v61 =	vand.u32 $0x3FFF, v0;
	v0 =	vshrl.u32 v0, $0xE;
	v1 =	vmul.u32 $0x2710, v60  }
0x368: {  	v0 =	vand.u32 $0x3FFF, v0  }
0x369: {  	[tilespmem:$0x2CB0] =	vst v0;
	v2 =	vadd.s32 v61, v1  }
0x36a: {  	v1 =	vadd.s32 v0, v1;
	[tilespmem:$0x2830] =	vst v2  }
0x36b: {  	[tilespmem:$0x29B0] =	vst v1;
	v1 =	vadd.s32 $0x13880, v1  }
0x36c: {  	[tilespmem:$0x2B30] =	vst v1  }
0x36d: {  	v0 =	vld [tilespmem:s28+$0x270];
	_ =	sdelay $0x4  }
0x36e: {  	v62 =	vshrl.u32 v0, $0x1C  }
0x36f: {  	v63 =	vand.u32 $0x3FFF, v0;
	v0 =	vshrl.u32 v0, $0xE;
	v1 =	vmul.u32 $0x2710, v62  }
0x370: {  	v0 =	vand.u32 $0x3FFF, v0  }
0x371: {  	[tilespmem:$0x2CC0] =	vst v0;
	v2 =	vadd.s32 v63, v1  }
0x372: {  	v1 =	vadd.s32 v0, v1;
	[tilespmem:$0x2840] =	vst v2  }
0x373: {  	s10 =	sadd.s32 $0x1, s10;
	[tilespmem:$0x29C0] =	vst v1;
	v1 =	vadd.s32 $0x13880, v1  }
0x374: {  	s9 =	simm.s32 $0x2800;
	p1 =	sne.s32 s10, $0x28;
	[tilespmem:$0x2B40] =	vst v1  }
0x375: {  	[tilespmem:s6], [sflag:$0x2] =	stream.indirect.gather [hbm4b:s4+s11], $0x80, s9, s11, $0xb8;
	[tilespmem:$0x1E280] =	vst v63  }
.Ltmp8:
0x376: {  	_ = 	snop;
	(pc) =	sbr.rel @p1 .LBB2_8-.Ltmp8, $4  }
0x377: {  	s23 =	simm.s32 $0x2980;
	s9 =	simm.s32 $0x2E00  }
0x378: {  	[tilespmem:s9], [sflag:$0x5] =	stream.indirect.gather [hbm4b:s5+s11], $0x1, s23, s11, $0xb8;
	[tilespmem:$0x1E280] =	vst v63  }
0x379: {  	s31 =	simm.s32 $0x2F80;
	s28 =	simm.s32 $0x2B00  }
0x37a: {  	[tilespmem:s31], [sflag:$0x8] =	stream.indirect.gather [hbm4b:s5+s11], $0x1, s28, s11, $0xb8;
	[tilespmem:$0x1E280] =	vst v63  }
0x37b: {  	_ =	swait.ge [sflag:s13], $0x50  }
0x37c: {  	[sflag:s13] =	ssyncset.done $0x0  }
0x37d: {  	[sflag:s13] =	ssyncadd.s32 $0xFFFFFFB0  }
0x37e: {  	_ =	swait.ge [sflag:s14], $0x50  }
0x37f: {  	[sflag:s14] =	ssyncset.done $0x0  }
0x380: {  	[sflag:s14] =	ssyncadd.s32 $0xFFFFFFB0  }
0x381: {  	v0 =	vld [tilespmem:$0x2D80]  }
0x382: {  	v1 =	vld [tilespmem:$0x2F00]  }
0x383: {  	v2 =	vld [tilespmem:$0x2D90]  }
0x384: {  	v3 =	vld [tilespmem:$0x2F10]  }
0x385: {  	v4 =	vld [tilespmem:$0x2DA0]  }
0x386: {  	v5 =	vld [tilespmem:$0x2F20]  }
0x387: {  	v6 =	vld [tilespmem:$0x2DB0]  }
0x388: {  	v7 =	vld [tilespmem:$0x2F30]  }
0x389: {  	v8 =	vld [tilespmem:$0x2DC0]  }
0x38a: {  	v9 =	vld [tilespmem:$0x2F40]  }
0x38b: {  	v0 =	vadd.f32 v1, v0  }
0x38c: {  	v1 =	vadd.f32 v3, v2  }
0x38d: {  	(erf) = vrcp.f32 v0;
	v0 =	vadd.f32 v5, v4  }
0x38e: {  	(erf) = vrcp.f32 v1;
	v1 =	vadd.f32 v7, v6  }
0x38f: {  	(erf) = vrcp.f32 v0;
	v0 =	vadd.f32 v9, v8  }
0x390: {  	(erf) = vrcp.f32 v1  }
0x391: {  	(erf) = vrcp.f32 v0;
	_ =	sdelay $0x4  }
0x392: {  	v0 =	vpop (erf)  }
0x393: {  	v1 =	vpop (erf);
	[tilespmem:$0x3080] =	vst v0  }
0x394: {  	v0 =	vpop (erf);
	[tilespmem:$0x3090] =	vst v1  }
0x395: {  	v1 =	vpop (erf);
	[tilespmem:$0x30A0] =	vst v0  }
0x396: {  	[tilespmem:$0x30B0] =	vst v1;
	v0 =	vpop (erf)  }
0x397: {  	[tilespmem:$0x30C0] =	vst v0  }
0x398: {  	s8 =	simm.s32 $0x0;
	_ =	swait.ge [sflag:s15], $0x2800  }
0x399: {  	v0 =	vmov s8;
	[sflag:s15] =	ssyncset.done $0x0  }
0x39a: {  	s10 =	simm.s32 $0x3240;
	[sflag:s15] =	ssyncadd.s32 $0xFFFFD800  }
0x39b: {  	v4 =	vld [tilespmem:s10+$0x30]  }
0x39c: {  	v7 =	vld [tilespmem:s10+$0x10]  }
0x39d: {  	v5 =	vld [tilespmem:s10+$0xFFFFFFC0]  }
0x39e: {  	v1 =	vld.idx.msk [tilespmem:v0+s22+$0x0], $0xffff  }
0x39f: {  	v9 =	vld [tilespmem:s10+$0xFFFFFFE0]  }
0x3a0: {  	v2 =	vld [tilespmem:s10+$0x20]  }
0x3a1: {  	v3 =	vld [tilespmem:s10+$0xFFFFFFD0]  }
0x3a2: {  	v0 =	vld [tilespmem:s10+$0xFFFFFFF0]  }
0x3a3: {  	v8 =	vmul.f32 v4, v1;
	v4 =	vld [tilespmem:s10+$0x0]  }
0x3a4: {  	v6 =	vmul.f32 v5, v1  }
0x3a5: {  	s9 =	simm.s32 $0x3240;
	s8 =	simm.s32 $0x1;
	v5 =	vmul.f32 v9, v1;
	v7 =	vmul.f32 v7, v1  }
.LBB2_16:
0x3a6: {  	p1 =	sne.s32 s8, $0x4F  }
0x3a7: {  	v3 =	vmul.f32 v3, v1;
	v2 =	vmul.f32 v2, v1;
	[tilespmem:s10+$0x30] =	vst v8;
	s9 =	sadd.s32 $0x80, s9;
	s19 =	smov.u32 s8;
	s8 =	sadd.s32 $0x1, s8  }
0x3a8: {  	[tilespmem:s10+$0xFFFFFFC0] =	vst v6;
	v6 =	vmul.f32 v0, v1;
	v1 =	vmul.f32 v4, v1  }
0x3a9: {  	[tilespmem:s10+$0x10] =	vst v7  }
0x3aa: {  	v4 =	vmov s19;
	[tilespmem:s10+$0xFFFFFFE0] =	vst v5  }
0x3ab: {  	v0 =	vld [tilespmem:s9+$0xFFFFFFF0];
	[tilespmem:s10+$0xFFFFFFF0] =	vst v6  }
0x3ac: {  	v5 =	vld [tilespmem:s9+$0x30];
	[tilespmem:s10+$0x0] =	vst v1  }
0x3ad: {  	v7 =	vld [tilespmem:s9+$0x10];
	[tilespmem:s10+$0x20] =	vst v2  }
0x3ae: {  	v6 =	vld [tilespmem:s9+$0xFFFFFFC0];
	[tilespmem:s10+$0xFFFFFFD0] =	vst v3;
	s10 =	smov.u32 s9  }
0x3af: {  	v1 =	vld.idx.msk [tilespmem:v4+s22+$0x0], $0xffff  }
0x3b0: {  	v9 =	vld [tilespmem:s9+$0xFFFFFFE0]  }
0x3b1: {  	v2 =	vld [tilespmem:s9+$0x20]  }
.Ltmp9:
0x3b2: {  	v3 =	vld [tilespmem:s9+$0xFFFFFFD0];
	(pc) =	sbr.rel @p1 .LBB2_16-.Ltmp9, $3  }
0x3b3: {  	v4 =	vld [tilespmem:s9+$0x0];
	_ =	sdelay $0x1  }
0x3b4: {  	v6 =	vmul.f32 v6, v1;
	v8 =	vmul.f32 v5, v1  }
0x3b5: {  	v7 =	vmul.f32 v7, v1;
	v5 =	vmul.f32 v9, v1  }
0x3b6: {  	[tilespmem:s10+$0x30] =	vst v8  }
0x3b7: {  	[tilespmem:s10+$0xFFFFFFC0] =	vst v6  }
0x3b8: {  	v0 =	vmul.f32 v0, v1;
	[tilespmem:s10+$0x10] =	vst v7  }
0x3b9: {  	v2 =	vmul.f32 v2, v1;
	[tilespmem:s10+$0xFFFFFFE0] =	vst v5  }
0x3ba: {  	v4 =	vmul.f32 v4, v1;
	[tilespmem:s10+$0xFFFFFFF0] =	vst v0  }
0x3bb: {  	v0 =	vmul.f32 v3, v1;
	[tilespmem:s10+$0x20] =	vst v2  }
0x3bc: {  	[tilespmem:s10+$0x0] =	vst v4  }
0x3bd: {  	s8 =	simm.s32 $0x2C00;
	[tilespmem:s10+$0xFFFFFFD0] =	vst v0  }
0x3be: {  	[spmem:s1] =	stream.indirect.scatter.add.f32 [tilespmem:s20], [sflag:$0xA], $0x80, s8, s11, $0xb8;
	[tilespmem:$0x1E280] =	vst v63  }
0x3bf: {  	_ =	swait.ge [sflag:s3], $0x50  }
0x3c0: {  	[sflag:s3] =	ssyncset.done $0x0  }
0x3c1: {  	[sflag:s3] =	ssyncadd.s32 $0xFFFFFFB0  }
0x3c2: {  	_ =	swait.ge [sflag:s7], $0x50  }
0x3c3: {  	[sflag:s7] =	ssyncset.done $0x0  }
0x3c4: {  	[sflag:s7] =	ssyncadd.s32 $0xFFFFFFB0  }
0x3c5: {  	v0 =	vld [tilespmem:$0x2E00]  }
0x3c6: {  	v1 =	vld [tilespmem:$0x2F80]  }
0x3c7: {  	v2 =	vld [tilespmem:$0x2E10]  }
0x3c8: {  	v3 =	vld [tilespmem:$0x2F90]  }
0x3c9: {  	v4 =	vld [tilespmem:$0x2E20]  }
0x3ca: {  	v5 =	vld [tilespmem:$0x2FA0]  }
0x3cb: {  	v6 =	vld [tilespmem:$0x2E30]  }
0x3cc: {  	v7 =	vld [tilespmem:$0x2FB0]  }
0x3cd: {  	v8 =	vld [tilespmem:$0x2E40]  }
0x3ce: {  	v9 =	vld [tilespmem:$0x2FC0]  }
0x3cf: {  	v0 =	vadd.f32 v1, v0  }
0x3d0: {  	v1 =	vadd.f32 v3, v2  }
0x3d1: {  	(erf) = vrcp.f32 v0;
	v0 =	vadd.f32 v5, v4  }
0x3d2: {  	(erf) = vrcp.f32 v1;
	v1 =	vadd.f32 v7, v6  }
0x3d3: {  	(erf) = vrcp.f32 v0;
	v0 =	vadd.f32 v9, v8  }
0x3d4: {  	(erf) = vrcp.f32 v1  }
0x3d5: {  	(erf) = vrcp.f32 v0;
	_ =	sdelay $0x4  }
0x3d6: {  	v0 =	vpop (erf)  }
0x3d7: {  	v1 =	vpop (erf);
	[tilespmem:$0x3100] =	vst v0  }
0x3d8: {  	v0 =	vpop (erf);
	[tilespmem:$0x3110] =	vst v1  }
0x3d9: {  	v1 =	vpop (erf);
	[tilespmem:$0x3120] =	vst v0  }
0x3da: {  	[tilespmem:$0x3130] =	vst v1;
	v0 =	vpop (erf)  }
0x3db: {  	[tilespmem:$0x3140] =	vst v0  }
0x3dc: {  	s31 =	simm.s32 $0x0;
	_ =	swait.ge [sflag:s2], $0x2800  }
0x3dd: {  	v0 =	vmov s31;
	[sflag:s2] =	ssyncset.done $0x0  }
0x3de: {  	s10 =	simm.s32 $0x5A40;
	[sflag:s2] =	ssyncadd.s32 $0xFFFFD800  }
0x3df: {  	v4 =	vld [tilespmem:s10+$0x30]  }
0x3e0: {  	v7 =	vld [tilespmem:s10+$0x10]  }
0x3e1: {  	v5 =	vld [tilespmem:s10+$0xFFFFFFC0]  }
0x3e2: {  	v1 =	vld.idx.msk [tilespmem:v0+s24+$0x0], $0xffff  }
0x3e3: {  	v9 =	vld [tilespmem:s10+$0xFFFFFFE0]  }
0x3e4: {  	v2 =	vld [tilespmem:s10+$0x20]  }
0x3e5: {  	v3 =	vld [tilespmem:s10+$0xFFFFFFD0]  }
0x3e6: {  	v0 =	vld [tilespmem:s10+$0xFFFFFFF0]  }
0x3e7: {  	v8 =	vmul.f32 v4, v1;
	v4 =	vld [tilespmem:s10+$0x0]  }
0x3e8: {  	v6 =	vmul.f32 v5, v1  }
0x3e9: {  	s9 =	simm.s32 $0x5A40;
	s8 =	simm.s32 $0x1;
	v5 =	vmul.f32 v9, v1;
	v7 =	vmul.f32 v7, v1  }
.LBB2_18:
0x3ea: {  	p1 =	sne.s32 s8, $0x4F  }
0x3eb: {  	v3 =	vmul.f32 v3, v1;
	v2 =	vmul.f32 v2, v1;
	[tilespmem:s10+$0x30] =	vst v8;
	s9 =	sadd.s32 $0x80, s9;
	s19 =	smov.u32 s8;
	s8 =	sadd.s32 $0x1, s8  }
0x3ec: {  	[tilespmem:s10+$0xFFFFFFC0] =	vst v6;
	v6 =	vmul.f32 v0, v1;
	v1 =	vmul.f32 v4, v1  }
0x3ed: {  	[tilespmem:s10+$0x10] =	vst v7  }
0x3ee: {  	v4 =	vmov s19;
	[tilespmem:s10+$0xFFFFFFE0] =	vst v5  }
0x3ef: {  	v0 =	vld [tilespmem:s9+$0xFFFFFFF0];
	[tilespmem:s10+$0xFFFFFFF0] =	vst v6  }
0x3f0: {  	v5 =	vld [tilespmem:s9+$0x30];
	[tilespmem:s10+$0x0] =	vst v1  }
0x3f1: {  	v7 =	vld [tilespmem:s9+$0x10];
	[tilespmem:s10+$0x20] =	vst v2  }
0x3f2: {  	v6 =	vld [tilespmem:s9+$0xFFFFFFC0];
	[tilespmem:s10+$0xFFFFFFD0] =	vst v3;
	s10 =	smov.u32 s9  }
0x3f3: {  	v1 =	vld.idx.msk [tilespmem:v4+s24+$0x0], $0xffff  }
0x3f4: {  	v9 =	vld [tilespmem:s9+$0xFFFFFFE0]  }
0x3f5: {  	v2 =	vld [tilespmem:s9+$0x20]  }
.Ltmp10:
0x3f6: {  	v3 =	vld [tilespmem:s9+$0xFFFFFFD0];
	(pc) =	sbr.rel @p1 .LBB2_18-.Ltmp10, $3  }
0x3f7: {  	v4 =	vld [tilespmem:s9+$0x0];
	_ =	sdelay $0x1  }
0x3f8: {  	v6 =	vmul.f32 v6, v1;
	v8 =	vmul.f32 v5, v1  }
0x3f9: {  	v7 =	vmul.f32 v7, v1;
	v5 =	vmul.f32 v9, v1  }
0x3fa: {  	[tilespmem:s10+$0x30] =	vst v8  }
0x3fb: {  	[tilespmem:s10+$0xFFFFFFC0] =	vst v6  }
0x3fc: {  	v0 =	vmul.f32 v0, v1;
	[tilespmem:s10+$0x10] =	vst v7  }
0x3fd: {  	v2 =	vmul.f32 v2, v1;
	[tilespmem:s10+$0xFFFFFFE0] =	vst v5  }
0x3fe: {  	v63 =	vmul.f32 v3, v1;
	[tilespmem:s10+$0xFFFFFFF0] =	vst v0  }
0x3ff: {  	v4 =	vmul.f32 v4, v1;
	[tilespmem:s10+$0x20] =	vst v2  }
0x400: {  	[tilespmem:s10+$0xFFFFFFD0] =	vst v63  }
0x401: {  	[tilespmem:s10+$0x0] =	vst v4  }
0x402: {  	[spmem:s1] =	stream.indirect.scatter.add.f32 [tilespmem:s6], [sflag:$0xB], $0x80, s26, s11, $0xb8;
	[tilespmem:$0x1E280] =	vst v63  }
0x403: {  	_ =	swait.ge [sflag:s18], $0x2800  }
0x404: {  	[sflag:s18] =	ssyncset.done $0x0  }
0x405: {  	[sflag:s18] =	ssyncadd.s32 $0xFFFFD800  }
0x406: {  	_ =	swait.ge [sflag:s29], $0x2800  }
0x407: {  	[sflag:s29] =	ssyncset.done $0x0  }
0x408: {  	[sflag:s29] =	ssyncadd.s32 $0xFFFFD800  }
0x409: {  	_ =	swait.ge [sflag:s17], $0x2800  }
.Ltmp11:
0x40a: {  	[sflag:s17] =	ssyncset.done $0x0;
	(pc) =	sbr.rel @p0 .LBB2_21-.Ltmp11, $3  }
0x40b: {  	[sflag:s17] =	ssyncadd.s32 $0xFFFFD800  }
0x40c: {  	[bflag:$0x0] =	sbarrier.arrive $0xFFFF  }
0x40d: {  	[bflag:$0x0] =	sbarrier.arrive $0xFFFF;
	_ =	sdelay $0x1  }
0x40e: {  	s8 =	rddreg [dreg:$0x5]  }
0x40f: {  	[tilespmem:s20], [sflag:$0xD] =	stream.linear.gather [spmem:s8], $0x2800, $0x38;
	[tilespmem:$0x1E280] =	vst v63  }
0x410: {  	_ =	swait.ge [sflag:s21], $0x2800  }
0x411: {  	[sflag:s21] =	ssyncset.done $0x0  }
0x412: {  	s19 =	simm.s32 $0x0;
	s9 =	rddreg [dreg:$0x8];
	[sflag:s21] =	ssyncadd.s32 $0xFFFFD800  }
0x413: {  	[hbm4b:s9+s19] =	stream.linear.scatter [tilespmem:s20], [sflag:$0xD], $0x2800, $0x38;
	[tilespmem:$0x1E280] =	vst v63  }
0x414: {  	_ =	swait.ge [sflag:s21], $0x2800  }
0x415: {  	[sflag:s21] =	ssyncset.done $0x0  }
0x416: {  	s10 =	rddreg [dreg:$0xb];
	[sflag:s21] =	ssyncadd.s32 $0xFFFFD800  }
0x417: {  	[tilespmem:s20], [sflag:$0xD] =	stream.linear.gather [spmem:s10], $0x2800, $0x38;
	[tilespmem:$0x1E280] =	vst v63  }
0x418: {  	_ =	swait.ge [sflag:s21], $0x2800  }
0x419: {  	[sflag:s21] =	ssyncset.done $0x0  }
0x41a: {  	s23 =	rddreg [dreg:$0x1f];
	[sflag:s21] =	ssyncadd.s32 $0xFFFFD800  }
0x41b: {  	[hbm4b:s23+s19] =	stream.linear.scatter [tilespmem:s20], [sflag:$0xD], $0x2800, $0x38;
	[tilespmem:$0x1E280] =	vst v63  }
0x41c: {  	_ =	swait.ge [sflag:s21], $0x2800  }
0x41d: {  	[sflag:s21] =	ssyncset.done $0x0  }
0x41e: {  	s28 =	rddreg [dreg:$0xc];
	[sflag:s21] =	ssyncadd.s32 $0xFFFFD800  }
0x41f: {  	[tilespmem:s20], [sflag:$0xD] =	stream.linear.gather [spmem:s28], $0x2800, $0x38;
	[tilespmem:$0x1E280] =	vst v63  }
0x420: {  	_ =	swait.ge [sflag:s21], $0x2800  }
0x421: {  	s31 =	sld [smem:$0x7F9]  }
0x422: {  	[sflag:s21] =	ssyncset.done $0x0  }
0x423: {  	[sflag:s21] =	ssyncadd.s32 $0xFFFFD800  }
0x424: {  	[hbm4b:s31+s19] =	stream.linear.scatter [tilespmem:s20], [sflag:$0xD], $0x2800, $0x38;
	[tilespmem:$0x1E280] =	vst v63  }
0x425: {  	_ =	swait.ge [sflag:s21], $0x2800  }
0x426: {  	[sflag:s21] =	ssyncset.done $0x0  }
0x427: {  	s9 =	rddreg [dreg:$0xd];
	[sflag:s21] =	ssyncadd.s32 $0xFFFFD800  }
0x428: {  	[tilespmem:s20], [sflag:$0xD] =	stream.linear.gather [spmem:s9], $0x2800, $0x38;
	[tilespmem:$0x1E280] =	vst v63  }
0x429: {  	_ =	swait.ge [sflag:s21], $0x2800  }
0x42a: {  	s10 =	sld [smem:$0x7FA]  }
0x42b: {  	[sflag:s21] =	ssyncset.done $0x0  }
0x42c: {  	[sflag:s21] =	ssyncadd.s32 $0xFFFFD800  }
0x42d: {  	[hbm4b:s10+s19] =	stream.linear.scatter [tilespmem:s20], [sflag:$0xD], $0x2800, $0x38;
	[tilespmem:$0x1E280] =	vst v63  }
0x42e: {  	_ =	swait.ge [sflag:s21], $0x2800  }
0x42f: {  	[sflag:s21] =	ssyncset.done $0x0  }
0x430: {  	s23 =	rddreg [dreg:$0x14];
	[sflag:s21] =	ssyncadd.s32 $0xFFFFD800  }
0x431: {  	[tilespmem:s20], [sflag:$0xD] =	stream.linear.gather [spmem:s23], $0x2800, $0x38;
	[tilespmem:$0x1E280] =	vst v63  }
0x432: {  	_ =	swait.ge [sflag:s21], $0x2800  }
0x433: {  	s28 =	sld [smem:$0x7FB]  }
0x434: {  	[sflag:s21] =	ssyncset.done $0x0  }
0x435: {  	[sflag:s21] =	ssyncadd.s32 $0xFFFFD800  }
0x436: {  	[hbm4b:s28+s19] =	stream.linear.scatter [tilespmem:s20], [sflag:$0xD], $0x2800, $0x38;
	[tilespmem:$0x1E280] =	vst v63  }
0x437: {  	_ =	swait.ge [sflag:s21], $0x2800  }
0x438: {  	[sflag:s21] =	ssyncset.done $0x0  }
0x439: {  	s31 =	rddreg [dreg:$0x15];
	[sflag:s21] =	ssyncadd.s32 $0xFFFFD800  }
0x43a: {  	[tilespmem:s20], [sflag:$0xD] =	stream.linear.gather [spmem:s31], $0x2800, $0x38;
	[tilespmem:$0x1E280] =	vst v63  }
0x43b: {  	_ =	swait.ge [sflag:s21], $0x2800  }
0x43c: {  	s9 =	sld [smem:$0x7FC]  }
0x43d: {  	[sflag:s21] =	ssyncset.done $0x0  }
0x43e: {  	[sflag:s21] =	ssyncadd.s32 $0xFFFFD800  }
0x43f: {  	[hbm4b:s9+s19] =	stream.linear.scatter [tilespmem:s20], [sflag:$0xD], $0x2800, $0x38;
	[tilespmem:$0x1E280] =	vst v63  }
0x440: {  	_ =	swait.ge [sflag:s21], $0x2800  }
0x441: {  	[sflag:s21] =	ssyncset.done $0x0  }
0x442: {  	s10 =	rddreg [dreg:$0x16];
	[sflag:s21] =	ssyncadd.s32 $0xFFFFD800  }
0x443: {  	[tilespmem:s20], [sflag:$0xD] =	stream.linear.gather [spmem:s10], $0x2800, $0x38;
	[tilespmem:$0x1E280] =	vst v63  }
0x444: {  	_ =	swait.ge [sflag:s21], $0x2800  }
0x445: {  	s23 =	sld [smem:$0x7FD]  }
0x446: {  	[sflag:s21] =	ssyncset.done $0x0  }
0x447: {  	[sflag:s21] =	ssyncadd.s32 $0xFFFFD800  }
0x448: {  	[hbm4b:s23+s19] =	stream.linear.scatter [tilespmem:s20], [sflag:$0xD], $0x2800, $0x38;
	[tilespmem:$0x1E280] =	vst v63  }
0x449: {  	_ =	swait.ge [sflag:s21], $0x2800  }
0x44a: {  	[sflag:s21] =	ssyncset.done $0x0  }
0x44b: {  	s28 =	rddreg [dreg:$0x6];
	[sflag:s21] =	ssyncadd.s32 $0xFFFFD800  }
0x44c: {  	[tilespmem:s20], [sflag:$0xD] =	stream.linear.gather [spmem:s28], $0x2400, $0x38;
	[tilespmem:$0x1E280] =	vst v63  }
0x44d: {  	_ =	swait.ge [sflag:s21], $0x2400  }
0x44e: {  	[sflag:s21] =	ssyncset.done $0x0  }
.Ltmp12:
0x44f: {  	s31 =	rddreg [dreg:$0x9];
	[sflag:s21] =	ssyncadd.s32 $0xFFFFDC00;
	(pc) =	sbr.rel .LBB2_22-.Ltmp12, $4  }
0x450: {  	[hbm4b:s31+s19] =	stream.linear.scatter [tilespmem:s20], [sflag:$0xD], $0x2400, $0x38;
	[tilespmem:$0x1E280] =	vst v63  }
0x451: {  	_ =	swait.ge [sflag:s21], $0x2400  }
0x452: {  	[sflag:s21] =	ssyncset.done $0x0  }
0x453: {  	s9 =	sld [smem:$0x7F8];
	[sflag:s21] =	ssyncadd.s32 $0xFFFFDC00  }
.LBB2_23:
0x454: {  	_ =	sfence.sel $0x180000  }
0x455: {  	[bflag:$0x0] =	sbarrier.arrive $0xFFFF  }
0x456: {  	_ =	strace $0x9000004A  }
0x457: {  	s0 =	stileid.u32;
	[bflag:$0x2] =	sbarrier.arrive $0xFFFF  }
0x458: {  	p0 =	sne.s32 s0, $0x0;
	s0 =	rddreg [dreg:$0x3]  }
0x459: {  	s0 =	sadd.s32 @!p0 $0x100000, s0  }
0x45a: {  	[sflag:s0] =	ssyncadd.tile.s32 @!p0 $0x1;
	_ =	shalt  }
.Lfunc_end2:
_tile_overlayer_lowered:
.L_overlay_start_2:
0x45b: {  	(tag) =	ssettag $0x2  }
0x45c: {  	s0 =	rddreg [dreg:$0x0];
	s2 =	stileid.u32  }
0x45d: {  	s1 =	rddreg [dreg:$0x1];
	p0 =	sne.s32 s2, $0x0  }
0x45e: {  	s3 =	rddreg [dreg:$0x2];
	[bflag:$0x3] =	sbarrier.arrive $0xFFFF;
	s2 =	simm.s32 @!p0 $0x1C0D  }
0x45f: {  	[timem:s3], [sflag:s2] =	dma.local @!p0 [hbm:s0], s1  }
0x460: {  	s0 =	simm.s32 @!p0 $0xD  }
0x461: {  	_ =	swait.ge @!p0 [sflag:s0], s1  }
0x462: {  	s1 =	ssub.s32 @!p0 $0x0, s1;
	[sflag:s0] =	ssyncset.done @!p0 $0x0  }
0x463: {  	[sflag:s0] =	ssyncadd.s32 @!p0 s1  }
0x464: {  	[bflag:$0x3] =	sbarrier.arrive $0xFFFF  }
0x465: {  	_ =	shalt  }

</sc_bundles>
